<compile_context>
chip_gen: v7x
topology: tpu7x:2x2x1
jax: 0.10.2.dev20260603
libtpu: 0.0.44.dev20260713+nightly
codegen_flags: <defaults>
</compile_context>

<pallas_src>
import functools

import jax
import jax.numpy as jnp
from jax import lax
from jax.experimental import pallas as pl
from jax.experimental.pallas import tpu as pltpu
from jax.experimental.pallas import tpu_sc as plsc

F = 128
NRBF = 20
CUT = 5.0
CGCUT = 12.5
NC, NS, L = 2, 16, 16
CH = 128


def _f32(x):
    return x.astype(jnp.float32)



def _sc_edge_diff(xyz_T, src, dst):
    E2 = src.shape[0]
    N = xyz_T.shape[1]
    nchunk = E2 // CH
    kmax = (nchunk + NC * NS - 1) // (NC * NS)
    mesh = plsc.VectorSubcoreMesh(core_axis_name="c", subcore_axis_name="s")

    @functools.partial(
        pl.kernel,
        out_type=jax.ShapeDtypeStruct((E2,), jnp.float32),
        mesh=mesh,
        compiler_params=pltpu.CompilerParams(needs_layout_passes=False),
        scratch_types=[
            pltpu.VMEM((CH,), jnp.int32),
            pltpu.VMEM((CH,), jnp.int32),
            pltpu.VMEM((N,), jnp.float32),
            pltpu.VMEM((N,), jnp.float32),
            pltpu.VMEM((N,), jnp.float32),
            pltpu.VMEM((CH,), jnp.float32),
        ],
    )
    def k(src_hbm, dst_hbm, x_hbm, y_hbm, z_hbm, out_hbm, sidx, didx,
          xv, yv, zv, obuf):
        cid = lax.axis_index("c")
        sid = lax.axis_index("s")
        wid = sid * NC + cid
        pltpu.sync_copy(x_hbm, xv)
        pltpu.sync_copy(y_hbm, yv)
        pltpu.sync_copy(z_hbm, zv)

        def chunk(kk, carry):
            g = kk * (NC * NS) + wid

            @pl.when(g < nchunk)
            def _():
                off = g * CH
                pltpu.sync_copy(src_hbm.at[pl.ds(off, CH)], sidx)
                pltpu.sync_copy(dst_hbm.at[pl.ds(off, CH)], didx)

                def grp(gi, carry2):
                    sv = sidx[pl.ds(gi * 16, 16)]
                    dv = didx[pl.ds(gi * 16, 16)]
                    acc = jnp.full((16,), 1e-08, jnp.float32)
                    for comp in (xv, yv, zv):
                        a = plsc.load_gather(comp, [sv])
                        b = plsc.load_gather(comp, [dv])
                        diff = a - b
                        acc = acc + diff * diff
                    obuf[pl.ds(gi * 16, 16)] = acc
                    return carry2

                lax.fori_loop(0, CH // 16, grp, None)
                pltpu.sync_copy(obuf, out_hbm.at[pl.ds(off, CH)])

            return carry

        lax.fori_loop(0, kmax, chunk, None)

    return k(src, dst, xyz_T[0], xyz_T[1], xyz_T[2])


def _sc_scatter(phi, w, src, seg, n_atoms):
    E2 = src.shape[0]
    Eh = E2 // 2
    assert w.shape[0] == Eh
    SCH = 80
    nchunk = E2 // SCH
    kmax = (nchunk + NC * NS - 1) // (NC * NS)
    accr = 10240
    rps = accr // NS
    mesh = plsc.VectorSubcoreMesh(core_axis_name="c", subcore_axis_name="s")

    npairs = (kmax + 1) // 2

    @functools.partial(
        pl.kernel,
        out_type=jax.ShapeDtypeStruct((NC, accr, F), jnp.float32),
        mesh=mesh,
        compiler_params=pltpu.CompilerParams(needs_layout_passes=False),
        scratch_types=[
            pltpu.VMEM((SCH,), jnp.int32),
            pltpu.VMEM((SCH,), jnp.int32),
            pltpu.VMEM((SCH,), jnp.int32),
            pltpu.VMEM((SCH,), jnp.int32),
            pltpu.VMEM((SCH,), jnp.int32),
            pltpu.VMEM((SCH,), jnp.int32),
            pltpu.VMEM((SCH, F), jnp.float32),
            pltpu.VMEM((SCH, F), jnp.float32),
            pltpu.VMEM((SCH, F), jnp.float32),
            pltpu.VMEM((SCH, F), jnp.float32),
            pltpu.VMEM_SHARED((accr, F), jnp.float32),
            pltpu.SemaphoreType.DMA,
            pltpu.SemaphoreType.DMA,
            pltpu.SemaphoreType.DMA,
            pltpu.SemaphoreType.DMA,
            pltpu.SemaphoreType.DMA,
            pltpu.SemaphoreType.DMA,
        ],
    )
    def k(phi_hbm, w_hbm, src_hbm, seg_hbm, out_hbm,
          sidx0, sidx1, didx0, didx1, didxS0, didxS1, wb0, wb1, rw0, rw1, acc,
          semi0, semi1, semd0, semd1, semw0, semw1):
        cid = lax.axis_index("c")
        sid = lax.axis_index("s")
        wid = sid * NC + cid
        stride = NC * NS
        sidx = (sidx0, sidx1)
        didx = (didx0, didx1)
        wb = (wb0, wb1)
        rw = (rw0, rw1)
        semi = (semi0, semi1)
        semd = (semd0, semd1)
        semw = (semw0, semw1)
        didxS = (didxS0, didxS1)

        def zrow(r, carry):
            for c in range(F // L):
                wb0[r, pl.ds(c * L, L)] = jnp.zeros((L,), jnp.float32)
            return carry

        lax.fori_loop(0, SCH, zrow, None)
        base = sid * rps
        for kk in range(rps // SCH):
            pltpu.sync_copy(wb0, acc.at[pl.ds(base + kk * SCH, SCH)])
        plsc.subcore_barrier()

        def goff(kk):
            return (kk * stride + wid) * SCH

        def issue_idx(kk, s):
            @pl.when(kk * stride + wid < nchunk)
            def _():
                off = goff(kk)
                pltpu.async_copy(seg_hbm.at[pl.ds(off, SCH)], didx[s], semi[s])
                pltpu.async_copy(src_hbm.at[pl.ds(off, SCH)], sidx[s], semi[s])

        def wait_check_issue_data(kk, s, pending):
            if pending is not None:
                @pl.when(pending)
                def _():
                    pltpu.make_async_copy(rw[s], acc.at[didxS[s]], semw[s]).wait()

            valid = kk * stride + wid < nchunk

            @pl.when(valid)
            def _():
                pltpu.make_async_copy(seg_hbm.at[pl.ds(0, SCH)], didx[s], semi[s]).wait()
                pltpu.make_async_copy(src_hbm.at[pl.ds(0, SCH)], sidx[s], semi[s]).wait()

            flag = valid & (jnp.min(didx[s][pl.ds(0, L)]) < n_atoms)

            @pl.when(flag)
            def _():
                off = goff(kk)
                woff = jnp.where(off >= Eh, off - Eh, off)
                pltpu.async_copy(phi_hbm.at[sidx[s]], rw[s], semd[s])
                pltpu.async_copy(w_hbm.at[pl.ds(woff, SCH)], wb[s], semd[s])

            return flag

        def process(flag, s):
            @pl.when(flag)
            def _():
                pltpu.make_async_copy(phi_hbm.at[sidx[s]], rw[s], semd[s]).wait()
                pltpu.make_async_copy(w_hbm.at[pl.ds(0, SCH)], wb[s], semd[s]).wait()

                def mrow(r, c2):
                    for c in range(F // L):
                        sl = pl.ds(c * L, L)
                        rw[s][r, sl] = rw[s][r, sl] * wb[s][r, sl]
                    return c2

                lax.fori_loop(0, SCH, mrow, None)
                for j in range(SCH // L):
                    sl = pl.ds(j * L, L)
                    didxS[s][sl] = didx[s][sl]
                pltpu.async_copy(rw[s], acc.at[didxS[s]], semw[s], add=True)

        issue_idx(0, 0)
        flag0 = wait_check_issue_data(0, 0, None)
        issue_idx(1, 1)

        def pair(k2, carry):
            flag_a, flag_b_prev = carry
            ka = 2 * k2
            process(flag_a, 0)
            flag_b = wait_check_issue_data(ka + 1, 1, flag_b_prev)
            issue_idx(ka + 2, 0)
            process(flag_b, 1)
            flag_a2 = wait_check_issue_data(ka + 2, 0, flag_a)
            issue_idx(ka + 3, 1)
            return (flag_a2, flag_b)

        fa, fb = lax.fori_loop(0, npairs, pair, (flag0, flag0 & False))

        @pl.when(fa)
        def _():
            pltpu.make_async_copy(rw[0], acc.at[didxS[0]], semw[0]).wait()

        @pl.when(fb)
        def _():
            pltpu.make_async_copy(rw[1], acc.at[didxS[1]], semw[1]).wait()

        plsc.subcore_barrier()
        pltpu.sync_copy(acc.at[pl.ds(base, rps)], out_hbm.at[cid, pl.ds(base, rps)])

    return k(phi, w, src, seg)



def _iota(n, dtype=jnp.int32):
    return lax.broadcasted_iota(dtype, (1, n), 1)


def _dist_rbf_w(r16, Wdm, bdm, cutoff):
    r3 = r16[:, 0:3]
    d = jnp.sqrt(jnp.sum(r3 * r3, axis=1, keepdims=True) + 1e-08)
    n = _f32(_iota(NRBF)) + 1.0
    rbf = jnp.sin(n * (jnp.pi / cutoff) * d) / d
    u = jnp.dot(rbf, Wdm, preferred_element_type=jnp.float32) + bdm
    env = jnp.where(d < cutoff, 0.5 * (jnp.cos((jnp.pi / cutoff) * d) + 1.0), 0.0)
    return u * env


def _mlp_mid(x, W1, b1, W2m, b2m):
    u = jnp.dot(x, W1, preferred_element_type=jnp.float32) + b1
    u = u * jax.nn.sigmoid(u)
    return jnp.dot(u, W2m, preferred_element_type=jnp.float32) + b2m


def _tc_wmat(d23, WdE, cutoff):
    R = d23.shape[0]
    EB = d23.shape[2]
    E2 = R * EB

    def body(d2_ref, w_ref, out_ref):
        dd = d2_ref[0, :, :]
        d = jnp.sqrt(dd)
        theta = (jnp.pi / cutoff) * d
        row = lax.broadcasted_iota(jnp.int32, (24, 1), 0)
        nn = jnp.where(row < NRBF, _f32(row) + 1.0,
                       jnp.where(row == NRBF, 1.0, 0.0))
        off = jnp.where(row == NRBF, jnp.float32(jnp.pi / 2), 0.0)
        sins = jnp.sin(nn * theta + off)
        env = jnp.where(d < cutoff, 0.5 * (sins[NRBF:NRBF + 1, :] + 1.0), 0.0)
        renv = jnp.where(row < NRBF, sins * (env / d),
                         jnp.where(row == NRBF, env, 0.0))
        out_ref[:, :] = lax.dot_general(
            renv, w_ref[:, :], (((0,), (0,)), ((), ())),
            preferred_element_type=jnp.float32)

    return pl.pallas_call(
        body,
        grid=(R,),
        in_specs=[
            pl.BlockSpec((1, 1, EB), lambda i: (i, 0, 0)),
            pl.BlockSpec((24, F), lambda i: (0, 0)),
        ],
        out_specs=pl.BlockSpec((EB, F), lambda i: (i, 0)),
        out_shape=jax.ShapeDtypeStruct((E2, F), jnp.float32),
    )(d23, WdE)


def _tc_atom_prep(z3, map3, cgz_row, aE, rE, cg_xyz_pad, xyz_pad,
                  Wcdm_all, bcdm_all):
    N = xyz_pad.shape[0]
    AB = 400
    grid = (N // AB,)
    nz = aE.shape[0]
    nr = rE.shape[0]
    ncg = cg_xyz_pad.shape[0]

    def body(z_ref, m_ref, cgz_ref, aE_ref, rE_ref, cgx_ref, xyz_ref,
             wd_ref, bd_ref, h0_ref, wc_ref):
        zb = z_ref[0, 0, :].reshape(AB, 1)
        mb = m_ref[0, 0, :].reshape(AB, 1)
        ohz = _f32(zb == _iota(nz))
        ohm = _f32(mb == _iota(ncg))
        cgzm = jnp.sum(ohm * cgz_ref[:, :], axis=1, keepdims=True)
        ohcg = _f32(cgzm == _f32(_iota(nr)))
        h0_ref[:, :] = (jnp.dot(ohz, aE_ref[:, :], preferred_element_type=jnp.float32)
                        + jnp.dot(ohcg, rE_ref[:, :], preferred_element_type=jnp.float32))
        cgx = jnp.dot(ohm, cgx_ref[:, :], preferred_element_type=jnp.float32)
        r16 = xyz_ref[:, :] - cgx
        wc_ref[:, :] = _dist_rbf_w(r16, wd_ref[:, :], bd_ref[:, :], CGCUT)

    return pl.pallas_call(
        body,
        grid=grid,
        in_specs=[
            pl.BlockSpec((1, 1, AB), lambda i: (i, 0, 0)),
            pl.BlockSpec((1, 1, AB), lambda i: (i, 0, 0)),
            pl.BlockSpec((1, ncg), lambda i: (0, 0)),
            pl.BlockSpec((nz, 2 * F), lambda i: (0, 0)),
            pl.BlockSpec((nr, 2 * F), lambda i: (0, 0)),
            pl.BlockSpec((ncg, 16), lambda i: (0, 0)),
            pl.BlockSpec((AB, 16), lambda i: (i, 0)),
            pl.BlockSpec((NRBF, 3 * F), lambda i: (0, 0)),
            pl.BlockSpec((1, 3 * F), lambda i: (0, 0)),
        ],
        out_specs=[
            pl.BlockSpec((AB, 2 * F), lambda i: (i, 0)),
            pl.BlockSpec((AB, 3 * F), lambda i: (i, 0)),
        ],
        out_shape=[
            jax.ShapeDtypeStruct((N, 2 * F), jnp.float32),
            jax.ShapeDtypeStruct((N, 3 * F), jnp.float32),
        ],
    )(z3, map3, cgz_row, aE, rE, cg_xyz_pad, xyz_pad, Wcdm_all, bcdm_all)


def _tc_phi(h, W1, b1, W2m, b2m):
    N = h.shape[0]
    AB = 400
    grid = (N // AB,)

    def body(h_ref, w1_ref, b1_ref, w2_ref, b2_ref, out_ref):
        out_ref[:, :] = _mlp_mid(h_ref[:, :], w1_ref[:, :], b1_ref[:, :],
                                 w2_ref[:, :], b2_ref[:, :])

    return pl.pallas_call(
        body,
        grid=grid,
        in_specs=[
            pl.BlockSpec((AB, F), lambda i: (i, 0)),
            pl.BlockSpec((F, F), lambda i: (0, 0)),
            pl.BlockSpec((1, F), lambda i: (0, 0)),
            pl.BlockSpec((F, F), lambda i: (0, 0)),
            pl.BlockSpec((1, F), lambda i: (0, 0)),
        ],
        out_specs=pl.BlockSpec((AB, F), lambda i: (i, 0)),
        out_shape=jax.ShapeDtypeStruct((N, F), jnp.float32),
    )(h, W1, b1, W2m, b2m)


def _tc_update(h_prev, ds_part, Aacc, wc_all, t, cgW, msgW, map3):
    N = h_prev.shape[0]
    AB = 400
    grid = (N // AB,)
    nblk = N // AB
    last = (t == 3)
    first = (t == 1)
    accr = ds_part.shape[1]
    ncg = 1000

    def body(*refs):
        refs = list(refs)
        h_ref = refs.pop(0)
        ds_ref = refs.pop(0)
        a_in = None if first else refs.pop(0)
        wc_ref = refs.pop(0)
        cw1, cb1, cw2, cb2 = refs.pop(0), refs.pop(0), refs.pop(0), refs.pop(0)
        if last:
            m_ref = refs.pop(0)
            h_out, H_out, hsum, csum = refs
        else:
            mw1, mb1, mw2, mb2 = refs.pop(0), refs.pop(0), refs.pop(0), refs.pop(0)
            h_out, a_out, phi_out = refs

        hn = h_ref[:, :] + ds_ref[0] + ds_ref[1]
        h_out[:, :] = hn
        contrib = (_mlp_mid(hn, cw1[:, :], cb1[:, :], cw2[:, :], cb2[:, :])
                   * wc_ref[:, (t - 1) * F:t * F])
        if first:
            a_new = hn + contrib
        else:
            a_new = a_in[:, :] + contrib
        if last:
            i = pl.program_id(0)
            mb = m_ref[0, 0, :].reshape(AB, 1)
            ohm = _f32(mb == _iota(ncg))
            part = lax.dot_general(ohm, a_new, (((0,), (0,)), ((), ())),
                                   preferred_element_type=jnp.float32)
            cpart = lax.dot_general(ohm, jnp.ones((AB, 8), jnp.float32),
                                    (((0,), (0,)), ((), ())),
                                    preferred_element_type=jnp.float32)

            @pl.when(i == 0)
            def _():
                hsum[:, :] = jnp.zeros((ncg, F), jnp.float32)
                csum[:, :] = jnp.zeros((ncg, 8), jnp.float32)

            hsum[:, :] = hsum[:, :] + part
            csum[:, :] = csum[:, :] + cpart

            @pl.when(i == nblk - 1)
            def _():
                cnt = jnp.clip(csum[:, 0:1], 1.0, None)
                H_out[:, :] = hsum[:, :] / cnt
        else:
            a_out[:, :] = a_new
            phi_out[:, :] = _mlp_mid(hn, mw1[:, :], mb1[:, :], mw2[:, :], mb2[:, :])

    in_specs = [
        pl.BlockSpec((AB, F), lambda i: (i, 0)),
        pl.BlockSpec((NC, AB, F), lambda i: (0, i, 0)),
    ]
    operands = [h_prev, ds_part]
    if not first:
        in_specs.append(pl.BlockSpec((AB, F), lambda i: (i, 0)))
        operands.append(Aacc)
    in_specs.append(pl.BlockSpec((AB, 3 * F), lambda i: (i, 0)))
    operands.append(wc_all)
    wspec = [
        pl.BlockSpec((F, F), lambda i: (0, 0)),
        pl.BlockSpec((1, F), lambda i: (0, 0)),
        pl.BlockSpec((F, F), lambda i: (0, 0)),
        pl.BlockSpec((1, F), lambda i: (0, 0)),
    ]
    in_specs += wspec
    operands += list(cgW)
    scratch_shapes = []
    if last:
        in_specs.append(pl.BlockSpec((1, 1, AB), lambda i: (i, 0, 0)))
        operands.append(map3)
        out_specs = [
            pl.BlockSpec((AB, F), lambda i: (i, 0)),
            pl.BlockSpec((ncg, F), lambda i: (0, 0)),
        ]
        out_shape = [
            jax.ShapeDtypeStruct((N, F), jnp.float32),
            jax.ShapeDtypeStruct((ncg, F), jnp.float32),
        ]
        scratch_shapes = [
            pltpu.VMEM((ncg, F), jnp.float32),
            pltpu.VMEM((ncg, 8), jnp.float32),
        ]
    else:
        in_specs += wspec
        operands += list(msgW)
        out_specs = [pl.BlockSpec((AB, F), lambda i: (i, 0))] * 3
        out_shape = [jax.ShapeDtypeStruct((N, F), jnp.float32)] * 3

    return pl.pallas_call(
        body,
        grid=grid,
        in_specs=in_specs,
        out_specs=out_specs,
        out_shape=out_shape,
        scratch_shapes=scratch_shapes,
    )(*operands)



def kernel(z, xyz, cg_z, cg_xyz, mapping, nbr_list, cg_nbr_list, params):
    N = xyz.shape[0]
    ncg = cg_xyz.shape[0]
    E = nbr_list.shape[0]

    nbr = nbr_list.astype(jnp.int32)
    b0 = nbr[:, 0]
    b1 = nbr[:, 1]
    directed = (b0 > b1).any() & (b1 > b0).any()
    src = jnp.concatenate([b1, b0])
    seg = jnp.concatenate([b0, jnp.where(directed, N, b1)])

    xyz_T = _f32(xyz).T
    xyz_pad = jnp.zeros((N, 16), jnp.float32).at[:, :3].set(_f32(xyz))
    cg_xyz_pad = jnp.zeros((ncg, 16), jnp.float32).at[:, :3].set(_f32(cg_xyz))
    z3 = z.astype(jnp.int32).reshape(25, 1, N // 25)
    map3 = mapping.astype(jnp.int32).reshape(25, 1, N // 25)
    cgz_row = _f32(cg_z).reshape(1, ncg)
    aE = jnp.zeros((56, 2 * F), jnp.float32).at[:50, :64].set(params['atom_embed'])
    rE = jnp.zeros((32, 2 * F), jnp.float32).at[:25, 64:128].set(params['res_embed'])

    def mid(p):
        return (p['W1'], p['b1'].reshape(1, F),
                p['W2'][:, F:2 * F], p['b2'][F:2 * F].reshape(1, F))

    def wd_mid(ps):
        Wdm = jnp.concatenate([p['Wd'][:, F:2 * F] for p in ps], axis=1)
        bdm = jnp.concatenate([p['bd'][F:2 * F] for p in ps]).reshape(1, 3 * F)
        return Wdm, bdm

    def wde(p):
        return (jnp.zeros((24, F), jnp.float32)
                .at[:NRBF].set(p['Wd'][:, F:2 * F])
                .at[NRBF].set(p['bd'][F:2 * F]))

    Wcdm_all, bcdm_all = wd_mid(params['cg'])

    d2 = _sc_edge_diff(xyz_T, b1, b0)
    d23 = d2.reshape(125, 1, E // 125)
    h0, wc_all = _tc_atom_prep(z3, map3, cgz_row, aE, rE, cg_xyz_pad, xyz_pad,
                               Wcdm_all, bcdm_all)
    w0 = _tc_wmat(d23, wde(params['msg'][0]), CUT)
    phi = _tc_phi(h0, *mid(params['msg'][0]))
    ds0 = _sc_scatter(phi, w0, src, seg, N)
    w1 = _tc_wmat(d23, wde(params['msg'][1]), CUT)
    h1, Aacc, phi = _tc_update(h0, ds0, None, wc_all, 1,
                               mid(params['cg'][0]), mid(params['msg'][1]), None)
    ds1 = _sc_scatter(phi, w1, src, seg, N)
    w2 = _tc_wmat(d23, wde(params['msg'][2]), CUT)
    h2, Aacc, phi = _tc_update(h1, ds1, Aacc, wc_all, 2,
                               mid(params['cg'][1]), mid(params['msg'][2]), None)
    ds2 = _sc_scatter(phi, w2, src, seg, N)
    h3, H = _tc_update(h2, ds2, Aacc, wc_all, 3,
                       mid(params['cg'][2]), None, map3)
    return (H, h3)

# --- scband reference (transcript-rebuilt; emitter-appended) ---
"""Pipeline reference for scband-equi-encoder-40157944217973 (READ-ONLY COPY).

The authoritative reference and input builder live on the scoring server;
editing this copy changes nothing except your own understanding.
"""

import jax, jax.numpy as jnp
import numpy as np

FEAT = 128
HALF = 64
N_RBF = 20
CUTOFF = 5.0
CG_CUTOFF = 12.5
N_CONV = 3
N_ATOMS = 10000
N_CG = 1000
N_EDGES = 160000
N_CG_EDGES = 16000

def swish(x):
    return x * jax.nn.sigmoid(x)

def make_directed(nbr):
    gtr_ij = (nbr[:, 0] > nbr[:, 1]).any()
    gtr_ji = (nbr[:, 1] > nbr[:, 0]).any()
    directed = gtr_ij & gtr_ji
    nbr2 = jnp.concatenate([nbr, nbr[:, ::-1]], axis=0)
    return nbr2, directed

def preprocess_r(r_ij):
    dist = jnp.sqrt(jnp.sum(r_ij ** 2, axis=-1) + 1e-08)
    unit = r_ij / dist[:, None]
    return dist, unit

def painn_rbf(dist, cutoff):
    n = jnp.arange(1, N_RBF + 1, dtype=jnp.float32)
    return jnp.sin(n[None, :] * jnp.pi * dist[:, None] / cutoff) / dist[:, None]

def cosine_envelope(dist, cutoff):
    return jnp.where(dist < cutoff, 0.5 * (jnp.cos(jnp.pi * dist / cutoff) + 1.0), 0.0)

def dist_embed(dist, Wd, bd, cutoff):
    feats = painn_rbf(dist, cutoff) @ Wd + bd
    return feats * cosine_envelope(dist, cutoff)[:, None]

def segment_mean(data, seg, num_segments):
    tot = jax.ops.segment_sum(data, seg, num_segments=num_segments)
    cnt = jax.ops.segment_sum(jnp.ones((data.shape[0],), dtype=data.dtype), seg, num_segments=num_segments)
    cnt = jnp.clip(cnt, 1.0, None)
    return tot / cnt.reshape((-1,) + (1,) * (data.ndim - 1))

def equi_message(s, v, r_ij, nbrs, p, cutoff):
    dist, unit = preprocess_r(r_ij)
    phi = swish(s @ p['W1'] + p['b1']) @ p['W2'] + p['b2']
    w_s = dist_embed(dist, p['Wd'], p['bd'], cutoff)
    inv = (phi[nbrs[:, 1]] * w_s).reshape(-1, 3, FEAT)
    split0 = inv[:, 0, :][..., None]
    split1 = inv[:, 1, :]
    split2 = inv[:, 2, :][..., None]
    dv_ij = split2 * unit[:, None, :] + split0 * v[nbrs[:, 1]]
    n = s.shape[0]
    ds = jax.ops.segment_sum(split1, nbrs[:, 0], num_segments=n)
    dv = jax.ops.segment_sum(dv_ij, nbrs[:, 0], num_segments=n)
    return ds, dv

def contractive_message(s, v, r_iI, mapping, p, cutoff, n_cg):
    dist, unit = preprocess_r(r_iI)
    phi = swish(s @ p['W1'] + p['b1']) @ p['W2'] + p['b2']
    w_s = dist_embed(dist, p['Wd'], p['bd'], cutoff)
    inv = (phi * w_s).reshape(-1, 3, FEAT)
    split0 = inv[:, 0, :][..., None]
    split1 = inv[:, 1, :]
    split2 = inv[:, 2, :][..., None]
    dv_iI = split2 * unit[:, None, :] + split0 * v
    dH = segment_mean(split1, mapping, n_cg)
    dV = segment_mean(dv_iI, mapping, n_cg)
    return dH, dV

def _block_params(key):
    ks = jax.random.split(key, 3)
    return {'W1': jax.random.normal(ks[0], (FEAT, FEAT), jnp.float32) / np.sqrt(FEAT), 'b1': jnp.zeros((FEAT,), jnp.float32), 'W2': jax.random.normal(ks[1], (FEAT, 3 * FEAT), jnp.float32) / np.sqrt(FEAT), 'b2': jnp.zeros((3 * FEAT,), jnp.float32), 'Wd': jax.random.normal(ks[2], (N_RBF, 3 * FEAT), jnp.float32) / np.sqrt(N_RBF), 'bd': jnp.zeros((3 * FEAT,), jnp.float32)}

def setup_inputs(seed: int = 0):
    key = jax.random.key(seed)
    ks = jax.random.split(key, 10)
    z = jax.random.randint(ks[0], (N_ATOMS,), 0, 50)
    xyz = jax.random.normal(ks[1], (N_ATOMS, 3), jnp.float32)
    cg_z = jax.random.randint(ks[2], (N_CG,), 0, 25)
    cg_xyz = jax.random.normal(ks[3], (N_CG, 3), jnp.float32)
    mapping = jnp.sort(jax.random.randint(ks[4], (N_ATOMS,), 0, N_CG))
    nbr_list = jax.random.randint(ks[5], (N_EDGES, 2), 0, N_ATOMS)
    cg_nbr_list = jax.random.randint(ks[6], (N_CG_EDGES, 2), 0, N_CG)
    atom_embed = jax.random.normal(ks[7], (50, HALF), jnp.float32).at[0].set(0.0)
    res_embed = jax.random.normal(ks[8], (25, HALF), jnp.float32).at[0].set(0.0)
    bk = jax.random.split(ks[9], 2 * N_CONV)
    params = {'atom_embed': atom_embed, 'res_embed': res_embed, 'msg': [_block_params(bk[i]) for i in range(N_CONV)], 'cg': [_block_params(bk[N_CONV + i]) for i in range(N_CONV)]}
    return {'z': z, 'xyz': xyz, 'cg_z': cg_z, 'cg_xyz': cg_xyz, 'mapping': mapping, 'nbr_list': nbr_list, 'cg_nbr_list': cg_nbr_list, 'params': params}

def reference(z, xyz, cg_z, cg_xyz, mapping, nbr_list, cg_nbr_list, params):
    nbr_d, nbr_directed = make_directed(nbr_list)
    cg_nbr_d, _ = make_directed(cg_nbr_list)
    h = jnp.concatenate([params['atom_embed'][z], params['res_embed'][cg_z[mapping]]], axis=-1)
    v = jnp.zeros((h.shape[0], h.shape[1], 3), jnp.float32)
    n_edges = nbr_list.shape[0]
    drop = nbr_directed & (jnp.arange(2 * n_edges) >= n_edges)
    seg = jnp.where(drop, xyz.shape[0], nbr_d[:, 0]).astype(nbr_d.dtype)
    nbr_use = jnp.stack([seg, nbr_d[:, 1]], axis=-1)
    r_ij = xyz[nbr_d[:, 1]] - xyz[nbr_d[:, 0]]
    r_iI = xyz - cg_xyz[mapping]
    n_cg = cg_xyz.shape[0]
    H = None
    V = None
    for i in range(N_CONV):
        ds, dv = equi_message(h, v, r_ij, nbr_use, params['msg'][i], CUTOFF)
        h = h + ds
        v = v + dv
        if i == 0:
            H = segment_mean(h, mapping, n_cg)
            V = segment_mean(v, mapping, n_cg)
        dH, dV = contractive_message(h, v, r_iI, mapping, params['cg'][i], CG_CUTOFF, n_cg)
        H = H + dH
        V = V + dV
    return (H, h)

if __name__ == "__main__":
    import jax
    _d = setup_inputs()
    print(jax.jit(kernel)(*tuple(_d.values())))

</pallas_src>

<mosaic_0001>
#map = affine_map<(d0, d1) -> (0, 0)>
#map1 = affine_map<(d0, d1) -> (0)>
#map2 = affine_map<(d0, d1) -> (0, 0, 0)>
module attributes {stable_mosaic.version = 14 : i64} {
  func.func @k(%arg0: i32, %arg1: i32, %arg2: memref<10000x128xf32, #tpu.memory_space<hbm>>, %arg3: memref<160000x128xf32, #tpu.memory_space<hbm>>, %arg4: memref<320000xi32, #tpu.memory_space<hbm>>, %arg5: memref<320000xi32, #tpu.memory_space<hbm>>, %arg6: memref<2x10240x128xf32, #tpu.memory_space<hbm>>, %arg7: memref<80xi32, #tpu.memory_space<vmem>>, %arg8: memref<80xi32, #tpu.memory_space<vmem>>, %arg9: memref<80xi32, #tpu.memory_space<vmem>>, %arg10: memref<80xi32, #tpu.memory_space<vmem>>, %arg11: memref<80xi32, #tpu.memory_space<vmem>>, %arg12: memref<80xi32, #tpu.memory_space<vmem>>, %arg13: memref<80x128xf32, #tpu.memory_space<vmem>>, %arg14: memref<80x128xf32, #tpu.memory_space<vmem>>, %arg15: memref<80x128xf32, #tpu.memory_space<vmem>>, %arg16: memref<80x128xf32, #tpu.memory_space<vmem>>, %arg17: memref<10240x128xf32, #tpu.memory_space<vmem_shared>>, %arg18: memref<!tpu.dma_semaphore, #tpu.memory_space<semaphore_mem>>, %arg19: memref<!tpu.dma_semaphore, #tpu.memory_space<semaphore_mem>>, %arg20: memref<!tpu.dma_semaphore, #tpu.memory_space<semaphore_mem>>, %arg21: memref<!tpu.dma_semaphore, #tpu.memory_space<semaphore_mem>>, %arg22: memref<!tpu.dma_semaphore, #tpu.memory_space<semaphore_mem>>, %arg23: memref<!tpu.dma_semaphore, #tpu.memory_space<semaphore_mem>>) attributes {dimension_semantics = [#tpu.dimension_semantics<core_parallel>, #tpu.dimension_semantics<subcore_parallel>], iteration_bounds = array<i64: 2, 16>, scalar_prefetch = 0 : i64, scratch_operands = 17 : i64, tpu.core_type = #tpu.core_type<sc_vector_subcore>, window_params = [{transform_indices = #map}, {transform_indices = #map}, {transform_indices = #map1}, {transform_indices = #map1}, {transform_indices = #map2}]} {
    %mul3A = arith.constant 2 : i32
    %mul3A_0 = arith.muli %arg1, %mul3A : i32
    %add3A = arith.addi %mul3A_0, %arg0 : i32
    %scan3A = arith.constant 0 : i32
    %scan3A_1 = arith.constant 80 : i32
    %scan3A_2 = arith.addi %scan3A, %scan3A_1 : i32
    %scan3A_3 = arith.constant 1 : i32
    scf.for %scan3A_69 = %scan3A to %scan3A_2 step %scan3A_3  : i32 {
      %broadcast_in_dim3A = arith.constant 0.000000e+00 : f32
      %broadcast_in_dim3A_70 = vector.broadcast %broadcast_in_dim3A : f32 to vector<16xf32>
      %swap3A = arith.index_cast %scan3A_69 : i32 to index
      %swap3A_71 = arith.constant 0 : index
      %swap3A_72 = tpu.vector_load %arg13[%swap3A, %swap3A_71] {strides = array<i32>} : memref<80x128xf32, #tpu.memory_space<vmem>>, vector<16xf32>,
      tpu.vector_store %arg13[%swap3A, %swap3A_71], %broadcast_in_dim3A_70 {strides = array<i32>} : memref<80x128xf32, #tpu.memory_space<vmem>>, vector<16xf32>,
      %broadcast_in_dim3A_73 = arith.constant 0.000000e+00 : f32
      %broadcast_in_dim3A_74 = vector.broadcast %broadcast_in_dim3A_73 : f32 to vector<16xf32>
      %swap3A_75 = arith.index_cast %scan3A_69 : i32 to index
      %swap3A_76 = arith.constant 16 : index
      %swap3A_77 = tpu.vector_load %arg13[%swap3A_75, %swap3A_76] {strides = array<i32>} : memref<80x128xf32, #tpu.memory_space<vmem>>, vector<16xf32>,
      tpu.vector_store %arg13[%swap3A_75, %swap3A_76], %broadcast_in_dim3A_74 {strides = array<i32>} : memref<80x128xf32, #tpu.memory_space<vmem>>, vector<16xf32>,
      %broadcast_in_dim3A_78 = arith.constant 0.000000e+00 : f32
      %broadcast_in_dim3A_79 = vector.broadcast %broadcast_in_dim3A_78 : f32 to vector<16xf32>
      %swap3A_80 = arith.index_cast %scan3A_69 : i32 to index
      %swap3A_81 = arith.constant 32 : index
      %swap3A_82 = tpu.vector_load %arg13[%swap3A_80, %swap3A_81] {strides = array<i32>} : memref<80x128xf32, #tpu.memory_space<vmem>>, vector<16xf32>,
      tpu.vector_store %arg13[%swap3A_80, %swap3A_81], %broadcast_in_dim3A_79 {strides = array<i32>} : memref<80x128xf32, #tpu.memory_space<vmem>>, vector<16xf32>,
      %broadcast_in_dim3A_83 = arith.constant 0.000000e+00 : f32
      %broadcast_in_dim3A_84 = vector.broadcast %broadcast_in_dim3A_83 : f32 to vector<16xf32>
      %swap3A_85 = arith.index_cast %scan3A_69 : i32 to index
      %swap3A_86 = arith.constant 48 : index
      %swap3A_87 = tpu.vector_load %arg13[%swap3A_85, %swap3A_86] {strides = array<i32>} : memref<80x128xf32, #tpu.memory_space<vmem>>, vector<16xf32>,
      tpu.vector_store %arg13[%swap3A_85, %swap3A_86], %broadcast_in_dim3A_84 {strides = array<i32>} : memref<80x128xf32, #tpu.memory_space<vmem>>, vector<16xf32>,
      %broadcast_in_dim3A_88 = arith.constant 0.000000e+00 : f32
      %broadcast_in_dim3A_89 = vector.broadcast %broadcast_in_dim3A_88 : f32 to vector<16xf32>
      %swap3A_90 = arith.index_cast %scan3A_69 : i32 to index
      %swap3A_91 = arith.constant 64 : index
      %swap3A_92 = tpu.vector_load %arg13[%swap3A_90, %swap3A_91] {strides = array<i32>} : memref<80x128xf32, #tpu.memory_space<vmem>>, vector<16xf32>,
      tpu.vector_store %arg13[%swap3A_90, %swap3A_91], %broadcast_in_dim3A_89 {strides = array<i32>} : memref<80x128xf32, #tpu.memory_space<vmem>>, vector<16xf32>,
      %broadcast_in_dim3A_93 = arith.constant 0.000000e+00 : f32
      %broadcast_in_dim3A_94 = vector.broadcast %broadcast_in_dim3A_93 : f32 to vector<16xf32>
      %swap3A_95 = arith.index_cast %scan3A_69 : i32 to index
      %swap3A_96 = arith.constant 80 : index
      %swap3A_97 = tpu.vector_load %arg13[%swap3A_95, %swap3A_96] {strides = array<i32>} : memref<80x128xf32, #tpu.memory_space<vmem>>, vector<16xf32>,
      tpu.vector_store %arg13[%swap3A_95, %swap3A_96], %broadcast_in_dim3A_94 {strides = array<i32>} : memref<80x128xf32, #tpu.memory_space<vmem>>, vector<16xf32>,
      %broadcast_in_dim3A_98 = arith.constant 0.000000e+00 : f32
      %broadcast_in_dim3A_99 = vector.broadcast %broadcast_in_dim3A_98 : f32 to vector<16xf32>
      %swap3A_100 = arith.index_cast %scan3A_69 : i32 to index
      %swap3A_101 = arith.constant 96 : index
      %swap3A_102 = tpu.vector_load %arg13[%swap3A_100, %swap3A_101] {strides = array<i32>} : memref<80x128xf32, #tpu.memory_space<vmem>>, vector<16xf32>,
      tpu.vector_store %arg13[%swap3A_100, %swap3A_101], %broadcast_in_dim3A_99 {strides = array<i32>} : memref<80x128xf32, #tpu.memory_space<vmem>>, vector<16xf32>,
      %broadcast_in_dim3A_103 = arith.constant 0.000000e+00 : f32
      %broadcast_in_dim3A_104 = vector.broadcast %broadcast_in_dim3A_103 : f32 to vector<16xf32>
      %swap3A_105 = arith.index_cast %scan3A_69 : i32 to index
      %swap3A_106 = arith.constant 112 : index
      %swap3A_107 = tpu.vector_load %arg13[%swap3A_105, %swap3A_106] {strides = array<i32>} : memref<80x128xf32, #tpu.memory_space<vmem>>, vector<16xf32>,
      tpu.vector_store %arg13[%swap3A_105, %swap3A_106], %broadcast_in_dim3A_104 {strides = array<i32>} : memref<80x128xf32, #tpu.memory_space<vmem>>, vector<16xf32>,
    }
    %scan3A_4 = arith.constant 80 : i32
    %mul3A_5 = arith.constant 640 : i32
    %mul3A_6 = arith.muli %arg1, %mul3A_5 : i32
    %add3A_7 = arith.constant 0 : i32
    %add3A_8 = arith.addi %mul3A_6, %add3A_7 : i32
    "tpu.region"() ({
      %run_scoped3A = tpu.sem_alloc : memref<!tpu.dma_semaphore, #tpu.memory_space<semaphore_mem>>
      %dma_start3A = arith.constant 0 : i32
      %dma_start3A_69 = tpu.memref_slice %arg17[%add3A_8, %dma_start3A] : memref<10240x128xf32, #tpu.memory_space<vmem_shared>> -> memref<80x128xf32, #tpu.memory_space<vmem_shared>>
      %dma_start3A_70 = arith.constant 0 : i32
      %dma_start3A_71 = tpu.memref_slice %arg17[%add3A_8, %dma_start3A_70] : memref<10240x128xf32, #tpu.memory_space<vmem_shared>> -> memref<80x128xf32, #tpu.memory_space<vmem_shared>>
      tpu.enqueue_dma source(%arg13 : memref<80x128xf32, #tpu.memory_space<vmem>>) target(%dma_start3A_71 : memref<80x128xf32, #tpu.memory_space<vmem_shared>>) target_semaphore(%run_scoped3A : memref<!tpu.dma_semaphore, #tpu.memory_space<semaphore_mem>>)
      %dma_wait3A = arith.constant 0 : i32
      %dma_wait3A_72 = tpu.memref_slice %arg17[%add3A_8, %dma_wait3A] : memref<10240x128xf32, #tpu.memory_space<vmem_shared>> -> memref<80x128xf32, #tpu.memory_space<vmem_shared>>
      %dma_wait3A_73 = arith.constant 0 : i32
      %dma_wait3A_74 = tpu.memref_slice %arg17[%add3A_8, %dma_wait3A_73] : memref<10240x128xf32, #tpu.memory_space<vmem_shared>> -> memref<80x128xf32, #tpu.memory_space<vmem_shared>>
      tpu.wait_dma2 semaphore(%run_scoped3A : memref<!tpu.dma_semaphore, #tpu.memory_space<semaphore_mem>>) src(%arg13 : memref<80x128xf32, #tpu.memory_space<vmem>>) dst(%dma_wait3A_74 : memref<80x128xf32, #tpu.memory_space<vmem_shared>>)
      tpu.yield
    }) : () -> ()
    %add3A_9 = arith.constant 80 : i32
    %add3A_10 = arith.addi %mul3A_6, %add3A_9 : i32
    "tpu.region"() ({
      %run_scoped3A = tpu.sem_alloc : memref<!tpu.dma_semaphore, #tpu.memory_space<semaphore_mem>>
      %dma_start3A = arith.constant 0 : i32
      %dma_start3A_69 = tpu.memref_slice %arg17[%add3A_10, %dma_start3A] : memref<10240x128xf32, #tpu.memory_space<vmem_shared>> -> memref<80x128xf32, #tpu.memory_space<vmem_shared>>
      %dma_start3A_70 = arith.constant 0 : i32
      %dma_start3A_71 = tpu.memref_slice %arg17[%add3A_10, %dma_start3A_70] : memref<10240x128xf32, #tpu.memory_space<vmem_shared>> -> memref<80x128xf32, #tpu.memory_space<vmem_shared>>
      tpu.enqueue_dma source(%arg13 : memref<80x128xf32, #tpu.memory_space<vmem>>) target(%dma_start3A_71 : memref<80x128xf32, #tpu.memory_space<vmem_shared>>) target_semaphore(%run_scoped3A : memref<!tpu.dma_semaphore, #tpu.memory_space<semaphore_mem>>)
      %dma_wait3A = arith.constant 0 : i32
      %dma_wait3A_72 = tpu.memref_slice %arg17[%add3A_10, %dma_wait3A] : memref<10240x128xf32, #tpu.memory_space<vmem_shared>> -> memref<80x128xf32, #tpu.memory_space<vmem_shared>>
      %dma_wait3A_73 = arith.constant 0 : i32
      %dma_wait3A_74 = tpu.memref_slice %arg17[%add3A_10, %dma_wait3A_73] : memref<10240x128xf32, #tpu.memory_space<vmem_shared>> -> memref<80x128xf32, #tpu.memory_space<vmem_shared>>
      tpu.wait_dma2 semaphore(%run_scoped3A : memref<!tpu.dma_semaphore, #tpu.memory_space<semaphore_mem>>) src(%arg13 : memref<80x128xf32, #tpu.memory_space<vmem>>) dst(%dma_wait3A_74 : memref<80x128xf32, #tpu.memory_space<vmem_shared>>)
      tpu.yield
    }) : () -> ()
    %add3A_11 = arith.constant 160 : i32
    %add3A_12 = arith.addi %mul3A_6, %add3A_11 : i32
    "tpu.region"() ({
      %run_scoped3A = tpu.sem_alloc : memref<!tpu.dma_semaphore, #tpu.memory_space<semaphore_mem>>
      %dma_start3A = arith.constant 0 : i32
      %dma_start3A_69 = tpu.memref_slice %arg17[%add3A_12, %dma_start3A] : memref<10240x128xf32, #tpu.memory_space<vmem_shared>> -> memref<80x128xf32, #tpu.memory_space<vmem_shared>>
      %dma_start3A_70 = arith.constant 0 : i32
      %dma_start3A_71 = tpu.memref_slice %arg17[%add3A_12, %dma_start3A_70] : memref<10240x128xf32, #tpu.memory_space<vmem_shared>> -> memref<80x128xf32, #tpu.memory_space<vmem_shared>>
      tpu.enqueue_dma source(%arg13 : memref<80x128xf32, #tpu.memory_space<vmem>>) target(%dma_start3A_71 : memref<80x128xf32, #tpu.memory_space<vmem_shared>>) target_semaphore(%run_scoped3A : memref<!tpu.dma_semaphore, #tpu.memory_space<semaphore_mem>>)
      %dma_wait3A = arith.constant 0 : i32
      %dma_wait3A_72 = tpu.memref_slice %arg17[%add3A_12, %dma_wait3A] : memref<10240x128xf32, #tpu.memory_space<vmem_shared>> -> memref<80x128xf32, #tpu.memory_space<vmem_shared>>
      %dma_wait3A_73 = arith.constant 0 : i32
      %dma_wait3A_74 = tpu.memref_slice %arg17[%add3A_12, %dma_wait3A_73] : memref<10240x128xf32, #tpu.memory_space<vmem_shared>> -> memref<80x128xf32, #tpu.memory_space<vmem_shared>>
      tpu.wait_dma2 semaphore(%run_scoped3A : memref<!tpu.dma_semaphore, #tpu.memory_space<semaphore_mem>>) src(%arg13 : memref<80x128xf32, #tpu.memory_space<vmem>>) dst(%dma_wait3A_74 : memref<80x128xf32, #tpu.memory_space<vmem_shared>>)
      tpu.yield
    }) : () -> ()
    %add3A_13 = arith.constant 240 : i32
    %add3A_14 = arith.addi %mul3A_6, %add3A_13 : i32
    "tpu.region"() ({
      %run_scoped3A = tpu.sem_alloc : memref<!tpu.dma_semaphore, #tpu.memory_space<semaphore_mem>>
      %dma_start3A = arith.constant 0 : i32
      %dma_start3A_69 = tpu.memref_slice %arg17[%add3A_14, %dma_start3A] : memref<10240x128xf32, #tpu.memory_space<vmem_shared>> -> memref<80x128xf32, #tpu.memory_space<vmem_shared>>
      %dma_start3A_70 = arith.constant 0 : i32
      %dma_start3A_71 = tpu.memref_slice %arg17[%add3A_14, %dma_start3A_70] : memref<10240x128xf32, #tpu.memory_space<vmem_shared>> -> memref<80x128xf32, #tpu.memory_space<vmem_shared>>
      tpu.enqueue_dma source(%arg13 : memref<80x128xf32, #tpu.memory_space<vmem>>) target(%dma_start3A_71 : memref<80x128xf32, #tpu.memory_space<vmem_shared>>) target_semaphore(%run_scoped3A : memref<!tpu.dma_semaphore, #tpu.memory_space<semaphore_mem>>)
      %dma_wait3A = arith.constant 0 : i32
      %dma_wait3A_72 = tpu.memref_slice %arg17[%add3A_14, %dma_wait3A] : memref<10240x128xf32, #tpu.memory_space<vmem_shared>> -> memref<80x128xf32, #tpu.memory_space<vmem_shared>>
      %dma_wait3A_73 = arith.constant 0 : i32
      %dma_wait3A_74 = tpu.memref_slice %arg17[%add3A_14, %dma_wait3A_73] : memref<10240x128xf32, #tpu.memory_space<vmem_shared>> -> memref<80x128xf32, #tpu.memory_space<vmem_shared>>
      tpu.wait_dma2 semaphore(%run_scoped3A : memref<!tpu.dma_semaphore, #tpu.memory_space<semaphore_mem>>) src(%arg13 : memref<80x128xf32, #tpu.memory_space<vmem>>) dst(%dma_wait3A_74 : memref<80x128xf32, #tpu.memory_space<vmem_shared>>)
      tpu.yield
    }) : () -> ()
    %add3A_15 = arith.constant 320 : i32
    %add3A_16 = arith.addi %mul3A_6, %add3A_15 : i32
    "tpu.region"() ({
      %run_scoped3A = tpu.sem_alloc : memref<!tpu.dma_semaphore, #tpu.memory_space<semaphore_mem>>
      %dma_start3A = arith.constant 0 : i32
      %dma_start3A_69 = tpu.memref_slice %arg17[%add3A_16, %dma_start3A] : memref<10240x128xf32, #tpu.memory_space<vmem_shared>> -> memref<80x128xf32, #tpu.memory_space<vmem_shared>>
      %dma_start3A_70 = arith.constant 0 : i32
      %dma_start3A_71 = tpu.memref_slice %arg17[%add3A_16, %dma_start3A_70] : memref<10240x128xf32, #tpu.memory_space<vmem_shared>> -> memref<80x128xf32, #tpu.memory_space<vmem_shared>>
      tpu.enqueue_dma source(%arg13 : memref<80x128xf32, #tpu.memory_space<vmem>>) target(%dma_start3A_71 : memref<80x128xf32, #tpu.memory_space<vmem_shared>>) target_semaphore(%run_scoped3A : memref<!tpu.dma_semaphore, #tpu.memory_space<semaphore_mem>>)
      %dma_wait3A = arith.constant 0 : i32
      %dma_wait3A_72 = tpu.memref_slice %arg17[%add3A_16, %dma_wait3A] : memref<10240x128xf32, #tpu.memory_space<vmem_shared>> -> memref<80x128xf32, #tpu.memory_space<vmem_shared>>
      %dma_wait3A_73 = arith.constant 0 : i32
      %dma_wait3A_74 = tpu.memref_slice %arg17[%add3A_16, %dma_wait3A_73] : memref<10240x128xf32, #tpu.memory_space<vmem_shared>> -> memref<80x128xf32, #tpu.memory_space<vmem_shared>>
      tpu.wait_dma2 semaphore(%run_scoped3A : memref<!tpu.dma_semaphore, #tpu.memory_space<semaphore_mem>>) src(%arg13 : memref<80x128xf32, #tpu.memory_space<vmem>>) dst(%dma_wait3A_74 : memref<80x128xf32, #tpu.memory_space<vmem_shared>>)
      tpu.yield
    }) : () -> ()
    %add3A_17 = arith.constant 400 : i32
    %add3A_18 = arith.addi %mul3A_6, %add3A_17 : i32
    "tpu.region"() ({
      %run_scoped3A = tpu.sem_alloc : memref<!tpu.dma_semaphore, #tpu.memory_space<semaphore_mem>>
      %dma_start3A = arith.constant 0 : i32
      %dma_start3A_69 = tpu.memref_slice %arg17[%add3A_18, %dma_start3A] : memref<10240x128xf32, #tpu.memory_space<vmem_shared>> -> memref<80x128xf32, #tpu.memory_space<vmem_shared>>
      %dma_start3A_70 = arith.constant 0 : i32
      %dma_start3A_71 = tpu.memref_slice %arg17[%add3A_18, %dma_start3A_70] : memref<10240x128xf32, #tpu.memory_space<vmem_shared>> -> memref<80x128xf32, #tpu.memory_space<vmem_shared>>
      tpu.enqueue_dma source(%arg13 : memref<80x128xf32, #tpu.memory_space<vmem>>) target(%dma_start3A_71 : memref<80x128xf32, #tpu.memory_space<vmem_shared>>) target_semaphore(%run_scoped3A : memref<!tpu.dma_semaphore, #tpu.memory_space<semaphore_mem>>)
      %dma_wait3A = arith.constant 0 : i32
      %dma_wait3A_72 = tpu.memref_slice %arg17[%add3A_18, %dma_wait3A] : memref<10240x128xf32, #tpu.memory_space<vmem_shared>> -> memref<80x128xf32, #tpu.memory_space<vmem_shared>>
      %dma_wait3A_73 = arith.constant 0 : i32
      %dma_wait3A_74 = tpu.memref_slice %arg17[%add3A_18, %dma_wait3A_73] : memref<10240x128xf32, #tpu.memory_space<vmem_shared>> -> memref<80x128xf32, #tpu.memory_space<vmem_shared>>
      tpu.wait_dma2 semaphore(%run_scoped3A : memref<!tpu.dma_semaphore, #tpu.memory_space<semaphore_mem>>) src(%arg13 : memref<80x128xf32, #tpu.memory_space<vmem>>) dst(%dma_wait3A_74 : memref<80x128xf32, #tpu.memory_space<vmem_shared>>)
      tpu.yield
    }) : () -> ()
    %add3A_19 = arith.constant 480 : i32
    %add3A_20 = arith.addi %mul3A_6, %add3A_19 : i32
    "tpu.region"() ({
      %run_scoped3A = tpu.sem_alloc : memref<!tpu.dma_semaphore, #tpu.memory_space<semaphore_mem>>
      %dma_start3A = arith.constant 0 : i32
      %dma_start3A_69 = tpu.memref_slice %arg17[%add3A_20, %dma_start3A] : memref<10240x128xf32, #tpu.memory_space<vmem_shared>> -> memref<80x128xf32, #tpu.memory_space<vmem_shared>>
      %dma_start3A_70 = arith.constant 0 : i32
      %dma_start3A_71 = tpu.memref_slice %arg17[%add3A_20, %dma_start3A_70] : memref<10240x128xf32, #tpu.memory_space<vmem_shared>> -> memref<80x128xf32, #tpu.memory_space<vmem_shared>>
      tpu.enqueue_dma source(%arg13 : memref<80x128xf32, #tpu.memory_space<vmem>>) target(%dma_start3A_71 : memref<80x128xf32, #tpu.memory_space<vmem_shared>>) target_semaphore(%run_scoped3A : memref<!tpu.dma_semaphore, #tpu.memory_space<semaphore_mem>>)
      %dma_wait3A = arith.constant 0 : i32
      %dma_wait3A_72 = tpu.memref_slice %arg17[%add3A_20, %dma_wait3A] : memref<10240x128xf32, #tpu.memory_space<vmem_shared>> -> memref<80x128xf32, #tpu.memory_space<vmem_shared>>
      %dma_wait3A_73 = arith.constant 0 : i32
      %dma_wait3A_74 = tpu.memref_slice %arg17[%add3A_20, %dma_wait3A_73] : memref<10240x128xf32, #tpu.memory_space<vmem_shared>> -> memref<80x128xf32, #tpu.memory_space<vmem_shared>>
      tpu.wait_dma2 semaphore(%run_scoped3A : memref<!tpu.dma_semaphore, #tpu.memory_space<semaphore_mem>>) src(%arg13 : memref<80x128xf32, #tpu.memory_space<vmem>>) dst(%dma_wait3A_74 : memref<80x128xf32, #tpu.memory_space<vmem_shared>>)
      tpu.yield
    }) : () -> ()
    %add3A_21 = arith.constant 560 : i32
    %add3A_22 = arith.addi %mul3A_6, %add3A_21 : i32
    "tpu.region"() ({
      %run_scoped3A = tpu.sem_alloc : memref<!tpu.dma_semaphore, #tpu.memory_space<semaphore_mem>>
      %dma_start3A = arith.constant 0 : i32
      %dma_start3A_69 = tpu.memref_slice %arg17[%add3A_22, %dma_start3A] : memref<10240x128xf32, #tpu.memory_space<vmem_shared>> -> memref<80x128xf32, #tpu.memory_space<vmem_shared>>
      %dma_start3A_70 = arith.constant 0 : i32
      %dma_start3A_71 = tpu.memref_slice %arg17[%add3A_22, %dma_start3A_70] : memref<10240x128xf32, #tpu.memory_space<vmem_shared>> -> memref<80x128xf32, #tpu.memory_space<vmem_shared>>
      tpu.enqueue_dma source(%arg13 : memref<80x128xf32, #tpu.memory_space<vmem>>) target(%dma_start3A_71 : memref<80x128xf32, #tpu.memory_space<vmem_shared>>) target_semaphore(%run_scoped3A : memref<!tpu.dma_semaphore, #tpu.memory_space<semaphore_mem>>)
      %dma_wait3A = arith.constant 0 : i32
      %dma_wait3A_72 = tpu.memref_slice %arg17[%add3A_22, %dma_wait3A] : memref<10240x128xf32, #tpu.memory_space<vmem_shared>> -> memref<80x128xf32, #tpu.memory_space<vmem_shared>>
      %dma_wait3A_73 = arith.constant 0 : i32
      %dma_wait3A_74 = tpu.memref_slice %arg17[%add3A_22, %dma_wait3A_73] : memref<10240x128xf32, #tpu.memory_space<vmem_shared>> -> memref<80x128xf32, #tpu.memory_space<vmem_shared>>
      tpu.wait_dma2 semaphore(%run_scoped3A : memref<!tpu.dma_semaphore, #tpu.memory_space<semaphore_mem>>) src(%arg13 : memref<80x128xf32, #tpu.memory_space<vmem>>) dst(%dma_wait3A_74 : memref<80x128xf32, #tpu.memory_space<vmem_shared>>)
      tpu.yield
    }) : () -> ()
    %barrier3A = arith.constant 0 : index
    tpu.barrier barrier_id(%barrier3A)
    %add3A_23 = arith.constant 0 : i32
    %add3A_24 = arith.addi %add3A_23, %add3A : i32
    %lt3A = arith.constant 4000 : i32
    %lt3A_25 = arith.cmpi slt, %add3A_24, %lt3A : i32
    %convert_element_type3A = arith.extui %lt3A_25 : i1 to i32
    %cond3A = arith.constant 0 : i32
    %cond3A_26 = arith.cmpi ne, %convert_element_type3A, %cond3A : i32
    scf.if %cond3A_26 {
      %add3A_69 = arith.constant 0 : i32
      %add3A_70 = arith.addi %add3A_69, %add3A : i32
      %mul3A_71 = arith.constant 80 : i32
      %mul3A_72 = arith.muli %add3A_70, %mul3A_71 : i32
      %dma_start3A = tpu.memref_slice %arg5[%mul3A_72] : memref<320000xi32, #tpu.memory_space<hbm>> -> memref<80xi32, #tpu.memory_space<hbm>>
      %dma_start3A_73 = tpu.memref_slice %arg5[%mul3A_72] : memref<320000xi32, #tpu.memory_space<hbm>> -> memref<80xi32, #tpu.memory_space<hbm>>
      tpu.enqueue_dma source(%dma_start3A_73 : memref<80xi32, #tpu.memory_space<hbm>>) target(%arg9 : memref<80xi32, #tpu.memory_space<vmem>>) target_semaphore(%arg18 : memref<!tpu.dma_semaphore, #tpu.memory_space<semaphore_mem>>)
      %dma_start3A_74 = tpu.memref_slice %arg4[%mul3A_72] : memref<320000xi32, #tpu.memory_space<hbm>> -> memref<80xi32, #tpu.memory_space<hbm>>
      %dma_start3A_75 = tpu.memref_slice %arg4[%mul3A_72] : memref<320000xi32, #tpu.memory_space<hbm>> -> memref<80xi32, #tpu.memory_space<hbm>>
      tpu.enqueue_dma source(%dma_start3A_75 : memref<80xi32, #tpu.memory_space<hbm>>) target(%arg7 : memref<80xi32, #tpu.memory_space<vmem>>) target_semaphore(%arg18 : memref<!tpu.dma_semaphore, #tpu.memory_space<semaphore_mem>>)
    } else {
    }
    %add3A_27 = arith.constant 0 : i32
    %add3A_28 = arith.addi %add3A_27, %add3A : i32
    %lt3A_29 = arith.constant 4000 : i32
    %lt3A_30 = arith.cmpi slt, %add3A_28, %lt3A_29 : i32
    %convert_element_type3A_31 = arith.extui %lt3A_30 : i1 to i32
    %cond3A_32 = arith.constant 0 : i32
    %cond3A_33 = arith.cmpi ne, %convert_element_type3A_31, %cond3A_32 : i32
    scf.if %cond3A_33 {
      %dma_wait3A = arith.constant 0 : i32
      %dma_wait3A_69 = tpu.memref_slice %arg5[%dma_wait3A] : memref<320000xi32, #tpu.memory_space<hbm>> -> memref<80xi32, #tpu.memory_space<hbm>>
      %dma_wait3A_70 = arith.constant 0 : i32
      %dma_wait3A_71 = tpu.memref_slice %arg5[%dma_wait3A_70] : memref<320000xi32, #tpu.memory_space<hbm>> -> memref<80xi32, #tpu.memory_space<hbm>>
      tpu.wait_dma2 semaphore(%arg18 : memref<!tpu.dma_semaphore, #tpu.memory_space<semaphore_mem>>) src(%dma_wait3A_71 : memref<80xi32, #tpu.memory_space<hbm>>) dst(%arg9 : memref<80xi32, #tpu.memory_space<vmem>>)
      %dma_wait3A_72 = arith.constant 0 : i32
      %dma_wait3A_73 = tpu.memref_slice %arg4[%dma_wait3A_72] : memref<320000xi32, #tpu.memory_space<hbm>> -> memref<80xi32, #tpu.memory_space<hbm>>
      %dma_wait3A_74 = arith.constant 0 : i32
      %dma_wait3A_75 = tpu.memref_slice %arg4[%dma_wait3A_74] : memref<320000xi32, #tpu.memory_space<hbm>> -> memref<80xi32, #tpu.memory_space<hbm>>
      tpu.wait_dma2 semaphore(%arg18 : memref<!tpu.dma_semaphore, #tpu.memory_space<semaphore_mem>>) src(%dma_wait3A_75 : memref<80xi32, #tpu.memory_space<hbm>>) dst(%arg7 : memref<80xi32, #tpu.memory_space<vmem>>)
    } else {
    }
    %get3A = arith.constant 0 : index
    %get3A_34 = tpu.vector_load %arg9[%get3A] {strides = array<i32>} : memref<80xi32, #tpu.memory_space<vmem>>, vector<16xi32>,
    %reduce_min3A = arith.constant true
    %reduce_min3A_35 = vector.broadcast %reduce_min3A : i1 to vector<16xi1>
    %reduce_min3A_36 = arith.constant -2147483648 : i32
    %reduce_min3A_37 = vector.broadcast %reduce_min3A_36 : i32 to vector<16xi32>
    %reduce_min3A_38 = arith.xori %get3A_34, %reduce_min3A_37 : vector<16xi32>
    %reduce_min3A_39 = tpu.scan <min>, %reduce_min3A_38 masked %reduce_min3A_35 : vector<16xi32>, vector<16xi1> -> vector<16xi32>
    %reduce_min3A_40 = arith.xori %reduce_min3A_39, %reduce_min3A_37 : vector<16xi32>
    %reduce_min3A_41 = vector.extract %reduce_min3A_40[15] : i32 from vector<16xi32>
    %lt3A_42 = arith.constant 10000 : i32
    %lt3A_43 = arith.cmpi slt, %reduce_min3A_41, %lt3A_42 : i32
    %and3A = arith.andi %lt3A_30, %lt3A_43 : i1
    %convert_element_type3A_44 = arith.extui %and3A : i1 to i32
    %cond3A_45 = arith.constant 0 : i32
    %cond3A_46 = arith.cmpi ne, %convert_element_type3A_44, %cond3A_45 : i32
    scf.if %cond3A_46 {
      %add3A_69 = arith.constant 0 : i32
      %add3A_70 = arith.addi %add3A_69, %add3A : i32
      %mul3A_71 = arith.constant 80 : i32
      %mul3A_72 = arith.muli %add3A_70, %mul3A_71 : i32
      %ge3A = arith.constant 160000 : i32
      %ge3A_73 = arith.cmpi sge, %mul3A_72, %ge3A : i32
      %sub3A = arith.constant 160000 : i32
      %sub3A_74 = arith.subi %mul3A_72, %sub3A : i32
      %select_n3A = arith.select %ge3A_73, %sub3A_74, %mul3A_72 : i32
      %dma_start3A = arith.constant 0 : i32
      %dma_start3A_75 = arith.constant 0 : i32
      %dma_start3A_76 = tpu.memref_slice %arg2[%dma_start3A, %dma_start3A_75] : memref<10000x128xf32, #tpu.memory_space<hbm>> -> memref<10000x128xf32, #tpu.memory_space<hbm>>
      tpu.enqueue_indirect_dma source(%dma_start3A_76 : memref<10000x128xf32, #tpu.memory_space<hbm>>) target(%arg15 : memref<80x128xf32, #tpu.memory_space<vmem>>) offsets(%arg7 : memref<80xi32, #tpu.memory_space<vmem>>) semaphore(%arg20 : memref<!tpu.dma_semaphore, #tpu.memory_space<semaphore_mem>>)
      %dma_start3A_77 = arith.constant 0 : i32
      %dma_start3A_78 = tpu.memref_slice %arg3[%select_n3A, %dma_start3A_77] : memref<160000x128xf32, #tpu.memory_space<hbm>> -> memref<80x128xf32, #tpu.memory_space<hbm>>
      %dma_start3A_79 = arith.constant 0 : i32
      %dma_start3A_80 = tpu.memref_slice %arg3[%select_n3A, %dma_start3A_79] : memref<160000x128xf32, #tpu.memory_space<hbm>> -> memref<80x128xf32, #tpu.memory_space<hbm>>
      tpu.enqueue_dma source(%dma_start3A_80 : memref<80x128xf32, #tpu.memory_space<hbm>>) target(%arg13 : memref<80x128xf32, #tpu.memory_space<vmem>>) target_semaphore(%arg20 : memref<!tpu.dma_semaphore, #tpu.memory_space<semaphore_mem>>)
    } else {
    }
    %add3A_47 = arith.constant 32 : i32
    %add3A_48 = arith.addi %add3A_47, %add3A : i32
    %lt3A_49 = arith.constant 4000 : i32
    %lt3A_50 = arith.cmpi slt, %add3A_48, %lt3A_49 : i32
    %convert_element_type3A_51 = arith.extui %lt3A_50 : i1 to i32
    %cond3A_52 = arith.constant 0 : i32
    %cond3A_53 = arith.cmpi ne, %convert_element_type3A_51, %cond3A_52 : i32
    scf.if %cond3A_53 {
      %add3A_69 = arith.constant 32 : i32
      %add3A_70 = arith.addi %add3A_69, %add3A : i32
      %mul3A_71 = arith.constant 80 : i32
      %mul3A_72 = arith.muli %add3A_70, %mul3A_71 : i32
      %dma_start3A = tpu.memref_slice %arg5[%mul3A_72] : memref<320000xi32, #tpu.memory_space<hbm>> -> memref<80xi32, #tpu.memory_space<hbm>>
      %dma_start3A_73 = tpu.memref_slice %arg5[%mul3A_72] : memref<320000xi32, #tpu.memory_space<hbm>> -> memref<80xi32, #tpu.memory_space<hbm>>
      tpu.enqueue_dma source(%dma_start3A_73 : memref<80xi32, #tpu.memory_space<hbm>>) target(%arg10 : memref<80xi32, #tpu.memory_space<vmem>>) target_semaphore(%arg19 : memref<!tpu.dma_semaphore, #tpu.memory_space<semaphore_mem>>)
      %dma_start3A_74 = tpu.memref_slice %arg4[%mul3A_72] : memref<320000xi32, #tpu.memory_space<hbm>> -> memref<80xi32, #tpu.memory_space<hbm>>
      %dma_start3A_75 = tpu.memref_slice %arg4[%mul3A_72] : memref<320000xi32, #tpu.memory_space<hbm>> -> memref<80xi32, #tpu.memory_space<hbm>>
      tpu.enqueue_dma source(%dma_start3A_75 : memref<80xi32, #tpu.memory_space<hbm>>) target(%arg8 : memref<80xi32, #tpu.memory_space<vmem>>) target_semaphore(%arg19 : memref<!tpu.dma_semaphore, #tpu.memory_space<semaphore_mem>>)
    } else {
    }
    %and3A_54 = arith.constant false
    %and3A_55 = arith.andi %and3A, %and3A_54 : i1
    %scan3A_56 = arith.constant 0 : i32
    %scan3A_57 = arith.constant 63 : i32
    %scan3A_58 = arith.addi %scan3A_56, %scan3A_57 : i32
    %scan3A_59 = arith.constant 1 : i32
    %scan3A_60:2 = scf.for %scan3A_69 = %scan3A_56 to %scan3A_58 step %scan3A_59 iter_args(%scan3A_70 = %and3A, %scan3A_71 = %and3A_55) -> (i1, i1)  : i32 {
      %mul3A_72 = arith.constant 2 : i32
      %mul3A_73 = arith.muli %mul3A_72, %scan3A_69 : i32
      %convert_element_type3A_74 = arith.extui %scan3A_70 : i1 to i32
      %cond3A_75 = arith.constant 0 : i32
      %cond3A_76 = arith.cmpi ne, %convert_element_type3A_74, %cond3A_75 : i32
      scf.if %cond3A_76 {
        %dma_wait3A = arith.constant 0 : i32
        %dma_wait3A_158 = arith.constant 0 : i32
        %dma_wait3A_159 = tpu.memref_slice %arg2[%dma_wait3A, %dma_wait3A_158] : memref<10000x128xf32, #tpu.memory_space<hbm>> -> memref<10000x128xf32, #tpu.memory_space<hbm>>
        tpu.wait_indirect_dma semaphore(%arg20 : memref<!tpu.dma_semaphore, #tpu.memory_space<semaphore_mem>>) src(%dma_wait3A_159 : memref<10000x128xf32, #tpu.memory_space<hbm>>) dst(%arg15 : memref<80x128xf32, #tpu.memory_space<vmem>>)
        %dma_wait3A_160 = arith.constant 0 : i32
        %dma_wait3A_161 = arith.constant 0 : i32
        %dma_wait3A_162 = tpu.memref_slice %arg3[%dma_wait3A_160, %dma_wait3A_161] : memref<160000x128xf32, #tpu.memory_space<hbm>> -> memref<80x128xf32, #tpu.memory_space<hbm>>
        %dma_wait3A_163 = arith.constant 0 : i32
        %dma_wait3A_164 = arith.constant 0 : i32
        %dma_wait3A_165 = tpu.memref_slice %arg3[%dma_wait3A_163, %dma_wait3A_164] : memref<160000x128xf32, #tpu.memory_space<hbm>> -> memref<80x128xf32, #tpu.memory_space<hbm>>
        tpu.wait_dma2 semaphore(%arg20 : memref<!tpu.dma_semaphore, #tpu.memory_space<semaphore_mem>>) src(%dma_wait3A_165 : memref<80x128xf32, #tpu.memory_space<hbm>>) dst(%arg13 : memref<80x128xf32, #tpu.memory_space<vmem>>)
        %scan3A_166 = arith.constant 0 : i32
        %scan3A_167 = arith.constant 80 : i32
        %scan3A_168 = arith.addi %scan3A_166, %scan3A_167 : i32
        %scan3A_169 = arith.constant 1 : i32
        scf.for %scan3A_192 = %scan3A_166 to %scan3A_168 step %scan3A_169  : i32 {
          %get3A_193 = arith.index_cast %scan3A_192 : i32 to index
          %get3A_194 = arith.constant 0 : index
          %get3A_195 = tpu.vector_load %arg15[%get3A_193, %get3A_194] {strides = array<i32>} : memref<80x128xf32, #tpu.memory_space<vmem>>, vector<16xf32>,
          %get3A_196 = arith.index_cast %scan3A_192 : i32 to index
          %get3A_197 = arith.constant 0 : index
          %get3A_198 = tpu.vector_load %arg13[%get3A_196, %get3A_197] {strides = array<i32>} : memref<80x128xf32, #tpu.memory_space<vmem>>, vector<16xf32>,
          %mul3A_199 = arith.mulf %get3A_195, %get3A_198 : vector<16xf32>
          %swap3A_200 = arith.index_cast %scan3A_192 : i32 to index
          %swap3A_201 = arith.constant 0 : index
          %swap3A_202 = tpu.vector_load %arg15[%swap3A_200, %swap3A_201] {strides = array<i32>} : memref<80x128xf32, #tpu.memory_space<vmem>>, vector<16xf32>,
          tpu.vector_store %arg15[%swap3A_200, %swap3A_201], %mul3A_199 {strides = array<i32>} : memref<80x128xf32, #tpu.memory_space<vmem>>, vector<16xf32>,
          %get3A_203 = arith.index_cast %scan3A_192 : i32 to index
          %get3A_204 = arith.constant 16 : index
          %get3A_205 = tpu.vector_load %arg15[%get3A_203, %get3A_204] {strides = array<i32>} : memref<80x128xf32, #tpu.memory_space<vmem>>, vector<16xf32>,
          %get3A_206 = arith.index_cast %scan3A_192 : i32 to index
          %get3A_207 = arith.constant 16 : index
          %get3A_208 = tpu.vector_load %arg13[%get3A_206, %get3A_207] {strides = array<i32>} : memref<80x128xf32, #tpu.memory_space<vmem>>, vector<16xf32>,
          %mul3A_209 = arith.mulf %get3A_205, %get3A_208 : vector<16xf32>
          %swap3A_210 = arith.index_cast %scan3A_192 : i32 to index
          %swap3A_211 = arith.constant 16 : index
          %swap3A_212 = tpu.vector_load %arg15[%swap3A_210, %swap3A_211] {strides = array<i32>} : memref<80x128xf32, #tpu.memory_space<vmem>>, vector<16xf32>,
          tpu.vector_store %arg15[%swap3A_210, %swap3A_211], %mul3A_209 {strides = array<i32>} : memref<80x128xf32, #tpu.memory_space<vmem>>, vector<16xf32>,
          %get3A_213 = arith.index_cast %scan3A_192 : i32 to index
          %get3A_214 = arith.constant 32 : index
          %get3A_215 = tpu.vector_load %arg15[%get3A_213, %get3A_214] {strides = array<i32>} : memref<80x128xf32, #tpu.memory_space<vmem>>, vector<16xf32>,
          %get3A_216 = arith.index_cast %scan3A_192 : i32 to index
          %get3A_217 = arith.constant 32 : index
          %get3A_218 = tpu.vector_load %arg13[%get3A_216, %get3A_217] {strides = array<i32>} : memref<80x128xf32, #tpu.memory_space<vmem>>, vector<16xf32>,
          %mul3A_219 = arith.mulf %get3A_215, %get3A_218 : vector<16xf32>
          %swap3A_220 = arith.index_cast %scan3A_192 : i32 to index
          %swap3A_221 = arith.constant 32 : index
          %swap3A_222 = tpu.vector_load %arg15[%swap3A_220, %swap3A_221] {strides = array<i32>} : memref<80x128xf32, #tpu.memory_space<vmem>>, vector<16xf32>,
          tpu.vector_store %arg15[%swap3A_220, %swap3A_221], %mul3A_219 {strides = array<i32>} : memref<80x128xf32, #tpu.memory_space<vmem>>, vector<16xf32>,
          %get3A_223 = arith.index_cast %scan3A_192 : i32 to index
          %get3A_224 = arith.constant 48 : index
          %get3A_225 = tpu.vector_load %arg15[%get3A_223, %get3A_224] {strides = array<i32>} : memref<80x128xf32, #tpu.memory_space<vmem>>, vector<16xf32>,
          %get3A_226 = arith.index_cast %scan3A_192 : i32 to index
          %get3A_227 = arith.constant 48 : index
          %get3A_228 = tpu.vector_load %arg13[%get3A_226, %get3A_227] {strides = array<i32>} : memref<80x128xf32, #tpu.memory_space<vmem>>, vector<16xf32>,
          %mul3A_229 = arith.mulf %get3A_225, %get3A_228 : vector<16xf32>
          %swap3A_230 = arith.index_cast %scan3A_192 : i32 to index
          %swap3A_231 = arith.constant 48 : index
          %swap3A_232 = tpu.vector_load %arg15[%swap3A_230, %swap3A_231] {strides = array<i32>} : memref<80x128xf32, #tpu.memory_space<vmem>>, vector<16xf32>,
          tpu.vector_store %arg15[%swap3A_230, %swap3A_231], %mul3A_229 {strides = array<i32>} : memref<80x128xf32, #tpu.memory_space<vmem>>, vector<16xf32>,
          %get3A_233 = arith.index_cast %scan3A_192 : i32 to index
          %get3A_234 = arith.constant 64 : index
          %get3A_235 = tpu.vector_load %arg15[%get3A_233, %get3A_234] {strides = array<i32>} : memref<80x128xf32, #tpu.memory_space<vmem>>, vector<16xf32>,
          %get3A_236 = arith.index_cast %scan3A_192 : i32 to index
          %get3A_237 = arith.constant 64 : index
          %get3A_238 = tpu.vector_load %arg13[%get3A_236, %get3A_237] {strides = array<i32>} : memref<80x128xf32, #tpu.memory_space<vmem>>, vector<16xf32>,
          %mul3A_239 = arith.mulf %get3A_235, %get3A_238 : vector<16xf32>
          %swap3A_240 = arith.index_cast %scan3A_192 : i32 to index
          %swap3A_241 = arith.constant 64 : index
          %swap3A_242 = tpu.vector_load %arg15[%swap3A_240, %swap3A_241] {strides = array<i32>} : memref<80x128xf32, #tpu.memory_space<vmem>>, vector<16xf32>,
          tpu.vector_store %arg15[%swap3A_240, %swap3A_241], %mul3A_239 {strides = array<i32>} : memref<80x128xf32, #tpu.memory_space<vmem>>, vector<16xf32>,
          %get3A_243 = arith.index_cast %scan3A_192 : i32 to index
          %get3A_244 = arith.constant 80 : index
          %get3A_245 = tpu.vector_load %arg15[%get3A_243, %get3A_244] {strides = array<i32>} : memref<80x128xf32, #tpu.memory_space<vmem>>, vector<16xf32>,
          %get3A_246 = arith.index_cast %scan3A_192 : i32 to index
          %get3A_247 = arith.constant 80 : index
          %get3A_248 = tpu.vector_load %arg13[%get3A_246, %get3A_247] {strides = array<i32>} : memref<80x128xf32, #tpu.memory_space<vmem>>, vector<16xf32>,
          %mul3A_249 = arith.mulf %get3A_245, %get3A_248 : vector<16xf32>
          %swap3A_250 = arith.index_cast %scan3A_192 : i32 to index
          %swap3A_251 = arith.constant 80 : index
          %swap3A_252 = tpu.vector_load %arg15[%swap3A_250, %swap3A_251] {strides = array<i32>} : memref<80x128xf32, #tpu.memory_space<vmem>>, vector<16xf32>,
          tpu.vector_store %arg15[%swap3A_250, %swap3A_251], %mul3A_249 {strides = array<i32>} : memref<80x128xf32, #tpu.memory_space<vmem>>, vector<16xf32>,
          %get3A_253 = arith.index_cast %scan3A_192 : i32 to index
          %get3A_254 = arith.constant 96 : index
          %get3A_255 = tpu.vector_load %arg15[%get3A_253, %get3A_254] {strides = array<i32>} : memref<80x128xf32, #tpu.memory_space<vmem>>, vector<16xf32>,
          %get3A_256 = arith.index_cast %scan3A_192 : i32 to index
          %get3A_257 = arith.constant 96 : index
          %get3A_258 = tpu.vector_load %arg13[%get3A_256, %get3A_257] {strides = array<i32>} : memref<80x128xf32, #tpu.memory_space<vmem>>, vector<16xf32>,
          %mul3A_259 = arith.mulf %get3A_255, %get3A_258 : vector<16xf32>
          %swap3A_260 = arith.index_cast %scan3A_192 : i32 to index
          %swap3A_261 = arith.constant 96 : index
          %swap3A_262 = tpu.vector_load %arg15[%swap3A_260, %swap3A_261] {strides = array<i32>} : memref<80x128xf32, #tpu.memory_space<vmem>>, vector<16xf32>,
          tpu.vector_store %arg15[%swap3A_260, %swap3A_261], %mul3A_259 {strides = array<i32>} : memref<80x128xf32, #tpu.memory_space<vmem>>, vector<16xf32>,
          %get3A_263 = arith.index_cast %scan3A_192 : i32 to index
          %get3A_264 = arith.constant 112 : index
          %get3A_265 = tpu.vector_load %arg15[%get3A_263, %get3A_264] {strides = array<i32>} : memref<80x128xf32, #tpu.memory_space<vmem>>, vector<16xf32>,
          %get3A_266 = arith.index_cast %scan3A_192 : i32 to index
          %get3A_267 = arith.constant 112 : index
          %get3A_268 = tpu.vector_load %arg13[%get3A_266, %get3A_267] {strides = array<i32>} : memref<80x128xf32, #tpu.memory_space<vmem>>, vector<16xf32>,
          %mul3A_269 = arith.mulf %get3A_265, %get3A_268 : vector<16xf32>
          %swap3A_270 = arith.index_cast %scan3A_192 : i32 to index
          %swap3A_271 = arith.constant 112 : index
          %swap3A_272 = tpu.vector_load %arg15[%swap3A_270, %swap3A_271] {strides = array<i32>} : memref<80x128xf32, #tpu.memory_space<vmem>>, vector<16xf32>,
          tpu.vector_store %arg15[%swap3A_270, %swap3A_271], %mul3A_269 {strides = array<i32>} : memref<80x128xf32, #tpu.memory_space<vmem>>, vector<16xf32>,
        }
        %scan3A_170 = arith.constant 80 : i32
        %get3A_171 = arith.constant 0 : index
        %get3A_172 = tpu.vector_load %arg9[%get3A_171] {strides = array<i32>} : memref<80xi32, #tpu.memory_space<vmem>>, vector<16xi32>,
        %swap3A = arith.constant 0 : index
        %swap3A_173 = tpu.vector_load %arg11[%swap3A] {strides = array<i32>} : memref<80xi32, #tpu.memory_space<vmem>>, vector<16xi32>,
        tpu.vector_store %arg11[%swap3A], %get3A_172 {strides = array<i32>} : memref<80xi32, #tpu.memory_space<vmem>>, vector<16xi32>,
        %get3A_174 = arith.constant 16 : index
        %get3A_175 = tpu.vector_load %arg9[%get3A_174] {strides = array<i32>} : memref<80xi32, #tpu.memory_space<vmem>>, vector<16xi32>,
        %swap3A_176 = arith.constant 16 : index
        %swap3A_177 = tpu.vector_load %arg11[%swap3A_176] {strides = array<i32>} : memref<80xi32, #tpu.memory_space<vmem>>, vector<16xi32>,
        tpu.vector_store %arg11[%swap3A_176], %get3A_175 {strides = array<i32>} : memref<80xi32, #tpu.memory_space<vmem>>, vector<16xi32>,
        %get3A_178 = arith.constant 32 : index
        %get3A_179 = tpu.vector_load %arg9[%get3A_178] {strides = array<i32>} : memref<80xi32, #tpu.memory_space<vmem>>, vector<16xi32>,
        %swap3A_180 = arith.constant 32 : index
        %swap3A_181 = tpu.vector_load %arg11[%swap3A_180] {strides = array<i32>} : memref<80xi32, #tpu.memory_space<vmem>>, vector<16xi32>,
        tpu.vector_store %arg11[%swap3A_180], %get3A_179 {strides = array<i32>} : memref<80xi32, #tpu.memory_space<vmem>>, vector<16xi32>,
        %get3A_182 = arith.constant 48 : index
        %get3A_183 = tpu.vector_load %arg9[%get3A_182] {strides = array<i32>} : memref<80xi32, #tpu.memory_space<vmem>>, vector<16xi32>,
        %swap3A_184 = arith.constant 48 : index
        %swap3A_185 = tpu.vector_load %arg11[%swap3A_184] {strides = array<i32>} : memref<80xi32, #tpu.memory_space<vmem>>, vector<16xi32>,
        tpu.vector_store %arg11[%swap3A_184], %get3A_183 {strides = array<i32>} : memref<80xi32, #tpu.memory_space<vmem>>, vector<16xi32>,
        %get3A_186 = arith.constant 64 : index
        %get3A_187 = tpu.vector_load %arg9[%get3A_186] {strides = array<i32>} : memref<80xi32, #tpu.memory_space<vmem>>, vector<16xi32>,
        %swap3A_188 = arith.constant 64 : index
        %swap3A_189 = tpu.vector_load %arg11[%swap3A_188] {strides = array<i32>} : memref<80xi32, #tpu.memory_space<vmem>>, vector<16xi32>,
        tpu.vector_store %arg11[%swap3A_188], %get3A_187 {strides = array<i32>} : memref<80xi32, #tpu.memory_space<vmem>>, vector<16xi32>,
        %dma_start3A = arith.constant 0 : i32
        %dma_start3A_190 = arith.constant 0 : i32
        %dma_start3A_191 = tpu.memref_slice %arg17[%dma_start3A, %dma_start3A_190] : memref<10240x128xf32, #tpu.memory_space<vmem_shared>> -> memref<10240x128xf32, #tpu.memory_space<vmem_shared>>
        tpu.enqueue_indirect_dma source(%arg15 : memref<80x128xf32, #tpu.memory_space<vmem>>) target(%dma_start3A_191 : memref<10240x128xf32, #tpu.memory_space<vmem_shared>>) offsets(%arg11 : memref<80xi32, #tpu.memory_space<vmem>>) semaphore(%arg22 : memref<!tpu.dma_semaphore, #tpu.memory_space<semaphore_mem>>) {add = true}
      } else {
      }
      %add3A_77 = arith.constant 1 : i32
      %add3A_78 = arith.addi %mul3A_73, %add3A_77 : i32
      %convert_element_type3A_79 = arith.extui %scan3A_71 : i1 to i32
      %cond3A_80 = arith.constant 0 : i32
      %cond3A_81 = arith.cmpi ne, %convert_element_type3A_79, %cond3A_80 : i32
      scf.if %cond3A_81 {
        %dma_wait3A = arith.constant 0 : i32
        %dma_wait3A_158 = arith.constant 0 : i32
        %dma_wait3A_159 = tpu.memref_slice %arg17[%dma_wait3A, %dma_wait3A_158] : memref<10240x128xf32, #tpu.memory_space<vmem_shared>> -> memref<10240x128xf32, #tpu.memory_space<vmem_shared>>
        tpu.wait_indirect_dma semaphore(%arg23 : memref<!tpu.dma_semaphore, #tpu.memory_space<semaphore_mem>>) src(%arg16 : memref<80x128xf32, #tpu.memory_space<vmem>>) dst(%dma_wait3A_159 : memref<10240x128xf32, #tpu.memory_space<vmem_shared>>)
      } else {
      }
      %mul3A_82 = arith.constant 32 : i32
      %mul3A_83 = arith.muli %add3A_78, %mul3A_82 : i32
      %add3A_84 = arith.addi %mul3A_83, %add3A : i32
      %lt3A_85 = arith.constant 4000 : i32
      %lt3A_86 = arith.cmpi slt, %add3A_84, %lt3A_85 : i32
      %convert_element_type3A_87 = arith.extui %lt3A_86 : i1 to i32
      %cond3A_88 = arith.constant 0 : i32
      %cond3A_89 = arith.cmpi ne, %convert_element_type3A_87, %cond3A_88 : i32
      scf.if %cond3A_89 {
        %dma_wait3A = arith.constant 0 : i32
        %dma_wait3A_158 = tpu.memref_slice %arg5[%dma_wait3A] : memref<320000xi32, #tpu.memory_space<hbm>> -> memref<80xi32, #tpu.memory_space<hbm>>
        %dma_wait3A_159 = arith.constant 0 : i32
        %dma_wait3A_160 = tpu.memref_slice %arg5[%dma_wait3A_159] : memref<320000xi32, #tpu.memory_space<hbm>> -> memref<80xi32, #tpu.memory_space<hbm>>
        tpu.wait_dma2 semaphore(%arg19 : memref<!tpu.dma_semaphore, #tpu.memory_space<semaphore_mem>>) src(%dma_wait3A_160 : memref<80xi32, #tpu.memory_space<hbm>>) dst(%arg10 : memref<80xi32, #tpu.memory_space<vmem>>)
        %dma_wait3A_161 = arith.constant 0 : i32
        %dma_wait3A_162 = tpu.memref_slice %arg4[%dma_wait3A_161] : memref<320000xi32, #tpu.memory_space<hbm>> -> memref<80xi32, #tpu.memory_space<hbm>>
        %dma_wait3A_163 = arith.constant 0 : i32
        %dma_wait3A_164 = tpu.memref_slice %arg4[%dma_wait3A_163] : memref<320000xi32, #tpu.memory_space<hbm>> -> memref<80xi32, #tpu.memory_space<hbm>>
        tpu.wait_dma2 semaphore(%arg19 : memref<!tpu.dma_semaphore, #tpu.memory_space<semaphore_mem>>) src(%dma_wait3A_164 : memref<80xi32, #tpu.memory_space<hbm>>) dst(%arg8 : memref<80xi32, #tpu.memory_space<vmem>>)
      } else {
      }
      %get3A_90 = arith.constant 0 : index
      %get3A_91 = tpu.vector_load %arg10[%get3A_90] {strides = array<i32>} : memref<80xi32, #tpu.memory_space<vmem>>, vector<16xi32>,
      %reduce_min3A_92 = arith.constant true
      %reduce_min3A_93 = vector.broadcast %reduce_min3A_92 : i1 to vector<16xi1>
      %reduce_min3A_94 = arith.constant -2147483648 : i32
      %reduce_min3A_95 = vector.broadcast %reduce_min3A_94 : i32 to vector<16xi32>
      %reduce_min3A_96 = arith.xori %get3A_91, %reduce_min3A_95 : vector<16xi32>
      %reduce_min3A_97 = tpu.scan <min>, %reduce_min3A_96 masked %reduce_min3A_93 : vector<16xi32>, vector<16xi1> -> vector<16xi32>
      %reduce_min3A_98 = arith.xori %reduce_min3A_97, %reduce_min3A_95 : vector<16xi32>
      %reduce_min3A_99 = vector.extract %reduce_min3A_98[15] : i32 from vector<16xi32>
      %lt3A_100 = arith.constant 10000 : i32
      %lt3A_101 = arith.cmpi slt, %reduce_min3A_99, %lt3A_100 : i32
      %and3A_102 = arith.andi %lt3A_86, %lt3A_101 : i1
      %convert_element_type3A_103 = arith.extui %and3A_102 : i1 to i32
      %cond3A_104 = arith.constant 0 : i32
      %cond3A_105 = arith.cmpi ne, %convert_element_type3A_103, %cond3A_104 : i32
      scf.if %cond3A_105 {
        %mul3A_158 = arith.constant 32 : i32
        %mul3A_159 = arith.muli %add3A_78, %mul3A_158 : i32
        %add3A_160 = arith.addi %mul3A_159, %add3A : i32
        %mul3A_161 = arith.constant 80 : i32
        %mul3A_162 = arith.muli %add3A_160, %mul3A_161 : i32
        %ge3A = arith.constant 160000 : i32
        %ge3A_163 = arith.cmpi sge, %mul3A_162, %ge3A : i32
        %sub3A = arith.constant 160000 : i32
        %sub3A_164 = arith.subi %mul3A_162, %sub3A : i32
        %select_n3A = arith.select %ge3A_163, %sub3A_164, %mul3A_162 : i32
        %dma_start3A = arith.constant 0 : i32
        %dma_start3A_165 = arith.constant 0 : i32
        %dma_start3A_166 = tpu.memref_slice %arg2[%dma_start3A, %dma_start3A_165] : memref<10000x128xf32, #tpu.memory_space<hbm>> -> memref<10000x128xf32, #tpu.memory_space<hbm>>
        tpu.enqueue_indirect_dma source(%dma_start3A_166 : memref<10000x128xf32, #tpu.memory_space<hbm>>) target(%arg16 : memref<80x128xf32, #tpu.memory_space<vmem>>) offsets(%arg8 : memref<80xi32, #tpu.memory_space<vmem>>) semaphore(%arg21 : memref<!tpu.dma_semaphore, #tpu.memory_space<semaphore_mem>>)
        %dma_start3A_167 = arith.constant 0 : i32
        %dma_start3A_168 = tpu.memref_slice %arg3[%select_n3A, %dma_start3A_167] : memref<160000x128xf32, #tpu.memory_space<hbm>> -> memref<80x128xf32, #tpu.memory_space<hbm>>
        %dma_start3A_169 = arith.constant 0 : i32
        %dma_start3A_170 = tpu.memref_slice %arg3[%select_n3A, %dma_start3A_169] : memref<160000x128xf32, #tpu.memory_space<hbm>> -> memref<80x128xf32, #tpu.memory_space<hbm>>
        tpu.enqueue_dma source(%dma_start3A_170 : memref<80x128xf32, #tpu.memory_space<hbm>>) target(%arg14 : memref<80x128xf32, #tpu.memory_space<vmem>>) target_semaphore(%arg21 : memref<!tpu.dma_semaphore, #tpu.memory_space<semaphore_mem>>)
      } else {
      }
      %add3A_106 = arith.constant 2 : i32
      %add3A_107 = arith.addi %mul3A_73, %add3A_106 : i32
      %mul3A_108 = arith.constant 32 : i32
      %mul3A_109 = arith.muli %add3A_107, %mul3A_108 : i32
      %add3A_110 = arith.addi %mul3A_109, %add3A : i32
      %lt3A_111 = arith.constant 4000 : i32
      %lt3A_112 = arith.cmpi slt, %add3A_110, %lt3A_111 : i32
      %convert_element_type3A_113 = arith.extui %lt3A_112 : i1 to i32
      %cond3A_114 = arith.constant 0 : i32
      %cond3A_115 = arith.cmpi ne, %convert_element_type3A_113, %cond3A_114 : i32
      scf.if %cond3A_115 {
        %mul3A_158 = arith.constant 32 : i32
        %mul3A_159 = arith.muli %add3A_107, %mul3A_158 : i32
        %add3A_160 = arith.addi %mul3A_159, %add3A : i32
        %mul3A_161 = arith.constant 80 : i32
        %mul3A_162 = arith.muli %add3A_160, %mul3A_161 : i32
        %dma_start3A = tpu.memref_slice %arg5[%mul3A_162] : memref<320000xi32, #tpu.memory_space<hbm>> -> memref<80xi32, #tpu.memory_space<hbm>>
        %dma_start3A_163 = tpu.memref_slice %arg5[%mul3A_162] : memref<320000xi32, #tpu.memory_space<hbm>> -> memref<80xi32, #tpu.memory_space<hbm>>
        tpu.enqueue_dma source(%dma_start3A_163 : memref<80xi32, #tpu.memory_space<hbm>>) target(%arg9 : memref<80xi32, #tpu.memory_space<vmem>>) target_semaphore(%arg18 : memref<!tpu.dma_semaphore, #tpu.memory_space<semaphore_mem>>)
        %dma_start3A_164 = tpu.memref_slice %arg4[%mul3A_162] : memref<320000xi32, #tpu.memory_space<hbm>> -> memref<80xi32, #tpu.memory_space<hbm>>
        %dma_start3A_165 = tpu.memref_slice %arg4[%mul3A_162] : memref<320000xi32, #tpu.memory_space<hbm>> -> memref<80xi32, #tpu.memory_space<hbm>>
        tpu.enqueue_dma source(%dma_start3A_165 : memref<80xi32, #tpu.memory_space<hbm>>) target(%arg7 : memref<80xi32, #tpu.memory_space<vmem>>) target_semaphore(%arg18 : memref<!tpu.dma_semaphore, #tpu.memory_space<semaphore_mem>>)
      } else {
      }
      %convert_element_type3A_116 = arith.extui %and3A_102 : i1 to i32
      %cond3A_117 = arith.constant 0 : i32
      %cond3A_118 = arith.cmpi ne, %convert_element_type3A_116, %cond3A_117 : i32
      scf.if %cond3A_118 {
        %dma_wait3A = arith.constant 0 : i32
        %dma_wait3A_158 = arith.constant 0 : i32
        %dma_wait3A_159 = tpu.memref_slice %arg2[%dma_wait3A, %dma_wait3A_158] : memref<10000x128xf32, #tpu.memory_space<hbm>> -> memref<10000x128xf32, #tpu.memory_space<hbm>>
        tpu.wait_indirect_dma semaphore(%arg21 : memref<!tpu.dma_semaphore, #tpu.memory_space<semaphore_mem>>) src(%dma_wait3A_159 : memref<10000x128xf32, #tpu.memory_space<hbm>>) dst(%arg16 : memref<80x128xf32, #tpu.memory_space<vmem>>)
        %dma_wait3A_160 = arith.constant 0 : i32
        %dma_wait3A_161 = arith.constant 0 : i32
        %dma_wait3A_162 = tpu.memref_slice %arg3[%dma_wait3A_160, %dma_wait3A_161] : memref<160000x128xf32, #tpu.memory_space<hbm>> -> memref<80x128xf32, #tpu.memory_space<hbm>>
        %dma_wait3A_163 = arith.constant 0 : i32
        %dma_wait3A_164 = arith.constant 0 : i32
        %dma_wait3A_165 = tpu.memref_slice %arg3[%dma_wait3A_163, %dma_wait3A_164] : memref<160000x128xf32, #tpu.memory_space<hbm>> -> memref<80x128xf32, #tpu.memory_space<hbm>>
        tpu.wait_dma2 semaphore(%arg21 : memref<!tpu.dma_semaphore, #tpu.memory_space<semaphore_mem>>) src(%dma_wait3A_165 : memref<80x128xf32, #tpu.memory_space<hbm>>) dst(%arg14 : memref<80x128xf32, #tpu.memory_space<vmem>>)
        %scan3A_166 = arith.constant 0 : i32
        %scan3A_167 = arith.constant 80 : i32
        %scan3A_168 = arith.addi %scan3A_166, %scan3A_167 : i32
        %scan3A_169 = arith.constant 1 : i32
        scf.for %scan3A_192 = %scan3A_166 to %scan3A_168 step %scan3A_169  : i32 {
          %get3A_193 = arith.index_cast %scan3A_192 : i32 to index
          %get3A_194 = arith.constant 0 : index
          %get3A_195 = tpu.vector_load %arg16[%get3A_193, %get3A_194] {strides = array<i32>} : memref<80x128xf32, #tpu.memory_space<vmem>>, vector<16xf32>,
          %get3A_196 = arith.index_cast %scan3A_192 : i32 to index
          %get3A_197 = arith.constant 0 : index
          %get3A_198 = tpu.vector_load %arg14[%get3A_196, %get3A_197] {strides = array<i32>} : memref<80x128xf32, #tpu.memory_space<vmem>>, vector<16xf32>,
          %mul3A_199 = arith.mulf %get3A_195, %get3A_198 : vector<16xf32>
          %swap3A_200 = arith.index_cast %scan3A_192 : i32 to index
          %swap3A_201 = arith.constant 0 : index
          %swap3A_202 = tpu.vector_load %arg16[%swap3A_200, %swap3A_201] {strides = array<i32>} : memref<80x128xf32, #tpu.memory_space<vmem>>, vector<16xf32>,
          tpu.vector_store %arg16[%swap3A_200, %swap3A_201], %mul3A_199 {strides = array<i32>} : memref<80x128xf32, #tpu.memory_space<vmem>>, vector<16xf32>,
          %get3A_203 = arith.index_cast %scan3A_192 : i32 to index
          %get3A_204 = arith.constant 16 : index
          %get3A_205 = tpu.vector_load %arg16[%get3A_203, %get3A_204] {strides = array<i32>} : memref<80x128xf32, #tpu.memory_space<vmem>>, vector<16xf32>,
          %get3A_206 = arith.index_cast %scan3A_192 : i32 to index
          %get3A_207 = arith.constant 16 : index
          %get3A_208 = tpu.vector_load %arg14[%get3A_206, %get3A_207] {strides = array<i32>} : memref<80x128xf32, #tpu.memory_space<vmem>>, vector<16xf32>,
          %mul3A_209 = arith.mulf %get3A_205, %get3A_208 : vector<16xf32>
          %swap3A_210 = arith.index_cast %scan3A_192 : i32 to index
          %swap3A_211 = arith.constant 16 : index
          %swap3A_212 = tpu.vector_load %arg16[%swap3A_210, %swap3A_211] {strides = array<i32>} : memref<80x128xf32, #tpu.memory_space<vmem>>, vector<16xf32>,
          tpu.vector_store %arg16[%swap3A_210, %swap3A_211], %mul3A_209 {strides = array<i32>} : memref<80x128xf32, #tpu.memory_space<vmem>>, vector<16xf32>,
          %get3A_213 = arith.index_cast %scan3A_192 : i32 to index
          %get3A_214 = arith.constant 32 : index
          %get3A_215 = tpu.vector_load %arg16[%get3A_213, %get3A_214] {strides = array<i32>} : memref<80x128xf32, #tpu.memory_space<vmem>>, vector<16xf32>,
          %get3A_216 = arith.index_cast %scan3A_192 : i32 to index
          %get3A_217 = arith.constant 32 : index
          %get3A_218 = tpu.vector_load %arg14[%get3A_216, %get3A_217] {strides = array<i32>} : memref<80x128xf32, #tpu.memory_space<vmem>>, vector<16xf32>,
          %mul3A_219 = arith.mulf %get3A_215, %get3A_218 : vector<16xf32>
          %swap3A_220 = arith.index_cast %scan3A_192 : i32 to index
          %swap3A_221 = arith.constant 32 : index
          %swap3A_222 = tpu.vector_load %arg16[%swap3A_220, %swap3A_221] {strides = array<i32>} : memref<80x128xf32, #tpu.memory_space<vmem>>, vector<16xf32>,
          tpu.vector_store %arg16[%swap3A_220, %swap3A_221], %mul3A_219 {strides = array<i32>} : memref<80x128xf32, #tpu.memory_space<vmem>>, vector<16xf32>,
          %get3A_223 = arith.index_cast %scan3A_192 : i32 to index
          %get3A_224 = arith.constant 48 : index
          %get3A_225 = tpu.vector_load %arg16[%get3A_223, %get3A_224] {strides = array<i32>} : memref<80x128xf32, #tpu.memory_space<vmem>>, vector<16xf32>,
          %get3A_226 = arith.index_cast %scan3A_192 : i32 to index
          %get3A_227 = arith.constant 48 : index
          %get3A_228 = tpu.vector_load %arg14[%get3A_226, %get3A_227] {strides = array<i32>} : memref<80x128xf32, #tpu.memory_space<vmem>>, vector<16xf32>,
          %mul3A_229 = arith.mulf %get3A_225, %get3A_228 : vector<16xf32>
          %swap3A_230 = arith.index_cast %scan3A_192 : i32 to index
          %swap3A_231 = arith.constant 48 : index
          %swap3A_232 = tpu.vector_load %arg16[%swap3A_230, %swap3A_231] {strides = array<i32>} : memref<80x128xf32, #tpu.memory_space<vmem>>, vector<16xf32>,
          tpu.vector_store %arg16[%swap3A_230, %swap3A_231], %mul3A_229 {strides = array<i32>} : memref<80x128xf32, #tpu.memory_space<vmem>>, vector<16xf32>,
          %get3A_233 = arith.index_cast %scan3A_192 : i32 to index
          %get3A_234 = arith.constant 64 : index
          %get3A_235 = tpu.vector_load %arg16[%get3A_233, %get3A_234] {strides = array<i32>} : memref<80x128xf32, #tpu.memory_space<vmem>>, vector<16xf32>,
          %get3A_236 = arith.index_cast %scan3A_192 : i32 to index
          %get3A_237 = arith.constant 64 : index
          %get3A_238 = tpu.vector_load %arg14[%get3A_236, %get3A_237] {strides = array<i32>} : memref<80x128xf32, #tpu.memory_space<vmem>>, vector<16xf32>,
          %mul3A_239 = arith.mulf %get3A_235, %get3A_238 : vector<16xf32>
          %swap3A_240 = arith.index_cast %scan3A_192 : i32 to index
          %swap3A_241 = arith.constant 64 : index
          %swap3A_242 = tpu.vector_load %arg16[%swap3A_240, %swap3A_241] {strides = array<i32>} : memref<80x128xf32, #tpu.memory_space<vmem>>, vector<16xf32>,
          tpu.vector_store %arg16[%swap3A_240, %swap3A_241], %mul3A_239 {strides = array<i32>} : memref<80x128xf32, #tpu.memory_space<vmem>>, vector<16xf32>,
          %get3A_243 = arith.index_cast %scan3A_192 : i32 to index
          %get3A_244 = arith.constant 80 : index
          %get3A_245 = tpu.vector_load %arg16[%get3A_243, %get3A_244] {strides = array<i32>} : memref<80x128xf32, #tpu.memory_space<vmem>>, vector<16xf32>,
          %get3A_246 = arith.index_cast %scan3A_192 : i32 to index
          %get3A_247 = arith.constant 80 : index
          %get3A_248 = tpu.vector_load %arg14[%get3A_246, %get3A_247] {strides = array<i32>} : memref<80x128xf32, #tpu.memory_space<vmem>>, vector<16xf32>,
          %mul3A_249 = arith.mulf %get3A_245, %get3A_248 : vector<16xf32>
          %swap3A_250 = arith.index_cast %scan3A_192 : i32 to index
          %swap3A_251 = arith.constant 80 : index
          %swap3A_252 = tpu.vector_load %arg16[%swap3A_250, %swap3A_251] {strides = array<i32>} : memref<80x128xf32, #tpu.memory_space<vmem>>, vector<16xf32>,
          tpu.vector_store %arg16[%swap3A_250, %swap3A_251], %mul3A_249 {strides = array<i32>} : memref<80x128xf32, #tpu.memory_space<vmem>>, vector<16xf32>,
          %get3A_253 = arith.index_cast %scan3A_192 : i32 to index
          %get3A_254 = arith.constant 96 : index
          %get3A_255 = tpu.vector_load %arg16[%get3A_253, %get3A_254] {strides = array<i32>} : memref<80x128xf32, #tpu.memory_space<vmem>>, vector<16xf32>,
          %get3A_256 = arith.index_cast %scan3A_192 : i32 to index
          %get3A_257 = arith.constant 96 : index
          %get3A_258 = tpu.vector_load %arg14[%get3A_256, %get3A_257] {strides = array<i32>} : memref<80x128xf32, #tpu.memory_space<vmem>>, vector<16xf32>,
          %mul3A_259 = arith.mulf %get3A_255, %get3A_258 : vector<16xf32>
          %swap3A_260 = arith.index_cast %scan3A_192 : i32 to index
          %swap3A_261 = arith.constant 96 : index
          %swap3A_262 = tpu.vector_load %arg16[%swap3A_260, %swap3A_261] {strides = array<i32>} : memref<80x128xf32, #tpu.memory_space<vmem>>, vector<16xf32>,
          tpu.vector_store %arg16[%swap3A_260, %swap3A_261], %mul3A_259 {strides = array<i32>} : memref<80x128xf32, #tpu.memory_space<vmem>>, vector<16xf32>,
          %get3A_263 = arith.index_cast %scan3A_192 : i32 to index
          %get3A_264 = arith.constant 112 : index
          %get3A_265 = tpu.vector_load %arg16[%get3A_263, %get3A_264] {strides = array<i32>} : memref<80x128xf32, #tpu.memory_space<vmem>>, vector<16xf32>,
          %get3A_266 = arith.index_cast %scan3A_192 : i32 to index
          %get3A_267 = arith.constant 112 : index
          %get3A_268 = tpu.vector_load %arg14[%get3A_266, %get3A_267] {strides = array<i32>} : memref<80x128xf32, #tpu.memory_space<vmem>>, vector<16xf32>,
          %mul3A_269 = arith.mulf %get3A_265, %get3A_268 : vector<16xf32>
          %swap3A_270 = arith.index_cast %scan3A_192 : i32 to index
          %swap3A_271 = arith.constant 112 : index
          %swap3A_272 = tpu.vector_load %arg16[%swap3A_270, %swap3A_271] {strides = array<i32>} : memref<80x128xf32, #tpu.memory_space<vmem>>, vector<16xf32>,
          tpu.vector_store %arg16[%swap3A_270, %swap3A_271], %mul3A_269 {strides = array<i32>} : memref<80x128xf32, #tpu.memory_space<vmem>>, vector<16xf32>,
        }
        %scan3A_170 = arith.constant 80 : i32
        %get3A_171 = arith.constant 0 : index
        %get3A_172 = tpu.vector_load %arg10[%get3A_171] {strides = array<i32>} : memref<80xi32, #tpu.memory_space<vmem>>, vector<16xi32>,
        %swap3A = arith.constant 0 : index
        %swap3A_173 = tpu.vector_load %arg12[%swap3A] {strides = array<i32>} : memref<80xi32, #tpu.memory_space<vmem>>, vector<16xi32>,
        tpu.vector_store %arg12[%swap3A], %get3A_172 {strides = array<i32>} : memref<80xi32, #tpu.memory_space<vmem>>, vector<16xi32>,
        %get3A_174 = arith.constant 16 : index
        %get3A_175 = tpu.vector_load %arg10[%get3A_174] {strides = array<i32>} : memref<80xi32, #tpu.memory_space<vmem>>, vector<16xi32>,
        %swap3A_176 = arith.constant 16 : index
        %swap3A_177 = tpu.vector_load %arg12[%swap3A_176] {strides = array<i32>} : memref<80xi32, #tpu.memory_space<vmem>>, vector<16xi32>,
        tpu.vector_store %arg12[%swap3A_176], %get3A_175 {strides = array<i32>} : memref<80xi32, #tpu.memory_space<vmem>>, vector<16xi32>,
        %get3A_178 = arith.constant 32 : index
        %get3A_179 = tpu.vector_load %arg10[%get3A_178] {strides = array<i32>} : memref<80xi32, #tpu.memory_space<vmem>>, vector<16xi32>,
        %swap3A_180 = arith.constant 32 : index
        %swap3A_181 = tpu.vector_load %arg12[%swap3A_180] {strides = array<i32>} : memref<80xi32, #tpu.memory_space<vmem>>, vector<16xi32>,
        tpu.vector_store %arg12[%swap3A_180], %get3A_179 {strides = array<i32>} : memref<80xi32, #tpu.memory_space<vmem>>, vector<16xi32>,
        %get3A_182 = arith.constant 48 : index
        %get3A_183 = tpu.vector_load %arg10[%get3A_182] {strides = array<i32>} : memref<80xi32, #tpu.memory_space<vmem>>, vector<16xi32>,
        %swap3A_184 = arith.constant 48 : index
        %swap3A_185 = tpu.vector_load %arg12[%swap3A_184] {strides = array<i32>} : memref<80xi32, #tpu.memory_space<vmem>>, vector<16xi32>,
        tpu.vector_store %arg12[%swap3A_184], %get3A_183 {strides = array<i32>} : memref<80xi32, #tpu.memory_space<vmem>>, vector<16xi32>,
        %get3A_186 = arith.constant 64 : index
        %get3A_187 = tpu.vector_load %arg10[%get3A_186] {strides = array<i32>} : memref<80xi32, #tpu.memory_space<vmem>>, vector<16xi32>,
        %swap3A_188 = arith.constant 64 : index
        %swap3A_189 = tpu.vector_load %arg12[%swap3A_188] {strides = array<i32>} : memref<80xi32, #tpu.memory_space<vmem>>, vector<16xi32>,
        tpu.vector_store %arg12[%swap3A_188], %get3A_187 {strides = array<i32>} : memref<80xi32, #tpu.memory_space<vmem>>, vector<16xi32>,
        %dma_start3A = arith.constant 0 : i32
        %dma_start3A_190 = arith.constant 0 : i32
        %dma_start3A_191 = tpu.memref_slice %arg17[%dma_start3A, %dma_start3A_190] : memref<10240x128xf32, #tpu.memory_space<vmem_shared>> -> memref<10240x128xf32, #tpu.memory_space<vmem_shared>>
        tpu.enqueue_indirect_dma source(%arg16 : memref<80x128xf32, #tpu.memory_space<vmem>>) target(%dma_start3A_191 : memref<10240x128xf32, #tpu.memory_space<vmem_shared>>) offsets(%arg12 : memref<80xi32, #tpu.memory_space<vmem>>) semaphore(%arg23 : memref<!tpu.dma_semaphore, #tpu.memory_space<semaphore_mem>>) {add = true}
      } else {
      }
      %add3A_119 = arith.constant 2 : i32
      %add3A_120 = arith.addi %mul3A_73, %add3A_119 : i32
      %convert_element_type3A_121 = arith.extui %scan3A_70 : i1 to i32
      %cond3A_122 = arith.constant 0 : i32
      %cond3A_123 = arith.cmpi ne, %convert_element_type3A_121, %cond3A_122 : i32
      scf.if %cond3A_123 {
        %dma_wait3A = arith.constant 0 : i32
        %dma_wait3A_158 = arith.constant 0 : i32
        %dma_wait3A_159 = tpu.memref_slice %arg17[%dma_wait3A, %dma_wait3A_158] : memref<10240x128xf32, #tpu.memory_space<vmem_shared>> -> memref<10240x128xf32, #tpu.memory_space<vmem_shared>>
        tpu.wait_indirect_dma semaphore(%arg22 : memref<!tpu.dma_semaphore, #tpu.memory_space<semaphore_mem>>) src(%arg15 : memref<80x128xf32, #tpu.memory_space<vmem>>) dst(%dma_wait3A_159 : memref<10240x128xf32, #tpu.memory_space<vmem_shared>>)
      } else {
      }
      %mul3A_124 = arith.constant 32 : i32
      %mul3A_125 = arith.muli %add3A_120, %mul3A_124 : i32
      %add3A_126 = arith.addi %mul3A_125, %add3A : i32
      %lt3A_127 = arith.constant 4000 : i32
      %lt3A_128 = arith.cmpi slt, %add3A_126, %lt3A_127 : i32
      %convert_element_type3A_129 = arith.extui %lt3A_128 : i1 to i32
      %cond3A_130 = arith.constant 0 : i32
      %cond3A_131 = arith.cmpi ne, %convert_element_type3A_129, %cond3A_130 : i32
      scf.if %cond3A_131 {
        %dma_wait3A = arith.constant 0 : i32
        %dma_wait3A_158 = tpu.memref_slice %arg5[%dma_wait3A] : memref<320000xi32, #tpu.memory_space<hbm>> -> memref<80xi32, #tpu.memory_space<hbm>>
        %dma_wait3A_159 = arith.constant 0 : i32
        %dma_wait3A_160 = tpu.memref_slice %arg5[%dma_wait3A_159] : memref<320000xi32, #tpu.memory_space<hbm>> -> memref<80xi32, #tpu.memory_space<hbm>>
        tpu.wait_dma2 semaphore(%arg18 : memref<!tpu.dma_semaphore, #tpu.memory_space<semaphore_mem>>) src(%dma_wait3A_160 : memref<80xi32, #tpu.memory_space<hbm>>) dst(%arg9 : memref<80xi32, #tpu.memory_space<vmem>>)
        %dma_wait3A_161 = arith.constant 0 : i32
        %dma_wait3A_162 = tpu.memref_slice %arg4[%dma_wait3A_161] : memref<320000xi32, #tpu.memory_space<hbm>> -> memref<80xi32, #tpu.memory_space<hbm>>
        %dma_wait3A_163 = arith.constant 0 : i32
        %dma_wait3A_164 = tpu.memref_slice %arg4[%dma_wait3A_163] : memref<320000xi32, #tpu.memory_space<hbm>> -> memref<80xi32, #tpu.memory_space<hbm>>
        tpu.wait_dma2 semaphore(%arg18 : memref<!tpu.dma_semaphore, #tpu.memory_space<semaphore_mem>>) src(%dma_wait3A_164 : memref<80xi32, #tpu.memory_space<hbm>>) dst(%arg7 : memref<80xi32, #tpu.memory_space<vmem>>)
      } else {
      }
      %get3A_132 = arith.constant 0 : index
      %get3A_133 = tpu.vector_load %arg9[%get3A_132] {strides = array<i32>} : memref<80xi32, #tpu.memory_space<vmem>>, vector<16xi32>,
      %reduce_min3A_134 = arith.constant true
      %reduce_min3A_135 = vector.broadcast %reduce_min3A_134 : i1 to vector<16xi1>
      %reduce_min3A_136 = arith.constant -2147483648 : i32
      %reduce_min3A_137 = vector.broadcast %reduce_min3A_136 : i32 to vector<16xi32>
      %reduce_min3A_138 = arith.xori %get3A_133, %reduce_min3A_137 : vector<16xi32>
      %reduce_min3A_139 = tpu.scan <min>, %reduce_min3A_138 masked %reduce_min3A_135 : vector<16xi32>, vector<16xi1> -> vector<16xi32>
      %reduce_min3A_140 = arith.xori %reduce_min3A_139, %reduce_min3A_137 : vector<16xi32>
      %reduce_min3A_141 = vector.extract %reduce_min3A_140[15] : i32 from vector<16xi32>
      %lt3A_142 = arith.constant 10000 : i32
      %lt3A_143 = arith.cmpi slt, %reduce_min3A_141, %lt3A_142 : i32
      %and3A_144 = arith.andi %lt3A_128, %lt3A_143 : i1
      %convert_element_type3A_145 = arith.extui %and3A_144 : i1 to i32
      %cond3A_146 = arith.constant 0 : i32
      %cond3A_147 = arith.cmpi ne, %convert_element_type3A_145, %cond3A_146 : i32
      scf.if %cond3A_147 {
        %mul3A_158 = arith.constant 32 : i32
        %mul3A_159 = arith.muli %add3A_120, %mul3A_158 : i32
        %add3A_160 = arith.addi %mul3A_159, %add3A : i32
        %mul3A_161 = arith.constant 80 : i32
        %mul3A_162 = arith.muli %add3A_160, %mul3A_161 : i32
        %ge3A = arith.constant 160000 : i32
        %ge3A_163 = arith.cmpi sge, %mul3A_162, %ge3A : i32
        %sub3A = arith.constant 160000 : i32
        %sub3A_164 = arith.subi %mul3A_162, %sub3A : i32
        %select_n3A = arith.select %ge3A_163, %sub3A_164, %mul3A_162 : i32
        %dma_start3A = arith.constant 0 : i32
        %dma_start3A_165 = arith.constant 0 : i32
        %dma_start3A_166 = tpu.memref_slice %arg2[%dma_start3A, %dma_start3A_165] : memref<10000x128xf32, #tpu.memory_space<hbm>> -> memref<10000x128xf32, #tpu.memory_space<hbm>>
        tpu.enqueue_indirect_dma source(%dma_start3A_166 : memref<10000x128xf32, #tpu.memory_space<hbm>>) target(%arg15 : memref<80x128xf32, #tpu.memory_space<vmem>>) offsets(%arg7 : memref<80xi32, #tpu.memory_space<vmem>>) semaphore(%arg20 : memref<!tpu.dma_semaphore, #tpu.memory_space<semaphore_mem>>)
        %dma_start3A_167 = arith.constant 0 : i32
        %dma_start3A_168 = tpu.memref_slice %arg3[%select_n3A, %dma_start3A_167] : memref<160000x128xf32, #tpu.memory_space<hbm>> -> memref<80x128xf32, #tpu.memory_space<hbm>>
        %dma_start3A_169 = arith.constant 0 : i32
        %dma_start3A_170 = tpu.memref_slice %arg3[%select_n3A, %dma_start3A_169] : memref<160000x128xf32, #tpu.memory_space<hbm>> -> memref<80x128xf32, #tpu.memory_space<hbm>>
        tpu.enqueue_dma source(%dma_start3A_170 : memref<80x128xf32, #tpu.memory_space<hbm>>) target(%arg13 : memref<80x128xf32, #tpu.memory_space<vmem>>) target_semaphore(%arg20 : memref<!tpu.dma_semaphore, #tpu.memory_space<semaphore_mem>>)
      } else {
      }
      %add3A_148 = arith.constant 3 : i32
      %add3A_149 = arith.addi %mul3A_73, %add3A_148 : i32
      %mul3A_150 = arith.constant 32 : i32
      %mul3A_151 = arith.muli %add3A_149, %mul3A_150 : i32
      %add3A_152 = arith.addi %mul3A_151, %add3A : i32
      %lt3A_153 = arith.constant 4000 : i32
      %lt3A_154 = arith.cmpi slt, %add3A_152, %lt3A_153 : i32
      %convert_element_type3A_155 = arith.extui %lt3A_154 : i1 to i32
      %cond3A_156 = arith.constant 0 : i32
      %cond3A_157 = arith.cmpi ne, %convert_element_type3A_155, %cond3A_156 : i32
      scf.if %cond3A_157 {
        %mul3A_158 = arith.constant 32 : i32
        %mul3A_159 = arith.muli %add3A_149, %mul3A_158 : i32
        %add3A_160 = arith.addi %mul3A_159, %add3A : i32
        %mul3A_161 = arith.constant 80 : i32
        %mul3A_162 = arith.muli %add3A_160, %mul3A_161 : i32
        %dma_start3A = tpu.memref_slice %arg5[%mul3A_162] : memref<320000xi32, #tpu.memory_space<hbm>> -> memref<80xi32, #tpu.memory_space<hbm>>
        %dma_start3A_163 = tpu.memref_slice %arg5[%mul3A_162] : memref<320000xi32, #tpu.memory_space<hbm>> -> memref<80xi32, #tpu.memory_space<hbm>>
        tpu.enqueue_dma source(%dma_start3A_163 : memref<80xi32, #tpu.memory_space<hbm>>) target(%arg10 : memref<80xi32, #tpu.memory_space<vmem>>) target_semaphore(%arg19 : memref<!tpu.dma_semaphore, #tpu.memory_space<semaphore_mem>>)
        %dma_start3A_164 = tpu.memref_slice %arg4[%mul3A_162] : memref<320000xi32, #tpu.memory_space<hbm>> -> memref<80xi32, #tpu.memory_space<hbm>>
        %dma_start3A_165 = tpu.memref_slice %arg4[%mul3A_162] : memref<320000xi32, #tpu.memory_space<hbm>> -> memref<80xi32, #tpu.memory_space<hbm>>
        tpu.enqueue_dma source(%dma_start3A_165 : memref<80xi32, #tpu.memory_space<hbm>>) target(%arg8 : memref<80xi32, #tpu.memory_space<vmem>>) target_semaphore(%arg19 : memref<!tpu.dma_semaphore, #tpu.memory_space<semaphore_mem>>)
      } else {
      }
      scf.yield %and3A_144, %and3A_102 : i1, i1
    }
    %scan3A_61 = arith.constant 63 : i32
    %convert_element_type3A_62 = arith.extui %scan3A_60#0 : i1 to i32
    %cond3A_63 = arith.constant 0 : i32
    %cond3A_64 = arith.cmpi ne, %convert_element_type3A_62, %cond3A_63 : i32
    scf.if %cond3A_64 {
      %dma_wait3A = arith.constant 0 : i32
      %dma_wait3A_69 = arith.constant 0 : i32
      %dma_wait3A_70 = tpu.memref_slice %arg17[%dma_wait3A, %dma_wait3A_69] : memref<10240x128xf32, #tpu.memory_space<vmem_shared>> -> memref<10240x128xf32, #tpu.memory_space<vmem_shared>>
      tpu.wait_indirect_dma semaphore(%arg22 : memref<!tpu.dma_semaphore, #tpu.memory_space<semaphore_mem>>) src(%arg15 : memref<80x128xf32, #tpu.memory_space<vmem>>) dst(%dma_wait3A_70 : memref<10240x128xf32, #tpu.memory_space<vmem_shared>>)
    } else {
    }
    %convert_element_type3A_65 = arith.extui %scan3A_60#1 : i1 to i32
    %cond3A_66 = arith.constant 0 : i32
    %cond3A_67 = arith.cmpi ne, %convert_element_type3A_65, %cond3A_66 : i32
    scf.if %cond3A_67 {
      %dma_wait3A = arith.constant 0 : i32
      %dma_wait3A_69 = arith.constant 0 : i32
      %dma_wait3A_70 = tpu.memref_slice %arg17[%dma_wait3A, %dma_wait3A_69] : memref<10240x128xf32, #tpu.memory_space<vmem_shared>> -> memref<10240x128xf32, #tpu.memory_space<vmem_shared>>
      tpu.wait_indirect_dma semaphore(%arg23 : memref<!tpu.dma_semaphore, #tpu.memory_space<semaphore_mem>>) src(%arg16 : memref<80x128xf32, #tpu.memory_space<vmem>>) dst(%dma_wait3A_70 : memref<10240x128xf32, #tpu.memory_space<vmem_shared>>)
    } else {
    }
    %barrier3A_68 = arith.constant 0 : index
    tpu.barrier barrier_id(%barrier3A_68)
    "tpu.region"() ({
      %run_scoped3A = tpu.sem_alloc : memref<!tpu.dma_semaphore, #tpu.memory_space<semaphore_mem>>
      %dma_start3A = arith.constant 0 : i32
      %dma_start3A_69 = tpu.memref_slice %arg6[%arg0, %mul3A_6, %dma_start3A] : memref<2x10240x128xf32, #tpu.memory_space<hbm>> -> memref<1x640x128xf32, #tpu.memory_space<hbm>>
      %dma_start3A_70 = tpu.memref_squeeze %dma_start3A_69 : memref<1x640x128xf32, #tpu.memory_space<hbm>> -> memref<640x128xf32, #tpu.memory_space<hbm>>
      %dma_start3A_71 = arith.constant 0 : i32
      %dma_start3A_72 = tpu.memref_slice %arg17[%mul3A_6, %dma_start3A_71] : memref<10240x128xf32, #tpu.memory_space<vmem_shared>> -> memref<640x128xf32, #tpu.memory_space<vmem_shared>>
      tpu.enqueue_dma source(%dma_start3A_72 : memref<640x128xf32, #tpu.memory_space<vmem_shared>>) target(%dma_start3A_70 : memref<640x128xf32, #tpu.memory_space<hbm>>) target_semaphore(%run_scoped3A : memref<!tpu.dma_semaphore, #tpu.memory_space<semaphore_mem>>)
      %dma_wait3A = arith.constant 0 : i32
      %dma_wait3A_73 = tpu.memref_slice %arg6[%arg0, %mul3A_6, %dma_wait3A] : memref<2x10240x128xf32, #tpu.memory_space<hbm>> -> memref<1x640x128xf32, #tpu.memory_space<hbm>>
      %dma_wait3A_74 = tpu.memref_squeeze %dma_wait3A_73 : memref<1x640x128xf32, #tpu.memory_space<hbm>> -> memref<640x128xf32, #tpu.memory_space<hbm>>
      %dma_wait3A_75 = arith.constant 0 : i32
      %dma_wait3A_76 = tpu.memref_slice %arg17[%mul3A_6, %dma_wait3A_75] : memref<10240x128xf32, #tpu.memory_space<vmem_shared>> -> memref<640x128xf32, #tpu.memory_space<vmem_shared>>
      tpu.wait_dma2 semaphore(%run_scoped3A : memref<!tpu.dma_semaphore, #tpu.memory_space<semaphore_mem>>) src(%dma_wait3A_76 : memref<640x128xf32, #tpu.memory_space<vmem_shared>>) dst(%dma_wait3A_74 : memref<640x128xf32, #tpu.memory_space<hbm>>)
      tpu.yield
    }) : () -> ()
    return
  }
}

#map = affine_map<(d0, d1) -> (0)>
module attributes {stable_mosaic.version = 14 : i64} {
  func.func @k(%arg0: i32, %arg1: i32, %arg2: memref<160000xi32, #tpu.memory_space<hbm>>, %arg3: memref<160000xi32, #tpu.memory_space<hbm>>, %arg4: memref<10000xf32, #tpu.memory_space<hbm>>, %arg5: memref<10000xf32, #tpu.memory_space<hbm>>, %arg6: memref<10000xf32, #tpu.memory_space<hbm>>, %arg7: memref<160000xf32, #tpu.memory_space<hbm>>, %arg8: memref<128xi32, #tpu.memory_space<vmem>>, %arg9: memref<128xi32, #tpu.memory_space<vmem>>, %arg10: memref<10000xf32, #tpu.memory_space<vmem>>, %arg11: memref<10000xf32, #tpu.memory_space<vmem>>, %arg12: memref<10000xf32, #tpu.memory_space<vmem>>, %arg13: memref<128xf32, #tpu.memory_space<vmem>>) attributes {dimension_semantics = [#tpu.dimension_semantics<core_parallel>, #tpu.dimension_semantics<subcore_parallel>], iteration_bounds = array<i64: 2, 16>, scalar_prefetch = 0 : i64, scratch_operands = 6 : i64, tpu.core_type = #tpu.core_type<sc_vector_subcore>, window_params = [{transform_indices = #map}, {transform_indices = #map}, {transform_indices = #map}, {transform_indices = #map}, {transform_indices = #map}, {transform_indices = #map}]} {
    %mul3A = arith.constant 2 : i32
    %mul3A_0 = arith.muli %arg1, %mul3A : i32
    %add3A = arith.addi %mul3A_0, %arg0 : i32
    "tpu.region"() ({
      %run_scoped3A = tpu.sem_alloc : memref<!tpu.dma_semaphore, #tpu.memory_space<semaphore_mem>>
      tpu.enqueue_dma source(%arg4 : memref<10000xf32, #tpu.memory_space<hbm>>) target(%arg10 : memref<10000xf32, #tpu.memory_space<vmem>>) target_semaphore(%run_scoped3A : memref<!tpu.dma_semaphore, #tpu.memory_space<semaphore_mem>>)
      tpu.wait_dma2 semaphore(%run_scoped3A : memref<!tpu.dma_semaphore, #tpu.memory_space<semaphore_mem>>) src(%arg4 : memref<10000xf32, #tpu.memory_space<hbm>>) dst(%arg10 : memref<10000xf32, #tpu.memory_space<vmem>>)
      tpu.yield
    }) : () -> ()
    "tpu.region"() ({
      %run_scoped3A = tpu.sem_alloc : memref<!tpu.dma_semaphore, #tpu.memory_space<semaphore_mem>>
      tpu.enqueue_dma source(%arg5 : memref<10000xf32, #tpu.memory_space<hbm>>) target(%arg11 : memref<10000xf32, #tpu.memory_space<vmem>>) target_semaphore(%run_scoped3A : memref<!tpu.dma_semaphore, #tpu.memory_space<semaphore_mem>>)
      tpu.wait_dma2 semaphore(%run_scoped3A : memref<!tpu.dma_semaphore, #tpu.memory_space<semaphore_mem>>) src(%arg5 : memref<10000xf32, #tpu.memory_space<hbm>>) dst(%arg11 : memref<10000xf32, #tpu.memory_space<vmem>>)
      tpu.yield
    }) : () -> ()
    "tpu.region"() ({
      %run_scoped3A = tpu.sem_alloc : memref<!tpu.dma_semaphore, #tpu.memory_space<semaphore_mem>>
      tpu.enqueue_dma source(%arg6 : memref<10000xf32, #tpu.memory_space<hbm>>) target(%arg12 : memref<10000xf32, #tpu.memory_space<vmem>>) target_semaphore(%run_scoped3A : memref<!tpu.dma_semaphore, #tpu.memory_space<semaphore_mem>>)
      tpu.wait_dma2 semaphore(%run_scoped3A : memref<!tpu.dma_semaphore, #tpu.memory_space<semaphore_mem>>) src(%arg6 : memref<10000xf32, #tpu.memory_space<hbm>>) dst(%arg12 : memref<10000xf32, #tpu.memory_space<vmem>>)
      tpu.yield
    }) : () -> ()
    %scan3A = arith.constant 0 : i32
    %scan3A_1 = arith.constant 40 : i32
    %scan3A_2 = arith.addi %scan3A, %scan3A_1 : i32
    %scan3A_3 = arith.constant 1 : i32
    scf.for %scan3A_5 = %scan3A to %scan3A_2 step %scan3A_3  : i32 {
      %mul3A_6 = arith.constant 32 : i32
      %mul3A_7 = arith.muli %scan3A_5, %mul3A_6 : i32
      %add3A_8 = arith.addi %mul3A_7, %add3A : i32
      %lt3A = arith.constant 1250 : i32
      %lt3A_9 = arith.cmpi slt, %add3A_8, %lt3A : i32
      %convert_element_type3A = arith.extui %lt3A_9 : i1 to i32
      %cond3A = arith.constant 0 : i32
      %cond3A_10 = arith.cmpi ne, %convert_element_type3A, %cond3A : i32
      scf.if %cond3A_10 {
        %mul3A_11 = arith.constant 128 : i32
        %mul3A_12 = arith.muli %add3A_8, %mul3A_11 : i32
        "tpu.region"() ({
          %run_scoped3A = tpu.sem_alloc : memref<!tpu.dma_semaphore, #tpu.memory_space<semaphore_mem>>
          %dma_start3A = tpu.memref_slice %arg2[%mul3A_12] : memref<160000xi32, #tpu.memory_space<hbm>> -> memref<128xi32, #tpu.memory_space<hbm>>
          %dma_start3A_18 = tpu.memref_slice %arg2[%mul3A_12] : memref<160000xi32, #tpu.memory_space<hbm>> -> memref<128xi32, #tpu.memory_space<hbm>>
          tpu.enqueue_dma source(%dma_start3A_18 : memref<128xi32, #tpu.memory_space<hbm>>) target(%arg8 : memref<128xi32, #tpu.memory_space<vmem>>) target_semaphore(%run_scoped3A : memref<!tpu.dma_semaphore, #tpu.memory_space<semaphore_mem>>)
          %dma_wait3A = tpu.memref_slice %arg2[%mul3A_12] : memref<160000xi32, #tpu.memory_space<hbm>> -> memref<128xi32, #tpu.memory_space<hbm>>
          %dma_wait3A_19 = tpu.memref_slice %arg2[%mul3A_12] : memref<160000xi32, #tpu.memory_space<hbm>> -> memref<128xi32, #tpu.memory_space<hbm>>
          tpu.wait_dma2 semaphore(%run_scoped3A : memref<!tpu.dma_semaphore, #tpu.memory_space<semaphore_mem>>) src(%dma_wait3A_19 : memref<128xi32, #tpu.memory_space<hbm>>) dst(%arg8 : memref<128xi32, #tpu.memory_space<vmem>>)
          tpu.yield
        }) : () -> ()
        "tpu.region"() ({
          %run_scoped3A = tpu.sem_alloc : memref<!tpu.dma_semaphore, #tpu.memory_space<semaphore_mem>>
          %dma_start3A = tpu.memref_slice %arg3[%mul3A_12] : memref<160000xi32, #tpu.memory_space<hbm>> -> memref<128xi32, #tpu.memory_space<hbm>>
          %dma_start3A_18 = tpu.memref_slice %arg3[%mul3A_12] : memref<160000xi32, #tpu.memory_space<hbm>> -> memref<128xi32, #tpu.memory_space<hbm>>
          tpu.enqueue_dma source(%dma_start3A_18 : memref<128xi32, #tpu.memory_space<hbm>>) target(%arg9 : memref<128xi32, #tpu.memory_space<vmem>>) target_semaphore(%run_scoped3A : memref<!tpu.dma_semaphore, #tpu.memory_space<semaphore_mem>>)
          %dma_wait3A = tpu.memref_slice %arg3[%mul3A_12] : memref<160000xi32, #tpu.memory_space<hbm>> -> memref<128xi32, #tpu.memory_space<hbm>>
          %dma_wait3A_19 = tpu.memref_slice %arg3[%mul3A_12] : memref<160000xi32, #tpu.memory_space<hbm>> -> memref<128xi32, #tpu.memory_space<hbm>>
          tpu.wait_dma2 semaphore(%run_scoped3A : memref<!tpu.dma_semaphore, #tpu.memory_space<semaphore_mem>>) src(%dma_wait3A_19 : memref<128xi32, #tpu.memory_space<hbm>>) dst(%arg9 : memref<128xi32, #tpu.memory_space<vmem>>)
          tpu.yield
        }) : () -> ()
        %scan3A_13 = arith.constant 0 : i32
        %scan3A_14 = arith.constant 8 : i32
        %scan3A_15 = arith.addi %scan3A_13, %scan3A_14 : i32
        %scan3A_16 = arith.constant 1 : i32
        scf.for %scan3A_18 = %scan3A_13 to %scan3A_15 step %scan3A_16  : i32 {
          %mul3A_19 = arith.constant 16 : i32
          %mul3A_20 = arith.muli %scan3A_18, %mul3A_19 : i32
          %get3A = arith.index_cast %mul3A_20 : i32 to index
          %get3A_21 = tpu.vector_load %arg8[%get3A] {strides = array<i32>} : memref<128xi32, #tpu.memory_space<vmem>>, vector<16xi32>,
          %mul3A_22 = arith.constant 16 : i32
          %mul3A_23 = arith.muli %scan3A_18, %mul3A_22 : i32
          %get3A_24 = arith.index_cast %mul3A_23 : i32 to index
          %get3A_25 = tpu.vector_load %arg9[%get3A_24] {strides = array<i32>} : memref<128xi32, #tpu.memory_space<vmem>>, vector<16xi32>,
          %broadcast_in_dim3A = arith.constant 9.99999993E-9 : f32
          %broadcast_in_dim3A_26 = vector.broadcast %broadcast_in_dim3A : f32 to vector<16xf32>
          %gather3A = tpu.vector_load_idx %arg10[%get3A_21] : memref<10000xf32, #tpu.memory_space<vmem>>[vector<16xi32>], vector<16xf32>,
          %gather3A_27 = tpu.vector_load_idx %arg10[%get3A_25] : memref<10000xf32, #tpu.memory_space<vmem>>[vector<16xi32>], vector<16xf32>,
          %sub3A = arith.subf %gather3A, %gather3A_27 : vector<16xf32>
          %mul3A_28 = arith.mulf %sub3A, %sub3A : vector<16xf32>
          %add3A_29 = arith.addf %broadcast_in_dim3A_26, %mul3A_28 : vector<16xf32>
          %gather3A_30 = tpu.vector_load_idx %arg11[%get3A_21] : memref<10000xf32, #tpu.memory_space<vmem>>[vector<16xi32>], vector<16xf32>,
          %gather3A_31 = tpu.vector_load_idx %arg11[%get3A_25] : memref<10000xf32, #tpu.memory_space<vmem>>[vector<16xi32>], vector<16xf32>,
          %sub3A_32 = arith.subf %gather3A_30, %gather3A_31 : vector<16xf32>
          %mul3A_33 = arith.mulf %sub3A_32, %sub3A_32 : vector<16xf32>
          %add3A_34 = arith.addf %add3A_29, %mul3A_33 : vector<16xf32>
          %gather3A_35 = tpu.vector_load_idx %arg12[%get3A_21] : memref<10000xf32, #tpu.memory_space<vmem>>[vector<16xi32>], vector<16xf32>,
          %gather3A_36 = tpu.vector_load_idx %arg12[%get3A_25] : memref<10000xf32, #tpu.memory_space<vmem>>[vector<16xi32>], vector<16xf32>,
          %sub3A_37 = arith.subf %gather3A_35, %gather3A_36 : vector<16xf32>
          %mul3A_38 = arith.mulf %sub3A_37, %sub3A_37 : vector<16xf32>
          %add3A_39 = arith.addf %add3A_34, %mul3A_38 : vector<16xf32>
          %mul3A_40 = arith.constant 16 : i32
          %mul3A_41 = arith.muli %scan3A_18, %mul3A_40 : i32
          %swap3A = arith.index_cast %mul3A_41 : i32 to index
          %swap3A_42 = tpu.vector_load %arg13[%swap3A] {strides = array<i32>} : memref<128xf32, #tpu.memory_space<vmem>>, vector<16xf32>,
          tpu.vector_store %arg13[%swap3A], %add3A_39 {strides = array<i32>} : memref<128xf32, #tpu.memory_space<vmem>>, vector<16xf32>,
        }
        %scan3A_17 = arith.constant 8 : i32
        "tpu.region"() ({
          %run_scoped3A = tpu.sem_alloc : memref<!tpu.dma_semaphore, #tpu.memory_space<semaphore_mem>>
          %dma_start3A = tpu.memref_slice %arg7[%mul3A_12] : memref<160000xf32, #tpu.memory_space<hbm>> -> memref<128xf32, #tpu.memory_space<hbm>>
          %dma_start3A_18 = tpu.memref_slice %arg7[%mul3A_12] : memref<160000xf32, #tpu.memory_space<hbm>> -> memref<128xf32, #tpu.memory_space<hbm>>
          tpu.enqueue_dma source(%arg13 : memref<128xf32, #tpu.memory_space<vmem>>) target(%dma_start3A_18 : memref<128xf32, #tpu.memory_space<hbm>>) target_semaphore(%run_scoped3A : memref<!tpu.dma_semaphore, #tpu.memory_space<semaphore_mem>>)
          %dma_wait3A = tpu.memref_slice %arg7[%mul3A_12] : memref<160000xf32, #tpu.memory_space<hbm>> -> memref<128xf32, #tpu.memory_space<hbm>>
          %dma_wait3A_19 = tpu.memref_slice %arg7[%mul3A_12] : memref<160000xf32, #tpu.memory_space<hbm>> -> memref<128xf32, #tpu.memory_space<hbm>>
          tpu.wait_dma2 semaphore(%run_scoped3A : memref<!tpu.dma_semaphore, #tpu.memory_space<semaphore_mem>>) src(%arg13 : memref<128xf32, #tpu.memory_space<vmem>>) dst(%dma_wait3A_19 : memref<128xf32, #tpu.memory_space<hbm>>)
          tpu.yield
        }) : () -> ()
      } else {
      }
    }
    %scan3A_4 = arith.constant 40 : i32
    return
  }
}

#map = affine_map<(d0, d1) -> (0, 0)>
#map1 = affine_map<(d0, d1) -> (0)>
#map2 = affine_map<(d0, d1) -> (0, 0, 0)>
module attributes {stable_mosaic.version = 14 : i64} {
  func.func @k(%arg0: i32, %arg1: i32, %arg2: memref<10000x128xf32, #tpu.memory_space<hbm>>, %arg3: memref<160000x128xf32, #tpu.memory_space<hbm>>, %arg4: memref<320000xi32, #tpu.memory_space<hbm>>, %arg5: memref<320000xi32, #tpu.memory_space<hbm>>, %arg6: memref<2x10240x128xf32, #tpu.memory_space<hbm>>, %arg7: memref<80xi32, #tpu.memory_space<vmem>>, %arg8: memref<80xi32, #tpu.memory_space<vmem>>, %arg9: memref<80xi32, #tpu.memory_space<vmem>>, %arg10: memref<80xi32, #tpu.memory_space<vmem>>, %arg11: memref<80xi32, #tpu.memory_space<vmem>>, %arg12: memref<80xi32, #tpu.memory_space<vmem>>, %arg13: memref<80x128xf32, #tpu.memory_space<vmem>>, %arg14: memref<80x128xf32, #tpu.memory_space<vmem>>, %arg15: memref<80x128xf32, #tpu.memory_space<vmem>>, %arg16: memref<80x128xf32, #tpu.memory_space<vmem>>, %arg17: memref<10240x128xf32, #tpu.memory_space<vmem_shared>>, %arg18: memref<!tpu.dma_semaphore, #tpu.memory_space<semaphore_mem>>, %arg19: memref<!tpu.dma_semaphore, #tpu.memory_space<semaphore_mem>>, %arg20: memref<!tpu.dma_semaphore, #tpu.memory_space<semaphore_mem>>, %arg21: memref<!tpu.dma_semaphore, #tpu.memory_space<semaphore_mem>>, %arg22: memref<!tpu.dma_semaphore, #tpu.memory_space<semaphore_mem>>, %arg23: memref<!tpu.dma_semaphore, #tpu.memory_space<semaphore_mem>>) attributes {dimension_semantics = [#tpu.dimension_semantics<core_parallel>, #tpu.dimension_semantics<subcore_parallel>], iteration_bounds = array<i64: 2, 16>, scalar_prefetch = 0 : i64, scratch_operands = 17 : i64, tpu.core_type = #tpu.core_type<sc_vector_subcore>, window_params = [{transform_indices = #map}, {transform_indices = #map}, {transform_indices = #map1}, {transform_indices = #map1}, {transform_indices = #map2}]} {
    %mul3A = arith.constant 2 : i32
    %mul3A_0 = arith.muli %arg1, %mul3A : i32
    %add3A = arith.addi %mul3A_0, %arg0 : i32
    %scan3A = arith.constant 0 : i32
    %scan3A_1 = arith.constant 80 : i32
    %scan3A_2 = arith.addi %scan3A, %scan3A_1 : i32
    %scan3A_3 = arith.constant 1 : i32
    scf.for %scan3A_69 = %scan3A to %scan3A_2 step %scan3A_3  : i32 {
      %broadcast_in_dim3A = arith.constant 0.000000e+00 : f32
      %broadcast_in_dim3A_70 = vector.broadcast %broadcast_in_dim3A : f32 to vector<16xf32>
      %swap3A = arith.index_cast %scan3A_69 : i32 to index
      %swap3A_71 = arith.constant 0 : index
      %swap3A_72 = tpu.vector_load %arg13[%swap3A, %swap3A_71] {strides = array<i32>} : memref<80x128xf32, #tpu.memory_space<vmem>>, vector<16xf32>,
      tpu.vector_store %arg13[%swap3A, %swap3A_71], %broadcast_in_dim3A_70 {strides = array<i32>} : memref<80x128xf32, #tpu.memory_space<vmem>>, vector<16xf32>,
      %broadcast_in_dim3A_73 = arith.constant 0.000000e+00 : f32
      %broadcast_in_dim3A_74 = vector.broadcast %broadcast_in_dim3A_73 : f32 to vector<16xf32>
      %swap3A_75 = arith.index_cast %scan3A_69 : i32 to index
      %swap3A_76 = arith.constant 16 : index
      %swap3A_77 = tpu.vector_load %arg13[%swap3A_75, %swap3A_76] {strides = array<i32>} : memref<80x128xf32, #tpu.memory_space<vmem>>, vector<16xf32>,
      tpu.vector_store %arg13[%swap3A_75, %swap3A_76], %broadcast_in_dim3A_74 {strides = array<i32>} : memref<80x128xf32, #tpu.memory_space<vmem>>, vector<16xf32>,
      %broadcast_in_dim3A_78 = arith.constant 0.000000e+00 : f32
      %broadcast_in_dim3A_79 = vector.broadcast %broadcast_in_dim3A_78 : f32 to vector<16xf32>
      %swap3A_80 = arith.index_cast %scan3A_69 : i32 to index
      %swap3A_81 = arith.constant 32 : index
      %swap3A_82 = tpu.vector_load %arg13[%swap3A_80, %swap3A_81] {strides = array<i32>} : memref<80x128xf32, #tpu.memory_space<vmem>>, vector<16xf32>,
      tpu.vector_store %arg13[%swap3A_80, %swap3A_81], %broadcast_in_dim3A_79 {strides = array<i32>} : memref<80x128xf32, #tpu.memory_space<vmem>>, vector<16xf32>,
      %broadcast_in_dim3A_83 = arith.constant 0.000000e+00 : f32
      %broadcast_in_dim3A_84 = vector.broadcast %broadcast_in_dim3A_83 : f32 to vector<16xf32>
      %swap3A_85 = arith.index_cast %scan3A_69 : i32 to index
      %swap3A_86 = arith.constant 48 : index
      %swap3A_87 = tpu.vector_load %arg13[%swap3A_85, %swap3A_86] {strides = array<i32>} : memref<80x128xf32, #tpu.memory_space<vmem>>, vector<16xf32>,
      tpu.vector_store %arg13[%swap3A_85, %swap3A_86], %broadcast_in_dim3A_84 {strides = array<i32>} : memref<80x128xf32, #tpu.memory_space<vmem>>, vector<16xf32>,
      %broadcast_in_dim3A_88 = arith.constant 0.000000e+00 : f32
      %broadcast_in_dim3A_89 = vector.broadcast %broadcast_in_dim3A_88 : f32 to vector<16xf32>
      %swap3A_90 = arith.index_cast %scan3A_69 : i32 to index
      %swap3A_91 = arith.constant 64 : index
      %swap3A_92 = tpu.vector_load %arg13[%swap3A_90, %swap3A_91] {strides = array<i32>} : memref<80x128xf32, #tpu.memory_space<vmem>>, vector<16xf32>,
      tpu.vector_store %arg13[%swap3A_90, %swap3A_91], %broadcast_in_dim3A_89 {strides = array<i32>} : memref<80x128xf32, #tpu.memory_space<vmem>>, vector<16xf32>,
      %broadcast_in_dim3A_93 = arith.constant 0.000000e+00 : f32
      %broadcast_in_dim3A_94 = vector.broadcast %broadcast_in_dim3A_93 : f32 to vector<16xf32>
      %swap3A_95 = arith.index_cast %scan3A_69 : i32 to index
      %swap3A_96 = arith.constant 80 : index
      %swap3A_97 = tpu.vector_load %arg13[%swap3A_95, %swap3A_96] {strides = array<i32>} : memref<80x128xf32, #tpu.memory_space<vmem>>, vector<16xf32>,
      tpu.vector_store %arg13[%swap3A_95, %swap3A_96], %broadcast_in_dim3A_94 {strides = array<i32>} : memref<80x128xf32, #tpu.memory_space<vmem>>, vector<16xf32>,
      %broadcast_in_dim3A_98 = arith.constant 0.000000e+00 : f32
      %broadcast_in_dim3A_99 = vector.broadcast %broadcast_in_dim3A_98 : f32 to vector<16xf32>
      %swap3A_100 = arith.index_cast %scan3A_69 : i32 to index
      %swap3A_101 = arith.constant 96 : index
      %swap3A_102 = tpu.vector_load %arg13[%swap3A_100, %swap3A_101] {strides = array<i32>} : memref<80x128xf32, #tpu.memory_space<vmem>>, vector<16xf32>,
      tpu.vector_store %arg13[%swap3A_100, %swap3A_101], %broadcast_in_dim3A_99 {strides = array<i32>} : memref<80x128xf32, #tpu.memory_space<vmem>>, vector<16xf32>,
      %broadcast_in_dim3A_103 = arith.constant 0.000000e+00 : f32
      %broadcast_in_dim3A_104 = vector.broadcast %broadcast_in_dim3A_103 : f32 to vector<16xf32>
      %swap3A_105 = arith.index_cast %scan3A_69 : i32 to index
      %swap3A_106 = arith.constant 112 : index
      %swap3A_107 = tpu.vector_load %arg13[%swap3A_105, %swap3A_106] {strides = array<i32>} : memref<80x128xf32, #tpu.memory_space<vmem>>, vector<16xf32>,
      tpu.vector_store %arg13[%swap3A_105, %swap3A_106], %broadcast_in_dim3A_104 {strides = array<i32>} : memref<80x128xf32, #tpu.memory_space<vmem>>, vector<16xf32>,
    }
    %scan3A_4 = arith.constant 80 : i32
    %mul3A_5 = arith.constant 640 : i32
    %mul3A_6 = arith.muli %arg1, %mul3A_5 : i32
    %add3A_7 = arith.constant 0 : i32
    %add3A_8 = arith.addi %mul3A_6, %add3A_7 : i32
    "tpu.region"() ({
      %run_scoped3A = tpu.sem_alloc : memref<!tpu.dma_semaphore, #tpu.memory_space<semaphore_mem>>
      %dma_start3A = arith.constant 0 : i32
      %dma_start3A_69 = tpu.memref_slice %arg17[%add3A_8, %dma_start3A] : memref<10240x128xf32, #tpu.memory_space<vmem_shared>> -> memref<80x128xf32, #tpu.memory_space<vmem_shared>>
      %dma_start3A_70 = arith.constant 0 : i32
      %dma_start3A_71 = tpu.memref_slice %arg17[%add3A_8, %dma_start3A_70] : memref<10240x128xf32, #tpu.memory_space<vmem_shared>> -> memref<80x128xf32, #tpu.memory_space<vmem_shared>>
      tpu.enqueue_dma source(%arg13 : memref<80x128xf32, #tpu.memory_space<vmem>>) target(%dma_start3A_71 : memref<80x128xf32, #tpu.memory_space<vmem_shared>>) target_semaphore(%run_scoped3A : memref<!tpu.dma_semaphore, #tpu.memory_space<semaphore_mem>>)
      %dma_wait3A = arith.constant 0 : i32
      %dma_wait3A_72 = tpu.memref_slice %arg17[%add3A_8, %dma_wait3A] : memref<10240x128xf32, #tpu.memory_space<vmem_shared>> -> memref<80x128xf32, #tpu.memory_space<vmem_shared>>
      %dma_wait3A_73 = arith.constant 0 : i32
      %dma_wait3A_74 = tpu.memref_slice %arg17[%add3A_8, %dma_wait3A_73] : memref<10240x128xf32, #tpu.memory_space<vmem_shared>> -> memref<80x128xf32, #tpu.memory_space<vmem_shared>>
      tpu.wait_dma2 semaphore(%run_scoped3A : memref<!tpu.dma_semaphore, #tpu.memory_space<semaphore_mem>>) src(%arg13 : memref<80x128xf32, #tpu.memory_space<vmem>>) dst(%dma_wait3A_74 : memref<80x128xf32, #tpu.memory_space<vmem_shared>>)
      tpu.yield
    }) : () -> ()
    %add3A_9 = arith.constant 80 : i32
    %add3A_10 = arith.addi %mul3A_6, %add3A_9 : i32
    "tpu.region"() ({
      %run_scoped3A = tpu.sem_alloc : memref<!tpu.dma_semaphore, #tpu.memory_space<semaphore_mem>>
      %dma_start3A = arith.constant 0 : i32
      %dma_start3A_69 = tpu.memref_slice %arg17[%add3A_10, %dma_start3A] : memref<10240x128xf32, #tpu.memory_space<vmem_shared>> -> memref<80x128xf32, #tpu.memory_space<vmem_shared>>
      %dma_start3A_70 = arith.constant 0 : i32
      %dma_start3A_71 = tpu.memref_slice %arg17[%add3A_10, %dma_start3A_70] : memref<10240x128xf32, #tpu.memory_space<vmem_shared>> -> memref<80x128xf32, #tpu.memory_space<vmem_shared>>
      tpu.enqueue_dma source(%arg13 : memref<80x128xf32, #tpu.memory_space<vmem>>) target(%dma_start3A_71 : memref<80x128xf32, #tpu.memory_space<vmem_shared>>) target_semaphore(%run_scoped3A : memref<!tpu.dma_semaphore, #tpu.memory_space<semaphore_mem>>)
      %dma_wait3A = arith.constant 0 : i32
      %dma_wait3A_72 = tpu.memref_slice %arg17[%add3A_10, %dma_wait3A] : memref<10240x128xf32, #tpu.memory_space<vmem_shared>> -> memref<80x128xf32, #tpu.memory_space<vmem_shared>>
      %dma_wait3A_73 = arith.constant 0 : i32
      %dma_wait3A_74 = tpu.memref_slice %arg17[%add3A_10, %dma_wait3A_73] : memref<10240x128xf32, #tpu.memory_space<vmem_shared>> -> memref<80x128xf32, #tpu.memory_space<vmem_shared>>
      tpu.wait_dma2 semaphore(%run_scoped3A : memref<!tpu.dma_semaphore, #tpu.memory_space<semaphore_mem>>) src(%arg13 : memref<80x128xf32, #tpu.memory_space<vmem>>) dst(%dma_wait3A_74 : memref<80x128xf32, #tpu.memory_space<vmem_shared>>)
      tpu.yield
    }) : () -> ()
    %add3A_11 = arith.constant 160 : i32
    %add3A_12 = arith.addi %mul3A_6, %add3A_11 : i32
    "tpu.region"() ({
      %run_scoped3A = tpu.sem_alloc : memref<!tpu.dma_semaphore, #tpu.memory_space<semaphore_mem>>
      %dma_start3A = arith.constant 0 : i32
      %dma_start3A_69 = tpu.memref_slice %arg17[%add3A_12, %dma_start3A] : memref<10240x128xf32, #tpu.memory_space<vmem_shared>> -> memref<80x128xf32, #tpu.memory_space<vmem_shared>>
      %dma_start3A_70 = arith.constant 0 : i32
      %dma_start3A_71 = tpu.memref_slice %arg17[%add3A_12, %dma_start3A_70] : memref<10240x128xf32, #tpu.memory_space<vmem_shared>> -> memref<80x128xf32, #tpu.memory_space<vmem_shared>>
      tpu.enqueue_dma source(%arg13 : memref<80x128xf32, #tpu.memory_space<vmem>>) target(%dma_start3A_71 : memref<80x128xf32, #tpu.memory_space<vmem_shared>>) target_semaphore(%run_scoped3A : memref<!tpu.dma_semaphore, #tpu.memory_space<semaphore_mem>>)
      %dma_wait3A = arith.constant 0 : i32
      %dma_wait3A_72 = tpu.memref_slice %arg17[%add3A_12, %dma_wait3A] : memref<10240x128xf32, #tpu.memory_space<vmem_shared>> -> memref<80x128xf32, #tpu.memory_space<vmem_shared>>
      %dma_wait3A_73 = arith.constant 0 : i32
      %dma_wait3A_74 = tpu.memref_slice %arg17[%add3A_12, %dma_wait3A_73] : memref<10240x128xf32, #tpu.memory_space<vmem_shared>> -> memref<80x128xf32, #tpu.memory_space<vmem_shared>>
      tpu.wait_dma2 semaphore(%run_scoped3A : memref<!tpu.dma_semaphore, #tpu.memory_space<semaphore_mem>>) src(%arg13 : memref<80x128xf32, #tpu.memory_space<vmem>>) dst(%dma_wait3A_74 : memref<80x128xf32, #tpu.memory_space<vmem_shared>>)
      tpu.yield
    }) : () -> ()
    %add3A_13 = arith.constant 240 : i32
    %add3A_14 = arith.addi %mul3A_6, %add3A_13 : i32
    "tpu.region"() ({
      %run_scoped3A = tpu.sem_alloc : memref<!tpu.dma_semaphore, #tpu.memory_space<semaphore_mem>>
      %dma_start3A = arith.constant 0 : i32
      %dma_start3A_69 = tpu.memref_slice %arg17[%add3A_14, %dma_start3A] : memref<10240x128xf32, #tpu.memory_space<vmem_shared>> -> memref<80x128xf32, #tpu.memory_space<vmem_shared>>
      %dma_start3A_70 = arith.constant 0 : i32
      %dma_start3A_71 = tpu.memref_slice %arg17[%add3A_14, %dma_start3A_70] : memref<10240x128xf32, #tpu.memory_space<vmem_shared>> -> memref<80x128xf32, #tpu.memory_space<vmem_shared>>
      tpu.enqueue_dma source(%arg13 : memref<80x128xf32, #tpu.memory_space<vmem>>) target(%dma_start3A_71 : memref<80x128xf32, #tpu.memory_space<vmem_shared>>) target_semaphore(%run_scoped3A : memref<!tpu.dma_semaphore, #tpu.memory_space<semaphore_mem>>)
      %dma_wait3A = arith.constant 0 : i32
      %dma_wait3A_72 = tpu.memref_slice %arg17[%add3A_14, %dma_wait3A] : memref<10240x128xf32, #tpu.memory_space<vmem_shared>> -> memref<80x128xf32, #tpu.memory_space<vmem_shared>>
      %dma_wait3A_73 = arith.constant 0 : i32
      %dma_wait3A_74 = tpu.memref_slice %arg17[%add3A_14, %dma_wait3A_73] : memref<10240x128xf32, #tpu.memory_space<vmem_shared>> -> memref<80x128xf32, #tpu.memory_space<vmem_shared>>
      tpu.wait_dma2 semaphore(%run_scoped3A : memref<!tpu.dma_semaphore, #tpu.memory_space<semaphore_mem>>) src(%arg13 : memref<80x128xf32, #tpu.memory_space<vmem>>) dst(%dma_wait3A_74 : memref<80x128xf32, #tpu.memory_space<vmem_shared>>)
      tpu.yield
    }) : () -> ()
    %add3A_15 = arith.constant 320 : i32
    %add3A_16 = arith.addi %mul3A_6, %add3A_15 : i32
    "tpu.region"() ({
      %run_scoped3A = tpu.sem_alloc : memref<!tpu.dma_semaphore, #tpu.memory_space<semaphore_mem>>
      %dma_start3A = arith.constant 0 : i32
      %dma_start3A_69 = tpu.memref_slice %arg17[%add3A_16, %dma_start3A] : memref<10240x128xf32, #tpu.memory_space<vmem_shared>> -> memref<80x128xf32, #tpu.memory_space<vmem_shared>>
      %dma_start3A_70 = arith.constant 0 : i32
      %dma_start3A_71 = tpu.memref_slice %arg17[%add3A_16, %dma_start3A_70] : memref<10240x128xf32, #tpu.memory_space<vmem_shared>> -> memref<80x128xf32, #tpu.memory_space<vmem_shared>>
      tpu.enqueue_dma source(%arg13 : memref<80x128xf32, #tpu.memory_space<vmem>>) target(%dma_start3A_71 : memref<80x128xf32, #tpu.memory_space<vmem_shared>>) target_semaphore(%run_scoped3A : memref<!tpu.dma_semaphore, #tpu.memory_space<semaphore_mem>>)
      %dma_wait3A = arith.constant 0 : i32
      %dma_wait3A_72 = tpu.memref_slice %arg17[%add3A_16, %dma_wait3A] : memref<10240x128xf32, #tpu.memory_space<vmem_shared>> -> memref<80x128xf32, #tpu.memory_space<vmem_shared>>
      %dma_wait3A_73 = arith.constant 0 : i32
      %dma_wait3A_74 = tpu.memref_slice %arg17[%add3A_16, %dma_wait3A_73] : memref<10240x128xf32, #tpu.memory_space<vmem_shared>> -> memref<80x128xf32, #tpu.memory_space<vmem_shared>>
      tpu.wait_dma2 semaphore(%run_scoped3A : memref<!tpu.dma_semaphore, #tpu.memory_space<semaphore_mem>>) src(%arg13 : memref<80x128xf32, #tpu.memory_space<vmem>>) dst(%dma_wait3A_74 : memref<80x128xf32, #tpu.memory_space<vmem_shared>>)
      tpu.yield
    }) : () -> ()
    %add3A_17 = arith.constant 400 : i32
    %add3A_18 = arith.addi %mul3A_6, %add3A_17 : i32
    "tpu.region"() ({
      %run_scoped3A = tpu.sem_alloc : memref<!tpu.dma_semaphore, #tpu.memory_space<semaphore_mem>>
      %dma_start3A = arith.constant 0 : i32
      %dma_start3A_69 = tpu.memref_slice %arg17[%add3A_18, %dma_start3A] : memref<10240x128xf32, #tpu.memory_space<vmem_shared>> -> memref<80x128xf32, #tpu.memory_space<vmem_shared>>
      %dma_start3A_70 = arith.constant 0 : i32
      %dma_start3A_71 = tpu.memref_slice %arg17[%add3A_18, %dma_start3A_70] : memref<10240x128xf32, #tpu.memory_space<vmem_shared>> -> memref<80x128xf32, #tpu.memory_space<vmem_shared>>
      tpu.enqueue_dma source(%arg13 : memref<80x128xf32, #tpu.memory_space<vmem>>) target(%dma_start3A_71 : memref<80x128xf32, #tpu.memory_space<vmem_shared>>) target_semaphore(%run_scoped3A : memref<!tpu.dma_semaphore, #tpu.memory_space<semaphore_mem>>)
      %dma_wait3A = arith.constant 0 : i32
      %dma_wait3A_72 = tpu.memref_slice %arg17[%add3A_18, %dma_wait3A] : memref<10240x128xf32, #tpu.memory_space<vmem_shared>> -> memref<80x128xf32, #tpu.memory_space<vmem_shared>>
      %dma_wait3A_73 = arith.constant 0 : i32
      %dma_wait3A_74 = tpu.memref_slice %arg17[%add3A_18, %dma_wait3A_73] : memref<10240x128xf32, #tpu.memory_space<vmem_shared>> -> memref<80x128xf32, #tpu.memory_space<vmem_shared>>
      tpu.wait_dma2 semaphore(%run_scoped3A : memref<!tpu.dma_semaphore, #tpu.memory_space<semaphore_mem>>) src(%arg13 : memref<80x128xf32, #tpu.memory_space<vmem>>) dst(%dma_wait3A_74 : memref<80x128xf32, #tpu.memory_space<vmem_shared>>)
      tpu.yield
    }) : () -> ()
    %add3A_19 = arith.constant 480 : i32
    %add3A_20 = arith.addi %mul3A_6, %add3A_19 : i32
    "tpu.region"() ({
      %run_scoped3A = tpu.sem_alloc : memref<!tpu.dma_semaphore, #tpu.memory_space<semaphore_mem>>
      %dma_start3A = arith.constant 0 : i32
      %dma_start3A_69 = tpu.memref_slice %arg17[%add3A_20, %dma_start3A] : memref<10240x128xf32, #tpu.memory_space<vmem_shared>> -> memref<80x128xf32, #tpu.memory_space<vmem_shared>>
      %dma_start3A_70 = arith.constant 0 : i32
      %dma_start3A_71 = tpu.memref_slice %arg17[%add3A_20, %dma_start3A_70] : memref<10240x128xf32, #tpu.memory_space<vmem_shared>> -> memref<80x128xf32, #tpu.memory_space<vmem_shared>>
      tpu.enqueue_dma source(%arg13 : memref<80x128xf32, #tpu.memory_space<vmem>>) target(%dma_start3A_71 : memref<80x128xf32, #tpu.memory_space<vmem_shared>>) target_semaphore(%run_scoped3A : memref<!tpu.dma_semaphore, #tpu.memory_space<semaphore_mem>>)
      %dma_wait3A = arith.constant 0 : i32
      %dma_wait3A_72 = tpu.memref_slice %arg17[%add3A_20, %dma_wait3A] : memref<10240x128xf32, #tpu.memory_space<vmem_shared>> -> memref<80x128xf32, #tpu.memory_space<vmem_shared>>
      %dma_wait3A_73 = arith.constant 0 : i32
      %dma_wait3A_74 = tpu.memref_slice %arg17[%add3A_20, %dma_wait3A_73] : memref<10240x128xf32, #tpu.memory_space<vmem_shared>> -> memref<80x128xf32, #tpu.memory_space<vmem_shared>>
      tpu.wait_dma2 semaphore(%run_scoped3A : memref<!tpu.dma_semaphore, #tpu.memory_space<semaphore_mem>>) src(%arg13 : memref<80x128xf32, #tpu.memory_space<vmem>>) dst(%dma_wait3A_74 : memref<80x128xf32, #tpu.memory_space<vmem_shared>>)
      tpu.yield
    }) : () -> ()
    %add3A_21 = arith.constant 560 : i32
    %add3A_22 = arith.addi %mul3A_6, %add3A_21 : i32
    "tpu.region"() ({
      %run_scoped3A = tpu.sem_alloc : memref<!tpu.dma_semaphore, #tpu.memory_space<semaphore_mem>>
      %dma_start3A = arith.constant 0 : i32
      %dma_start3A_69 = tpu.memref_slice %arg17[%add3A_22, %dma_start3A] : memref<10240x128xf32, #tpu.memory_space<vmem_shared>> -> memref<80x128xf32, #tpu.memory_space<vmem_shared>>
      %dma_start3A_70 = arith.constant 0 : i32
      %dma_start3A_71 = tpu.memref_slice %arg17[%add3A_22, %dma_start3A_70] : memref<10240x128xf32, #tpu.memory_space<vmem_shared>> -> memref<80x128xf32, #tpu.memory_space<vmem_shared>>
      tpu.enqueue_dma source(%arg13 : memref<80x128xf32, #tpu.memory_space<vmem>>) target(%dma_start3A_71 : memref<80x128xf32, #tpu.memory_space<vmem_shared>>) target_semaphore(%run_scoped3A : memref<!tpu.dma_semaphore, #tpu.memory_space<semaphore_mem>>)
      %dma_wait3A = arith.constant 0 : i32
      %dma_wait3A_72 = tpu.memref_slice %arg17[%add3A_22, %dma_wait3A] : memref<10240x128xf32, #tpu.memory_space<vmem_shared>> -> memref<80x128xf32, #tpu.memory_space<vmem_shared>>
      %dma_wait3A_73 = arith.constant 0 : i32
      %dma_wait3A_74 = tpu.memref_slice %arg17[%add3A_22, %dma_wait3A_73] : memref<10240x128xf32, #tpu.memory_space<vmem_shared>> -> memref<80x128xf32, #tpu.memory_space<vmem_shared>>
      tpu.wait_dma2 semaphore(%run_scoped3A : memref<!tpu.dma_semaphore, #tpu.memory_space<semaphore_mem>>) src(%arg13 : memref<80x128xf32, #tpu.memory_space<vmem>>) dst(%dma_wait3A_74 : memref<80x128xf32, #tpu.memory_space<vmem_shared>>)
      tpu.yield
    }) : () -> ()
    %barrier3A = arith.constant 0 : index
    tpu.barrier barrier_id(%barrier3A)
    %add3A_23 = arith.constant 0 : i32
    %add3A_24 = arith.addi %add3A_23, %add3A : i32
    %lt3A = arith.constant 4000 : i32
    %lt3A_25 = arith.cmpi slt, %add3A_24, %lt3A : i32
    %convert_element_type3A = arith.extui %lt3A_25 : i1 to i32
    %cond3A = arith.constant 0 : i32
    %cond3A_26 = arith.cmpi ne, %convert_element_type3A, %cond3A : i32
    scf.if %cond3A_26 {
      %add3A_69 = arith.constant 0 : i32
      %add3A_70 = arith.addi %add3A_69, %add3A : i32
      %mul3A_71 = arith.constant 80 : i32
      %mul3A_72 = arith.muli %add3A_70, %mul3A_71 : i32
      %dma_start3A = tpu.memref_slice %arg5[%mul3A_72] : memref<320000xi32, #tpu.memory_space<hbm>> -> memref<80xi32, #tpu.memory_space<hbm>>
      %dma_start3A_73 = tpu.memref_slice %arg5[%mul3A_72] : memref<320000xi32, #tpu.memory_space<hbm>> -> memref<80xi32, #tpu.memory_space<hbm>>
      tpu.enqueue_dma source(%dma_start3A_73 : memref<80xi32, #tpu.memory_space<hbm>>) target(%arg9 : memref<80xi32, #tpu.memory_space<vmem>>) target_semaphore(%arg18 : memref<!tpu.dma_semaphore, #tpu.memory_space<semaphore_mem>>)
      %dma_start3A_74 = tpu.memref_slice %arg4[%mul3A_72] : memref<320000xi32, #tpu.memory_space<hbm>> -> memref<80xi32, #tpu.memory_space<hbm>>
      %dma_start3A_75 = tpu.memref_slice %arg4[%mul3A_72] : memref<320000xi32, #tpu.memory_space<hbm>> -> memref<80xi32, #tpu.memory_space<hbm>>
      tpu.enqueue_dma source(%dma_start3A_75 : memref<80xi32, #tpu.memory_space<hbm>>) target(%arg7 : memref<80xi32, #tpu.memory_space<vmem>>) target_semaphore(%arg18 : memref<!tpu.dma_semaphore, #tpu.memory_space<semaphore_mem>>)
    } else {
    }
    %add3A_27 = arith.constant 0 : i32
    %add3A_28 = arith.addi %add3A_27, %add3A : i32
    %lt3A_29 = arith.constant 4000 : i32
    %lt3A_30 = arith.cmpi slt, %add3A_28, %lt3A_29 : i32
    %convert_element_type3A_31 = arith.extui %lt3A_30 : i1 to i32
    %cond3A_32 = arith.constant 0 : i32
    %cond3A_33 = arith.cmpi ne, %convert_element_type3A_31, %cond3A_32 : i32
    scf.if %cond3A_33 {
      %dma_wait3A = arith.constant 0 : i32
      %dma_wait3A_69 = tpu.memref_slice %arg5[%dma_wait3A] : memref<320000xi32, #tpu.memory_space<hbm>> -> memref<80xi32, #tpu.memory_space<hbm>>
      %dma_wait3A_70 = arith.constant 0 : i32
      %dma_wait3A_71 = tpu.memref_slice %arg5[%dma_wait3A_70] : memref<320000xi32, #tpu.memory_space<hbm>> -> memref<80xi32, #tpu.memory_space<hbm>>
      tpu.wait_dma2 semaphore(%arg18 : memref<!tpu.dma_semaphore, #tpu.memory_space<semaphore_mem>>) src(%dma_wait3A_71 : memref<80xi32, #tpu.memory_space<hbm>>) dst(%arg9 : memref<80xi32, #tpu.memory_space<vmem>>)
      %dma_wait3A_72 = arith.constant 0 : i32
      %dma_wait3A_73 = tpu.memref_slice %arg4[%dma_wait3A_72] : memref<320000xi32, #tpu.memory_space<hbm>> -> memref<80xi32, #tpu.memory_space<hbm>>
      %dma_wait3A_74 = arith.constant 0 : i32
      %dma_wait3A_75 = tpu.memref_slice %arg4[%dma_wait3A_74] : memref<320000xi32, #tpu.memory_space<hbm>> -> memref<80xi32, #tpu.memory_space<hbm>>
      tpu.wait_dma2 semaphore(%arg18 : memref<!tpu.dma_semaphore, #tpu.memory_space<semaphore_mem>>) src(%dma_wait3A_75 : memref<80xi32, #tpu.memory_space<hbm>>) dst(%arg7 : memref<80xi32, #tpu.memory_space<vmem>>)
    } else {
    }
    %get3A = arith.constant 0 : index
    %get3A_34 = tpu.vector_load %arg9[%get3A] {strides = array<i32>} : memref<80xi32, #tpu.memory_space<vmem>>, vector<16xi32>,
    %reduce_min3A = arith.constant true
    %reduce_min3A_35 = vector.broadcast %reduce_min3A : i1 to vector<16xi1>
    %reduce_min3A_36 = arith.constant -2147483648 : i32
    %reduce_min3A_37 = vector.broadcast %reduce_min3A_36 : i32 to vector<16xi32>
    %reduce_min3A_38 = arith.xori %get3A_34, %reduce_min3A_37 : vector<16xi32>
    %reduce_min3A_39 = tpu.scan <min>, %reduce_min3A_38 masked %reduce_min3A_35 : vector<16xi32>, vector<16xi1> -> vector<16xi32>
    %reduce_min3A_40 = arith.xori %reduce_min3A_39, %reduce_min3A_37 : vector<16xi32>
    %reduce_min3A_41 = vector.extract %reduce_min3A_40[15] : i32 from vector<16xi32>
    %lt3A_42 = arith.constant 10000 : i32
    %lt3A_43 = arith.cmpi slt, %reduce_min3A_41, %lt3A_42 : i32
    %and3A = arith.andi %lt3A_30, %lt3A_43 : i1
    %convert_element_type3A_44 = arith.extui %and3A : i1 to i32
    %cond3A_45 = arith.constant 0 : i32
    %cond3A_46 = arith.cmpi ne, %convert_element_type3A_44, %cond3A_45 : i32
    scf.if %cond3A_46 {
      %add3A_69 = arith.constant 0 : i32
      %add3A_70 = arith.addi %add3A_69, %add3A : i32
      %mul3A_71 = arith.constant 80 : i32
      %mul3A_72 = arith.muli %add3A_70, %mul3A_71 : i32
      %ge3A = arith.constant 160000 : i32
      %ge3A_73 = arith.cmpi sge, %mul3A_72, %ge3A : i32
      %sub3A = arith.constant 160000 : i32
      %sub3A_74 = arith.subi %mul3A_72, %sub3A : i32
      %select_n3A = arith.select %ge3A_73, %sub3A_74, %mul3A_72 : i32
      %dma_start3A = arith.constant 0 : i32
      %dma_start3A_75 = arith.constant 0 : i32
      %dma_start3A_76 = tpu.memref_slice %arg2[%dma_start3A, %dma_start3A_75] : memref<10000x128xf32, #tpu.memory_space<hbm>> -> memref<10000x128xf32, #tpu.memory_space<hbm>>
      tpu.enqueue_indirect_dma source(%dma_start3A_76 : memref<10000x128xf32, #tpu.memory_space<hbm>>) target(%arg15 : memref<80x128xf32, #tpu.memory_space<vmem>>) offsets(%arg7 : memref<80xi32, #tpu.memory_space<vmem>>) semaphore(%arg20 : memref<!tpu.dma_semaphore, #tpu.memory_space<semaphore_mem>>)
      %dma_start3A_77 = arith.constant 0 : i32
      %dma_start3A_78 = tpu.memref_slice %arg3[%select_n3A, %dma_start3A_77] : memref<160000x128xf32, #tpu.memory_space<hbm>> -> memref<80x128xf32, #tpu.memory_space<hbm>>
      %dma_start3A_79 = arith.constant 0 : i32
      %dma_start3A_80 = tpu.memref_slice %arg3[%select_n3A, %dma_start3A_79] : memref<160000x128xf32, #tpu.memory_space<hbm>> -> memref<80x128xf32, #tpu.memory_space<hbm>>
      tpu.enqueue_dma source(%dma_start3A_80 : memref<80x128xf32, #tpu.memory_space<hbm>>) target(%arg13 : memref<80x128xf32, #tpu.memory_space<vmem>>) target_semaphore(%arg20 : memref<!tpu.dma_semaphore, #tpu.memory_space<semaphore_mem>>)
    } else {
    }
    %add3A_47 = arith.constant 32 : i32
    %add3A_48 = arith.addi %add3A_47, %add3A : i32
    %lt3A_49 = arith.constant 4000 : i32
    %lt3A_50 = arith.cmpi slt, %add3A_48, %lt3A_49 : i32
    %convert_element_type3A_51 = arith.extui %lt3A_50 : i1 to i32
    %cond3A_52 = arith.constant 0 : i32
    %cond3A_53 = arith.cmpi ne, %convert_element_type3A_51, %cond3A_52 : i32
    scf.if %cond3A_53 {
      %add3A_69 = arith.constant 32 : i32
      %add3A_70 = arith.addi %add3A_69, %add3A : i32
      %mul3A_71 = arith.constant 80 : i32
      %mul3A_72 = arith.muli %add3A_70, %mul3A_71 : i32
      %dma_start3A = tpu.memref_slice %arg5[%mul3A_72] : memref<320000xi32, #tpu.memory_space<hbm>> -> memref<80xi32, #tpu.memory_space<hbm>>
      %dma_start3A_73 = tpu.memref_slice %arg5[%mul3A_72] : memref<320000xi32, #tpu.memory_space<hbm>> -> memref<80xi32, #tpu.memory_space<hbm>>
      tpu.enqueue_dma source(%dma_start3A_73 : memref<80xi32, #tpu.memory_space<hbm>>) target(%arg10 : memref<80xi32, #tpu.memory_space<vmem>>) target_semaphore(%arg19 : memref<!tpu.dma_semaphore, #tpu.memory_space<semaphore_mem>>)
      %dma_start3A_74 = tpu.memref_slice %arg4[%mul3A_72] : memref<320000xi32, #tpu.memory_space<hbm>> -> memref<80xi32, #tpu.memory_space<hbm>>
      %dma_start3A_75 = tpu.memref_slice %arg4[%mul3A_72] : memref<320000xi32, #tpu.memory_space<hbm>> -> memref<80xi32, #tpu.memory_space<hbm>>
      tpu.enqueue_dma source(%dma_start3A_75 : memref<80xi32, #tpu.memory_space<hbm>>) target(%arg8 : memref<80xi32, #tpu.memory_space<vmem>>) target_semaphore(%arg19 : memref<!tpu.dma_semaphore, #tpu.memory_space<semaphore_mem>>)
    } else {
    }
    %and3A_54 = arith.constant false
    %and3A_55 = arith.andi %and3A, %and3A_54 : i1
    %scan3A_56 = arith.constant 0 : i32
    %scan3A_57 = arith.constant 63 : i32
    %scan3A_58 = arith.addi %scan3A_56, %scan3A_57 : i32
    %scan3A_59 = arith.constant 1 : i32
    %scan3A_60:2 = scf.for %scan3A_69 = %scan3A_56 to %scan3A_58 step %scan3A_59 iter_args(%scan3A_70 = %and3A, %scan3A_71 = %and3A_55) -> (i1, i1)  : i32 {
      %mul3A_72 = arith.constant 2 : i32
      %mul3A_73 = arith.muli %mul3A_72, %scan3A_69 : i32
      %convert_element_type3A_74 = arith.extui %scan3A_70 : i1 to i32
      %cond3A_75 = arith.constant 0 : i32
      %cond3A_76 = arith.cmpi ne, %convert_element_type3A_74, %cond3A_75 : i32
      scf.if %cond3A_76 {
        %dma_wait3A = arith.constant 0 : i32
        %dma_wait3A_158 = arith.constant 0 : i32
        %dma_wait3A_159 = tpu.memref_slice %arg2[%dma_wait3A, %dma_wait3A_158] : memref<10000x128xf32, #tpu.memory_space<hbm>> -> memref<10000x128xf32, #tpu.memory_space<hbm>>
        tpu.wait_indirect_dma semaphore(%arg20 : memref<!tpu.dma_semaphore, #tpu.memory_space<semaphore_mem>>) src(%dma_wait3A_159 : memref<10000x128xf32, #tpu.memory_space<hbm>>) dst(%arg15 : memref<80x128xf32, #tpu.memory_space<vmem>>)
        %dma_wait3A_160 = arith.constant 0 : i32
        %dma_wait3A_161 = arith.constant 0 : i32
        %dma_wait3A_162 = tpu.memref_slice %arg3[%dma_wait3A_160, %dma_wait3A_161] : memref<160000x128xf32, #tpu.memory_space<hbm>> -> memref<80x128xf32, #tpu.memory_space<hbm>>
        %dma_wait3A_163 = arith.constant 0 : i32
        %dma_wait3A_164 = arith.constant 0 : i32
        %dma_wait3A_165 = tpu.memref_slice %arg3[%dma_wait3A_163, %dma_wait3A_164] : memref<160000x128xf32, #tpu.memory_space<hbm>> -> memref<80x128xf32, #tpu.memory_space<hbm>>
        tpu.wait_dma2 semaphore(%arg20 : memref<!tpu.dma_semaphore, #tpu.memory_space<semaphore_mem>>) src(%dma_wait3A_165 : memref<80x128xf32, #tpu.memory_space<hbm>>) dst(%arg13 : memref<80x128xf32, #tpu.memory_space<vmem>>)
        %scan3A_166 = arith.constant 0 : i32
        %scan3A_167 = arith.constant 80 : i32
        %scan3A_168 = arith.addi %scan3A_166, %scan3A_167 : i32
        %scan3A_169 = arith.constant 1 : i32
        scf.for %scan3A_192 = %scan3A_166 to %scan3A_168 step %scan3A_169  : i32 {
          %get3A_193 = arith.index_cast %scan3A_192 : i32 to index
          %get3A_194 = arith.constant 0 : index
          %get3A_195 = tpu.vector_load %arg15[%get3A_193, %get3A_194] {strides = array<i32>} : memref<80x128xf32, #tpu.memory_space<vmem>>, vector<16xf32>,
          %get3A_196 = arith.index_cast %scan3A_192 : i32 to index
          %get3A_197 = arith.constant 0 : index
          %get3A_198 = tpu.vector_load %arg13[%get3A_196, %get3A_197] {strides = array<i32>} : memref<80x128xf32, #tpu.memory_space<vmem>>, vector<16xf32>,
          %mul3A_199 = arith.mulf %get3A_195, %get3A_198 : vector<16xf32>
          %swap3A_200 = arith.index_cast %scan3A_192 : i32 to index
          %swap3A_201 = arith.constant 0 : index
          %swap3A_202 = tpu.vector_load %arg15[%swap3A_200, %swap3A_201] {strides = array<i32>} : memref<80x128xf32, #tpu.memory_space<vmem>>, vector<16xf32>,
          tpu.vector_store %arg15[%swap3A_200, %swap3A_201], %mul3A_199 {strides = array<i32>} : memref<80x128xf32, #tpu.memory_space<vmem>>, vector<16xf32>,
          %get3A_203 = arith.index_cast %scan3A_192 : i32 to index
          %get3A_204 = arith.constant 16 : index
          %get3A_205 = tpu.vector_load %arg15[%get3A_203, %get3A_204] {strides = array<i32>} : memref<80x128xf32, #tpu.memory_space<vmem>>, vector<16xf32>,
          %get3A_206 = arith.index_cast %scan3A_192 : i32 to index
          %get3A_207 = arith.constant 16 : index
          %get3A_208 = tpu.vector_load %arg13[%get3A_206, %get3A_207] {strides = array<i32>} : memref<80x128xf32, #tpu.memory_space<vmem>>, vector<16xf32>,
          %mul3A_209 = arith.mulf %get3A_205, %get3A_208 : vector<16xf32>
          %swap3A_210 = arith.index_cast %scan3A_192 : i32 to index
          %swap3A_211 = arith.constant 16 : index
          %swap3A_212 = tpu.vector_load %arg15[%swap3A_210, %swap3A_211] {strides = array<i32>} : memref<80x128xf32, #tpu.memory_space<vmem>>, vector<16xf32>,
          tpu.vector_store %arg15[%swap3A_210, %swap3A_211], %mul3A_209 {strides = array<i32>} : memref<80x128xf32, #tpu.memory_space<vmem>>, vector<16xf32>,
          %get3A_213 = arith.index_cast %scan3A_192 : i32 to index
          %get3A_214 = arith.constant 32 : index
          %get3A_215 = tpu.vector_load %arg15[%get3A_213, %get3A_214] {strides = array<i32>} : memref<80x128xf32, #tpu.memory_space<vmem>>, vector<16xf32>,
          %get3A_216 = arith.index_cast %scan3A_192 : i32 to index
          %get3A_217 = arith.constant 32 : index
          %get3A_218 = tpu.vector_load %arg13[%get3A_216, %get3A_217] {strides = array<i32>} : memref<80x128xf32, #tpu.memory_space<vmem>>, vector<16xf32>,
          %mul3A_219 = arith.mulf %get3A_215, %get3A_218 : vector<16xf32>
          %swap3A_220 = arith.index_cast %scan3A_192 : i32 to index
          %swap3A_221 = arith.constant 32 : index
          %swap3A_222 = tpu.vector_load %arg15[%swap3A_220, %swap3A_221] {strides = array<i32>} : memref<80x128xf32, #tpu.memory_space<vmem>>, vector<16xf32>,
          tpu.vector_store %arg15[%swap3A_220, %swap3A_221], %mul3A_219 {strides = array<i32>} : memref<80x128xf32, #tpu.memory_space<vmem>>, vector<16xf32>,
          %get3A_223 = arith.index_cast %scan3A_192 : i32 to index
          %get3A_224 = arith.constant 48 : index
          %get3A_225 = tpu.vector_load %arg15[%get3A_223, %get3A_224] {strides = array<i32>} : memref<80x128xf32, #tpu.memory_space<vmem>>, vector<16xf32>,
          %get3A_226 = arith.index_cast %scan3A_192 : i32 to index
          %get3A_227 = arith.constant 48 : index
          %get3A_228 = tpu.vector_load %arg13[%get3A_226, %get3A_227] {strides = array<i32>} : memref<80x128xf32, #tpu.memory_space<vmem>>, vector<16xf32>,
          %mul3A_229 = arith.mulf %get3A_225, %get3A_228 : vector<16xf32>
          %swap3A_230 = arith.index_cast %scan3A_192 : i32 to index
          %swap3A_231 = arith.constant 48 : index
          %swap3A_232 = tpu.vector_load %arg15[%swap3A_230, %swap3A_231] {strides = array<i32>} : memref<80x128xf32, #tpu.memory_space<vmem>>, vector<16xf32>,
          tpu.vector_store %arg15[%swap3A_230, %swap3A_231], %mul3A_229 {strides = array<i32>} : memref<80x128xf32, #tpu.memory_space<vmem>>, vector<16xf32>,
          %get3A_233 = arith.index_cast %scan3A_192 : i32 to index
          %get3A_234 = arith.constant 64 : index
          %get3A_235 = tpu.vector_load %arg15[%get3A_233, %get3A_234] {strides = array<i32>} : memref<80x128xf32, #tpu.memory_space<vmem>>, vector<16xf32>,
          %get3A_236 = arith.index_cast %scan3A_192 : i32 to index
          %get3A_237 = arith.constant 64 : index
          %get3A_238 = tpu.vector_load %arg13[%get3A_236, %get3A_237] {strides = array<i32>} : memref<80x128xf32, #tpu.memory_space<vmem>>, vector<16xf32>,
          %mul3A_239 = arith.mulf %get3A_235, %get3A_238 : vector<16xf32>
          %swap3A_240 = arith.index_cast %scan3A_192 : i32 to index
          %swap3A_241 = arith.constant 64 : index
          %swap3A_242 = tpu.vector_load %arg15[%swap3A_240, %swap3A_241] {strides = array<i32>} : memref<80x128xf32, #tpu.memory_space<vmem>>, vector<16xf32>,
          tpu.vector_store %arg15[%swap3A_240, %swap3A_241], %mul3A_239 {strides = array<i32>} : memref<80x128xf32, #tpu.memory_space<vmem>>, vector<16xf32>,
          %get3A_243 = arith.index_cast %scan3A_192 : i32 to index
          %get3A_244 = arith.constant 80 : index
          %get3A_245 = tpu.vector_load %arg15[%get3A_243, %get3A_244] {strides = array<i32>} : memref<80x128xf32, #tpu.memory_space<vmem>>, vector<16xf32>,
          %get3A_246 = arith.index_cast %scan3A_192 : i32 to index
          %get3A_247 = arith.constant 80 : index
          %get3A_248 = tpu.vector_load %arg13[%get3A_246, %get3A_247] {strides = array<i32>} : memref<80x128xf32, #tpu.memory_space<vmem>>, vector<16xf32>,
          %mul3A_249 = arith.mulf %get3A_245, %get3A_248 : vector<16xf32>
          %swap3A_250 = arith.index_cast %scan3A_192 : i32 to index
          %swap3A_251 = arith.constant 80 : index
          %swap3A_252 = tpu.vector_load %arg15[%swap3A_250, %swap3A_251] {strides = array<i32>} : memref<80x128xf32, #tpu.memory_space<vmem>>, vector<16xf32>,
          tpu.vector_store %arg15[%swap3A_250, %swap3A_251], %mul3A_249 {strides = array<i32>} : memref<80x128xf32, #tpu.memory_space<vmem>>, vector<16xf32>,
          %get3A_253 = arith.index_cast %scan3A_192 : i32 to index
          %get3A_254 = arith.constant 96 : index
          %get3A_255 = tpu.vector_load %arg15[%get3A_253, %get3A_254] {strides = array<i32>} : memref<80x128xf32, #tpu.memory_space<vmem>>, vector<16xf32>,
          %get3A_256 = arith.index_cast %scan3A_192 : i32 to index
          %get3A_257 = arith.constant 96 : index
          %get3A_258 = tpu.vector_load %arg13[%get3A_256, %get3A_257] {strides = array<i32>} : memref<80x128xf32, #tpu.memory_space<vmem>>, vector<16xf32>,
          %mul3A_259 = arith.mulf %get3A_255, %get3A_258 : vector<16xf32>
          %swap3A_260 = arith.index_cast %scan3A_192 : i32 to index
          %swap3A_261 = arith.constant 96 : index
          %swap3A_262 = tpu.vector_load %arg15[%swap3A_260, %swap3A_261] {strides = array<i32>} : memref<80x128xf32, #tpu.memory_space<vmem>>, vector<16xf32>,
          tpu.vector_store %arg15[%swap3A_260, %swap3A_261], %mul3A_259 {strides = array<i32>} : memref<80x128xf32, #tpu.memory_space<vmem>>, vector<16xf32>,
          %get3A_263 = arith.index_cast %scan3A_192 : i32 to index
          %get3A_264 = arith.constant 112 : index
          %get3A_265 = tpu.vector_load %arg15[%get3A_263, %get3A_264] {strides = array<i32>} : memref<80x128xf32, #tpu.memory_space<vmem>>, vector<16xf32>,
          %get3A_266 = arith.index_cast %scan3A_192 : i32 to index
          %get3A_267 = arith.constant 112 : index
          %get3A_268 = tpu.vector_load %arg13[%get3A_266, %get3A_267] {strides = array<i32>} : memref<80x128xf32, #tpu.memory_space<vmem>>, vector<16xf32>,
          %mul3A_269 = arith.mulf %get3A_265, %get3A_268 : vector<16xf32>
          %swap3A_270 = arith.index_cast %scan3A_192 : i32 to index
          %swap3A_271 = arith.constant 112 : index
          %swap3A_272 = tpu.vector_load %arg15[%swap3A_270, %swap3A_271] {strides = array<i32>} : memref<80x128xf32, #tpu.memory_space<vmem>>, vector<16xf32>,
          tpu.vector_store %arg15[%swap3A_270, %swap3A_271], %mul3A_269 {strides = array<i32>} : memref<80x128xf32, #tpu.memory_space<vmem>>, vector<16xf32>,
        }
        %scan3A_170 = arith.constant 80 : i32
        %get3A_171 = arith.constant 0 : index
        %get3A_172 = tpu.vector_load %arg9[%get3A_171] {strides = array<i32>} : memref<80xi32, #tpu.memory_space<vmem>>, vector<16xi32>,
        %swap3A = arith.constant 0 : index
        %swap3A_173 = tpu.vector_load %arg11[%swap3A] {strides = array<i32>} : memref<80xi32, #tpu.memory_space<vmem>>, vector<16xi32>,
        tpu.vector_store %arg11[%swap3A], %get3A_172 {strides = array<i32>} : memref<80xi32, #tpu.memory_space<vmem>>, vector<16xi32>,
        %get3A_174 = arith.constant 16 : index
        %get3A_175 = tpu.vector_load %arg9[%get3A_174] {strides = array<i32>} : memref<80xi32, #tpu.memory_space<vmem>>, vector<16xi32>,
        %swap3A_176 = arith.constant 16 : index
        %swap3A_177 = tpu.vector_load %arg11[%swap3A_176] {strides = array<i32>} : memref<80xi32, #tpu.memory_space<vmem>>, vector<16xi32>,
        tpu.vector_store %arg11[%swap3A_176], %get3A_175 {strides = array<i32>} : memref<80xi32, #tpu.memory_space<vmem>>, vector<16xi32>,
        %get3A_178 = arith.constant 32 : index
        %get3A_179 = tpu.vector_load %arg9[%get3A_178] {strides = array<i32>} : memref<80xi32, #tpu.memory_space<vmem>>, vector<16xi32>,
        %swap3A_180 = arith.constant 32 : index
        %swap3A_181 = tpu.vector_load %arg11[%swap3A_180] {strides = array<i32>} : memref<80xi32, #tpu.memory_space<vmem>>, vector<16xi32>,
        tpu.vector_store %arg11[%swap3A_180], %get3A_179 {strides = array<i32>} : memref<80xi32, #tpu.memory_space<vmem>>, vector<16xi32>,
        %get3A_182 = arith.constant 48 : index
        %get3A_183 = tpu.vector_load %arg9[%get3A_182] {strides = array<i32>} : memref<80xi32, #tpu.memory_space<vmem>>, vector<16xi32>,
        %swap3A_184 = arith.constant 48 : index
        %swap3A_185 = tpu.vector_load %arg11[%swap3A_184] {strides = array<i32>} : memref<80xi32, #tpu.memory_space<vmem>>, vector<16xi32>,
        tpu.vector_store %arg11[%swap3A_184], %get3A_183 {strides = array<i32>} : memref<80xi32, #tpu.memory_space<vmem>>, vector<16xi32>,
        %get3A_186 = arith.constant 64 : index
        %get3A_187 = tpu.vector_load %arg9[%get3A_186] {strides = array<i32>} : memref<80xi32, #tpu.memory_space<vmem>>, vector<16xi32>,
        %swap3A_188 = arith.constant 64 : index
        %swap3A_189 = tpu.vector_load %arg11[%swap3A_188] {strides = array<i32>} : memref<80xi32, #tpu.memory_space<vmem>>, vector<16xi32>,
        tpu.vector_store %arg11[%swap3A_188], %get3A_187 {strides = array<i32>} : memref<80xi32, #tpu.memory_space<vmem>>, vector<16xi32>,
        %dma_start3A = arith.constant 0 : i32
        %dma_start3A_190 = arith.constant 0 : i32
        %dma_start3A_191 = tpu.memref_slice %arg17[%dma_start3A, %dma_start3A_190] : memref<10240x128xf32, #tpu.memory_space<vmem_shared>> -> memref<10240x128xf32, #tpu.memory_space<vmem_shared>>
        tpu.enqueue_indirect_dma source(%arg15 : memref<80x128xf32, #tpu.memory_space<vmem>>) target(%dma_start3A_191 : memref<10240x128xf32, #tpu.memory_space<vmem_shared>>) offsets(%arg11 : memref<80xi32, #tpu.memory_space<vmem>>) semaphore(%arg22 : memref<!tpu.dma_semaphore, #tpu.memory_space<semaphore_mem>>) {add = true}
      } else {
      }
      %add3A_77 = arith.constant 1 : i32
      %add3A_78 = arith.addi %mul3A_73, %add3A_77 : i32
      %convert_element_type3A_79 = arith.extui %scan3A_71 : i1 to i32
      %cond3A_80 = arith.constant 0 : i32
      %cond3A_81 = arith.cmpi ne, %convert_element_type3A_79, %cond3A_80 : i32
      scf.if %cond3A_81 {
        %dma_wait3A = arith.constant 0 : i32
        %dma_wait3A_158 = arith.constant 0 : i32
        %dma_wait3A_159 = tpu.memref_slice %arg17[%dma_wait3A, %dma_wait3A_158] : memref<10240x128xf32, #tpu.memory_space<vmem_shared>> -> memref<10240x128xf32, #tpu.memory_space<vmem_shared>>
        tpu.wait_indirect_dma semaphore(%arg23 : memref<!tpu.dma_semaphore, #tpu.memory_space<semaphore_mem>>) src(%arg16 : memref<80x128xf32, #tpu.memory_space<vmem>>) dst(%dma_wait3A_159 : memref<10240x128xf32, #tpu.memory_space<vmem_shared>>)
      } else {
      }
      %mul3A_82 = arith.constant 32 : i32
      %mul3A_83 = arith.muli %add3A_78, %mul3A_82 : i32
      %add3A_84 = arith.addi %mul3A_83, %add3A : i32
      %lt3A_85 = arith.constant 4000 : i32
      %lt3A_86 = arith.cmpi slt, %add3A_84, %lt3A_85 : i32
      %convert_element_type3A_87 = arith.extui %lt3A_86 : i1 to i32
      %cond3A_88 = arith.constant 0 : i32
      %cond3A_89 = arith.cmpi ne, %convert_element_type3A_87, %cond3A_88 : i32
      scf.if %cond3A_89 {
        %dma_wait3A = arith.constant 0 : i32
        %dma_wait3A_158 = tpu.memref_slice %arg5[%dma_wait3A] : memref<320000xi32, #tpu.memory_space<hbm>> -> memref<80xi32, #tpu.memory_space<hbm>>
        %dma_wait3A_159 = arith.constant 0 : i32
        %dma_wait3A_160 = tpu.memref_slice %arg5[%dma_wait3A_159] : memref<320000xi32, #tpu.memory_space<hbm>> -> memref<80xi32, #tpu.memory_space<hbm>>
        tpu.wait_dma2 semaphore(%arg19 : memref<!tpu.dma_semaphore, #tpu.memory_space<semaphore_mem>>) src(%dma_wait3A_160 : memref<80xi32, #tpu.memory_space<hbm>>) dst(%arg10 : memref<80xi32, #tpu.memory_space<vmem>>)
        %dma_wait3A_161 = arith.constant 0 : i32
        %dma_wait3A_162 = tpu.memref_slice %arg4[%dma_wait3A_161] : memref<320000xi32, #tpu.memory_space<hbm>> -> memref<80xi32, #tpu.memory_space<hbm>>
        %dma_wait3A_163 = arith.constant 0 : i32
        %dma_wait3A_164 = tpu.memref_slice %arg4[%dma_wait3A_163] : memref<320000xi32, #tpu.memory_space<hbm>> -> memref<80xi32, #tpu.memory_space<hbm>>
        tpu.wait_dma2 semaphore(%arg19 : memref<!tpu.dma_semaphore, #tpu.memory_space<semaphore_mem>>) src(%dma_wait3A_164 : memref<80xi32, #tpu.memory_space<hbm>>) dst(%arg8 : memref<80xi32, #tpu.memory_space<vmem>>)
      } else {
      }
      %get3A_90 = arith.constant 0 : index
      %get3A_91 = tpu.vector_load %arg10[%get3A_90] {strides = array<i32>} : memref<80xi32, #tpu.memory_space<vmem>>, vector<16xi32>,
      %reduce_min3A_92 = arith.constant true
      %reduce_min3A_93 = vector.broadcast %reduce_min3A_92 : i1 to vector<16xi1>
      %reduce_min3A_94 = arith.constant -2147483648 : i32
      %reduce_min3A_95 = vector.broadcast %reduce_min3A_94 : i32 to vector<16xi32>
      %reduce_min3A_96 = arith.xori %get3A_91, %reduce_min3A_95 : vector<16xi32>
      %reduce_min3A_97 = tpu.scan <min>, %reduce_min3A_96 masked %reduce_min3A_93 : vector<16xi32>, vector<16xi1> -> vector<16xi32>
      %reduce_min3A_98 = arith.xori %reduce_min3A_97, %reduce_min3A_95 : vector<16xi32>
      %reduce_min3A_99 = vector.extract %reduce_min3A_98[15] : i32 from vector<16xi32>
      %lt3A_100 = arith.constant 10000 : i32
      %lt3A_101 = arith.cmpi slt, %reduce_min3A_99, %lt3A_100 : i32
      %and3A_102 = arith.andi %lt3A_86, %lt3A_101 : i1
      %convert_element_type3A_103 = arith.extui %and3A_102 : i1 to i32
      %cond3A_104 = arith.constant 0 : i32
      %cond3A_105 = arith.cmpi ne, %convert_element_type3A_103, %cond3A_104 : i32
      scf.if %cond3A_105 {
        %mul3A_158 = arith.constant 32 : i32
        %mul3A_159 = arith.muli %add3A_78, %mul3A_158 : i32
        %add3A_160 = arith.addi %mul3A_159, %add3A : i32
        %mul3A_161 = arith.constant 80 : i32
        %mul3A_162 = arith.muli %add3A_160, %mul3A_161 : i32
        %ge3A = arith.constant 160000 : i32
        %ge3A_163 = arith.cmpi sge, %mul3A_162, %ge3A : i32
        %sub3A = arith.constant 160000 : i32
        %sub3A_164 = arith.subi %mul3A_162, %sub3A : i32
        %select_n3A = arith.select %ge3A_163, %sub3A_164, %mul3A_162 : i32
        %dma_start3A = arith.constant 0 : i32
        %dma_start3A_165 = arith.constant 0 : i32
        %dma_start3A_166 = tpu.memref_slice %arg2[%dma_start3A, %dma_start3A_165] : memref<10000x128xf32, #tpu.memory_space<hbm>> -> memref<10000x128xf32, #tpu.memory_space<hbm>>
        tpu.enqueue_indirect_dma source(%dma_start3A_166 : memref<10000x128xf32, #tpu.memory_space<hbm>>) target(%arg16 : memref<80x128xf32, #tpu.memory_space<vmem>>) offsets(%arg8 : memref<80xi32, #tpu.memory_space<vmem>>) semaphore(%arg21 : memref<!tpu.dma_semaphore, #tpu.memory_space<semaphore_mem>>)
        %dma_start3A_167 = arith.constant 0 : i32
        %dma_start3A_168 = tpu.memref_slice %arg3[%select_n3A, %dma_start3A_167] : memref<160000x128xf32, #tpu.memory_space<hbm>> -> memref<80x128xf32, #tpu.memory_space<hbm>>
        %dma_start3A_169 = arith.constant 0 : i32
        %dma_start3A_170 = tpu.memref_slice %arg3[%select_n3A, %dma_start3A_169] : memref<160000x128xf32, #tpu.memory_space<hbm>> -> memref<80x128xf32, #tpu.memory_space<hbm>>
        tpu.enqueue_dma source(%dma_start3A_170 : memref<80x128xf32, #tpu.memory_space<hbm>>) target(%arg14 : memref<80x128xf32, #tpu.memory_space<vmem>>) target_semaphore(%arg21 : memref<!tpu.dma_semaphore, #tpu.memory_space<semaphore_mem>>)
      } else {
      }
      %add3A_106 = arith.constant 2 : i32
      %add3A_107 = arith.addi %mul3A_73, %add3A_106 : i32
      %mul3A_108 = arith.constant 32 : i32
      %mul3A_109 = arith.muli %add3A_107, %mul3A_108 : i32
      %add3A_110 = arith.addi %mul3A_109, %add3A : i32
      %lt3A_111 = arith.constant 4000 : i32
      %lt3A_112 = arith.cmpi slt, %add3A_110, %lt3A_111 : i32
      %convert_element_type3A_113 = arith.extui %lt3A_112 : i1 to i32
      %cond3A_114 = arith.constant 0 : i32
      %cond3A_115 = arith.cmpi ne, %convert_element_type3A_113, %cond3A_114 : i32
      scf.if %cond3A_115 {
        %mul3A_158 = arith.constant 32 : i32
        %mul3A_159 = arith.muli %add3A_107, %mul3A_158 : i32
        %add3A_160 = arith.addi %mul3A_159, %add3A : i32
        %mul3A_161 = arith.constant 80 : i32
        %mul3A_162 = arith.muli %add3A_160, %mul3A_161 : i32
        %dma_start3A = tpu.memref_slice %arg5[%mul3A_162] : memref<320000xi32, #tpu.memory_space<hbm>> -> memref<80xi32, #tpu.memory_space<hbm>>
        %dma_start3A_163 = tpu.memref_slice %arg5[%mul3A_162] : memref<320000xi32, #tpu.memory_space<hbm>> -> memref<80xi32, #tpu.memory_space<hbm>>
        tpu.enqueue_dma source(%dma_start3A_163 : memref<80xi32, #tpu.memory_space<hbm>>) target(%arg9 : memref<80xi32, #tpu.memory_space<vmem>>) target_semaphore(%arg18 : memref<!tpu.dma_semaphore, #tpu.memory_space<semaphore_mem>>)
        %dma_start3A_164 = tpu.memref_slice %arg4[%mul3A_162] : memref<320000xi32, #tpu.memory_space<hbm>> -> memref<80xi32, #tpu.memory_space<hbm>>
        %dma_start3A_165 = tpu.memref_slice %arg4[%mul3A_162] : memref<320000xi32, #tpu.memory_space<hbm>> -> memref<80xi32, #tpu.memory_space<hbm>>
        tpu.enqueue_dma source(%dma_start3A_165 : memref<80xi32, #tpu.memory_space<hbm>>) target(%arg7 : memref<80xi32, #tpu.memory_space<vmem>>) target_semaphore(%arg18 : memref<!tpu.dma_semaphore, #tpu.memory_space<semaphore_mem>>)
      } else {
      }
      %convert_element_type3A_116 = arith.extui %and3A_102 : i1 to i32
      %cond3A_117 = arith.constant 0 : i32
      %cond3A_118 = arith.cmpi ne, %convert_element_type3A_116, %cond3A_117 : i32
      scf.if %cond3A_118 {
        %dma_wait3A = arith.constant 0 : i32
        %dma_wait3A_158 = arith.constant 0 : i32
        %dma_wait3A_159 = tpu.memref_slice %arg2[%dma_wait3A, %dma_wait3A_158] : memref<10000x128xf32, #tpu.memory_space<hbm>> -> memref<10000x128xf32, #tpu.memory_space<hbm>>
        tpu.wait_indirect_dma semaphore(%arg21 : memref<!tpu.dma_semaphore, #tpu.memory_space<semaphore_mem>>) src(%dma_wait3A_159 : memref<10000x128xf32, #tpu.memory_space<hbm>>) dst(%arg16 : memref<80x128xf32, #tpu.memory_space<vmem>>)
        %dma_wait3A_160 = arith.constant 0 : i32
        %dma_wait3A_161 = arith.constant 0 : i32
        %dma_wait3A_162 = tpu.memref_slice %arg3[%dma_wait3A_160, %dma_wait3A_161] : memref<160000x128xf32, #tpu.memory_space<hbm>> -> memref<80x128xf32, #tpu.memory_space<hbm>>
        %dma_wait3A_163 = arith.constant 0 : i32
        %dma_wait3A_164 = arith.constant 0 : i32
        %dma_wait3A_165 = tpu.memref_slice %arg3[%dma_wait3A_163, %dma_wait3A_164] : memref<160000x128xf32, #tpu.memory_space<hbm>> -> memref<80x128xf32, #tpu.memory_space<hbm>>
        tpu.wait_dma2 semaphore(%arg21 : memref<!tpu.dma_semaphore, #tpu.memory_space<semaphore_mem>>) src(%dma_wait3A_165 : memref<80x128xf32, #tpu.memory_space<hbm>>) dst(%arg14 : memref<80x128xf32, #tpu.memory_space<vmem>>)
        %scan3A_166 = arith.constant 0 : i32
        %scan3A_167 = arith.constant 80 : i32
        %scan3A_168 = arith.addi %scan3A_166, %scan3A_167 : i32
        %scan3A_169 = arith.constant 1 : i32
        scf.for %scan3A_192 = %scan3A_166 to %scan3A_168 step %scan3A_169  : i32 {
          %get3A_193 = arith.index_cast %scan3A_192 : i32 to index
          %get3A_194 = arith.constant 0 : index
          %get3A_195 = tpu.vector_load %arg16[%get3A_193, %get3A_194] {strides = array<i32>} : memref<80x128xf32, #tpu.memory_space<vmem>>, vector<16xf32>,
          %get3A_196 = arith.index_cast %scan3A_192 : i32 to index
          %get3A_197 = arith.constant 0 : index
          %get3A_198 = tpu.vector_load %arg14[%get3A_196, %get3A_197] {strides = array<i32>} : memref<80x128xf32, #tpu.memory_space<vmem>>, vector<16xf32>,
          %mul3A_199 = arith.mulf %get3A_195, %get3A_198 : vector<16xf32>
          %swap3A_200 = arith.index_cast %scan3A_192 : i32 to index
          %swap3A_201 = arith.constant 0 : index
          %swap3A_202 = tpu.vector_load %arg16[%swap3A_200, %swap3A_201] {strides = array<i32>} : memref<80x128xf32, #tpu.memory_space<vmem>>, vector<16xf32>,
          tpu.vector_store %arg16[%swap3A_200, %swap3A_201], %mul3A_199 {strides = array<i32>} : memref<80x128xf32, #tpu.memory_space<vmem>>, vector<16xf32>,
          %get3A_203 = arith.index_cast %scan3A_192 : i32 to index
          %get3A_204 = arith.constant 16 : index
          %get3A_205 = tpu.vector_load %arg16[%get3A_203, %get3A_204] {strides = array<i32>} : memref<80x128xf32, #tpu.memory_space<vmem>>, vector<16xf32>,
          %get3A_206 = arith.index_cast %scan3A_192 : i32 to index
          %get3A_207 = arith.constant 16 : index
          %get3A_208 = tpu.vector_load %arg14[%get3A_206, %get3A_207] {strides = array<i32>} : memref<80x128xf32, #tpu.memory_space<vmem>>, vector<16xf32>,
          %mul3A_209 = arith.mulf %get3A_205, %get3A_208 : vector<16xf32>
          %swap3A_210 = arith.index_cast %scan3A_192 : i32 to index
          %swap3A_211 = arith.constant 16 : index
          %swap3A_212 = tpu.vector_load %arg16[%swap3A_210, %swap3A_211] {strides = array<i32>} : memref<80x128xf32, #tpu.memory_space<vmem>>, vector<16xf32>,
          tpu.vector_store %arg16[%swap3A_210, %swap3A_211], %mul3A_209 {strides = array<i32>} : memref<80x128xf32, #tpu.memory_space<vmem>>, vector<16xf32>,
          %get3A_213 = arith.index_cast %scan3A_192 : i32 to index
          %get3A_214 = arith.constant 32 : index
          %get3A_215 = tpu.vector_load %arg16[%get3A_213, %get3A_214] {strides = array<i32>} : memref<80x128xf32, #tpu.memory_space<vmem>>, vector<16xf32>,
          %get3A_216 = arith.index_cast %scan3A_192 : i32 to index
          %get3A_217 = arith.constant 32 : index
          %get3A_218 = tpu.vector_load %arg14[%get3A_216, %get3A_217] {strides = array<i32>} : memref<80x128xf32, #tpu.memory_space<vmem>>, vector<16xf32>,
          %mul3A_219 = arith.mulf %get3A_215, %get3A_218 : vector<16xf32>
          %swap3A_220 = arith.index_cast %scan3A_192 : i32 to index
          %swap3A_221 = arith.constant 32 : index
          %swap3A_222 = tpu.vector_load %arg16[%swap3A_220, %swap3A_221] {strides = array<i32>} : memref<80x128xf32, #tpu.memory_space<vmem>>, vector<16xf32>,
          tpu.vector_store %arg16[%swap3A_220, %swap3A_221], %mul3A_219 {strides = array<i32>} : memref<80x128xf32, #tpu.memory_space<vmem>>, vector<16xf32>,
          %get3A_223 = arith.index_cast %scan3A_192 : i32 to index
          %get3A_224 = arith.constant 48 : index
          %get3A_225 = tpu.vector_load %arg16[%get3A_223, %get3A_224] {strides = array<i32>} : memref<80x128xf32, #tpu.memory_space<vmem>>, vector<16xf32>,
          %get3A_226 = arith.index_cast %scan3A_192 : i32 to index
          %get3A_227 = arith.constant 48 : index
          %get3A_228 = tpu.vector_load %arg14[%get3A_226, %get3A_227] {strides = array<i32>} : memref<80x128xf32, #tpu.memory_space<vmem>>, vector<16xf32>,
          %mul3A_229 = arith.mulf %get3A_225, %get3A_228 : vector<16xf32>
          %swap3A_230 = arith.index_cast %scan3A_192 : i32 to index
          %swap3A_231 = arith.constant 48 : index
          %swap3A_232 = tpu.vector_load %arg16[%swap3A_230, %swap3A_231] {strides = array<i32>} : memref<80x128xf32, #tpu.memory_space<vmem>>, vector<16xf32>,
          tpu.vector_store %arg16[%swap3A_230, %swap3A_231], %mul3A_229 {strides = array<i32>} : memref<80x128xf32, #tpu.memory_space<vmem>>, vector<16xf32>,
          %get3A_233 = arith.index_cast %scan3A_192 : i32 to index
          %get3A_234 = arith.constant 64 : index
          %get3A_235 = tpu.vector_load %arg16[%get3A_233, %get3A_234] {strides = array<i32>} : memref<80x128xf32, #tpu.memory_space<vmem>>, vector<16xf32>,
          %get3A_236 = arith.index_cast %scan3A_192 : i32 to index
          %get3A_237 = arith.constant 64 : index
          %get3A_238 = tpu.vector_load %arg14[%get3A_236, %get3A_237] {strides = array<i32>} : memref<80x128xf32, #tpu.memory_space<vmem>>, vector<16xf32>,
          %mul3A_239 = arith.mulf %get3A_235, %get3A_238 : vector<16xf32>
          %swap3A_240 = arith.index_cast %scan3A_192 : i32 to index
          %swap3A_241 = arith.constant 64 : index
          %swap3A_242 = tpu.vector_load %arg16[%swap3A_240, %swap3A_241] {strides = array<i32>} : memref<80x128xf32, #tpu.memory_space<vmem>>, vector<16xf32>,
          tpu.vector_store %arg16[%swap3A_240, %swap3A_241], %mul3A_239 {strides = array<i32>} : memref<80x128xf32, #tpu.memory_space<vmem>>, vector<16xf32>,
          %get3A_243 = arith.index_cast %scan3A_192 : i32 to index
          %get3A_244 = arith.constant 80 : index
          %get3A_245 = tpu.vector_load %arg16[%get3A_243, %get3A_244] {strides = array<i32>} : memref<80x128xf32, #tpu.memory_space<vmem>>, vector<16xf32>,
          %get3A_246 = arith.index_cast %scan3A_192 : i32 to index
          %get3A_247 = arith.constant 80 : index
          %get3A_248 = tpu.vector_load %arg14[%get3A_246, %get3A_247] {strides = array<i32>} : memref<80x128xf32, #tpu.memory_space<vmem>>, vector<16xf32>,
          %mul3A_249 = arith.mulf %get3A_245, %get3A_248 : vector<16xf32>
          %swap3A_250 = arith.index_cast %scan3A_192 : i32 to index
          %swap3A_251 = arith.constant 80 : index
          %swap3A_252 = tpu.vector_load %arg16[%swap3A_250, %swap3A_251] {strides = array<i32>} : memref<80x128xf32, #tpu.memory_space<vmem>>, vector<16xf32>,
          tpu.vector_store %arg16[%swap3A_250, %swap3A_251], %mul3A_249 {strides = array<i32>} : memref<80x128xf32, #tpu.memory_space<vmem>>, vector<16xf32>,
          %get3A_253 = arith.index_cast %scan3A_192 : i32 to index
          %get3A_254 = arith.constant 96 : index
          %get3A_255 = tpu.vector_load %arg16[%get3A_253, %get3A_254] {strides = array<i32>} : memref<80x128xf32, #tpu.memory_space<vmem>>, vector<16xf32>,
          %get3A_256 = arith.index_cast %scan3A_192 : i32 to index
          %get3A_257 = arith.constant 96 : index
          %get3A_258 = tpu.vector_load %arg14[%get3A_256, %get3A_257] {strides = array<i32>} : memref<80x128xf32, #tpu.memory_space<vmem>>, vector<16xf32>,
          %mul3A_259 = arith.mulf %get3A_255, %get3A_258 : vector<16xf32>
          %swap3A_260 = arith.index_cast %scan3A_192 : i32 to index
          %swap3A_261 = arith.constant 96 : index
          %swap3A_262 = tpu.vector_load %arg16[%swap3A_260, %swap3A_261] {strides = array<i32>} : memref<80x128xf32, #tpu.memory_space<vmem>>, vector<16xf32>,
          tpu.vector_store %arg16[%swap3A_260, %swap3A_261], %mul3A_259 {strides = array<i32>} : memref<80x128xf32, #tpu.memory_space<vmem>>, vector<16xf32>,
          %get3A_263 = arith.index_cast %scan3A_192 : i32 to index
          %get3A_264 = arith.constant 112 : index
          %get3A_265 = tpu.vector_load %arg16[%get3A_263, %get3A_264] {strides = array<i32>} : memref<80x128xf32, #tpu.memory_space<vmem>>, vector<16xf32>,
          %get3A_266 = arith.index_cast %scan3A_192 : i32 to index
          %get3A_267 = arith.constant 112 : index
          %get3A_268 = tpu.vector_load %arg14[%get3A_266, %get3A_267] {strides = array<i32>} : memref<80x128xf32, #tpu.memory_space<vmem>>, vector<16xf32>,
          %mul3A_269 = arith.mulf %get3A_265, %get3A_268 : vector<16xf32>
          %swap3A_270 = arith.index_cast %scan3A_192 : i32 to index
          %swap3A_271 = arith.constant 112 : index
          %swap3A_272 = tpu.vector_load %arg16[%swap3A_270, %swap3A_271] {strides = array<i32>} : memref<80x128xf32, #tpu.memory_space<vmem>>, vector<16xf32>,
          tpu.vector_store %arg16[%swap3A_270, %swap3A_271], %mul3A_269 {strides = array<i32>} : memref<80x128xf32, #tpu.memory_space<vmem>>, vector<16xf32>,
        }
        %scan3A_170 = arith.constant 80 : i32
        %get3A_171 = arith.constant 0 : index
        %get3A_172 = tpu.vector_load %arg10[%get3A_171] {strides = array<i32>} : memref<80xi32, #tpu.memory_space<vmem>>, vector<16xi32>,
        %swap3A = arith.constant 0 : index
        %swap3A_173 = tpu.vector_load %arg12[%swap3A] {strides = array<i32>} : memref<80xi32, #tpu.memory_space<vmem>>, vector<16xi32>,
        tpu.vector_store %arg12[%swap3A], %get3A_172 {strides = array<i32>} : memref<80xi32, #tpu.memory_space<vmem>>, vector<16xi32>,
        %get3A_174 = arith.constant 16 : index
        %get3A_175 = tpu.vector_load %arg10[%get3A_174] {strides = array<i32>} : memref<80xi32, #tpu.memory_space<vmem>>, vector<16xi32>,
        %swap3A_176 = arith.constant 16 : index
        %swap3A_177 = tpu.vector_load %arg12[%swap3A_176] {strides = array<i32>} : memref<80xi32, #tpu.memory_space<vmem>>, vector<16xi32>,
        tpu.vector_store %arg12[%swap3A_176], %get3A_175 {strides = array<i32>} : memref<80xi32, #tpu.memory_space<vmem>>, vector<16xi32>,
        %get3A_178 = arith.constant 32 : index
        %get3A_179 = tpu.vector_load %arg10[%get3A_178] {strides = array<i32>} : memref<80xi32, #tpu.memory_space<vmem>>, vector<16xi32>,
        %swap3A_180 = arith.constant 32 : index
        %swap3A_181 = tpu.vector_load %arg12[%swap3A_180] {strides = array<i32>} : memref<80xi32, #tpu.memory_space<vmem>>, vector<16xi32>,
        tpu.vector_store %arg12[%swap3A_180], %get3A_179 {strides = array<i32>} : memref<80xi32, #tpu.memory_space<vmem>>, vector<16xi32>,
        %get3A_182 = arith.constant 48 : index
        %get3A_183 = tpu.vector_load %arg10[%get3A_182] {strides = array<i32>} : memref<80xi32, #tpu.memory_space<vmem>>, vector<16xi32>,
        %swap3A_184 = arith.constant 48 : index
        %swap3A_185 = tpu.vector_load %arg12[%swap3A_184] {strides = array<i32>} : memref<80xi32, #tpu.memory_space<vmem>>, vector<16xi32>,
        tpu.vector_store %arg12[%swap3A_184], %get3A_183 {strides = array<i32>} : memref<80xi32, #tpu.memory_space<vmem>>, vector<16xi32>,
        %get3A_186 = arith.constant 64 : index
        %get3A_187 = tpu.vector_load %arg10[%get3A_186] {strides = array<i32>} : memref<80xi32, #tpu.memory_space<vmem>>, vector<16xi32>,
        %swap3A_188 = arith.constant 64 : index
        %swap3A_189 = tpu.vector_load %arg12[%swap3A_188] {strides = array<i32>} : memref<80xi32, #tpu.memory_space<vmem>>, vector<16xi32>,
        tpu.vector_store %arg12[%swap3A_188], %get3A_187 {strides = array<i32>} : memref<80xi32, #tpu.memory_space<vmem>>, vector<16xi32>,
        %dma_start3A = arith.constant 0 : i32
        %dma_start3A_190 = arith.constant 0 : i32
        %dma_start3A_191 = tpu.memref_slice %arg17[%dma_start3A, %dma_start3A_190] : memref<10240x128xf32, #tpu.memory_space<vmem_shared>> -> memref<10240x128xf32, #tpu.memory_space<vmem_shared>>
        tpu.enqueue_indirect_dma source(%arg16 : memref<80x128xf32, #tpu.memory_space<vmem>>) target(%dma_start3A_191 : memref<10240x128xf32, #tpu.memory_space<vmem_shared>>) offsets(%arg12 : memref<80xi32, #tpu.memory_space<vmem>>) semaphore(%arg23 : memref<!tpu.dma_semaphore, #tpu.memory_space<semaphore_mem>>) {add = true}
      } else {
      }
      %add3A_119 = arith.constant 2 : i32
      %add3A_120 = arith.addi %mul3A_73, %add3A_119 : i32
      %convert_element_type3A_121 = arith.extui %scan3A_70 : i1 to i32
      %cond3A_122 = arith.constant 0 : i32
      %cond3A_123 = arith.cmpi ne, %convert_element_type3A_121, %cond3A_122 : i32
      scf.if %cond3A_123 {
        %dma_wait3A = arith.constant 0 : i32
        %dma_wait3A_158 = arith.constant 0 : i32
        %dma_wait3A_159 = tpu.memref_slice %arg17[%dma_wait3A, %dma_wait3A_158] : memref<10240x128xf32, #tpu.memory_space<vmem_shared>> -> memref<10240x128xf32, #tpu.memory_space<vmem_shared>>
        tpu.wait_indirect_dma semaphore(%arg22 : memref<!tpu.dma_semaphore, #tpu.memory_space<semaphore_mem>>) src(%arg15 : memref<80x128xf32, #tpu.memory_space<vmem>>) dst(%dma_wait3A_159 : memref<10240x128xf32, #tpu.memory_space<vmem_shared>>)
      } else {
      }
      %mul3A_124 = arith.constant 32 : i32
      %mul3A_125 = arith.muli %add3A_120, %mul3A_124 : i32
      %add3A_126 = arith.addi %mul3A_125, %add3A : i32
      %lt3A_127 = arith.constant 4000 : i32
      %lt3A_128 = arith.cmpi slt, %add3A_126, %lt3A_127 : i32
      %convert_element_type3A_129 = arith.extui %lt3A_128 : i1 to i32
      %cond3A_130 = arith.constant 0 : i32
      %cond3A_131 = arith.cmpi ne, %convert_element_type3A_129, %cond3A_130 : i32
      scf.if %cond3A_131 {
        %dma_wait3A = arith.constant 0 : i32
        %dma_wait3A_158 = tpu.memref_slice %arg5[%dma_wait3A] : memref<320000xi32, #tpu.memory_space<hbm>> -> memref<80xi32, #tpu.memory_space<hbm>>
        %dma_wait3A_159 = arith.constant 0 : i32
        %dma_wait3A_160 = tpu.memref_slice %arg5[%dma_wait3A_159] : memref<320000xi32, #tpu.memory_space<hbm>> -> memref<80xi32, #tpu.memory_space<hbm>>
        tpu.wait_dma2 semaphore(%arg18 : memref<!tpu.dma_semaphore, #tpu.memory_space<semaphore_mem>>) src(%dma_wait3A_160 : memref<80xi32, #tpu.memory_space<hbm>>) dst(%arg9 : memref<80xi32, #tpu.memory_space<vmem>>)
        %dma_wait3A_161 = arith.constant 0 : i32
        %dma_wait3A_162 = tpu.memref_slice %arg4[%dma_wait3A_161] : memref<320000xi32, #tpu.memory_space<hbm>> -> memref<80xi32, #tpu.memory_space<hbm>>
        %dma_wait3A_163 = arith.constant 0 : i32
        %dma_wait3A_164 = tpu.memref_slice %arg4[%dma_wait3A_163] : memref<320000xi32, #tpu.memory_space<hbm>> -> memref<80xi32, #tpu.memory_space<hbm>>
        tpu.wait_dma2 semaphore(%arg18 : memref<!tpu.dma_semaphore, #tpu.memory_space<semaphore_mem>>) src(%dma_wait3A_164 : memref<80xi32, #tpu.memory_space<hbm>>) dst(%arg7 : memref<80xi32, #tpu.memory_space<vmem>>)
      } else {
      }
      %get3A_132 = arith.constant 0 : index
      %get3A_133 = tpu.vector_load %arg9[%get3A_132] {strides = array<i32>} : memref<80xi32, #tpu.memory_space<vmem>>, vector<16xi32>,
      %reduce_min3A_134 = arith.constant true
      %reduce_min3A_135 = vector.broadcast %reduce_min3A_134 : i1 to vector<16xi1>
      %reduce_min3A_136 = arith.constant -2147483648 : i32
      %reduce_min3A_137 = vector.broadcast %reduce_min3A_136 : i32 to vector<16xi32>
      %reduce_min3A_138 = arith.xori %get3A_133, %reduce_min3A_137 : vector<16xi32>
      %reduce_min3A_139 = tpu.scan <min>, %reduce_min3A_138 masked %reduce_min3A_135 : vector<16xi32>, vector<16xi1> -> vector<16xi32>
      %reduce_min3A_140 = arith.xori %reduce_min3A_139, %reduce_min3A_137 : vector<16xi32>
      %reduce_min3A_141 = vector.extract %reduce_min3A_140[15] : i32 from vector<16xi32>
      %lt3A_142 = arith.constant 10000 : i32
      %lt3A_143 = arith.cmpi slt, %reduce_min3A_141, %lt3A_142 : i32
      %and3A_144 = arith.andi %lt3A_128, %lt3A_143 : i1
      %convert_element_type3A_145 = arith.extui %and3A_144 : i1 to i32
      %cond3A_146 = arith.constant 0 : i32
      %cond3A_147 = arith.cmpi ne, %convert_element_type3A_145, %cond3A_146 : i32
      scf.if %cond3A_147 {
        %mul3A_158 = arith.constant 32 : i32
        %mul3A_159 = arith.muli %add3A_120, %mul3A_158 : i32
        %add3A_160 = arith.addi %mul3A_159, %add3A : i32
        %mul3A_161 = arith.constant 80 : i32
        %mul3A_162 = arith.muli %add3A_160, %mul3A_161 : i32
        %ge3A = arith.constant 160000 : i32
        %ge3A_163 = arith.cmpi sge, %mul3A_162, %ge3A : i32
        %sub3A = arith.constant 160000 : i32
        %sub3A_164 = arith.subi %mul3A_162, %sub3A : i32
        %select_n3A = arith.select %ge3A_163, %sub3A_164, %mul3A_162 : i32
        %dma_start3A = arith.constant 0 : i32
        %dma_start3A_165 = arith.constant 0 : i32
        %dma_start3A_166 = tpu.memref_slice %arg2[%dma_start3A, %dma_start3A_165] : memref<10000x128xf32, #tpu.memory_space<hbm>> -> memref<10000x128xf32, #tpu.memory_space<hbm>>
        tpu.enqueue_indirect_dma source(%dma_start3A_166 : memref<10000x128xf32, #tpu.memory_space<hbm>>) target(%arg15 : memref<80x128xf32, #tpu.memory_space<vmem>>) offsets(%arg7 : memref<80xi32, #tpu.memory_space<vmem>>) semaphore(%arg20 : memref<!tpu.dma_semaphore, #tpu.memory_space<semaphore_mem>>)
        %dma_start3A_167 = arith.constant 0 : i32
        %dma_start3A_168 = tpu.memref_slice %arg3[%select_n3A, %dma_start3A_167] : memref<160000x128xf32, #tpu.memory_space<hbm>> -> memref<80x128xf32, #tpu.memory_space<hbm>>
        %dma_start3A_169 = arith.constant 0 : i32
        %dma_start3A_170 = tpu.memref_slice %arg3[%select_n3A, %dma_start3A_169] : memref<160000x128xf32, #tpu.memory_space<hbm>> -> memref<80x128xf32, #tpu.memory_space<hbm>>
        tpu.enqueue_dma source(%dma_start3A_170 : memref<80x128xf32, #tpu.memory_space<hbm>>) target(%arg13 : memref<80x128xf32, #tpu.memory_space<vmem>>) target_semaphore(%arg20 : memref<!tpu.dma_semaphore, #tpu.memory_space<semaphore_mem>>)
      } else {
      }
      %add3A_148 = arith.constant 3 : i32
      %add3A_149 = arith.addi %mul3A_73, %add3A_148 : i32
      %mul3A_150 = arith.constant 32 : i32
      %mul3A_151 = arith.muli %add3A_149, %mul3A_150 : i32
      %add3A_152 = arith.addi %mul3A_151, %add3A : i32
      %lt3A_153 = arith.constant 4000 : i32
      %lt3A_154 = arith.cmpi slt, %add3A_152, %lt3A_153 : i32
      %convert_element_type3A_155 = arith.extui %lt3A_154 : i1 to i32
      %cond3A_156 = arith.constant 0 : i32
      %cond3A_157 = arith.cmpi ne, %convert_element_type3A_155, %cond3A_156 : i32
      scf.if %cond3A_157 {
        %mul3A_158 = arith.constant 32 : i32
        %mul3A_159 = arith.muli %add3A_149, %mul3A_158 : i32
        %add3A_160 = arith.addi %mul3A_159, %add3A : i32
        %mul3A_161 = arith.constant 80 : i32
        %mul3A_162 = arith.muli %add3A_160, %mul3A_161 : i32
        %dma_start3A = tpu.memref_slice %arg5[%mul3A_162] : memref<320000xi32, #tpu.memory_space<hbm>> -> memref<80xi32, #tpu.memory_space<hbm>>
        %dma_start3A_163 = tpu.memref_slice %arg5[%mul3A_162] : memref<320000xi32, #tpu.memory_space<hbm>> -> memref<80xi32, #tpu.memory_space<hbm>>
        tpu.enqueue_dma source(%dma_start3A_163 : memref<80xi32, #tpu.memory_space<hbm>>) target(%arg10 : memref<80xi32, #tpu.memory_space<vmem>>) target_semaphore(%arg19 : memref<!tpu.dma_semaphore, #tpu.memory_space<semaphore_mem>>)
        %dma_start3A_164 = tpu.memref_slice %arg4[%mul3A_162] : memref<320000xi32, #tpu.memory_space<hbm>> -> memref<80xi32, #tpu.memory_space<hbm>>
        %dma_start3A_165 = tpu.memref_slice %arg4[%mul3A_162] : memref<320000xi32, #tpu.memory_space<hbm>> -> memref<80xi32, #tpu.memory_space<hbm>>
        tpu.enqueue_dma source(%dma_start3A_165 : memref<80xi32, #tpu.memory_space<hbm>>) target(%arg8 : memref<80xi32, #tpu.memory_space<vmem>>) target_semaphore(%arg19 : memref<!tpu.dma_semaphore, #tpu.memory_space<semaphore_mem>>)
      } else {
      }
      scf.yield %and3A_144, %and3A_102 : i1, i1
    }
    %scan3A_61 = arith.constant 63 : i32
    %convert_element_type3A_62 = arith.extui %scan3A_60#0 : i1 to i32
    %cond3A_63 = arith.constant 0 : i32
    %cond3A_64 = arith.cmpi ne, %convert_element_type3A_62, %cond3A_63 : i32
    scf.if %cond3A_64 {
      %dma_wait3A = arith.constant 0 : i32
      %dma_wait3A_69 = arith.constant 0 : i32
      %dma_wait3A_70 = tpu.memref_slice %arg17[%dma_wait3A, %dma_wait3A_69] : memref<10240x128xf32, #tpu.memory_space<vmem_shared>> -> memref<10240x128xf32, #tpu.memory_space<vmem_shared>>
      tpu.wait_indirect_dma semaphore(%arg22 : memref<!tpu.dma_semaphore, #tpu.memory_space<semaphore_mem>>) src(%arg15 : memref<80x128xf32, #tpu.memory_space<vmem>>) dst(%dma_wait3A_70 : memref<10240x128xf32, #tpu.memory_space<vmem_shared>>)
    } else {
    }
    %convert_element_type3A_65 = arith.extui %scan3A_60#1 : i1 to i32
    %cond3A_66 = arith.constant 0 : i32
    %cond3A_67 = arith.cmpi ne, %convert_element_type3A_65, %cond3A_66 : i32
    scf.if %cond3A_67 {
      %dma_wait3A = arith.constant 0 : i32
      %dma_wait3A_69 = arith.constant 0 : i32
      %dma_wait3A_70 = tpu.memref_slice %arg17[%dma_wait3A, %dma_wait3A_69] : memref<10240x128xf32, #tpu.memory_space<vmem_shared>> -> memref<10240x128xf32, #tpu.memory_space<vmem_shared>>
      tpu.wait_indirect_dma semaphore(%arg23 : memref<!tpu.dma_semaphore, #tpu.memory_space<semaphore_mem>>) src(%arg16 : memref<80x128xf32, #tpu.memory_space<vmem>>) dst(%dma_wait3A_70 : memref<10240x128xf32, #tpu.memory_space<vmem_shared>>)
    } else {
    }
    %barrier3A_68 = arith.constant 0 : index
    tpu.barrier barrier_id(%barrier3A_68)
    "tpu.region"() ({
      %run_scoped3A = tpu.sem_alloc : memref<!tpu.dma_semaphore, #tpu.memory_space<semaphore_mem>>
      %dma_start3A = arith.constant 0 : i32
      %dma_start3A_69 = tpu.memref_slice %arg6[%arg0, %mul3A_6, %dma_start3A] : memref<2x10240x128xf32, #tpu.memory_space<hbm>> -> memref<1x640x128xf32, #tpu.memory_space<hbm>>
      %dma_start3A_70 = tpu.memref_squeeze %dma_start3A_69 : memref<1x640x128xf32, #tpu.memory_space<hbm>> -> memref<640x128xf32, #tpu.memory_space<hbm>>
      %dma_start3A_71 = arith.constant 0 : i32
      %dma_start3A_72 = tpu.memref_slice %arg17[%mul3A_6, %dma_start3A_71] : memref<10240x128xf32, #tpu.memory_space<vmem_shared>> -> memref<640x128xf32, #tpu.memory_space<vmem_shared>>
      tpu.enqueue_dma source(%dma_start3A_72 : memref<640x128xf32, #tpu.memory_space<vmem_shared>>) target(%dma_start3A_70 : memref<640x128xf32, #tpu.memory_space<hbm>>) target_semaphore(%run_scoped3A : memref<!tpu.dma_semaphore, #tpu.memory_space<semaphore_mem>>)
      %dma_wait3A = arith.constant 0 : i32
      %dma_wait3A_73 = tpu.memref_slice %arg6[%arg0, %mul3A_6, %dma_wait3A] : memref<2x10240x128xf32, #tpu.memory_space<hbm>> -> memref<1x640x128xf32, #tpu.memory_space<hbm>>
      %dma_wait3A_74 = tpu.memref_squeeze %dma_wait3A_73 : memref<1x640x128xf32, #tpu.memory_space<hbm>> -> memref<640x128xf32, #tpu.memory_space<hbm>>
      %dma_wait3A_75 = arith.constant 0 : i32
      %dma_wait3A_76 = tpu.memref_slice %arg17[%mul3A_6, %dma_wait3A_75] : memref<10240x128xf32, #tpu.memory_space<vmem_shared>> -> memref<640x128xf32, #tpu.memory_space<vmem_shared>>
      tpu.wait_dma2 semaphore(%run_scoped3A : memref<!tpu.dma_semaphore, #tpu.memory_space<semaphore_mem>>) src(%dma_wait3A_76 : memref<640x128xf32, #tpu.memory_space<vmem_shared>>) dst(%dma_wait3A_74 : memref<640x128xf32, #tpu.memory_space<hbm>>)
      tpu.yield
    }) : () -> ()
    return
  }
}

#map = affine_map<(d0, d1) -> (0, 0)>
#map1 = affine_map<(d0, d1) -> (0)>
#map2 = affine_map<(d0, d1) -> (0, 0, 0)>
module attributes {stable_mosaic.version = 14 : i64} {
  func.func @k(%arg0: i32, %arg1: i32, %arg2: memref<10000x128xf32, #tpu.memory_space<hbm>>, %arg3: memref<160000x128xf32, #tpu.memory_space<hbm>>, %arg4: memref<320000xi32, #tpu.memory_space<hbm>>, %arg5: memref<320000xi32, #tpu.memory_space<hbm>>, %arg6: memref<2x10240x128xf32, #tpu.memory_space<hbm>>, %arg7: memref<80xi32, #tpu.memory_space<vmem>>, %arg8: memref<80xi32, #tpu.memory_space<vmem>>, %arg9: memref<80xi32, #tpu.memory_space<vmem>>, %arg10: memref<80xi32, #tpu.memory_space<vmem>>, %arg11: memref<80xi32, #tpu.memory_space<vmem>>, %arg12: memref<80xi32, #tpu.memory_space<vmem>>, %arg13: memref<80x128xf32, #tpu.memory_space<vmem>>, %arg14: memref<80x128xf32, #tpu.memory_space<vmem>>, %arg15: memref<80x128xf32, #tpu.memory_space<vmem>>, %arg16: memref<80x128xf32, #tpu.memory_space<vmem>>, %arg17: memref<10240x128xf32, #tpu.memory_space<vmem_shared>>, %arg18: memref<!tpu.dma_semaphore, #tpu.memory_space<semaphore_mem>>, %arg19: memref<!tpu.dma_semaphore, #tpu.memory_space<semaphore_mem>>, %arg20: memref<!tpu.dma_semaphore, #tpu.memory_space<semaphore_mem>>, %arg21: memref<!tpu.dma_semaphore, #tpu.memory_space<semaphore_mem>>, %arg22: memref<!tpu.dma_semaphore, #tpu.memory_space<semaphore_mem>>, %arg23: memref<!tpu.dma_semaphore, #tpu.memory_space<semaphore_mem>>) attributes {dimension_semantics = [#tpu.dimension_semantics<core_parallel>, #tpu.dimension_semantics<subcore_parallel>], iteration_bounds = array<i64: 2, 16>, scalar_prefetch = 0 : i64, scratch_operands = 17 : i64, tpu.core_type = #tpu.core_type<sc_vector_subcore>, window_params = [{transform_indices = #map}, {transform_indices = #map}, {transform_indices = #map1}, {transform_indices = #map1}, {transform_indices = #map2}]} {
    %mul3A = arith.constant 2 : i32
    %mul3A_0 = arith.muli %arg1, %mul3A : i32
    %add3A = arith.addi %mul3A_0, %arg0 : i32
    %scan3A = arith.constant 0 : i32
    %scan3A_1 = arith.constant 80 : i32
    %scan3A_2 = arith.addi %scan3A, %scan3A_1 : i32
    %scan3A_3 = arith.constant 1 : i32
    scf.for %scan3A_69 = %scan3A to %scan3A_2 step %scan3A_3  : i32 {
      %broadcast_in_dim3A = arith.constant 0.000000e+00 : f32
      %broadcast_in_dim3A_70 = vector.broadcast %broadcast_in_dim3A : f32 to vector<16xf32>
      %swap3A = arith.index_cast %scan3A_69 : i32 to index
      %swap3A_71 = arith.constant 0 : index
      %swap3A_72 = tpu.vector_load %arg13[%swap3A, %swap3A_71] {strides = array<i32>} : memref<80x128xf32, #tpu.memory_space<vmem>>, vector<16xf32>,
      tpu.vector_store %arg13[%swap3A, %swap3A_71], %broadcast_in_dim3A_70 {strides = array<i32>} : memref<80x128xf32, #tpu.memory_space<vmem>>, vector<16xf32>,
      %broadcast_in_dim3A_73 = arith.constant 0.000000e+00 : f32
      %broadcast_in_dim3A_74 = vector.broadcast %broadcast_in_dim3A_73 : f32 to vector<16xf32>
      %swap3A_75 = arith.index_cast %scan3A_69 : i32 to index
      %swap3A_76 = arith.constant 16 : index
      %swap3A_77 = tpu.vector_load %arg13[%swap3A_75, %swap3A_76] {strides = array<i32>} : memref<80x128xf32, #tpu.memory_space<vmem>>, vector<16xf32>,
      tpu.vector_store %arg13[%swap3A_75, %swap3A_76], %broadcast_in_dim3A_74 {strides = array<i32>} : memref<80x128xf32, #tpu.memory_space<vmem>>, vector<16xf32>,
      %broadcast_in_dim3A_78 = arith.constant 0.000000e+00 : f32
      %broadcast_in_dim3A_79 = vector.broadcast %broadcast_in_dim3A_78 : f32 to vector<16xf32>
      %swap3A_80 = arith.index_cast %scan3A_69 : i32 to index
      %swap3A_81 = arith.constant 32 : index
      %swap3A_82 = tpu.vector_load %arg13[%swap3A_80, %swap3A_81] {strides = array<i32>} : memref<80x128xf32, #tpu.memory_space<vmem>>, vector<16xf32>,
      tpu.vector_store %arg13[%swap3A_80, %swap3A_81], %broadcast_in_dim3A_79 {strides = array<i32>} : memref<80x128xf32, #tpu.memory_space<vmem>>, vector<16xf32>,
      %broadcast_in_dim3A_83 = arith.constant 0.000000e+00 : f32
      %broadcast_in_dim3A_84 = vector.broadcast %broadcast_in_dim3A_83 : f32 to vector<16xf32>
      %swap3A_85 = arith.index_cast %scan3A_69 : i32 to index
      %swap3A_86 = arith.constant 48 : index
      %swap3A_87 = tpu.vector_load %arg13[%swap3A_85, %swap3A_86] {strides = array<i32>} : memref<80x128xf32, #tpu.memory_space<vmem>>, vector<16xf32>,
      tpu.vector_store %arg13[%swap3A_85, %swap3A_86], %broadcast_in_dim3A_84 {strides = array<i32>} : memref<80x128xf32, #tpu.memory_space<vmem>>, vector<16xf32>,
      %broadcast_in_dim3A_88 = arith.constant 0.000000e+00 : f32
      %broadcast_in_dim3A_89 = vector.broadcast %broadcast_in_dim3A_88 : f32 to vector<16xf32>
      %swap3A_90 = arith.index_cast %scan3A_69 : i32 to index
      %swap3A_91 = arith.constant 64 : index
      %swap3A_92 = tpu.vector_load %arg13[%swap3A_90, %swap3A_91] {strides = array<i32>} : memref<80x128xf32, #tpu.memory_space<vmem>>, vector<16xf32>,
      tpu.vector_store %arg13[%swap3A_90, %swap3A_91], %broadcast_in_dim3A_89 {strides = array<i32>} : memref<80x128xf32, #tpu.memory_space<vmem>>, vector<16xf32>,
      %broadcast_in_dim3A_93 = arith.constant 0.000000e+00 : f32
      %broadcast_in_dim3A_94 = vector.broadcast %broadcast_in_dim3A_93 : f32 to vector<16xf32>
      %swap3A_95 = arith.index_cast %scan3A_69 : i32 to index
      %swap3A_96 = arith.constant 80 : index
      %swap3A_97 = tpu.vector_load %arg13[%swap3A_95, %swap3A_96] {strides = array<i32>} : memref<80x128xf32, #tpu.memory_space<vmem>>, vector<16xf32>,
      tpu.vector_store %arg13[%swap3A_95, %swap3A_96], %broadcast_in_dim3A_94 {strides = array<i32>} : memref<80x128xf32, #tpu.memory_space<vmem>>, vector<16xf32>,
      %broadcast_in_dim3A_98 = arith.constant 0.000000e+00 : f32
      %broadcast_in_dim3A_99 = vector.broadcast %broadcast_in_dim3A_98 : f32 to vector<16xf32>
      %swap3A_100 = arith.index_cast %scan3A_69 : i32 to index
      %swap3A_101 = arith.constant 96 : index
      %swap3A_102 = tpu.vector_load %arg13[%swap3A_100, %swap3A_101] {strides = array<i32>} : memref<80x128xf32, #tpu.memory_space<vmem>>, vector<16xf32>,
      tpu.vector_store %arg13[%swap3A_100, %swap3A_101], %broadcast_in_dim3A_99 {strides = array<i32>} : memref<80x128xf32, #tpu.memory_space<vmem>>, vector<16xf32>,
      %broadcast_in_dim3A_103 = arith.constant 0.000000e+00 : f32
      %broadcast_in_dim3A_104 = vector.broadcast %broadcast_in_dim3A_103 : f32 to vector<16xf32>
      %swap3A_105 = arith.index_cast %scan3A_69 : i32 to index
      %swap3A_106 = arith.constant 112 : index
      %swap3A_107 = tpu.vector_load %arg13[%swap3A_105, %swap3A_106] {strides = array<i32>} : memref<80x128xf32, #tpu.memory_space<vmem>>, vector<16xf32>,
      tpu.vector_store %arg13[%swap3A_105, %swap3A_106], %broadcast_in_dim3A_104 {strides = array<i32>} : memref<80x128xf32, #tpu.memory_space<vmem>>, vector<16xf32>,
    }
    %scan3A_4 = arith.constant 80 : i32
    %mul3A_5 = arith.constant 640 : i32
    %mul3A_6 = arith.muli %arg1, %mul3A_5 : i32
    %add3A_7 = arith.constant 0 : i32
    %add3A_8 = arith.addi %mul3A_6, %add3A_7 : i32
    "tpu.region"() ({
      %run_scoped3A = tpu.sem_alloc : memref<!tpu.dma_semaphore, #tpu.memory_space<semaphore_mem>>
      %dma_start3A = arith.constant 0 : i32
      %dma_start3A_69 = tpu.memref_slice %arg17[%add3A_8, %dma_start3A] : memref<10240x128xf32, #tpu.memory_space<vmem_shared>> -> memref<80x128xf32, #tpu.memory_space<vmem_shared>>
      %dma_start3A_70 = arith.constant 0 : i32
      %dma_start3A_71 = tpu.memref_slice %arg17[%add3A_8, %dma_start3A_70] : memref<10240x128xf32, #tpu.memory_space<vmem_shared>> -> memref<80x128xf32, #tpu.memory_space<vmem_shared>>
      tpu.enqueue_dma source(%arg13 : memref<80x128xf32, #tpu.memory_space<vmem>>) target(%dma_start3A_71 : memref<80x128xf32, #tpu.memory_space<vmem_shared>>) target_semaphore(%run_scoped3A : memref<!tpu.dma_semaphore, #tpu.memory_space<semaphore_mem>>)
      %dma_wait3A = arith.constant 0 : i32
      %dma_wait3A_72 = tpu.memref_slice %arg17[%add3A_8, %dma_wait3A] : memref<10240x128xf32, #tpu.memory_space<vmem_shared>> -> memref<80x128xf32, #tpu.memory_space<vmem_shared>>
      %dma_wait3A_73 = arith.constant 0 : i32
      %dma_wait3A_74 = tpu.memref_slice %arg17[%add3A_8, %dma_wait3A_73] : memref<10240x128xf32, #tpu.memory_space<vmem_shared>> -> memref<80x128xf32, #tpu.memory_space<vmem_shared>>
      tpu.wait_dma2 semaphore(%run_scoped3A : memref<!tpu.dma_semaphore, #tpu.memory_space<semaphore_mem>>) src(%arg13 : memref<80x128xf32, #tpu.memory_space<vmem>>) dst(%dma_wait3A_74 : memref<80x128xf32, #tpu.memory_space<vmem_shared>>)
      tpu.yield
    }) : () -> ()
    %add3A_9 = arith.constant 80 : i32
    %add3A_10 = arith.addi %mul3A_6, %add3A_9 : i32
    "tpu.region"() ({
      %run_scoped3A = tpu.sem_alloc : memref<!tpu.dma_semaphore, #tpu.memory_space<semaphore_mem>>
      %dma_start3A = arith.constant 0 : i32
      %dma_start3A_69 = tpu.memref_slice %arg17[%add3A_10, %dma_start3A] : memref<10240x128xf32, #tpu.memory_space<vmem_shared>> -> memref<80x128xf32, #tpu.memory_space<vmem_shared>>
      %dma_start3A_70 = arith.constant 0 : i32
      %dma_start3A_71 = tpu.memref_slice %arg17[%add3A_10, %dma_start3A_70] : memref<10240x128xf32, #tpu.memory_space<vmem_shared>> -> memref<80x128xf32, #tpu.memory_space<vmem_shared>>
      tpu.enqueue_dma source(%arg13 : memref<80x128xf32, #tpu.memory_space<vmem>>) target(%dma_start3A_71 : memref<80x128xf32, #tpu.memory_space<vmem_shared>>) target_semaphore(%run_scoped3A : memref<!tpu.dma_semaphore, #tpu.memory_space<semaphore_mem>>)
      %dma_wait3A = arith.constant 0 : i32
      %dma_wait3A_72 = tpu.memref_slice %arg17[%add3A_10, %dma_wait3A] : memref<10240x128xf32, #tpu.memory_space<vmem_shared>> -> memref<80x128xf32, #tpu.memory_space<vmem_shared>>
      %dma_wait3A_73 = arith.constant 0 : i32
      %dma_wait3A_74 = tpu.memref_slice %arg17[%add3A_10, %dma_wait3A_73] : memref<10240x128xf32, #tpu.memory_space<vmem_shared>> -> memref<80x128xf32, #tpu.memory_space<vmem_shared>>
      tpu.wait_dma2 semaphore(%run_scoped3A : memref<!tpu.dma_semaphore, #tpu.memory_space<semaphore_mem>>) src(%arg13 : memref<80x128xf32, #tpu.memory_space<vmem>>) dst(%dma_wait3A_74 : memref<80x128xf32, #tpu.memory_space<vmem_shared>>)
      tpu.yield
    }) : () -> ()
    %add3A_11 = arith.constant 160 : i32
    %add3A_12 = arith.addi %mul3A_6, %add3A_11 : i32
    "tpu.region"() ({
      %run_scoped3A = tpu.sem_alloc : memref<!tpu.dma_semaphore, #tpu.memory_space<semaphore_mem>>
      %dma_start3A = arith.constant 0 : i32
      %dma_start3A_69 = tpu.memref_slice %arg17[%add3A_12, %dma_start3A] : memref<10240x128xf32, #tpu.memory_space<vmem_shared>> -> memref<80x128xf32, #tpu.memory_space<vmem_shared>>
      %dma_start3A_70 = arith.constant 0 : i32
      %dma_start3A_71 = tpu.memref_slice %arg17[%add3A_12, %dma_start3A_70] : memref<10240x128xf32, #tpu.memory_space<vmem_shared>> -> memref<80x128xf32, #tpu.memory_space<vmem_shared>>
      tpu.enqueue_dma source(%arg13 : memref<80x128xf32, #tpu.memory_space<vmem>>) target(%dma_start3A_71 : memref<80x128xf32, #tpu.memory_space<vmem_shared>>) target_semaphore(%run_scoped3A : memref<!tpu.dma_semaphore, #tpu.memory_space<semaphore_mem>>)
      %dma_wait3A = arith.constant 0 : i32
      %dma_wait3A_72 = tpu.memref_slice %arg17[%add3A_12, %dma_wait3A] : memref<10240x128xf32, #tpu.memory_space<vmem_shared>> -> memref<80x128xf32, #tpu.memory_space<vmem_shared>>
      %dma_wait3A_73 = arith.constant 0 : i32
      %dma_wait3A_74 = tpu.memref_slice %arg17[%add3A_12, %dma_wait3A_73] : memref<10240x128xf32, #tpu.memory_space<vmem_shared>> -> memref<80x128xf32, #tpu.memory_space<vmem_shared>>
      tpu.wait_dma2 semaphore(%run_scoped3A : memref<!tpu.dma_semaphore, #tpu.memory_space<semaphore_mem>>) src(%arg13 : memref<80x128xf32, #tpu.memory_space<vmem>>) dst(%dma_wait3A_74 : memref<80x128xf32, #tpu.memory_space<vmem_shared>>)
      tpu.yield
    }) : () -> ()
    %add3A_13 = arith.constant 240 : i32
    %add3A_14 = arith.addi %mul3A_6, %add3A_13 : i32
    "tpu.region"() ({
      %run_scoped3A = tpu.sem_alloc : memref<!tpu.dma_semaphore, #tpu.memory_space<semaphore_mem>>
      %dma_start3A = arith.constant 0 : i32
      %dma_start3A_69 = tpu.memref_slice %arg17[%add3A_14, %dma_start3A] : memref<10240x128xf32, #tpu.memory_space<vmem_shared>> -> memref<80x128xf32, #tpu.memory_space<vmem_shared>>
      %dma_start3A_70 = arith.constant 0 : i32
      %dma_start3A_71 = tpu.memref_slice %arg17[%add3A_14, %dma_start3A_70] : memref<10240x128xf32, #tpu.memory_space<vmem_shared>> -> memref<80x128xf32, #tpu.memory_space<vmem_shared>>
      tpu.enqueue_dma source(%arg13 : memref<80x128xf32, #tpu.memory_space<vmem>>) target(%dma_start3A_71 : memref<80x128xf32, #tpu.memory_space<vmem_shared>>) target_semaphore(%run_scoped3A : memref<!tpu.dma_semaphore, #tpu.memory_space<semaphore_mem>>)
      %dma_wait3A = arith.constant 0 : i32
      %dma_wait3A_72 = tpu.memref_slice %arg17[%add3A_14, %dma_wait3A] : memref<10240x128xf32, #tpu.memory_space<vmem_shared>> -> memref<80x128xf32, #tpu.memory_space<vmem_shared>>
      %dma_wait3A_73 = arith.constant 0 : i32
      %dma_wait3A_74 = tpu.memref_slice %arg17[%add3A_14, %dma_wait3A_73] : memref<10240x128xf32, #tpu.memory_space<vmem_shared>> -> memref<80x128xf32, #tpu.memory_space<vmem_shared>>
      tpu.wait_dma2 semaphore(%run_scoped3A : memref<!tpu.dma_semaphore, #tpu.memory_space<semaphore_mem>>) src(%arg13 : memref<80x128xf32, #tpu.memory_space<vmem>>) dst(%dma_wait3A_74 : memref<80x128xf32, #tpu.memory_space<vmem_shared>>)
      tpu.yield
    }) : () -> ()
    %add3A_15 = arith.constant 320 : i32
    %add3A_16 = arith.addi %mul3A_6, %add3A_15 : i32
    "tpu.region"() ({
      %run_scoped3A = tpu.sem_alloc : memref<!tpu.dma_semaphore, #tpu.memory_space<semaphore_mem>>
      %dma_start3A = arith.constant 0 : i32
      %dma_start3A_69 = tpu.memref_slice %arg17[%add3A_16, %dma_start3A] : memref<10240x128xf32, #tpu.memory_space<vmem_shared>> -> memref<80x128xf32, #tpu.memory_space<vmem_shared>>
      %dma_start3A_70 = arith.constant 0 : i32
      %dma_start3A_71 = tpu.memref_slice %arg17[%add3A_16, %dma_start3A_70] : memref<10240x128xf32, #tpu.memory_space<vmem_shared>> -> memref<80x128xf32, #tpu.memory_space<vmem_shared>>
      tpu.enqueue_dma source(%arg13 : memref<80x128xf32, #tpu.memory_space<vmem>>) target(%dma_start3A_71 : memref<80x128xf32, #tpu.memory_space<vmem_shared>>) target_semaphore(%run_scoped3A : memref<!tpu.dma_semaphore, #tpu.memory_space<semaphore_mem>>)
      %dma_wait3A = arith.constant 0 : i32
      %dma_wait3A_72 = tpu.memref_slice %arg17[%add3A_16, %dma_wait3A] : memref<10240x128xf32, #tpu.memory_space<vmem_shared>> -> memref<80x128xf32, #tpu.memory_space<vmem_shared>>
      %dma_wait3A_73 = arith.constant 0 : i32
      %dma_wait3A_74 = tpu.memref_slice %arg17[%add3A_16, %dma_wait3A_73] : memref<10240x128xf32, #tpu.memory_space<vmem_shared>> -> memref<80x128xf32, #tpu.memory_space<vmem_shared>>
      tpu.wait_dma2 semaphore(%run_scoped3A : memref<!tpu.dma_semaphore, #tpu.memory_space<semaphore_mem>>) src(%arg13 : memref<80x128xf32, #tpu.memory_space<vmem>>) dst(%dma_wait3A_74 : memref<80x128xf32, #tpu.memory_space<vmem_shared>>)
      tpu.yield
    }) : () -> ()
    %add3A_17 = arith.constant 400 : i32
    %add3A_18 = arith.addi %mul3A_6, %add3A_17 : i32
    "tpu.region"() ({
      %run_scoped3A = tpu.sem_alloc : memref<!tpu.dma_semaphore, #tpu.memory_space<semaphore_mem>>
      %dma_start3A = arith.constant 0 : i32
      %dma_start3A_69 = tpu.memref_slice %arg17[%add3A_18, %dma_start3A] : memref<10240x128xf32, #tpu.memory_space<vmem_shared>> -> memref<80x128xf32, #tpu.memory_space<vmem_shared>>
      %dma_start3A_70 = arith.constant 0 : i32
      %dma_start3A_71 = tpu.memref_slice %arg17[%add3A_18, %dma_start3A_70] : memref<10240x128xf32, #tpu.memory_space<vmem_shared>> -> memref<80x128xf32, #tpu.memory_space<vmem_shared>>
      tpu.enqueue_dma source(%arg13 : memref<80x128xf32, #tpu.memory_space<vmem>>) target(%dma_start3A_71 : memref<80x128xf32, #tpu.memory_space<vmem_shared>>) target_semaphore(%run_scoped3A : memref<!tpu.dma_semaphore, #tpu.memory_space<semaphore_mem>>)
      %dma_wait3A = arith.constant 0 : i32
      %dma_wait3A_72 = tpu.memref_slice %arg17[%add3A_18, %dma_wait3A] : memref<10240x128xf32, #tpu.memory_space<vmem_shared>> -> memref<80x128xf32, #tpu.memory_space<vmem_shared>>
      %dma_wait3A_73 = arith.constant 0 : i32
      %dma_wait3A_74 = tpu.memref_slice %arg17[%add3A_18, %dma_wait3A_73] : memref<10240x128xf32, #tpu.memory_space<vmem_shared>> -> memref<80x128xf32, #tpu.memory_space<vmem_shared>>
      tpu.wait_dma2 semaphore(%run_scoped3A : memref<!tpu.dma_semaphore, #tpu.memory_space<semaphore_mem>>) src(%arg13 : memref<80x128xf32, #tpu.memory_space<vmem>>) dst(%dma_wait3A_74 : memref<80x128xf32, #tpu.memory_space<vmem_shared>>)
      tpu.yield
    }) : () -> ()
    %add3A_19 = arith.constant 480 : i32
    %add3A_20 = arith.addi %mul3A_6, %add3A_19 : i32
    "tpu.region"() ({
      %run_scoped3A = tpu.sem_alloc : memref<!tpu.dma_semaphore, #tpu.memory_space<semaphore_mem>>
      %dma_start3A = arith.constant 0 : i32
      %dma_start3A_69 = tpu.memref_slice %arg17[%add3A_20, %dma_start3A] : memref<10240x128xf32, #tpu.memory_space<vmem_shared>> -> memref<80x128xf32, #tpu.memory_space<vmem_shared>>
      %dma_start3A_70 = arith.constant 0 : i32
      %dma_start3A_71 = tpu.memref_slice %arg17[%add3A_20, %dma_start3A_70] : memref<10240x128xf32, #tpu.memory_space<vmem_shared>> -> memref<80x128xf32, #tpu.memory_space<vmem_shared>>
      tpu.enqueue_dma source(%arg13 : memref<80x128xf32, #tpu.memory_space<vmem>>) target(%dma_start3A_71 : memref<80x128xf32, #tpu.memory_space<vmem_shared>>) target_semaphore(%run_scoped3A : memref<!tpu.dma_semaphore, #tpu.memory_space<semaphore_mem>>)
      %dma_wait3A = arith.constant 0 : i32
      %dma_wait3A_72 = tpu.memref_slice %arg17[%add3A_20, %dma_wait3A] : memref<10240x128xf32, #tpu.memory_space<vmem_shared>> -> memref<80x128xf32, #tpu.memory_space<vmem_shared>>
      %dma_wait3A_73 = arith.constant 0 : i32
      %dma_wait3A_74 = tpu.memref_slice %arg17[%add3A_20, %dma_wait3A_73] : memref<10240x128xf32, #tpu.memory_space<vmem_shared>> -> memref<80x128xf32, #tpu.memory_space<vmem_shared>>
      tpu.wait_dma2 semaphore(%run_scoped3A : memref<!tpu.dma_semaphore, #tpu.memory_space<semaphore_mem>>) src(%arg13 : memref<80x128xf32, #tpu.memory_space<vmem>>) dst(%dma_wait3A_74 : memref<80x128xf32, #tpu.memory_space<vmem_shared>>)
      tpu.yield
    }) : () -> ()
    %add3A_21 = arith.constant 560 : i32
    %add3A_22 = arith.addi %mul3A_6, %add3A_21 : i32
    "tpu.region"() ({
      %run_scoped3A = tpu.sem_alloc : memref<!tpu.dma_semaphore, #tpu.memory_space<semaphore_mem>>
      %dma_start3A = arith.constant 0 : i32
      %dma_start3A_69 = tpu.memref_slice %arg17[%add3A_22, %dma_start3A] : memref<10240x128xf32, #tpu.memory_space<vmem_shared>> -> memref<80x128xf32, #tpu.memory_space<vmem_shared>>
      %dma_start3A_70 = arith.constant 0 : i32
      %dma_start3A_71 = tpu.memref_slice %arg17[%add3A_22, %dma_start3A_70] : memref<10240x128xf32, #tpu.memory_space<vmem_shared>> -> memref<80x128xf32, #tpu.memory_space<vmem_shared>>
      tpu.enqueue_dma source(%arg13 : memref<80x128xf32, #tpu.memory_space<vmem>>) target(%dma_start3A_71 : memref<80x128xf32, #tpu.memory_space<vmem_shared>>) target_semaphore(%run_scoped3A : memref<!tpu.dma_semaphore, #tpu.memory_space<semaphore_mem>>)
      %dma_wait3A = arith.constant 0 : i32
      %dma_wait3A_72 = tpu.memref_slice %arg17[%add3A_22, %dma_wait3A] : memref<10240x128xf32, #tpu.memory_space<vmem_shared>> -> memref<80x128xf32, #tpu.memory_space<vmem_shared>>
      %dma_wait3A_73 = arith.constant 0 : i32
      %dma_wait3A_74 = tpu.memref_slice %arg17[%add3A_22, %dma_wait3A_73] : memref<10240x128xf32, #tpu.memory_space<vmem_shared>> -> memref<80x128xf32, #tpu.memory_space<vmem_shared>>
      tpu.wait_dma2 semaphore(%run_scoped3A : memref<!tpu.dma_semaphore, #tpu.memory_space<semaphore_mem>>) src(%arg13 : memref<80x128xf32, #tpu.memory_space<vmem>>) dst(%dma_wait3A_74 : memref<80x128xf32, #tpu.memory_space<vmem_shared>>)
      tpu.yield
    }) : () -> ()
    %barrier3A = arith.constant 0 : index
    tpu.barrier barrier_id(%barrier3A)
    %add3A_23 = arith.constant 0 : i32
    %add3A_24 = arith.addi %add3A_23, %add3A : i32
    %lt3A = arith.constant 4000 : i32
    %lt3A_25 = arith.cmpi slt, %add3A_24, %lt3A : i32
    %convert_element_type3A = arith.extui %lt3A_25 : i1 to i32
    %cond3A = arith.constant 0 : i32
    %cond3A_26 = arith.cmpi ne, %convert_element_type3A, %cond3A : i32
    scf.if %cond3A_26 {
      %add3A_69 = arith.constant 0 : i32
      %add3A_70 = arith.addi %add3A_69, %add3A : i32
      %mul3A_71 = arith.constant 80 : i32
      %mul3A_72 = arith.muli %add3A_70, %mul3A_71 : i32
      %dma_start3A = tpu.memref_slice %arg5[%mul3A_72] : memref<320000xi32, #tpu.memory_space<hbm>> -> memref<80xi32, #tpu.memory_space<hbm>>
      %dma_start3A_73 = tpu.memref_slice %arg5[%mul3A_72] : memref<320000xi32, #tpu.memory_space<hbm>> -> memref<80xi32, #tpu.memory_space<hbm>>
      tpu.enqueue_dma source(%dma_start3A_73 : memref<80xi32, #tpu.memory_space<hbm>>) target(%arg9 : memref<80xi32, #tpu.memory_space<vmem>>) target_semaphore(%arg18 : memref<!tpu.dma_semaphore, #tpu.memory_space<semaphore_mem>>)
      %dma_start3A_74 = tpu.memref_slice %arg4[%mul3A_72] : memref<320000xi32, #tpu.memory_space<hbm>> -> memref<80xi32, #tpu.memory_space<hbm>>
      %dma_start3A_75 = tpu.memref_slice %arg4[%mul3A_72] : memref<320000xi32, #tpu.memory_space<hbm>> -> memref<80xi32, #tpu.memory_space<hbm>>
      tpu.enqueue_dma source(%dma_start3A_75 : memref<80xi32, #tpu.memory_space<hbm>>) target(%arg7 : memref<80xi32, #tpu.memory_space<vmem>>) target_semaphore(%arg18 : memref<!tpu.dma_semaphore, #tpu.memory_space<semaphore_mem>>)
    } else {
    }
    %add3A_27 = arith.constant 0 : i32
    %add3A_28 = arith.addi %add3A_27, %add3A : i32
    %lt3A_29 = arith.constant 4000 : i32
    %lt3A_30 = arith.cmpi slt, %add3A_28, %lt3A_29 : i32
    %convert_element_type3A_31 = arith.extui %lt3A_30 : i1 to i32
    %cond3A_32 = arith.constant 0 : i32
    %cond3A_33 = arith.cmpi ne, %convert_element_type3A_31, %cond3A_32 : i32
    scf.if %cond3A_33 {
      %dma_wait3A = arith.constant 0 : i32
      %dma_wait3A_69 = tpu.memref_slice %arg5[%dma_wait3A] : memref<320000xi32, #tpu.memory_space<hbm>> -> memref<80xi32, #tpu.memory_space<hbm>>
      %dma_wait3A_70 = arith.constant 0 : i32
      %dma_wait3A_71 = tpu.memref_slice %arg5[%dma_wait3A_70] : memref<320000xi32, #tpu.memory_space<hbm>> -> memref<80xi32, #tpu.memory_space<hbm>>
      tpu.wait_dma2 semaphore(%arg18 : memref<!tpu.dma_semaphore, #tpu.memory_space<semaphore_mem>>) src(%dma_wait3A_71 : memref<80xi32, #tpu.memory_space<hbm>>) dst(%arg9 : memref<80xi32, #tpu.memory_space<vmem>>)
      %dma_wait3A_72 = arith.constant 0 : i32
      %dma_wait3A_73 = tpu.memref_slice %arg4[%dma_wait3A_72] : memref<320000xi32, #tpu.memory_space<hbm>> -> memref<80xi32, #tpu.memory_space<hbm>>
      %dma_wait3A_74 = arith.constant 0 : i32
      %dma_wait3A_75 = tpu.memref_slice %arg4[%dma_wait3A_74] : memref<320000xi32, #tpu.memory_space<hbm>> -> memref<80xi32, #tpu.memory_space<hbm>>
      tpu.wait_dma2 semaphore(%arg18 : memref<!tpu.dma_semaphore, #tpu.memory_space<semaphore_mem>>) src(%dma_wait3A_75 : memref<80xi32, #tpu.memory_space<hbm>>) dst(%arg7 : memref<80xi32, #tpu.memory_space<vmem>>)
    } else {
    }
    %get3A = arith.constant 0 : index
    %get3A_34 = tpu.vector_load %arg9[%get3A] {strides = array<i32>} : memref<80xi32, #tpu.memory_space<vmem>>, vector<16xi32>,
    %reduce_min3A = arith.constant true
    %reduce_min3A_35 = vector.broadcast %reduce_min3A : i1 to vector<16xi1>
    %reduce_min3A_36 = arith.constant -2147483648 : i32
    %reduce_min3A_37 = vector.broadcast %reduce_min3A_36 : i32 to vector<16xi32>
    %reduce_min3A_38 = arith.xori %get3A_34, %reduce_min3A_37 : vector<16xi32>
    %reduce_min3A_39 = tpu.scan <min>, %reduce_min3A_38 masked %reduce_min3A_35 : vector<16xi32>, vector<16xi1> -> vector<16xi32>
    %reduce_min3A_40 = arith.xori %reduce_min3A_39, %reduce_min3A_37 : vector<16xi32>
    %reduce_min3A_41 = vector.extract %reduce_min3A_40[15] : i32 from vector<16xi32>
    %lt3A_42 = arith.constant 10000 : i32
    %lt3A_43 = arith.cmpi slt, %reduce_min3A_41, %lt3A_42 : i32
    %and3A = arith.andi %lt3A_30, %lt3A_43 : i1
    %convert_element_type3A_44 = arith.extui %and3A : i1 to i32
    %cond3A_45 = arith.constant 0 : i32
    %cond3A_46 = arith.cmpi ne, %convert_element_type3A_44, %cond3A_45 : i32
    scf.if %cond3A_46 {
      %add3A_69 = arith.constant 0 : i32
      %add3A_70 = arith.addi %add3A_69, %add3A : i32
      %mul3A_71 = arith.constant 80 : i32
      %mul3A_72 = arith.muli %add3A_70, %mul3A_71 : i32
      %ge3A = arith.constant 160000 : i32
      %ge3A_73 = arith.cmpi sge, %mul3A_72, %ge3A : i32
      %sub3A = arith.constant 160000 : i32
      %sub3A_74 = arith.subi %mul3A_72, %sub3A : i32
      %select_n3A = arith.select %ge3A_73, %sub3A_74, %mul3A_72 : i32
      %dma_start3A = arith.constant 0 : i32
      %dma_start3A_75 = arith.constant 0 : i32
      %dma_start3A_76 = tpu.memref_slice %arg2[%dma_start3A, %dma_start3A_75] : memref<10000x128xf32, #tpu.memory_space<hbm>> -> memref<10000x128xf32, #tpu.memory_space<hbm>>
      tpu.enqueue_indirect_dma source(%dma_start3A_76 : memref<10000x128xf32, #tpu.memory_space<hbm>>) target(%arg15 : memref<80x128xf32, #tpu.memory_space<vmem>>) offsets(%arg7 : memref<80xi32, #tpu.memory_space<vmem>>) semaphore(%arg20 : memref<!tpu.dma_semaphore, #tpu.memory_space<semaphore_mem>>)
      %dma_start3A_77 = arith.constant 0 : i32
      %dma_start3A_78 = tpu.memref_slice %arg3[%select_n3A, %dma_start3A_77] : memref<160000x128xf32, #tpu.memory_space<hbm>> -> memref<80x128xf32, #tpu.memory_space<hbm>>
      %dma_start3A_79 = arith.constant 0 : i32
      %dma_start3A_80 = tpu.memref_slice %arg3[%select_n3A, %dma_start3A_79] : memref<160000x128xf32, #tpu.memory_space<hbm>> -> memref<80x128xf32, #tpu.memory_space<hbm>>
      tpu.enqueue_dma source(%dma_start3A_80 : memref<80x128xf32, #tpu.memory_space<hbm>>) target(%arg13 : memref<80x128xf32, #tpu.memory_space<vmem>>) target_semaphore(%arg20 : memref<!tpu.dma_semaphore, #tpu.memory_space<semaphore_mem>>)
    } else {
    }
    %add3A_47 = arith.constant 32 : i32
    %add3A_48 = arith.addi %add3A_47, %add3A : i32
    %lt3A_49 = arith.constant 4000 : i32
    %lt3A_50 = arith.cmpi slt, %add3A_48, %lt3A_49 : i32
    %convert_element_type3A_51 = arith.extui %lt3A_50 : i1 to i32
    %cond3A_52 = arith.constant 0 : i32
    %cond3A_53 = arith.cmpi ne, %convert_element_type3A_51, %cond3A_52 : i32
    scf.if %cond3A_53 {
      %add3A_69 = arith.constant 32 : i32
      %add3A_70 = arith.addi %add3A_69, %add3A : i32
      %mul3A_71 = arith.constant 80 : i32
      %mul3A_72 = arith.muli %add3A_70, %mul3A_71 : i32
      %dma_start3A = tpu.memref_slice %arg5[%mul3A_72] : memref<320000xi32, #tpu.memory_space<hbm>> -> memref<80xi32, #tpu.memory_space<hbm>>
      %dma_start3A_73 = tpu.memref_slice %arg5[%mul3A_72] : memref<320000xi32, #tpu.memory_space<hbm>> -> memref<80xi32, #tpu.memory_space<hbm>>
      tpu.enqueue_dma source(%dma_start3A_73 : memref<80xi32, #tpu.memory_space<hbm>>) target(%arg10 : memref<80xi32, #tpu.memory_space<vmem>>) target_semaphore(%arg19 : memref<!tpu.dma_semaphore, #tpu.memory_space<semaphore_mem>>)
      %dma_start3A_74 = tpu.memref_slice %arg4[%mul3A_72] : memref<320000xi32, #tpu.memory_space<hbm>> -> memref<80xi32, #tpu.memory_space<hbm>>
      %dma_start3A_75 = tpu.memref_slice %arg4[%mul3A_72] : memref<320000xi32, #tpu.memory_space<hbm>> -> memref<80xi32, #tpu.memory_space<hbm>>
      tpu.enqueue_dma source(%dma_start3A_75 : memref<80xi32, #tpu.memory_space<hbm>>) target(%arg8 : memref<80xi32, #tpu.memory_space<vmem>>) target_semaphore(%arg19 : memref<!tpu.dma_semaphore, #tpu.memory_space<semaphore_mem>>)
    } else {
    }
    %and3A_54 = arith.constant false
    %and3A_55 = arith.andi %and3A, %and3A_54 : i1
    %scan3A_56 = arith.constant 0 : i32
    %scan3A_57 = arith.constant 63 : i32
    %scan3A_58 = arith.addi %scan3A_56, %scan3A_57 : i32
    %scan3A_59 = arith.constant 1 : i32
    %scan3A_60:2 = scf.for %scan3A_69 = %scan3A_56 to %scan3A_58 step %scan3A_59 iter_args(%scan3A_70 = %and3A, %scan3A_71 = %and3A_55) -> (i1, i1)  : i32 {
      %mul3A_72 = arith.constant 2 : i32
      %mul3A_73 = arith.muli %mul3A_72, %scan3A_69 : i32
      %convert_element_type3A_74 = arith.extui %scan3A_70 : i1 to i32
      %cond3A_75 = arith.constant 0 : i32
      %cond3A_76 = arith.cmpi ne, %convert_element_type3A_74, %cond3A_75 : i32
      scf.if %cond3A_76 {
        %dma_wait3A = arith.constant 0 : i32
        %dma_wait3A_158 = arith.constant 0 : i32
        %dma_wait3A_159 = tpu.memref_slice %arg2[%dma_wait3A, %dma_wait3A_158] : memref<10000x128xf32, #tpu.memory_space<hbm>> -> memref<10000x128xf32, #tpu.memory_space<hbm>>
        tpu.wait_indirect_dma semaphore(%arg20 : memref<!tpu.dma_semaphore, #tpu.memory_space<semaphore_mem>>) src(%dma_wait3A_159 : memref<10000x128xf32, #tpu.memory_space<hbm>>) dst(%arg15 : memref<80x128xf32, #tpu.memory_space<vmem>>)
        %dma_wait3A_160 = arith.constant 0 : i32
        %dma_wait3A_161 = arith.constant 0 : i32
        %dma_wait3A_162 = tpu.memref_slice %arg3[%dma_wait3A_160, %dma_wait3A_161] : memref<160000x128xf32, #tpu.memory_space<hbm>> -> memref<80x128xf32, #tpu.memory_space<hbm>>
        %dma_wait3A_163 = arith.constant 0 : i32
        %dma_wait3A_164 = arith.constant 0 : i32
        %dma_wait3A_165 = tpu.memref_slice %arg3[%dma_wait3A_163, %dma_wait3A_164] : memref<160000x128xf32, #tpu.memory_space<hbm>> -> memref<80x128xf32, #tpu.memory_space<hbm>>
        tpu.wait_dma2 semaphore(%arg20 : memref<!tpu.dma_semaphore, #tpu.memory_space<semaphore_mem>>) src(%dma_wait3A_165 : memref<80x128xf32, #tpu.memory_space<hbm>>) dst(%arg13 : memref<80x128xf32, #tpu.memory_space<vmem>>)
        %scan3A_166 = arith.constant 0 : i32
        %scan3A_167 = arith.constant 80 : i32
        %scan3A_168 = arith.addi %scan3A_166, %scan3A_167 : i32
        %scan3A_169 = arith.constant 1 : i32
        scf.for %scan3A_192 = %scan3A_166 to %scan3A_168 step %scan3A_169  : i32 {
          %get3A_193 = arith.index_cast %scan3A_192 : i32 to index
          %get3A_194 = arith.constant 0 : index
          %get3A_195 = tpu.vector_load %arg15[%get3A_193, %get3A_194] {strides = array<i32>} : memref<80x128xf32, #tpu.memory_space<vmem>>, vector<16xf32>,
          %get3A_196 = arith.index_cast %scan3A_192 : i32 to index
          %get3A_197 = arith.constant 0 : index
          %get3A_198 = tpu.vector_load %arg13[%get3A_196, %get3A_197] {strides = array<i32>} : memref<80x128xf32, #tpu.memory_space<vmem>>, vector<16xf32>,
          %mul3A_199 = arith.mulf %get3A_195, %get3A_198 : vector<16xf32>
          %swap3A_200 = arith.index_cast %scan3A_192 : i32 to index
          %swap3A_201 = arith.constant 0 : index
          %swap3A_202 = tpu.vector_load %arg15[%swap3A_200, %swap3A_201] {strides = array<i32>} : memref<80x128xf32, #tpu.memory_space<vmem>>, vector<16xf32>,
          tpu.vector_store %arg15[%swap3A_200, %swap3A_201], %mul3A_199 {strides = array<i32>} : memref<80x128xf32, #tpu.memory_space<vmem>>, vector<16xf32>,
          %get3A_203 = arith.index_cast %scan3A_192 : i32 to index
          %get3A_204 = arith.constant 16 : index
          %get3A_205 = tpu.vector_load %arg15[%get3A_203, %get3A_204] {strides = array<i32>} : memref<80x128xf32, #tpu.memory_space<vmem>>, vector<16xf32>,
          %get3A_206 = arith.index_cast %scan3A_192 : i32 to index
          %get3A_207 = arith.constant 16 : index
          %get3A_208 = tpu.vector_load %arg13[%get3A_206, %get3A_207] {strides = array<i32>} : memref<80x128xf32, #tpu.memory_space<vmem>>, vector<16xf32>,
          %mul3A_209 = arith.mulf %get3A_205, %get3A_208 : vector<16xf32>
          %swap3A_210 = arith.index_cast %scan3A_192 : i32 to index
          %swap3A_211 = arith.constant 16 : index
          %swap3A_212 = tpu.vector_load %arg15[%swap3A_210, %swap3A_211] {strides = array<i32>} : memref<80x128xf32, #tpu.memory_space<vmem>>, vector<16xf32>,
          tpu.vector_store %arg15[%swap3A_210, %swap3A_211], %mul3A_209 {strides = array<i32>} : memref<80x128xf32, #tpu.memory_space<vmem>>, vector<16xf32>,
          %get3A_213 = arith.index_cast %scan3A_192 : i32 to index
          %get3A_214 = arith.constant 32 : index
          %get3A_215 = tpu.vector_load %arg15[%get3A_213, %get3A_214] {strides = array<i32>} : memref<80x128xf32, #tpu.memory_space<vmem>>, vector<16xf32>,
          %get3A_216 = arith.index_cast %scan3A_192 : i32 to index
          %get3A_217 = arith.constant 32 : index
          %get3A_218 = tpu.vector_load %arg13[%get3A_216, %get3A_217] {strides = array<i32>} : memref<80x128xf32, #tpu.memory_space<vmem>>, vector<16xf32>,
          %mul3A_219 = arith.mulf %get3A_215, %get3A_218 : vector<16xf32>
          %swap3A_220 = arith.index_cast %scan3A_192 : i32 to index
          %swap3A_221 = arith.constant 32 : index
          %swap3A_222 = tpu.vector_load %arg15[%swap3A_220, %swap3A_221] {strides = array<i32>} : memref<80x128xf32, #tpu.memory_space<vmem>>, vector<16xf32>,
          tpu.vector_store %arg15[%swap3A_220, %swap3A_221], %mul3A_219 {strides = array<i32>} : memref<80x128xf32, #tpu.memory_space<vmem>>, vector<16xf32>,
          %get3A_223 = arith.index_cast %scan3A_192 : i32 to index
          %get3A_224 = arith.constant 48 : index
          %get3A_225 = tpu.vector_load %arg15[%get3A_223, %get3A_224] {strides = array<i32>} : memref<80x128xf32, #tpu.memory_space<vmem>>, vector<16xf32>,
          %get3A_226 = arith.index_cast %scan3A_192 : i32 to index
          %get3A_227 = arith.constant 48 : index
          %get3A_228 = tpu.vector_load %arg13[%get3A_226, %get3A_227] {strides = array<i32>} : memref<80x128xf32, #tpu.memory_space<vmem>>, vector<16xf32>,
          %mul3A_229 = arith.mulf %get3A_225, %get3A_228 : vector<16xf32>
          %swap3A_230 = arith.index_cast %scan3A_192 : i32 to index
          %swap3A_231 = arith.constant 48 : index
          %swap3A_232 = tpu.vector_load %arg15[%swap3A_230, %swap3A_231] {strides = array<i32>} : memref<80x128xf32, #tpu.memory_space<vmem>>, vector<16xf32>,
          tpu.vector_store %arg15[%swap3A_230, %swap3A_231], %mul3A_229 {strides = array<i32>} : memref<80x128xf32, #tpu.memory_space<vmem>>, vector<16xf32>,
          %get3A_233 = arith.index_cast %scan3A_192 : i32 to index
          %get3A_234 = arith.constant 64 : index
          %get3A_235 = tpu.vector_load %arg15[%get3A_233, %get3A_234] {strides = array<i32>} : memref<80x128xf32, #tpu.memory_space<vmem>>, vector<16xf32>,
          %get3A_236 = arith.index_cast %scan3A_192 : i32 to index
          %get3A_237 = arith.constant 64 : index
          %get3A_238 = tpu.vector_load %arg13[%get3A_236, %get3A_237] {strides = array<i32>} : memref<80x128xf32, #tpu.memory_space<vmem>>, vector<16xf32>,
          %mul3A_239 = arith.mulf %get3A_235, %get3A_238 : vector<16xf32>
          %swap3A_240 = arith.index_cast %scan3A_192 : i32 to index
          %swap3A_241 = arith.constant 64 : index
          %swap3A_242 = tpu.vector_load %arg15[%swap3A_240, %swap3A_241] {strides = array<i32>} : memref<80x128xf32, #tpu.memory_space<vmem>>, vector<16xf32>,
          tpu.vector_store %arg15[%swap3A_240, %swap3A_241], %mul3A_239 {strides = array<i32>} : memref<80x128xf32, #tpu.memory_space<vmem>>, vector<16xf32>,
          %get3A_243 = arith.index_cast %scan3A_192 : i32 to index
          %get3A_244 = arith.constant 80 : index
          %get3A_245 = tpu.vector_load %arg15[%get3A_243, %get3A_244] {strides = array<i32>} : memref<80x128xf32, #tpu.memory_space<vmem>>, vector<16xf32>,
          %get3A_246 = arith.index_cast %scan3A_192 : i32 to index
          %get3A_247 = arith.constant 80 : index
          %get3A_248 = tpu.vector_load %arg13[%get3A_246, %get3A_247] {strides = array<i32>} : memref<80x128xf32, #tpu.memory_space<vmem>>, vector<16xf32>,
          %mul3A_249 = arith.mulf %get3A_245, %get3A_248 : vector<16xf32>
          %swap3A_250 = arith.index_cast %scan3A_192 : i32 to index
          %swap3A_251 = arith.constant 80 : index
          %swap3A_252 = tpu.vector_load %arg15[%swap3A_250, %swap3A_251] {strides = array<i32>} : memref<80x128xf32, #tpu.memory_space<vmem>>, vector<16xf32>,
          tpu.vector_store %arg15[%swap3A_250, %swap3A_251], %mul3A_249 {strides = array<i32>} : memref<80x128xf32, #tpu.memory_space<vmem>>, vector<16xf32>,
          %get3A_253 = arith.index_cast %scan3A_192 : i32 to index
          %get3A_254 = arith.constant 96 : index
          %get3A_255 = tpu.vector_load %arg15[%get3A_253, %get3A_254] {strides = array<i32>} : memref<80x128xf32, #tpu.memory_space<vmem>>, vector<16xf32>,
          %get3A_256 = arith.index_cast %scan3A_192 : i32 to index
          %get3A_257 = arith.constant 96 : index
          %get3A_258 = tpu.vector_load %arg13[%get3A_256, %get3A_257] {strides = array<i32>} : memref<80x128xf32, #tpu.memory_space<vmem>>, vector<16xf32>,
          %mul3A_259 = arith.mulf %get3A_255, %get3A_258 : vector<16xf32>
          %swap3A_260 = arith.index_cast %scan3A_192 : i32 to index
          %swap3A_261 = arith.constant 96 : index
          %swap3A_262 = tpu.vector_load %arg15[%swap3A_260, %swap3A_261] {strides = array<i32>} : memref<80x128xf32, #tpu.memory_space<vmem>>, vector<16xf32>,
          tpu.vector_store %arg15[%swap3A_260, %swap3A_261], %mul3A_259 {strides = array<i32>} : memref<80x128xf32, #tpu.memory_space<vmem>>, vector<16xf32>,
          %get3A_263 = arith.index_cast %scan3A_192 : i32 to index
          %get3A_264 = arith.constant 112 : index
          %get3A_265 = tpu.vector_load %arg15[%get3A_263, %get3A_264] {strides = array<i32>} : memref<80x128xf32, #tpu.memory_space<vmem>>, vector<16xf32>,
          %get3A_266 = arith.index_cast %scan3A_192 : i32 to index
          %get3A_267 = arith.constant 112 : index
          %get3A_268 = tpu.vector_load %arg13[%get3A_266, %get3A_267] {strides = array<i32>} : memref<80x128xf32, #tpu.memory_space<vmem>>, vector<16xf32>,
          %mul3A_269 = arith.mulf %get3A_265, %get3A_268 : vector<16xf32>
          %swap3A_270 = arith.index_cast %scan3A_192 : i32 to index
          %swap3A_271 = arith.constant 112 : index
          %swap3A_272 = tpu.vector_load %arg15[%swap3A_270, %swap3A_271] {strides = array<i32>} : memref<80x128xf32, #tpu.memory_space<vmem>>, vector<16xf32>,
          tpu.vector_store %arg15[%swap3A_270, %swap3A_271], %mul3A_269 {strides = array<i32>} : memref<80x128xf32, #tpu.memory_space<vmem>>, vector<16xf32>,
        }
        %scan3A_170 = arith.constant 80 : i32
        %get3A_171 = arith.constant 0 : index
        %get3A_172 = tpu.vector_load %arg9[%get3A_171] {strides = array<i32>} : memref<80xi32, #tpu.memory_space<vmem>>, vector<16xi32>,
        %swap3A = arith.constant 0 : index
        %swap3A_173 = tpu.vector_load %arg11[%swap3A] {strides = array<i32>} : memref<80xi32, #tpu.memory_space<vmem>>, vector<16xi32>,
        tpu.vector_store %arg11[%swap3A], %get3A_172 {strides = array<i32>} : memref<80xi32, #tpu.memory_space<vmem>>, vector<16xi32>,
        %get3A_174 = arith.constant 16 : index
        %get3A_175 = tpu.vector_load %arg9[%get3A_174] {strides = array<i32>} : memref<80xi32, #tpu.memory_space<vmem>>, vector<16xi32>,
        %swap3A_176 = arith.constant 16 : index
        %swap3A_177 = tpu.vector_load %arg11[%swap3A_176] {strides = array<i32>} : memref<80xi32, #tpu.memory_space<vmem>>, vector<16xi32>,
        tpu.vector_store %arg11[%swap3A_176], %get3A_175 {strides = array<i32>} : memref<80xi32, #tpu.memory_space<vmem>>, vector<16xi32>,
        %get3A_178 = arith.constant 32 : index
        %get3A_179 = tpu.vector_load %arg9[%get3A_178] {strides = array<i32>} : memref<80xi32, #tpu.memory_space<vmem>>, vector<16xi32>,
        %swap3A_180 = arith.constant 32 : index
        %swap3A_181 = tpu.vector_load %arg11[%swap3A_180] {strides = array<i32>} : memref<80xi32, #tpu.memory_space<vmem>>, vector<16xi32>,
        tpu.vector_store %arg11[%swap3A_180], %get3A_179 {strides = array<i32>} : memref<80xi32, #tpu.memory_space<vmem>>, vector<16xi32>,
        %get3A_182 = arith.constant 48 : index
        %get3A_183 = tpu.vector_load %arg9[%get3A_182] {strides = array<i32>} : memref<80xi32, #tpu.memory_space<vmem>>, vector<16xi32>,
        %swap3A_184 = arith.constant 48 : index
        %swap3A_185 = tpu.vector_load %arg11[%swap3A_184] {strides = array<i32>} : memref<80xi32, #tpu.memory_space<vmem>>, vector<16xi32>,
        tpu.vector_store %arg11[%swap3A_184], %get3A_183 {strides = array<i32>} : memref<80xi32, #tpu.memory_space<vmem>>, vector<16xi32>,
        %get3A_186 = arith.constant 64 : index
        %get3A_187 = tpu.vector_load %arg9[%get3A_186] {strides = array<i32>} : memref<80xi32, #tpu.memory_space<vmem>>, vector<16xi32>,
        %swap3A_188 = arith.constant 64 : index
        %swap3A_189 = tpu.vector_load %arg11[%swap3A_188] {strides = array<i32>} : memref<80xi32, #tpu.memory_space<vmem>>, vector<16xi32>,
        tpu.vector_store %arg11[%swap3A_188], %get3A_187 {strides = array<i32>} : memref<80xi32, #tpu.memory_space<vmem>>, vector<16xi32>,
        %dma_start3A = arith.constant 0 : i32
        %dma_start3A_190 = arith.constant 0 : i32
        %dma_start3A_191 = tpu.memref_slice %arg17[%dma_start3A, %dma_start3A_190] : memref<10240x128xf32, #tpu.memory_space<vmem_shared>> -> memref<10240x128xf32, #tpu.memory_space<vmem_shared>>
        tpu.enqueue_indirect_dma source(%arg15 : memref<80x128xf32, #tpu.memory_space<vmem>>) target(%dma_start3A_191 : memref<10240x128xf32, #tpu.memory_space<vmem_shared>>) offsets(%arg11 : memref<80xi32, #tpu.memory_space<vmem>>) semaphore(%arg22 : memref<!tpu.dma_semaphore, #tpu.memory_space<semaphore_mem>>) {add = true}
      } else {
      }
      %add3A_77 = arith.constant 1 : i32
      %add3A_78 = arith.addi %mul3A_73, %add3A_77 : i32
      %convert_element_type3A_79 = arith.extui %scan3A_71 : i1 to i32
      %cond3A_80 = arith.constant 0 : i32
      %cond3A_81 = arith.cmpi ne, %convert_element_type3A_79, %cond3A_80 : i32
      scf.if %cond3A_81 {
        %dma_wait3A = arith.constant 0 : i32
        %dma_wait3A_158 = arith.constant 0 : i32
        %dma_wait3A_159 = tpu.memref_slice %arg17[%dma_wait3A, %dma_wait3A_158] : memref<10240x128xf32, #tpu.memory_space<vmem_shared>> -> memref<10240x128xf32, #tpu.memory_space<vmem_shared>>
        tpu.wait_indirect_dma semaphore(%arg23 : memref<!tpu.dma_semaphore, #tpu.memory_space<semaphore_mem>>) src(%arg16 : memref<80x128xf32, #tpu.memory_space<vmem>>) dst(%dma_wait3A_159 : memref<10240x128xf32, #tpu.memory_space<vmem_shared>>)
      } else {
      }
      %mul3A_82 = arith.constant 32 : i32
      %mul3A_83 = arith.muli %add3A_78, %mul3A_82 : i32
      %add3A_84 = arith.addi %mul3A_83, %add3A : i32
      %lt3A_85 = arith.constant 4000 : i32
      %lt3A_86 = arith.cmpi slt, %add3A_84, %lt3A_85 : i32
      %convert_element_type3A_87 = arith.extui %lt3A_86 : i1 to i32
      %cond3A_88 = arith.constant 0 : i32
      %cond3A_89 = arith.cmpi ne, %convert_element_type3A_87, %cond3A_88 : i32
      scf.if %cond3A_89 {
        %dma_wait3A = arith.constant 0 : i32
        %dma_wait3A_158 = tpu.memref_slice %arg5[%dma_wait3A] : memref<320000xi32, #tpu.memory_space<hbm>> -> memref<80xi32, #tpu.memory_space<hbm>>
        %dma_wait3A_159 = arith.constant 0 : i32
        %dma_wait3A_160 = tpu.memref_slice %arg5[%dma_wait3A_159] : memref<320000xi32, #tpu.memory_space<hbm>> -> memref<80xi32, #tpu.memory_space<hbm>>
        tpu.wait_dma2 semaphore(%arg19 : memref<!tpu.dma_semaphore, #tpu.memory_space<semaphore_mem>>) src(%dma_wait3A_160 : memref<80xi32, #tpu.memory_space<hbm>>) dst(%arg10 : memref<80xi32, #tpu.memory_space<vmem>>)
        %dma_wait3A_161 = arith.constant 0 : i32
        %dma_wait3A_162 = tpu.memref_slice %arg4[%dma_wait3A_161] : memref<320000xi32, #tpu.memory_space<hbm>> -> memref<80xi32, #tpu.memory_space<hbm>>
        %dma_wait3A_163 = arith.constant 0 : i32
        %dma_wait3A_164 = tpu.memref_slice %arg4[%dma_wait3A_163] : memref<320000xi32, #tpu.memory_space<hbm>> -> memref<80xi32, #tpu.memory_space<hbm>>
        tpu.wait_dma2 semaphore(%arg19 : memref<!tpu.dma_semaphore, #tpu.memory_space<semaphore_mem>>) src(%dma_wait3A_164 : memref<80xi32, #tpu.memory_space<hbm>>) dst(%arg8 : memref<80xi32, #tpu.memory_space<vmem>>)
      } else {
      }
      %get3A_90 = arith.constant 0 : index
      %get3A_91 = tpu.vector_load %arg10[%get3A_90] {strides = array<i32>} : memref<80xi32, #tpu.memory_space<vmem>>, vector<16xi32>,
      %reduce_min3A_92 = arith.constant true
      %reduce_min3A_93 = vector.broadcast %reduce_min3A_92 : i1 to vector<16xi1>
      %reduce_min3A_94 = arith.constant -2147483648 : i32
      %reduce_min3A_95 = vector.broadcast %reduce_min3A_94 : i32 to vector<16xi32>
      %reduce_min3A_96 = arith.xori %get3A_91, %reduce_min3A_95 : vector<16xi32>
      %reduce_min3A_97 = tpu.scan <min>, %reduce_min3A_96 masked %reduce_min3A_93 : vector<16xi32>, vector<16xi1> -> vector<16xi32>
      %reduce_min3A_98 = arith.xori %reduce_min3A_97, %reduce_min3A_95 : vector<16xi32>
      %reduce_min3A_99 = vector.extract %reduce_min3A_98[15] : i32 from vector<16xi32>
      %lt3A_100 = arith.constant 10000 : i32
      %lt3A_101 = arith.cmpi slt, %reduce_min3A_99, %lt3A_100 : i32
      %and3A_102 = arith.andi %lt3A_86, %lt3A_101 : i1
      %convert_element_type3A_103 = arith.extui %and3A_102 : i1 to i32
      %cond3A_104 = arith.constant 0 : i32
      %cond3A_105 = arith.cmpi ne, %convert_element_type3A_103, %cond3A_104 : i32
      scf.if %cond3A_105 {
        %mul3A_158 = arith.constant 32 : i32
        %mul3A_159 = arith.muli %add3A_78, %mul3A_158 : i32
        %add3A_160 = arith.addi %mul3A_159, %add3A : i32
        %mul3A_161 = arith.constant 80 : i32
        %mul3A_162 = arith.muli %add3A_160, %mul3A_161 : i32
        %ge3A = arith.constant 160000 : i32
        %ge3A_163 = arith.cmpi sge, %mul3A_162, %ge3A : i32
        %sub3A = arith.constant 160000 : i32
        %sub3A_164 = arith.subi %mul3A_162, %sub3A : i32
        %select_n3A = arith.select %ge3A_163, %sub3A_164, %mul3A_162 : i32
        %dma_start3A = arith.constant 0 : i32
        %dma_start3A_165 = arith.constant 0 : i32
        %dma_start3A_166 = tpu.memref_slice %arg2[%dma_start3A, %dma_start3A_165] : memref<10000x128xf32, #tpu.memory_space<hbm>> -> memref<10000x128xf32, #tpu.memory_space<hbm>>
        tpu.enqueue_indirect_dma source(%dma_start3A_166 : memref<10000x128xf32, #tpu.memory_space<hbm>>) target(%arg16 : memref<80x128xf32, #tpu.memory_space<vmem>>) offsets(%arg8 : memref<80xi32, #tpu.memory_space<vmem>>) semaphore(%arg21 : memref<!tpu.dma_semaphore, #tpu.memory_space<semaphore_mem>>)
        %dma_start3A_167 = arith.constant 0 : i32
        %dma_start3A_168 = tpu.memref_slice %arg3[%select_n3A, %dma_start3A_167] : memref<160000x128xf32, #tpu.memory_space<hbm>> -> memref<80x128xf32, #tpu.memory_space<hbm>>
        %dma_start3A_169 = arith.constant 0 : i32
        %dma_start3A_170 = tpu.memref_slice %arg3[%select_n3A, %dma_start3A_169] : memref<160000x128xf32, #tpu.memory_space<hbm>> -> memref<80x128xf32, #tpu.memory_space<hbm>>
        tpu.enqueue_dma source(%dma_start3A_170 : memref<80x128xf32, #tpu.memory_space<hbm>>) target(%arg14 : memref<80x128xf32, #tpu.memory_space<vmem>>) target_semaphore(%arg21 : memref<!tpu.dma_semaphore, #tpu.memory_space<semaphore_mem>>)
      } else {
      }
      %add3A_106 = arith.constant 2 : i32
      %add3A_107 = arith.addi %mul3A_73, %add3A_106 : i32
      %mul3A_108 = arith.constant 32 : i32
      %mul3A_109 = arith.muli %add3A_107, %mul3A_108 : i32
      %add3A_110 = arith.addi %mul3A_109, %add3A : i32
      %lt3A_111 = arith.constant 4000 : i32
      %lt3A_112 = arith.cmpi slt, %add3A_110, %lt3A_111 : i32
      %convert_element_type3A_113 = arith.extui %lt3A_112 : i1 to i32
      %cond3A_114 = arith.constant 0 : i32
      %cond3A_115 = arith.cmpi ne, %convert_element_type3A_113, %cond3A_114 : i32
      scf.if %cond3A_115 {
        %mul3A_158 = arith.constant 32 : i32
        %mul3A_159 = arith.muli %add3A_107, %mul3A_158 : i32
        %add3A_160 = arith.addi %mul3A_159, %add3A : i32
        %mul3A_161 = arith.constant 80 : i32
        %mul3A_162 = arith.muli %add3A_160, %mul3A_161 : i32
        %dma_start3A = tpu.memref_slice %arg5[%mul3A_162] : memref<320000xi32, #tpu.memory_space<hbm>> -> memref<80xi32, #tpu.memory_space<hbm>>
        %dma_start3A_163 = tpu.memref_slice %arg5[%mul3A_162] : memref<320000xi32, #tpu.memory_space<hbm>> -> memref<80xi32, #tpu.memory_space<hbm>>
        tpu.enqueue_dma source(%dma_start3A_163 : memref<80xi32, #tpu.memory_space<hbm>>) target(%arg9 : memref<80xi32, #tpu.memory_space<vmem>>) target_semaphore(%arg18 : memref<!tpu.dma_semaphore, #tpu.memory_space<semaphore_mem>>)
        %dma_start3A_164 = tpu.memref_slice %arg4[%mul3A_162] : memref<320000xi32, #tpu.memory_space<hbm>> -> memref<80xi32, #tpu.memory_space<hbm>>
        %dma_start3A_165 = tpu.memref_slice %arg4[%mul3A_162] : memref<320000xi32, #tpu.memory_space<hbm>> -> memref<80xi32, #tpu.memory_space<hbm>>
        tpu.enqueue_dma source(%dma_start3A_165 : memref<80xi32, #tpu.memory_space<hbm>>) target(%arg7 : memref<80xi32, #tpu.memory_space<vmem>>) target_semaphore(%arg18 : memref<!tpu.dma_semaphore, #tpu.memory_space<semaphore_mem>>)
      } else {
      }
      %convert_element_type3A_116 = arith.extui %and3A_102 : i1 to i32
      %cond3A_117 = arith.constant 0 : i32
      %cond3A_118 = arith.cmpi ne, %convert_element_type3A_116, %cond3A_117 : i32
      scf.if %cond3A_118 {
        %dma_wait3A = arith.constant 0 : i32
        %dma_wait3A_158 = arith.constant 0 : i32
        %dma_wait3A_159 = tpu.memref_slice %arg2[%dma_wait3A, %dma_wait3A_158] : memref<10000x128xf32, #tpu.memory_space<hbm>> -> memref<10000x128xf32, #tpu.memory_space<hbm>>
        tpu.wait_indirect_dma semaphore(%arg21 : memref<!tpu.dma_semaphore, #tpu.memory_space<semaphore_mem>>) src(%dma_wait3A_159 : memref<10000x128xf32, #tpu.memory_space<hbm>>) dst(%arg16 : memref<80x128xf32, #tpu.memory_space<vmem>>)
        %dma_wait3A_160 = arith.constant 0 : i32
        %dma_wait3A_161 = arith.constant 0 : i32
        %dma_wait3A_162 = tpu.memref_slice %arg3[%dma_wait3A_160, %dma_wait3A_161] : memref<160000x128xf32, #tpu.memory_space<hbm>> -> memref<80x128xf32, #tpu.memory_space<hbm>>
        %dma_wait3A_163 = arith.constant 0 : i32
        %dma_wait3A_164 = arith.constant 0 : i32
        %dma_wait3A_165 = tpu.memref_slice %arg3[%dma_wait3A_163, %dma_wait3A_164] : memref<160000x128xf32, #tpu.memory_space<hbm>> -> memref<80x128xf32, #tpu.memory_space<hbm>>
        tpu.wait_dma2 semaphore(%arg21 : memref<!tpu.dma_semaphore, #tpu.memory_space<semaphore_mem>>) src(%dma_wait3A_165 : memref<80x128xf32, #tpu.memory_space<hbm>>) dst(%arg14 : memref<80x128xf32, #tpu.memory_space<vmem>>)
        %scan3A_166 = arith.constant 0 : i32
        %scan3A_167 = arith.constant 80 : i32
        %scan3A_168 = arith.addi %scan3A_166, %scan3A_167 : i32
        %scan3A_169 = arith.constant 1 : i32
        scf.for %scan3A_192 = %scan3A_166 to %scan3A_168 step %scan3A_169  : i32 {
          %get3A_193 = arith.index_cast %scan3A_192 : i32 to index
          %get3A_194 = arith.constant 0 : index
          %get3A_195 = tpu.vector_load %arg16[%get3A_193, %get3A_194] {strides = array<i32>} : memref<80x128xf32, #tpu.memory_space<vmem>>, vector<16xf32>,
          %get3A_196 = arith.index_cast %scan3A_192 : i32 to index
          %get3A_197 = arith.constant 0 : index
          %get3A_198 = tpu.vector_load %arg14[%get3A_196, %get3A_197] {strides = array<i32>} : memref<80x128xf32, #tpu.memory_space<vmem>>, vector<16xf32>,
          %mul3A_199 = arith.mulf %get3A_195, %get3A_198 : vector<16xf32>
          %swap3A_200 = arith.index_cast %scan3A_192 : i32 to index
          %swap3A_201 = arith.constant 0 : index
          %swap3A_202 = tpu.vector_load %arg16[%swap3A_200, %swap3A_201] {strides = array<i32>} : memref<80x128xf32, #tpu.memory_space<vmem>>, vector<16xf32>,
          tpu.vector_store %arg16[%swap3A_200, %swap3A_201], %mul3A_199 {strides = array<i32>} : memref<80x128xf32, #tpu.memory_space<vmem>>, vector<16xf32>,
          %get3A_203 = arith.index_cast %scan3A_192 : i32 to index
          %get3A_204 = arith.constant 16 : index
          %get3A_205 = tpu.vector_load %arg16[%get3A_203, %get3A_204] {strides = array<i32>} : memref<80x128xf32, #tpu.memory_space<vmem>>, vector<16xf32>,
          %get3A_206 = arith.index_cast %scan3A_192 : i32 to index
          %get3A_207 = arith.constant 16 : index
          %get3A_208 = tpu.vector_load %arg14[%get3A_206, %get3A_207] {strides = array<i32>} : memref<80x128xf32, #tpu.memory_space<vmem>>, vector<16xf32>,
          %mul3A_209 = arith.mulf %get3A_205, %get3A_208 : vector<16xf32>
          %swap3A_210 = arith.index_cast %scan3A_192 : i32 to index
          %swap3A_211 = arith.constant 16 : index
          %swap3A_212 = tpu.vector_load %arg16[%swap3A_210, %swap3A_211] {strides = array<i32>} : memref<80x128xf32, #tpu.memory_space<vmem>>, vector<16xf32>,
          tpu.vector_store %arg16[%swap3A_210, %swap3A_211], %mul3A_209 {strides = array<i32>} : memref<80x128xf32, #tpu.memory_space<vmem>>, vector<16xf32>,
          %get3A_213 = arith.index_cast %scan3A_192 : i32 to index
          %get3A_214 = arith.constant 32 : index
          %get3A_215 = tpu.vector_load %arg16[%get3A_213, %get3A_214] {strides = array<i32>} : memref<80x128xf32, #tpu.memory_space<vmem>>, vector<16xf32>,
          %get3A_216 = arith.index_cast %scan3A_192 : i32 to index
          %get3A_217 = arith.constant 32 : index
          %get3A_218 = tpu.vector_load %arg14[%get3A_216, %get3A_217] {strides = array<i32>} : memref<80x128xf32, #tpu.memory_space<vmem>>, vector<16xf32>,
          %mul3A_219 = arith.mulf %get3A_215, %get3A_218 : vector<16xf32>
          %swap3A_220 = arith.index_cast %scan3A_192 : i32 to index
          %swap3A_221 = arith.constant 32 : index
          %swap3A_222 = tpu.vector_load %arg16[%swap3A_220, %swap3A_221] {strides = array<i32>} : memref<80x128xf32, #tpu.memory_space<vmem>>, vector<16xf32>,
          tpu.vector_store %arg16[%swap3A_220, %swap3A_221], %mul3A_219 {strides = array<i32>} : memref<80x128xf32, #tpu.memory_space<vmem>>, vector<16xf32>,
          %get3A_223 = arith.index_cast %scan3A_192 : i32 to index
          %get3A_224 = arith.constant 48 : index
          %get3A_225 = tpu.vector_load %arg16[%get3A_223, %get3A_224] {strides = array<i32>} : memref<80x128xf32, #tpu.memory_space<vmem>>, vector<16xf32>,
          %get3A_226 = arith.index_cast %scan3A_192 : i32 to index
          %get3A_227 = arith.constant 48 : index
          %get3A_228 = tpu.vector_load %arg14[%get3A_226, %get3A_227] {strides = array<i32>} : memref<80x128xf32, #tpu.memory_space<vmem>>, vector<16xf32>,
          %mul3A_229 = arith.mulf %get3A_225, %get3A_228 : vector<16xf32>
          %swap3A_230 = arith.index_cast %scan3A_192 : i32 to index
          %swap3A_231 = arith.constant 48 : index
          %swap3A_232 = tpu.vector_load %arg16[%swap3A_230, %swap3A_231] {strides = array<i32>} : memref<80x128xf32, #tpu.memory_space<vmem>>, vector<16xf32>,
          tpu.vector_store %arg16[%swap3A_230, %swap3A_231], %mul3A_229 {strides = array<i32>} : memref<80x128xf32, #tpu.memory_space<vmem>>, vector<16xf32>,
          %get3A_233 = arith.index_cast %scan3A_192 : i32 to index
          %get3A_234 = arith.constant 64 : index
          %get3A_235 = tpu.vector_load %arg16[%get3A_233, %get3A_234] {strides = array<i32>} : memref<80x128xf32, #tpu.memory_space<vmem>>, vector<16xf32>,
          %get3A_236 = arith.index_cast %scan3A_192 : i32 to index
          %get3A_237 = arith.constant 64 : index
          %get3A_238 = tpu.vector_load %arg14[%get3A_236, %get3A_237] {strides = array<i32>} : memref<80x128xf32, #tpu.memory_space<vmem>>, vector<16xf32>,
          %mul3A_239 = arith.mulf %get3A_235, %get3A_238 : vector<16xf32>
          %swap3A_240 = arith.index_cast %scan3A_192 : i32 to index
          %swap3A_241 = arith.constant 64 : index
          %swap3A_242 = tpu.vector_load %arg16[%swap3A_240, %swap3A_241] {strides = array<i32>} : memref<80x128xf32, #tpu.memory_space<vmem>>, vector<16xf32>,
          tpu.vector_store %arg16[%swap3A_240, %swap3A_241], %mul3A_239 {strides = array<i32>} : memref<80x128xf32, #tpu.memory_space<vmem>>, vector<16xf32>,
          %get3A_243 = arith.index_cast %scan3A_192 : i32 to index
          %get3A_244 = arith.constant 80 : index
          %get3A_245 = tpu.vector_load %arg16[%get3A_243, %get3A_244] {strides = array<i32>} : memref<80x128xf32, #tpu.memory_space<vmem>>, vector<16xf32>,
          %get3A_246 = arith.index_cast %scan3A_192 : i32 to index
          %get3A_247 = arith.constant 80 : index
          %get3A_248 = tpu.vector_load %arg14[%get3A_246, %get3A_247] {strides = array<i32>} : memref<80x128xf32, #tpu.memory_space<vmem>>, vector<16xf32>,
          %mul3A_249 = arith.mulf %get3A_245, %get3A_248 : vector<16xf32>
          %swap3A_250 = arith.index_cast %scan3A_192 : i32 to index
          %swap3A_251 = arith.constant 80 : index
          %swap3A_252 = tpu.vector_load %arg16[%swap3A_250, %swap3A_251] {strides = array<i32>} : memref<80x128xf32, #tpu.memory_space<vmem>>, vector<16xf32>,
          tpu.vector_store %arg16[%swap3A_250, %swap3A_251], %mul3A_249 {strides = array<i32>} : memref<80x128xf32, #tpu.memory_space<vmem>>, vector<16xf32>,
          %get3A_253 = arith.index_cast %scan3A_192 : i32 to index
          %get3A_254 = arith.constant 96 : index
          %get3A_255 = tpu.vector_load %arg16[%get3A_253, %get3A_254] {strides = array<i32>} : memref<80x128xf32, #tpu.memory_space<vmem>>, vector<16xf32>,
          %get3A_256 = arith.index_cast %scan3A_192 : i32 to index
          %get3A_257 = arith.constant 96 : index
          %get3A_258 = tpu.vector_load %arg14[%get3A_256, %get3A_257] {strides = array<i32>} : memref<80x128xf32, #tpu.memory_space<vmem>>, vector<16xf32>,
          %mul3A_259 = arith.mulf %get3A_255, %get3A_258 : vector<16xf32>
          %swap3A_260 = arith.index_cast %scan3A_192 : i32 to index
          %swap3A_261 = arith.constant 96 : index
          %swap3A_262 = tpu.vector_load %arg16[%swap3A_260, %swap3A_261] {strides = array<i32>} : memref<80x128xf32, #tpu.memory_space<vmem>>, vector<16xf32>,
          tpu.vector_store %arg16[%swap3A_260, %swap3A_261], %mul3A_259 {strides = array<i32>} : memref<80x128xf32, #tpu.memory_space<vmem>>, vector<16xf32>,
          %get3A_263 = arith.index_cast %scan3A_192 : i32 to index
          %get3A_264 = arith.constant 112 : index
          %get3A_265 = tpu.vector_load %arg16[%get3A_263, %get3A_264] {strides = array<i32>} : memref<80x128xf32, #tpu.memory_space<vmem>>, vector<16xf32>,
          %get3A_266 = arith.index_cast %scan3A_192 : i32 to index
          %get3A_267 = arith.constant 112 : index
          %get3A_268 = tpu.vector_load %arg14[%get3A_266, %get3A_267] {strides = array<i32>} : memref<80x128xf32, #tpu.memory_space<vmem>>, vector<16xf32>,
          %mul3A_269 = arith.mulf %get3A_265, %get3A_268 : vector<16xf32>
          %swap3A_270 = arith.index_cast %scan3A_192 : i32 to index
          %swap3A_271 = arith.constant 112 : index
          %swap3A_272 = tpu.vector_load %arg16[%swap3A_270, %swap3A_271] {strides = array<i32>} : memref<80x128xf32, #tpu.memory_space<vmem>>, vector<16xf32>,
          tpu.vector_store %arg16[%swap3A_270, %swap3A_271], %mul3A_269 {strides = array<i32>} : memref<80x128xf32, #tpu.memory_space<vmem>>, vector<16xf32>,
        }
        %scan3A_170 = arith.constant 80 : i32
        %get3A_171 = arith.constant 0 : index
        %get3A_172 = tpu.vector_load %arg10[%get3A_171] {strides = array<i32>} : memref<80xi32, #tpu.memory_space<vmem>>, vector<16xi32>,
        %swap3A = arith.constant 0 : index
        %swap3A_173 = tpu.vector_load %arg12[%swap3A] {strides = array<i32>} : memref<80xi32, #tpu.memory_space<vmem>>, vector<16xi32>,
        tpu.vector_store %arg12[%swap3A], %get3A_172 {strides = array<i32>} : memref<80xi32, #tpu.memory_space<vmem>>, vector<16xi32>,
        %get3A_174 = arith.constant 16 : index
        %get3A_175 = tpu.vector_load %arg10[%get3A_174] {strides = array<i32>} : memref<80xi32, #tpu.memory_space<vmem>>, vector<16xi32>,
        %swap3A_176 = arith.constant 16 : index
        %swap3A_177 = tpu.vector_load %arg12[%swap3A_176] {strides = array<i32>} : memref<80xi32, #tpu.memory_space<vmem>>, vector<16xi32>,
        tpu.vector_store %arg12[%swap3A_176], %get3A_175 {strides = array<i32>} : memref<80xi32, #tpu.memory_space<vmem>>, vector<16xi32>,
        %get3A_178 = arith.constant 32 : index
        %get3A_179 = tpu.vector_load %arg10[%get3A_178] {strides = array<i32>} : memref<80xi32, #tpu.memory_space<vmem>>, vector<16xi32>,
        %swap3A_180 = arith.constant 32 : index
        %swap3A_181 = tpu.vector_load %arg12[%swap3A_180] {strides = array<i32>} : memref<80xi32, #tpu.memory_space<vmem>>, vector<16xi32>,
        tpu.vector_store %arg12[%swap3A_180], %get3A_179 {strides = array<i32>} : memref<80xi32, #tpu.memory_space<vmem>>, vector<16xi32>,
        %get3A_182 = arith.constant 48 : index
        %get3A_183 = tpu.vector_load %arg10[%get3A_182] {strides = array<i32>} : memref<80xi32, #tpu.memory_space<vmem>>, vector<16xi32>,
        %swap3A_184 = arith.constant 48 : index
        %swap3A_185 = tpu.vector_load %arg12[%swap3A_184] {strides = array<i32>} : memref<80xi32, #tpu.memory_space<vmem>>, vector<16xi32>,
        tpu.vector_store %arg12[%swap3A_184], %get3A_183 {strides = array<i32>} : memref<80xi32, #tpu.memory_space<vmem>>, vector<16xi32>,
        %get3A_186 = arith.constant 64 : index
        %get3A_187 = tpu.vector_load %arg10[%get3A_186] {strides = array<i32>} : memref<80xi32, #tpu.memory_space<vmem>>, vector<16xi32>,
        %swap3A_188 = arith.constant 64 : index
        %swap3A_189 = tpu.vector_load %arg12[%swap3A_188] {strides = array<i32>} : memref<80xi32, #tpu.memory_space<vmem>>, vector<16xi32>,
        tpu.vector_store %arg12[%swap3A_188], %get3A_187 {strides = array<i32>} : memref<80xi32, #tpu.memory_space<vmem>>, vector<16xi32>,
        %dma_start3A = arith.constant 0 : i32
        %dma_start3A_190 = arith.constant 0 : i32
        %dma_start3A_191 = tpu.memref_slice %arg17[%dma_start3A, %dma_start3A_190] : memref<10240x128xf32, #tpu.memory_space<vmem_shared>> -> memref<10240x128xf32, #tpu.memory_space<vmem_shared>>
        tpu.enqueue_indirect_dma source(%arg16 : memref<80x128xf32, #tpu.memory_space<vmem>>) target(%dma_start3A_191 : memref<10240x128xf32, #tpu.memory_space<vmem_shared>>) offsets(%arg12 : memref<80xi32, #tpu.memory_space<vmem>>) semaphore(%arg23 : memref<!tpu.dma_semaphore, #tpu.memory_space<semaphore_mem>>) {add = true}
      } else {
      }
      %add3A_119 = arith.constant 2 : i32
      %add3A_120 = arith.addi %mul3A_73, %add3A_119 : i32
      %convert_element_type3A_121 = arith.extui %scan3A_70 : i1 to i32
      %cond3A_122 = arith.constant 0 : i32
      %cond3A_123 = arith.cmpi ne, %convert_element_type3A_121, %cond3A_122 : i32
      scf.if %cond3A_123 {
        %dma_wait3A = arith.constant 0 : i32
        %dma_wait3A_158 = arith.constant 0 : i32
        %dma_wait3A_159 = tpu.memref_slice %arg17[%dma_wait3A, %dma_wait3A_158] : memref<10240x128xf32, #tpu.memory_space<vmem_shared>> -> memref<10240x128xf32, #tpu.memory_space<vmem_shared>>
        tpu.wait_indirect_dma semaphore(%arg22 : memref<!tpu.dma_semaphore, #tpu.memory_space<semaphore_mem>>) src(%arg15 : memref<80x128xf32, #tpu.memory_space<vmem>>) dst(%dma_wait3A_159 : memref<10240x128xf32, #tpu.memory_space<vmem_shared>>)
      } else {
      }
      %mul3A_124 = arith.constant 32 : i32
      %mul3A_125 = arith.muli %add3A_120, %mul3A_124 : i32
      %add3A_126 = arith.addi %mul3A_125, %add3A : i32
      %lt3A_127 = arith.constant 4000 : i32
      %lt3A_128 = arith.cmpi slt, %add3A_126, %lt3A_127 : i32
      %convert_element_type3A_129 = arith.extui %lt3A_128 : i1 to i32
      %cond3A_130 = arith.constant 0 : i32
      %cond3A_131 = arith.cmpi ne, %convert_element_type3A_129, %cond3A_130 : i32
      scf.if %cond3A_131 {
        %dma_wait3A = arith.constant 0 : i32
        %dma_wait3A_158 = tpu.memref_slice %arg5[%dma_wait3A] : memref<320000xi32, #tpu.memory_space<hbm>> -> memref<80xi32, #tpu.memory_space<hbm>>
        %dma_wait3A_159 = arith.constant 0 : i32
        %dma_wait3A_160 = tpu.memref_slice %arg5[%dma_wait3A_159] : memref<320000xi32, #tpu.memory_space<hbm>> -> memref<80xi32, #tpu.memory_space<hbm>>
        tpu.wait_dma2 semaphore(%arg18 : memref<!tpu.dma_semaphore, #tpu.memory_space<semaphore_mem>>) src(%dma_wait3A_160 : memref<80xi32, #tpu.memory_space<hbm>>) dst(%arg9 : memref<80xi32, #tpu.memory_space<vmem>>)
        %dma_wait3A_161 = arith.constant 0 : i32
        %dma_wait3A_162 = tpu.memref_slice %arg4[%dma_wait3A_161] : memref<320000xi32, #tpu.memory_space<hbm>> -> memref<80xi32, #tpu.memory_space<hbm>>
        %dma_wait3A_163 = arith.constant 0 : i32
        %dma_wait3A_164 = tpu.memref_slice %arg4[%dma_wait3A_163] : memref<320000xi32, #tpu.memory_space<hbm>> -> memref<80xi32, #tpu.memory_space<hbm>>
        tpu.wait_dma2 semaphore(%arg18 : memref<!tpu.dma_semaphore, #tpu.memory_space<semaphore_mem>>) src(%dma_wait3A_164 : memref<80xi32, #tpu.memory_space<hbm>>) dst(%arg7 : memref<80xi32, #tpu.memory_space<vmem>>)
      } else {
      }
      %get3A_132 = arith.constant 0 : index
      %get3A_133 = tpu.vector_load %arg9[%get3A_132] {strides = array<i32>} : memref<80xi32, #tpu.memory_space<vmem>>, vector<16xi32>,
      %reduce_min3A_134 = arith.constant true
      %reduce_min3A_135 = vector.broadcast %reduce_min3A_134 : i1 to vector<16xi1>
      %reduce_min3A_136 = arith.constant -2147483648 : i32
      %reduce_min3A_137 = vector.broadcast %reduce_min3A_136 : i32 to vector<16xi32>
      %reduce_min3A_138 = arith.xori %get3A_133, %reduce_min3A_137 : vector<16xi32>
      %reduce_min3A_139 = tpu.scan <min>, %reduce_min3A_138 masked %reduce_min3A_135 : vector<16xi32>, vector<16xi1> -> vector<16xi32>
      %reduce_min3A_140 = arith.xori %reduce_min3A_139, %reduce_min3A_137 : vector<16xi32>
      %reduce_min3A_141 = vector.extract %reduce_min3A_140[15] : i32 from vector<16xi32>
      %lt3A_142 = arith.constant 10000 : i32
      %lt3A_143 = arith.cmpi slt, %reduce_min3A_141, %lt3A_142 : i32
      %and3A_144 = arith.andi %lt3A_128, %lt3A_143 : i1
      %convert_element_type3A_145 = arith.extui %and3A_144 : i1 to i32
      %cond3A_146 = arith.constant 0 : i32
      %cond3A_147 = arith.cmpi ne, %convert_element_type3A_145, %cond3A_146 : i32
      scf.if %cond3A_147 {
        %mul3A_158 = arith.constant 32 : i32
        %mul3A_159 = arith.muli %add3A_120, %mul3A_158 : i32
        %add3A_160 = arith.addi %mul3A_159, %add3A : i32
        %mul3A_161 = arith.constant 80 : i32
        %mul3A_162 = arith.muli %add3A_160, %mul3A_161 : i32
        %ge3A = arith.constant 160000 : i32
        %ge3A_163 = arith.cmpi sge, %mul3A_162, %ge3A : i32
        %sub3A = arith.constant 160000 : i32
        %sub3A_164 = arith.subi %mul3A_162, %sub3A : i32
        %select_n3A = arith.select %ge3A_163, %sub3A_164, %mul3A_162 : i32
        %dma_start3A = arith.constant 0 : i32
        %dma_start3A_165 = arith.constant 0 : i32
        %dma_start3A_166 = tpu.memref_slice %arg2[%dma_start3A, %dma_start3A_165] : memref<10000x128xf32, #tpu.memory_space<hbm>> -> memref<10000x128xf32, #tpu.memory_space<hbm>>
        tpu.enqueue_indirect_dma source(%dma_start3A_166 : memref<10000x128xf32, #tpu.memory_space<hbm>>) target(%arg15 : memref<80x128xf32, #tpu.memory_space<vmem>>) offsets(%arg7 : memref<80xi32, #tpu.memory_space<vmem>>) semaphore(%arg20 : memref<!tpu.dma_semaphore, #tpu.memory_space<semaphore_mem>>)
        %dma_start3A_167 = arith.constant 0 : i32
        %dma_start3A_168 = tpu.memref_slice %arg3[%select_n3A, %dma_start3A_167] : memref<160000x128xf32, #tpu.memory_space<hbm>> -> memref<80x128xf32, #tpu.memory_space<hbm>>
        %dma_start3A_169 = arith.constant 0 : i32
        %dma_start3A_170 = tpu.memref_slice %arg3[%select_n3A, %dma_start3A_169] : memref<160000x128xf32, #tpu.memory_space<hbm>> -> memref<80x128xf32, #tpu.memory_space<hbm>>
        tpu.enqueue_dma source(%dma_start3A_170 : memref<80x128xf32, #tpu.memory_space<hbm>>) target(%arg13 : memref<80x128xf32, #tpu.memory_space<vmem>>) target_semaphore(%arg20 : memref<!tpu.dma_semaphore, #tpu.memory_space<semaphore_mem>>)
      } else {
      }
      %add3A_148 = arith.constant 3 : i32
      %add3A_149 = arith.addi %mul3A_73, %add3A_148 : i32
      %mul3A_150 = arith.constant 32 : i32
      %mul3A_151 = arith.muli %add3A_149, %mul3A_150 : i32
      %add3A_152 = arith.addi %mul3A_151, %add3A : i32
      %lt3A_153 = arith.constant 4000 : i32
      %lt3A_154 = arith.cmpi slt, %add3A_152, %lt3A_153 : i32
      %convert_element_type3A_155 = arith.extui %lt3A_154 : i1 to i32
      %cond3A_156 = arith.constant 0 : i32
      %cond3A_157 = arith.cmpi ne, %convert_element_type3A_155, %cond3A_156 : i32
      scf.if %cond3A_157 {
        %mul3A_158 = arith.constant 32 : i32
        %mul3A_159 = arith.muli %add3A_149, %mul3A_158 : i32
        %add3A_160 = arith.addi %mul3A_159, %add3A : i32
        %mul3A_161 = arith.constant 80 : i32
        %mul3A_162 = arith.muli %add3A_160, %mul3A_161 : i32
        %dma_start3A = tpu.memref_slice %arg5[%mul3A_162] : memref<320000xi32, #tpu.memory_space<hbm>> -> memref<80xi32, #tpu.memory_space<hbm>>
        %dma_start3A_163 = tpu.memref_slice %arg5[%mul3A_162] : memref<320000xi32, #tpu.memory_space<hbm>> -> memref<80xi32, #tpu.memory_space<hbm>>
        tpu.enqueue_dma source(%dma_start3A_163 : memref<80xi32, #tpu.memory_space<hbm>>) target(%arg10 : memref<80xi32, #tpu.memory_space<vmem>>) target_semaphore(%arg19 : memref<!tpu.dma_semaphore, #tpu.memory_space<semaphore_mem>>)
        %dma_start3A_164 = tpu.memref_slice %arg4[%mul3A_162] : memref<320000xi32, #tpu.memory_space<hbm>> -> memref<80xi32, #tpu.memory_space<hbm>>
        %dma_start3A_165 = tpu.memref_slice %arg4[%mul3A_162] : memref<320000xi32, #tpu.memory_space<hbm>> -> memref<80xi32, #tpu.memory_space<hbm>>
        tpu.enqueue_dma source(%dma_start3A_165 : memref<80xi32, #tpu.memory_space<hbm>>) target(%arg8 : memref<80xi32, #tpu.memory_space<vmem>>) target_semaphore(%arg19 : memref<!tpu.dma_semaphore, #tpu.memory_space<semaphore_mem>>)
      } else {
      }
      scf.yield %and3A_144, %and3A_102 : i1, i1
    }
    %scan3A_61 = arith.constant 63 : i32
    %convert_element_type3A_62 = arith.extui %scan3A_60#0 : i1 to i32
    %cond3A_63 = arith.constant 0 : i32
    %cond3A_64 = arith.cmpi ne, %convert_element_type3A_62, %cond3A_63 : i32
    scf.if %cond3A_64 {
      %dma_wait3A = arith.constant 0 : i32
      %dma_wait3A_69 = arith.constant 0 : i32
      %dma_wait3A_70 = tpu.memref_slice %arg17[%dma_wait3A, %dma_wait3A_69] : memref<10240x128xf32, #tpu.memory_space<vmem_shared>> -> memref<10240x128xf32, #tpu.memory_space<vmem_shared>>
      tpu.wait_indirect_dma semaphore(%arg22 : memref<!tpu.dma_semaphore, #tpu.memory_space<semaphore_mem>>) src(%arg15 : memref<80x128xf32, #tpu.memory_space<vmem>>) dst(%dma_wait3A_70 : memref<10240x128xf32, #tpu.memory_space<vmem_shared>>)
    } else {
    }
    %convert_element_type3A_65 = arith.extui %scan3A_60#1 : i1 to i32
    %cond3A_66 = arith.constant 0 : i32
    %cond3A_67 = arith.cmpi ne, %convert_element_type3A_65, %cond3A_66 : i32
    scf.if %cond3A_67 {
      %dma_wait3A = arith.constant 0 : i32
      %dma_wait3A_69 = arith.constant 0 : i32
      %dma_wait3A_70 = tpu.memref_slice %arg17[%dma_wait3A, %dma_wait3A_69] : memref<10240x128xf32, #tpu.memory_space<vmem_shared>> -> memref<10240x128xf32, #tpu.memory_space<vmem_shared>>
      tpu.wait_indirect_dma semaphore(%arg23 : memref<!tpu.dma_semaphore, #tpu.memory_space<semaphore_mem>>) src(%arg16 : memref<80x128xf32, #tpu.memory_space<vmem>>) dst(%dma_wait3A_70 : memref<10240x128xf32, #tpu.memory_space<vmem_shared>>)
    } else {
    }
    %barrier3A_68 = arith.constant 0 : index
    tpu.barrier barrier_id(%barrier3A_68)
    "tpu.region"() ({
      %run_scoped3A = tpu.sem_alloc : memref<!tpu.dma_semaphore, #tpu.memory_space<semaphore_mem>>
      %dma_start3A = arith.constant 0 : i32
      %dma_start3A_69 = tpu.memref_slice %arg6[%arg0, %mul3A_6, %dma_start3A] : memref<2x10240x128xf32, #tpu.memory_space<hbm>> -> memref<1x640x128xf32, #tpu.memory_space<hbm>>
      %dma_start3A_70 = tpu.memref_squeeze %dma_start3A_69 : memref<1x640x128xf32, #tpu.memory_space<hbm>> -> memref<640x128xf32, #tpu.memory_space<hbm>>
      %dma_start3A_71 = arith.constant 0 : i32
      %dma_start3A_72 = tpu.memref_slice %arg17[%mul3A_6, %dma_start3A_71] : memref<10240x128xf32, #tpu.memory_space<vmem_shared>> -> memref<640x128xf32, #tpu.memory_space<vmem_shared>>
      tpu.enqueue_dma source(%dma_start3A_72 : memref<640x128xf32, #tpu.memory_space<vmem_shared>>) target(%dma_start3A_70 : memref<640x128xf32, #tpu.memory_space<hbm>>) target_semaphore(%run_scoped3A : memref<!tpu.dma_semaphore, #tpu.memory_space<semaphore_mem>>)
      %dma_wait3A = arith.constant 0 : i32
      %dma_wait3A_73 = tpu.memref_slice %arg6[%arg0, %mul3A_6, %dma_wait3A] : memref<2x10240x128xf32, #tpu.memory_space<hbm>> -> memref<1x640x128xf32, #tpu.memory_space<hbm>>
      %dma_wait3A_74 = tpu.memref_squeeze %dma_wait3A_73 : memref<1x640x128xf32, #tpu.memory_space<hbm>> -> memref<640x128xf32, #tpu.memory_space<hbm>>
      %dma_wait3A_75 = arith.constant 0 : i32
      %dma_wait3A_76 = tpu.memref_slice %arg17[%mul3A_6, %dma_wait3A_75] : memref<10240x128xf32, #tpu.memory_space<vmem_shared>> -> memref<640x128xf32, #tpu.memory_space<vmem_shared>>
      tpu.wait_dma2 semaphore(%run_scoped3A : memref<!tpu.dma_semaphore, #tpu.memory_space<semaphore_mem>>) src(%dma_wait3A_76 : memref<640x128xf32, #tpu.memory_space<vmem_shared>>) dst(%dma_wait3A_74 : memref<640x128xf32, #tpu.memory_space<hbm>>)
      tpu.yield
    }) : () -> ()
    return
  }
}

module attributes {stable_mosaic.version = 14 : i64} {
  func.func @body(%arg0: i32, %arg1: memref<1x1x400xi32, #tpu.memory_space<vmem>>, %arg2: memref<1x1x400xi32, #tpu.memory_space<vmem>>, %arg3: memref<1x1000xf32, #tpu.memory_space<vmem>>, %arg4: memref<56x256xf32, #tpu.memory_space<vmem>>, %arg5: memref<32x256xf32, #tpu.memory_space<vmem>>, %arg6: memref<1000x16xf32, #tpu.memory_space<vmem>>, %arg7: memref<400x16xf32, #tpu.memory_space<vmem>>, %arg8: memref<20x384xf32, #tpu.memory_space<vmem>>, %arg9: memref<1x384xf32, #tpu.memory_space<vmem>>, %arg10: memref<400x256xf32, #tpu.memory_space<vmem>>, %arg11: memref<400x384xf32, #tpu.memory_space<vmem>>) attributes {dimension_semantics = [#tpu.dimension_semantics<arbitrary>], iteration_bounds = array<i64: 25>, scalar_prefetch = 0 : i64, scratch_operands = 0 : i64, tpu.core_type = #tpu.core_type<tc>, window_params = [{transform_indices = @transform_0, window_bounds = array<i64: 1, 1, 400>}, {transform_indices = @transform_1, window_bounds = array<i64: 1, 1, 400>}, {pipeline_mode = #tpu.pipeline_mode<synchronous>, transform_indices = @transform_2, window_bounds = array<i64: 1, 1000>}, {pipeline_mode = #tpu.pipeline_mode<synchronous>, transform_indices = @transform_3, window_bounds = array<i64: 56, 256>}, {pipeline_mode = #tpu.pipeline_mode<synchronous>, transform_indices = @transform_4, window_bounds = array<i64: 32, 256>}, {pipeline_mode = #tpu.pipeline_mode<synchronous>, transform_indices = @transform_5, window_bounds = array<i64: 1000, 16>}, {transform_indices = @transform_6, window_bounds = array<i64: 400, 16>}, {pipeline_mode = #tpu.pipeline_mode<synchronous>, transform_indices = @transform_7, window_bounds = array<i64: 20, 384>}, {pipeline_mode = #tpu.pipeline_mode<synchronous>, transform_indices = @transform_8, window_bounds = array<i64: 1, 384>}, {transform_indices = @transform_9, window_bounds = array<i64: 400, 256>}, {transform_indices = @transform_10, window_bounds = array<i64: 400, 384>}]} {
    %get3A = arith.constant 0 : index
    %get3A_0 = arith.constant 0 : index
    %get3A_1 = arith.constant 0 : index
    %get3A_2 = vector.load %arg1[%get3A, %get3A_0, %get3A_1] : memref<1x1x400xi32, #tpu.memory_space<vmem>>, vector<1x1x400xi32>
    %get3A_3 = vector.shape_cast %get3A_2 : vector<1x1x400xi32> to vector<400xi32>
    %reshape3A = vector.shape_cast %get3A_3 : vector<400xi32> to vector<400x1xi32>
    %get3A_4 = arith.constant 0 : index
    %get3A_5 = arith.constant 0 : index
    %get3A_6 = arith.constant 0 : index
    %get3A_7 = vector.load %arg2[%get3A_4, %get3A_5, %get3A_6] : memref<1x1x400xi32, #tpu.memory_space<vmem>>, vector<1x1x400xi32>
    %get3A_8 = vector.shape_cast %get3A_7 : vector<1x1x400xi32> to vector<400xi32>
    %reshape3A_9 = vector.shape_cast %get3A_8 : vector<400xi32> to vector<400x1xi32>
    %iota3A = tpu.iota {dimensions = array<i32: 1>} : vector<1x56xi32>
    %eq3A = vector.broadcast %reshape3A : vector<400x1xi32> to vector<400x56xi32>
    %eq3A_10 = vector.broadcast %iota3A : vector<1x56xi32> to vector<400x56xi32>
    %eq3A_11 = arith.cmpi eq, %eq3A, %eq3A_10 : vector<400x56xi32>
    %convert_element_type3A = arith.extui %eq3A_11 : vector<400x56xi1> to vector<400x56xi32>
    %convert_element_type3A_12 = arith.sitofp %convert_element_type3A : vector<400x56xi32> to vector<400x56xf32>
    %iota3A_13 = tpu.iota {dimensions = array<i32: 1>} : vector<1x1000xi32>
    %eq3A_14 = vector.broadcast %reshape3A_9 : vector<400x1xi32> to vector<400x1000xi32>
    %eq3A_15 = vector.broadcast %iota3A_13 : vector<1x1000xi32> to vector<400x1000xi32>
    %eq3A_16 = arith.cmpi eq, %eq3A_14, %eq3A_15 : vector<400x1000xi32>
    %convert_element_type3A_17 = arith.extui %eq3A_16 : vector<400x1000xi1> to vector<400x1000xi32>
    %convert_element_type3A_18 = arith.sitofp %convert_element_type3A_17 : vector<400x1000xi32> to vector<400x1000xf32>
    %get3A_19 = arith.constant 0 : index
    %get3A_20 = arith.constant 0 : index
    %get3A_21 = vector.load %arg3[%get3A_19, %get3A_20] : memref<1x1000xf32, #tpu.memory_space<vmem>>, vector<1x1000xf32>
    %mul3A = vector.broadcast %get3A_21 : vector<1x1000xf32> to vector<400x1000xf32>
    %mul3A_22 = arith.mulf %convert_element_type3A_18, %mul3A : vector<400x1000xf32>
    %reduce_sum3A = arith.constant dense<0.000000e+00> : vector<400xf32>
    %reduce_sum3A_23 = vector.multi_reduction <add>, %mul3A_22, %reduce_sum3A [1] : vector<400x1000xf32> to vector<400xf32>
    %broadcast_in_dim3A = vector.shape_cast %reduce_sum3A_23 : vector<400xf32> to vector<400x1xf32>
    %iota3A_24 = tpu.iota {dimensions = array<i32: 1>} : vector<1x32xi32>
    %convert_element_type3A_25 = arith.sitofp %iota3A_24 : vector<1x32xi32> to vector<1x32xf32>
    %eq3A_26 = vector.broadcast %broadcast_in_dim3A : vector<400x1xf32> to vector<400x32xf32>
    %eq3A_27 = vector.broadcast %convert_element_type3A_25 : vector<1x32xf32> to vector<400x32xf32>
    %eq3A_28 = arith.cmpf oeq, %eq3A_26, %eq3A_27 : vector<400x32xf32>
    %convert_element_type3A_29 = arith.extui %eq3A_28 : vector<400x32xi1> to vector<400x32xi32>
    %convert_element_type3A_30 = arith.sitofp %convert_element_type3A_29 : vector<400x32xi32> to vector<400x32xf32>
    %get3A_31 = arith.constant 0 : index
    %get3A_32 = arith.constant 0 : index
    %get3A_33 = vector.load %arg4[%get3A_31, %get3A_32] : memref<56x256xf32, #tpu.memory_space<vmem>>, vector<56x256xf32>
    %dot_general3A = arith.constant dense<0.000000e+00> : vector<400x256xf32>
    %dot_general3A_34 = tpu.matmul %convert_element_type3A_12, %get3A_33, %dot_general3A {dimension_numbers = #tpu.dot_dimension_numbers<[1], [0], [0], [1], [0, 0, 1, 1], [], []>, transpose_lhs_hint = false} : vector<400x56xf32>, vector<56x256xf32>, vector<400x256xf32> -> vector<400x256xf32>
    %get3A_35 = arith.constant 0 : index
    %get3A_36 = arith.constant 0 : index
    %get3A_37 = vector.load %arg5[%get3A_35, %get3A_36] : memref<32x256xf32, #tpu.memory_space<vmem>>, vector<32x256xf32>
    %dot_general3A_38 = arith.constant dense<0.000000e+00> : vector<400x256xf32>
    %dot_general3A_39 = tpu.matmul %convert_element_type3A_30, %get3A_37, %dot_general3A_38 {dimension_numbers = #tpu.dot_dimension_numbers<[1], [0], [0], [1], [0, 0, 1, 1], [], []>, transpose_lhs_hint = false} : vector<400x32xf32>, vector<32x256xf32>, vector<400x256xf32> -> vector<400x256xf32>
    %add3A = arith.addf %dot_general3A_34, %dot_general3A_39 : vector<400x256xf32>
    %swap3A = arith.constant 0 : index
    %swap3A_40 = arith.constant 0 : index
    %swap3A_41 = vector.load %arg10[%swap3A, %swap3A_40] : memref<400x256xf32, #tpu.memory_space<vmem>>, vector<400x256xf32>
    tpu.vector_store %arg10[%swap3A, %swap3A_40], %add3A {strides = array<i32>} : memref<400x256xf32, #tpu.memory_space<vmem>>, vector<400x256xf32>,
    %get3A_42 = arith.constant 0 : index
    %get3A_43 = arith.constant 0 : index
    %get3A_44 = vector.load %arg6[%get3A_42, %get3A_43] : memref<1000x16xf32, #tpu.memory_space<vmem>>, vector<1000x16xf32>
    %dot_general3A_45 = arith.constant dense<0.000000e+00> : vector<400x16xf32>
    %dot_general3A_46 = tpu.matmul %convert_element_type3A_18, %get3A_44, %dot_general3A_45 {dimension_numbers = #tpu.dot_dimension_numbers<[1], [0], [0], [1], [0, 0, 1, 1], [], []>, transpose_lhs_hint = false} : vector<400x1000xf32>, vector<1000x16xf32>, vector<400x16xf32> -> vector<400x16xf32>
    %get3A_47 = arith.constant 0 : index
    %get3A_48 = arith.constant 0 : index
    %get3A_49 = vector.load %arg7[%get3A_47, %get3A_48] : memref<400x16xf32, #tpu.memory_space<vmem>>, vector<400x16xf32>
    %sub3A = arith.subf %get3A_49, %dot_general3A_46 : vector<400x16xf32>
    %get3A_50 = arith.constant 0 : index
    %get3A_51 = arith.constant 0 : index
    %get3A_52 = vector.load %arg8[%get3A_50, %get3A_51] : memref<20x384xf32, #tpu.memory_space<vmem>>, vector<20x384xf32>
    %get3A_53 = arith.constant 0 : index
    %get3A_54 = arith.constant 0 : index
    %get3A_55 = vector.load %arg9[%get3A_53, %get3A_54] : memref<1x384xf32, #tpu.memory_space<vmem>>, vector<1x384xf32>
    %slice3A = vector.extract_strided_slice %sub3A {offsets = [0, 0], sizes = [400, 3], strides = [1, 1]} : vector<400x16xf32> to vector<400x3xf32>
    %mul3A_56 = arith.mulf %slice3A, %slice3A : vector<400x3xf32>
    %reduce_sum3A_57 = arith.constant dense<0.000000e+00> : vector<400xf32>
    %reduce_sum3A_58 = vector.multi_reduction <add>, %mul3A_56, %reduce_sum3A_57 [1] : vector<400x3xf32> to vector<400xf32>
    %broadcast_in_dim3A_59 = vector.shape_cast %reduce_sum3A_58 : vector<400xf32> to vector<400x1xf32>
    %add3A_60 = arith.constant 9.99999993E-9 : f32
    %add3A_61 = vector.broadcast %add3A_60 : f32 to vector<400x1xf32>
    %add3A_62 = arith.addf %broadcast_in_dim3A_59, %add3A_61 : vector<400x1xf32>
    %sqrt3A = math.sqrt %add3A_62 : vector<400x1xf32>
    %iota3A_63 = tpu.iota {dimensions = array<i32: 1>} : vector<1x20xi32>
    %convert_element_type3A_64 = arith.sitofp %iota3A_63 : vector<1x20xi32> to vector<1x20xf32>
    %add3A_65 = arith.constant 1.000000e+00 : f32
    %add3A_66 = vector.broadcast %add3A_65 : f32 to vector<1x20xf32>
    %add3A_67 = arith.addf %convert_element_type3A_64, %add3A_66 : vector<1x20xf32>
    %mul3A_68 = arith.constant 0.251327425 : f32
    %mul3A_69 = vector.broadcast %mul3A_68 : f32 to vector<1x20xf32>
    %mul3A_70 = arith.mulf %add3A_67, %mul3A_69 : vector<1x20xf32>
    %mul3A_71 = vector.broadcast %mul3A_70 : vector<1x20xf32> to vector<400x20xf32>
    %mul3A_72 = vector.broadcast %sqrt3A : vector<400x1xf32> to vector<400x20xf32>
    %mul3A_73 = arith.mulf %mul3A_71, %mul3A_72 : vector<400x20xf32>
    %sin3A = math.sin %mul3A_73 : vector<400x20xf32>
    %div3A = vector.broadcast %sqrt3A : vector<400x1xf32> to vector<400x20xf32>
    %div3A_74 = arith.divf %sin3A, %div3A : vector<400x20xf32>
    %dot_general3A_75 = arith.constant dense<0.000000e+00> : vector<400x384xf32>
    %dot_general3A_76 = tpu.matmul %div3A_74, %get3A_52, %dot_general3A_75 {dimension_numbers = #tpu.dot_dimension_numbers<[1], [0], [0], [1], [0, 0, 1, 1], [], []>, transpose_lhs_hint = false} : vector<400x20xf32>, vector<20x384xf32>, vector<400x384xf32> -> vector<400x384xf32>
    %add3A_77 = vector.broadcast %get3A_55 : vector<1x384xf32> to vector<400x384xf32>
    %add3A_78 = arith.addf %dot_general3A_76, %add3A_77 : vector<400x384xf32>
    %lt3A = arith.constant 1.250000e+01 : f32
    %lt3A_79 = vector.broadcast %lt3A : f32 to vector<400x1xf32>
    %lt3A_80 = arith.cmpf olt, %sqrt3A, %lt3A_79 : vector<400x1xf32>
    %mul3A_81 = arith.constant 0.251327425 : f32
    %mul3A_82 = vector.broadcast %mul3A_81 : f32 to vector<400x1xf32>
    %mul3A_83 = arith.mulf %mul3A_82, %sqrt3A : vector<400x1xf32>
    %cos3A = math.cos %mul3A_83 : vector<400x1xf32>
    %add3A_84 = arith.constant 1.000000e+00 : f32
    %add3A_85 = vector.broadcast %add3A_84 : f32 to vector<400x1xf32>
    %add3A_86 = arith.addf %cos3A, %add3A_85 : vector<400x1xf32>
    %mul3A_87 = arith.constant 5.000000e-01 : f32
    %mul3A_88 = vector.broadcast %mul3A_87 : f32 to vector<400x1xf32>
    %mul3A_89 = arith.mulf %mul3A_88, %add3A_86 : vector<400x1xf32>
    %jit3A = arith.constant 0.000000e+00 : f32
    %broadcast_in_dim3A_90 = vector.broadcast %jit3A : f32 to vector<400x1xf32>
    %select_n3A = arith.select %lt3A_80, %mul3A_89, %broadcast_in_dim3A_90 : vector<400x1xi1>, vector<400x1xf32>
    %mul3A_91 = vector.broadcast %select_n3A : vector<400x1xf32> to vector<400x384xf32>
    %mul3A_92 = arith.mulf %add3A_78, %mul3A_91 : vector<400x384xf32>
    %swap3A_93 = arith.constant 0 : index
    %swap3A_94 = arith.constant 0 : index
    %swap3A_95 = vector.load %arg11[%swap3A_93, %swap3A_94] : memref<400x384xf32, #tpu.memory_space<vmem>>, vector<400x384xf32>
    tpu.vector_store %arg11[%swap3A_93, %swap3A_94], %mul3A_92 {strides = array<i32>} : memref<400x384xf32, #tpu.memory_space<vmem>>, vector<400x384xf32>,
    return
  }
  func.func @transform_0(%arg0: i32) -> (i32, i32, i32) {
    %c0_i32 = arith.constant 0 : i32
    %c0_i32_0 = arith.constant 0 : i32
    %c0_i32_1 = arith.constant 0 : i32
    return %arg0, %c0_i32, %c0_i32_0 : i32, i32, i32
  }
  func.func @transform_1(%arg0: i32) -> (i32, i32, i32) {
    %c0_i32 = arith.constant 0 : i32
    %c0_i32_0 = arith.constant 0 : i32
    %c0_i32_1 = arith.constant 0 : i32
    return %arg0, %c0_i32, %c0_i32_0 : i32, i32, i32
  }
  func.func @transform_2(%arg0: i32) -> (i32, i32) {
    %c0_i32 = arith.constant 0 : i32
    %c0_i32_0 = arith.constant 0 : i32
    %c0_i32_1 = arith.constant 0 : i32
    return %c0_i32, %c0_i32_0 : i32, i32
  }
  func.func @transform_3(%arg0: i32) -> (i32, i32) {
    %c0_i32 = arith.constant 0 : i32
    %c0_i32_0 = arith.constant 0 : i32
    %c0_i32_1 = arith.constant 0 : i32
    return %c0_i32, %c0_i32_0 : i32, i32
  }
  func.func @transform_4(%arg0: i32) -> (i32, i32) {
    %c0_i32 = arith.constant 0 : i32
    %c0_i32_0 = arith.constant 0 : i32
    %c0_i32_1 = arith.constant 0 : i32
    return %c0_i32, %c0_i32_0 : i32, i32
  }
  func.func @transform_5(%arg0: i32) -> (i32, i32) {
    %c0_i32 = arith.constant 0 : i32
    %c0_i32_0 = arith.constant 0 : i32
    %c0_i32_1 = arith.constant 0 : i32
    return %c0_i32, %c0_i32_0 : i32, i32
  }
  func.func @transform_6(%arg0: i32) -> (i32, i32) {
    %c0_i32 = arith.constant 0 : i32
    %c0_i32_0 = arith.constant 0 : i32
    return %arg0, %c0_i32 : i32, i32
  }
  func.func @transform_7(%arg0: i32) -> (i32, i32) {
    %c0_i32 = arith.constant 0 : i32
    %c0_i32_0 = arith.constant 0 : i32
    %c0_i32_1 = arith.constant 0 : i32
    return %c0_i32, %c0_i32_0 : i32, i32
  }
  func.func @transform_8(%arg0: i32) -> (i32, i32) {
    %c0_i32 = arith.constant 0 : i32
    %c0_i32_0 = arith.constant 0 : i32
    %c0_i32_1 = arith.constant 0 : i32
    return %c0_i32, %c0_i32_0 : i32, i32
  }
  func.func @transform_9(%arg0: i32) -> (i32, i32) {
    %c0_i32 = arith.constant 0 : i32
    %c0_i32_0 = arith.constant 0 : i32
    return %arg0, %c0_i32 : i32, i32
  }
  func.func @transform_10(%arg0: i32) -> (i32, i32) {
    %c0_i32 = arith.constant 0 : i32
    %c0_i32_0 = arith.constant 0 : i32
    return %arg0, %c0_i32 : i32, i32
  }
}

module attributes {stable_mosaic.version = 14 : i64} {
  func.func @body(%arg0: i32, %arg1: memref<400x128xf32, #tpu.memory_space<vmem>>, %arg2: memref<128x128xf32, #tpu.memory_space<vmem>>, %arg3: memref<1x128xf32, #tpu.memory_space<vmem>>, %arg4: memref<128x128xf32, #tpu.memory_space<vmem>>, %arg5: memref<1x128xf32, #tpu.memory_space<vmem>>, %arg6: memref<400x128xf32, #tpu.memory_space<vmem>>) attributes {dimension_semantics = [#tpu.dimension_semantics<arbitrary>], iteration_bounds = array<i64: 25>, scalar_prefetch = 0 : i64, scratch_operands = 0 : i64, tpu.core_type = #tpu.core_type<tc>, window_params = [{transform_indices = @transform_0, window_bounds = array<i64: 400, 128>}, {pipeline_mode = #tpu.pipeline_mode<synchronous>, transform_indices = @transform_1, window_bounds = array<i64: 128, 128>}, {pipeline_mode = #tpu.pipeline_mode<synchronous>, transform_indices = @transform_2, window_bounds = array<i64: 1, 128>}, {pipeline_mode = #tpu.pipeline_mode<synchronous>, transform_indices = @transform_3, window_bounds = array<i64: 128, 128>}, {pipeline_mode = #tpu.pipeline_mode<synchronous>, transform_indices = @transform_4, window_bounds = array<i64: 1, 128>}, {transform_indices = @transform_5, window_bounds = array<i64: 400, 128>}]} {
    %get3A = arith.constant 0 : index
    %get3A_0 = arith.constant 0 : index
    %get3A_1 = vector.load %arg1[%get3A, %get3A_0] : memref<400x128xf32, #tpu.memory_space<vmem>>, vector<400x128xf32>
    %get3A_2 = arith.constant 0 : index
    %get3A_3 = arith.constant 0 : index
    %get3A_4 = vector.load %arg2[%get3A_2, %get3A_3] : memref<128x128xf32, #tpu.memory_space<vmem>>, vector<128x128xf32>
    %get3A_5 = arith.constant 0 : index
    %get3A_6 = arith.constant 0 : index
    %get3A_7 = vector.load %arg3[%get3A_5, %get3A_6] : memref<1x128xf32, #tpu.memory_space<vmem>>, vector<1x128xf32>
    %get3A_8 = arith.constant 0 : index
    %get3A_9 = arith.constant 0 : index
    %get3A_10 = vector.load %arg4[%get3A_8, %get3A_9] : memref<128x128xf32, #tpu.memory_space<vmem>>, vector<128x128xf32>
    %get3A_11 = arith.constant 0 : index
    %get3A_12 = arith.constant 0 : index
    %get3A_13 = vector.load %arg5[%get3A_11, %get3A_12] : memref<1x128xf32, #tpu.memory_space<vmem>>, vector<1x128xf32>
    %dot_general3A = arith.constant dense<0.000000e+00> : vector<400x128xf32>
    %dot_general3A_14 = tpu.matmul %get3A_1, %get3A_4, %dot_general3A {dimension_numbers = #tpu.dot_dimension_numbers<[1], [0], [0], [1], [0, 0, 1, 1], [], []>, transpose_lhs_hint = false} : vector<400x128xf32>, vector<128x128xf32>, vector<400x128xf32> -> vector<400x128xf32>
    %add3A = vector.broadcast %get3A_7 : vector<1x128xf32> to vector<400x128xf32>
    %add3A_15 = arith.addf %dot_general3A_14, %add3A : vector<400x128xf32>
    %logistic3A = arith.negf %add3A_15 : vector<400x128xf32>
    %logistic3A_16 = math.exp %logistic3A : vector<400x128xf32>
    %logistic3A_17 = arith.constant 1.000000e+00 : f32
    %logistic3A_18 = vector.broadcast %logistic3A_17 : f32 to vector<400x128xf32>
    %logistic3A_19 = arith.addf %logistic3A_18, %logistic3A_16 : vector<400x128xf32>
    %logistic3A_20 = arith.divf %logistic3A_18, %logistic3A_19 : vector<400x128xf32>
    %mul3A = arith.mulf %add3A_15, %logistic3A_20 : vector<400x128xf32>
    %dot_general3A_21 = arith.constant dense<0.000000e+00> : vector<400x128xf32>
    %dot_general3A_22 = tpu.matmul %mul3A, %get3A_10, %dot_general3A_21 {dimension_numbers = #tpu.dot_dimension_numbers<[1], [0], [0], [1], [0, 0, 1, 1], [], []>, transpose_lhs_hint = false} : vector<400x128xf32>, vector<128x128xf32>, vector<400x128xf32> -> vector<400x128xf32>
    %add3A_23 = vector.broadcast %get3A_13 : vector<1x128xf32> to vector<400x128xf32>
    %add3A_24 = arith.addf %dot_general3A_22, %add3A_23 : vector<400x128xf32>
    %swap3A = arith.constant 0 : index
    %swap3A_25 = arith.constant 0 : index
    %swap3A_26 = vector.load %arg6[%swap3A, %swap3A_25] : memref<400x128xf32, #tpu.memory_space<vmem>>, vector<400x128xf32>
    tpu.vector_store %arg6[%swap3A, %swap3A_25], %add3A_24 {strides = array<i32>} : memref<400x128xf32, #tpu.memory_space<vmem>>, vector<400x128xf32>,
    return
  }
  func.func @transform_0(%arg0: i32) -> (i32, i32) {
    %c0_i32 = arith.constant 0 : i32
    %c0_i32_0 = arith.constant 0 : i32
    return %arg0, %c0_i32 : i32, i32
  }
  func.func @transform_1(%arg0: i32) -> (i32, i32) {
    %c0_i32 = arith.constant 0 : i32
    %c0_i32_0 = arith.constant 0 : i32
    %c0_i32_1 = arith.constant 0 : i32
    return %c0_i32, %c0_i32_0 : i32, i32
  }
  func.func @transform_2(%arg0: i32) -> (i32, i32) {
    %c0_i32 = arith.constant 0 : i32
    %c0_i32_0 = arith.constant 0 : i32
    %c0_i32_1 = arith.constant 0 : i32
    return %c0_i32, %c0_i32_0 : i32, i32
  }
  func.func @transform_3(%arg0: i32) -> (i32, i32) {
    %c0_i32 = arith.constant 0 : i32
    %c0_i32_0 = arith.constant 0 : i32
    %c0_i32_1 = arith.constant 0 : i32
    return %c0_i32, %c0_i32_0 : i32, i32
  }
  func.func @transform_4(%arg0: i32) -> (i32, i32) {
    %c0_i32 = arith.constant 0 : i32
    %c0_i32_0 = arith.constant 0 : i32
    %c0_i32_1 = arith.constant 0 : i32
    return %c0_i32, %c0_i32_0 : i32, i32
  }
  func.func @transform_5(%arg0: i32) -> (i32, i32) {
    %c0_i32 = arith.constant 0 : i32
    %c0_i32_0 = arith.constant 0 : i32
    return %arg0, %c0_i32 : i32, i32
  }
}

module attributes {stable_mosaic.version = 14 : i64} {
  func.func @body(%arg0: i32, %arg1: memref<1x1x1280xf32, #tpu.memory_space<vmem>>, %arg2: memref<24x128xf32, #tpu.memory_space<vmem>>, %arg3: memref<1280x128xf32, #tpu.memory_space<vmem>>) attributes {dimension_semantics = [#tpu.dimension_semantics<arbitrary>], iteration_bounds = array<i64: 125>, scalar_prefetch = 0 : i64, scratch_operands = 0 : i64, tpu.core_type = #tpu.core_type<tc>, window_params = [{transform_indices = @transform_0, window_bounds = array<i64: 1, 1, 1280>}, {pipeline_mode = #tpu.pipeline_mode<synchronous>, transform_indices = @transform_1, window_bounds = array<i64: 24, 128>}, {transform_indices = @transform_2, window_bounds = array<i64: 1280, 128>}]} {
    %get3A = arith.constant 0 : index
    %get3A_0 = arith.constant 0 : index
    %get3A_1 = arith.constant 0 : index
    %get3A_2 = vector.load %arg1[%get3A, %get3A_0, %get3A_1] : memref<1x1x1280xf32, #tpu.memory_space<vmem>>, vector<1x1x1280xf32>
    %get3A_3 = vector.shape_cast %get3A_2 : vector<1x1x1280xf32> to vector<1x1280xf32>
    %sqrt3A = math.sqrt %get3A_3 : vector<1x1280xf32>
    %mul3A = arith.constant 0.628318548 : f32
    %mul3A_4 = vector.broadcast %mul3A : f32 to vector<1x1280xf32>
    %mul3A_5 = arith.mulf %mul3A_4, %sqrt3A : vector<1x1280xf32>
    %iota3A = tpu.iota {dimensions = array<i32: 0>} : vector<24x1xi32>
    %lt3A = arith.constant 20 : i32
    %lt3A_6 = vector.broadcast %lt3A : i32 to vector<24x1xi32>
    %lt3A_7 = arith.cmpi slt, %iota3A, %lt3A_6 : vector<24x1xi32>
    %convert_element_type3A = arith.sitofp %iota3A : vector<24x1xi32> to vector<24x1xf32>
    %add3A = arith.constant 1.000000e+00 : f32
    %add3A_8 = vector.broadcast %add3A : f32 to vector<24x1xf32>
    %add3A_9 = arith.addf %convert_element_type3A, %add3A_8 : vector<24x1xf32>
    %eq3A = arith.constant 20 : i32
    %eq3A_10 = vector.broadcast %eq3A : i32 to vector<24x1xi32>
    %eq3A_11 = arith.cmpi eq, %iota3A, %eq3A_10 : vector<24x1xi32>
    %jit3A = arith.constant 1.000000e+00 : f32
    %jit3A_12 = arith.constant 0.000000e+00 : f32
    %broadcast_in_dim3A = vector.broadcast %jit3A : f32 to vector<24x1xf32>
    %broadcast_in_dim3A_13 = vector.broadcast %jit3A_12 : f32 to vector<24x1xf32>
    %select_n3A = arith.select %eq3A_11, %broadcast_in_dim3A, %broadcast_in_dim3A_13 : vector<24x1xi1>, vector<24x1xf32>
    %select_n3A_14 = arith.select %lt3A_7, %add3A_9, %select_n3A : vector<24x1xi1>, vector<24x1xf32>
    %eq3A_15 = arith.constant 20 : i32
    %eq3A_16 = vector.broadcast %eq3A_15 : i32 to vector<24x1xi32>
    %eq3A_17 = arith.cmpi eq, %iota3A, %eq3A_16 : vector<24x1xi32>
    %jit3A_18 = arith.constant 1.57079637 : f32
    %jit3A_19 = arith.constant 0.000000e+00 : f32
    %broadcast_in_dim3A_20 = vector.broadcast %jit3A_18 : f32 to vector<24x1xf32>
    %broadcast_in_dim3A_21 = vector.broadcast %jit3A_19 : f32 to vector<24x1xf32>
    %select_n3A_22 = arith.select %eq3A_17, %broadcast_in_dim3A_20, %broadcast_in_dim3A_21 : vector<24x1xi1>, vector<24x1xf32>
    %mul3A_23 = vector.broadcast %select_n3A_14 : vector<24x1xf32> to vector<24x1280xf32>
    %mul3A_24 = vector.broadcast %mul3A_5 : vector<1x1280xf32> to vector<24x1280xf32>
    %mul3A_25 = arith.mulf %mul3A_23, %mul3A_24 : vector<24x1280xf32>
    %add3A_26 = vector.broadcast %select_n3A_22 : vector<24x1xf32> to vector<24x1280xf32>
    %add3A_27 = arith.addf %mul3A_25, %add3A_26 : vector<24x1280xf32>
    %sin3A = math.sin %add3A_27 : vector<24x1280xf32>
    %lt3A_28 = arith.constant 5.000000e+00 : f32
    %lt3A_29 = vector.broadcast %lt3A_28 : f32 to vector<1x1280xf32>
    %lt3A_30 = arith.cmpf olt, %sqrt3A, %lt3A_29 : vector<1x1280xf32>
    %slice3A = vector.extract_strided_slice %sin3A {offsets = [20, 0], sizes = [1, 1280], strides = [1, 1]} : vector<24x1280xf32> to vector<1x1280xf32>
    %add3A_31 = arith.constant 1.000000e+00 : f32
    %add3A_32 = vector.broadcast %add3A_31 : f32 to vector<1x1280xf32>
    %add3A_33 = arith.addf %slice3A, %add3A_32 : vector<1x1280xf32>
    %mul3A_34 = arith.constant 5.000000e-01 : f32
    %mul3A_35 = vector.broadcast %mul3A_34 : f32 to vector<1x1280xf32>
    %mul3A_36 = arith.mulf %mul3A_35, %add3A_33 : vector<1x1280xf32>
    %jit3A_37 = arith.constant 0.000000e+00 : f32
    %broadcast_in_dim3A_38 = vector.broadcast %jit3A_37 : f32 to vector<1x1280xf32>
    %select_n3A_39 = arith.select %lt3A_30, %mul3A_36, %broadcast_in_dim3A_38 : vector<1x1280xi1>, vector<1x1280xf32>
    %lt3A_40 = arith.constant 20 : i32
    %lt3A_41 = vector.broadcast %lt3A_40 : i32 to vector<24x1xi32>
    %lt3A_42 = arith.cmpi slt, %iota3A, %lt3A_41 : vector<24x1xi32>
    %div3A = arith.divf %select_n3A_39, %sqrt3A : vector<1x1280xf32>
    %mul3A_43 = vector.broadcast %div3A : vector<1x1280xf32> to vector<24x1280xf32>
    %mul3A_44 = arith.mulf %sin3A, %mul3A_43 : vector<24x1280xf32>
    %eq3A_45 = arith.constant 20 : i32
    %eq3A_46 = vector.broadcast %eq3A_45 : i32 to vector<24x1xi32>
    %eq3A_47 = arith.cmpi eq, %iota3A, %eq3A_46 : vector<24x1xi32>
    %jit3A_48 = arith.constant 0.000000e+00 : f32
    %broadcast_in_dim3A_49 = vector.shape_cast %eq3A_47 : vector<24x1xi1> to vector<24x1xi1>
    %broadcast_in_dim3A_50 = vector.broadcast %broadcast_in_dim3A_49 : vector<24x1xi1> to vector<24x1280xi1>
    %broadcast_in_dim3A_51 = vector.shape_cast %select_n3A_39 : vector<1x1280xf32> to vector<1x1280xf32>
    %broadcast_in_dim3A_52 = vector.broadcast %broadcast_in_dim3A_51 : vector<1x1280xf32> to vector<24x1280xf32>
    %broadcast_in_dim3A_53 = vector.broadcast %jit3A_48 : f32 to vector<24x1280xf32>
    %select_n3A_54 = arith.select %broadcast_in_dim3A_50, %broadcast_in_dim3A_52, %broadcast_in_dim3A_53 : vector<24x1280xi1>, vector<24x1280xf32>
    %broadcast_in_dim3A_55 = vector.shape_cast %lt3A_42 : vector<24x1xi1> to vector<24x1xi1>
    %broadcast_in_dim3A_56 = vector.broadcast %broadcast_in_dim3A_55 : vector<24x1xi1> to vector<24x1280xi1>
    %select_n3A_57 = arith.select %broadcast_in_dim3A_56, %mul3A_44, %select_n3A_54 : vector<24x1280xi1>, vector<24x1280xf32>
    %get3A_58 = arith.constant 0 : index
    %get3A_59 = arith.constant 0 : index
    %get3A_60 = vector.load %arg2[%get3A_58, %get3A_59] : memref<24x128xf32, #tpu.memory_space<vmem>>, vector<24x128xf32>
    %dot_general3A = arith.constant dense<0.000000e+00> : vector<1280x128xf32>
    %dot_general3A_61 = tpu.matmul %select_n3A_57, %get3A_60, %dot_general3A {dimension_numbers = #tpu.dot_dimension_numbers<[0], [0], [1], [1], [0, 1, 1, 1], [], []>, transpose_lhs_hint = false} : vector<24x1280xf32>, vector<24x128xf32>, vector<1280x128xf32> -> vector<1280x128xf32>
    %swap3A = arith.constant 0 : index
    %swap3A_62 = arith.constant 0 : index
    %swap3A_63 = vector.load %arg3[%swap3A, %swap3A_62] : memref<1280x128xf32, #tpu.memory_space<vmem>>, vector<1280x128xf32>
    tpu.vector_store %arg3[%swap3A, %swap3A_62], %dot_general3A_61 {strides = array<i32>} : memref<1280x128xf32, #tpu.memory_space<vmem>>, vector<1280x128xf32>,
    return
  }
  func.func @transform_0(%arg0: i32) -> (i32, i32, i32) {
    %c0_i32 = arith.constant 0 : i32
    %c0_i32_0 = arith.constant 0 : i32
    %c0_i32_1 = arith.constant 0 : i32
    return %arg0, %c0_i32, %c0_i32_0 : i32, i32, i32
  }
  func.func @transform_1(%arg0: i32) -> (i32, i32) {
    %c0_i32 = arith.constant 0 : i32
    %c0_i32_0 = arith.constant 0 : i32
    %c0_i32_1 = arith.constant 0 : i32
    return %c0_i32, %c0_i32_0 : i32, i32
  }
  func.func @transform_2(%arg0: i32) -> (i32, i32) {
    %c0_i32 = arith.constant 0 : i32
    %c0_i32_0 = arith.constant 0 : i32
    return %arg0, %c0_i32 : i32, i32
  }
}

module attributes {stable_mosaic.version = 14 : i64} {
  func.func @body(%arg0: i32, %arg1: memref<400x128xf32, #tpu.memory_space<vmem>>, %arg2: memref<2x400x128xf32, #tpu.memory_space<vmem>>, %arg3: memref<400x384xf32, #tpu.memory_space<vmem>>, %arg4: memref<128x128xf32, #tpu.memory_space<vmem>>, %arg5: memref<1x128xf32, #tpu.memory_space<vmem>>, %arg6: memref<128x128xf32, #tpu.memory_space<vmem>>, %arg7: memref<1x128xf32, #tpu.memory_space<vmem>>, %arg8: memref<128x128xf32, #tpu.memory_space<vmem>>, %arg9: memref<1x128xf32, #tpu.memory_space<vmem>>, %arg10: memref<128x128xf32, #tpu.memory_space<vmem>>, %arg11: memref<1x128xf32, #tpu.memory_space<vmem>>, %arg12: memref<400x128xf32, #tpu.memory_space<vmem>>, %arg13: memref<400x128xf32, #tpu.memory_space<vmem>>, %arg14: memref<400x128xf32, #tpu.memory_space<vmem>>) attributes {dimension_semantics = [#tpu.dimension_semantics<arbitrary>], iteration_bounds = array<i64: 25>, scalar_prefetch = 0 : i64, scratch_operands = 0 : i64, tpu.core_type = #tpu.core_type<tc>, window_params = [{transform_indices = @transform_0, window_bounds = array<i64: 400, 128>}, {transform_indices = @transform_1, window_bounds = array<i64: 2, 400, 128>}, {transform_indices = @transform_2, window_bounds = array<i64: 400, 384>}, {pipeline_mode = #tpu.pipeline_mode<synchronous>, transform_indices = @transform_3, window_bounds = array<i64: 128, 128>}, {pipeline_mode = #tpu.pipeline_mode<synchronous>, transform_indices = @transform_4, window_bounds = array<i64: 1, 128>}, {pipeline_mode = #tpu.pipeline_mode<synchronous>, transform_indices = @transform_5, window_bounds = array<i64: 128, 128>}, {pipeline_mode = #tpu.pipeline_mode<synchronous>, transform_indices = @transform_6, window_bounds = array<i64: 1, 128>}, {pipeline_mode = #tpu.pipeline_mode<synchronous>, transform_indices = @transform_7, window_bounds = array<i64: 128, 128>}, {pipeline_mode = #tpu.pipeline_mode<synchronous>, transform_indices = @transform_8, window_bounds = array<i64: 1, 128>}, {pipeline_mode = #tpu.pipeline_mode<synchronous>, transform_indices = @transform_9, window_bounds = array<i64: 128, 128>}, {pipeline_mode = #tpu.pipeline_mode<synchronous>, transform_indices = @transform_10, window_bounds = array<i64: 1, 128>}, {transform_indices = @transform_11, window_bounds = array<i64: 400, 128>}, {transform_indices = @transform_12, window_bounds = array<i64: 400, 128>}, {transform_indices = @transform_13, window_bounds = array<i64: 400, 128>}]} {
    %get3A = arith.constant 0 : index
    %get3A_0 = arith.constant 0 : index
    %get3A_1 = vector.load %arg1[%get3A, %get3A_0] : memref<400x128xf32, #tpu.memory_space<vmem>>, vector<400x128xf32>
    %get3A_2 = arith.constant 0 : index
    %get3A_3 = arith.constant 0 : index
    %get3A_4 = arith.constant 0 : index
    %get3A_5 = vector.load %arg2[%get3A_2, %get3A_3, %get3A_4] : memref<2x400x128xf32, #tpu.memory_space<vmem>>, vector<1x400x128xf32>
    %get3A_6 = vector.shape_cast %get3A_5 : vector<1x400x128xf32> to vector<400x128xf32>
    %add3A = arith.addf %get3A_1, %get3A_6 : vector<400x128xf32>
    %get3A_7 = arith.constant 1 : index
    %get3A_8 = arith.constant 0 : index
    %get3A_9 = arith.constant 0 : index
    %get3A_10 = vector.load %arg2[%get3A_7, %get3A_8, %get3A_9] : memref<2x400x128xf32, #tpu.memory_space<vmem>>, vector<1x400x128xf32>
    %get3A_11 = vector.shape_cast %get3A_10 : vector<1x400x128xf32> to vector<400x128xf32>
    %add3A_12 = arith.addf %add3A, %get3A_11 : vector<400x128xf32>
    %swap3A = arith.constant 0 : index
    %swap3A_13 = arith.constant 0 : index
    %swap3A_14 = vector.load %arg12[%swap3A, %swap3A_13] : memref<400x128xf32, #tpu.memory_space<vmem>>, vector<400x128xf32>
    tpu.vector_store %arg12[%swap3A, %swap3A_13], %add3A_12 {strides = array<i32>} : memref<400x128xf32, #tpu.memory_space<vmem>>, vector<400x128xf32>,
    %get3A_15 = arith.constant 0 : index
    %get3A_16 = arith.constant 0 : index
    %get3A_17 = vector.load %arg4[%get3A_15, %get3A_16] : memref<128x128xf32, #tpu.memory_space<vmem>>, vector<128x128xf32>
    %get3A_18 = arith.constant 0 : index
    %get3A_19 = arith.constant 0 : index
    %get3A_20 = vector.load %arg5[%get3A_18, %get3A_19] : memref<1x128xf32, #tpu.memory_space<vmem>>, vector<1x128xf32>
    %get3A_21 = arith.constant 0 : index
    %get3A_22 = arith.constant 0 : index
    %get3A_23 = vector.load %arg6[%get3A_21, %get3A_22] : memref<128x128xf32, #tpu.memory_space<vmem>>, vector<128x128xf32>
    %get3A_24 = arith.constant 0 : index
    %get3A_25 = arith.constant 0 : index
    %get3A_26 = vector.load %arg7[%get3A_24, %get3A_25] : memref<1x128xf32, #tpu.memory_space<vmem>>, vector<1x128xf32>
    %dot_general3A = arith.constant dense<0.000000e+00> : vector<400x128xf32>
    %dot_general3A_27 = tpu.matmul %add3A_12, %get3A_17, %dot_general3A {dimension_numbers = #tpu.dot_dimension_numbers<[1], [0], [0], [1], [0, 0, 1, 1], [], []>, transpose_lhs_hint = false} : vector<400x128xf32>, vector<128x128xf32>, vector<400x128xf32> -> vector<400x128xf32>
    %add3A_28 = vector.broadcast %get3A_20 : vector<1x128xf32> to vector<400x128xf32>
    %add3A_29 = arith.addf %dot_general3A_27, %add3A_28 : vector<400x128xf32>
    %logistic3A = arith.negf %add3A_29 : vector<400x128xf32>
    %logistic3A_30 = math.exp %logistic3A : vector<400x128xf32>
    %logistic3A_31 = arith.constant 1.000000e+00 : f32
    %logistic3A_32 = vector.broadcast %logistic3A_31 : f32 to vector<400x128xf32>
    %logistic3A_33 = arith.addf %logistic3A_32, %logistic3A_30 : vector<400x128xf32>
    %logistic3A_34 = arith.divf %logistic3A_32, %logistic3A_33 : vector<400x128xf32>
    %mul3A = arith.mulf %add3A_29, %logistic3A_34 : vector<400x128xf32>
    %dot_general3A_35 = arith.constant dense<0.000000e+00> : vector<400x128xf32>
    %dot_general3A_36 = tpu.matmul %mul3A, %get3A_23, %dot_general3A_35 {dimension_numbers = #tpu.dot_dimension_numbers<[1], [0], [0], [1], [0, 0, 1, 1], [], []>, transpose_lhs_hint = false} : vector<400x128xf32>, vector<128x128xf32>, vector<400x128xf32> -> vector<400x128xf32>
    %add3A_37 = vector.broadcast %get3A_26 : vector<1x128xf32> to vector<400x128xf32>
    %add3A_38 = arith.addf %dot_general3A_36, %add3A_37 : vector<400x128xf32>
    %get3A_39 = arith.constant 0 : index
    %get3A_40 = arith.constant 0 : index
    %get3A_41 = vector.load %arg3[%get3A_39, %get3A_40] : memref<400x384xf32, #tpu.memory_space<vmem>>, vector<400x128xf32>
    %mul3A_42 = arith.mulf %add3A_38, %get3A_41 : vector<400x128xf32>
    %add3A_43 = arith.addf %add3A_12, %mul3A_42 : vector<400x128xf32>
    %swap3A_44 = arith.constant 0 : index
    %swap3A_45 = arith.constant 0 : index
    %swap3A_46 = vector.load %arg13[%swap3A_44, %swap3A_45] : memref<400x128xf32, #tpu.memory_space<vmem>>, vector<400x128xf32>
    tpu.vector_store %arg13[%swap3A_44, %swap3A_45], %add3A_43 {strides = array<i32>} : memref<400x128xf32, #tpu.memory_space<vmem>>, vector<400x128xf32>,
    %get3A_47 = arith.constant 0 : index
    %get3A_48 = arith.constant 0 : index
    %get3A_49 = vector.load %arg8[%get3A_47, %get3A_48] : memref<128x128xf32, #tpu.memory_space<vmem>>, vector<128x128xf32>
    %get3A_50 = arith.constant 0 : index
    %get3A_51 = arith.constant 0 : index
    %get3A_52 = vector.load %arg9[%get3A_50, %get3A_51] : memref<1x128xf32, #tpu.memory_space<vmem>>, vector<1x128xf32>
    %get3A_53 = arith.constant 0 : index
    %get3A_54 = arith.constant 0 : index
    %get3A_55 = vector.load %arg10[%get3A_53, %get3A_54] : memref<128x128xf32, #tpu.memory_space<vmem>>, vector<128x128xf32>
    %get3A_56 = arith.constant 0 : index
    %get3A_57 = arith.constant 0 : index
    %get3A_58 = vector.load %arg11[%get3A_56, %get3A_57] : memref<1x128xf32, #tpu.memory_space<vmem>>, vector<1x128xf32>
    %dot_general3A_59 = arith.constant dense<0.000000e+00> : vector<400x128xf32>
    %dot_general3A_60 = tpu.matmul %add3A_12, %get3A_49, %dot_general3A_59 {dimension_numbers = #tpu.dot_dimension_numbers<[1], [0], [0], [1], [0, 0, 1, 1], [], []>, transpose_lhs_hint = false} : vector<400x128xf32>, vector<128x128xf32>, vector<400x128xf32> -> vector<400x128xf32>
    %add3A_61 = vector.broadcast %get3A_52 : vector<1x128xf32> to vector<400x128xf32>
    %add3A_62 = arith.addf %dot_general3A_60, %add3A_61 : vector<400x128xf32>
    %logistic3A_63 = arith.negf %add3A_62 : vector<400x128xf32>
    %logistic3A_64 = math.exp %logistic3A_63 : vector<400x128xf32>
    %logistic3A_65 = arith.constant 1.000000e+00 : f32
    %logistic3A_66 = vector.broadcast %logistic3A_65 : f32 to vector<400x128xf32>
    %logistic3A_67 = arith.addf %logistic3A_66, %logistic3A_64 : vector<400x128xf32>
    %logistic3A_68 = arith.divf %logistic3A_66, %logistic3A_67 : vector<400x128xf32>
    %mul3A_69 = arith.mulf %add3A_62, %logistic3A_68 : vector<400x128xf32>
    %dot_general3A_70 = arith.constant dense<0.000000e+00> : vector<400x128xf32>
    %dot_general3A_71 = tpu.matmul %mul3A_69, %get3A_55, %dot_general3A_70 {dimension_numbers = #tpu.dot_dimension_numbers<[1], [0], [0], [1], [0, 0, 1, 1], [], []>, transpose_lhs_hint = false} : vector<400x128xf32>, vector<128x128xf32>, vector<400x128xf32> -> vector<400x128xf32>
    %add3A_72 = vector.broadcast %get3A_58 : vector<1x128xf32> to vector<400x128xf32>
    %add3A_73 = arith.addf %dot_general3A_71, %add3A_72 : vector<400x128xf32>
    %swap3A_74 = arith.constant 0 : index
    %swap3A_75 = arith.constant 0 : index
    %swap3A_76 = vector.load %arg14[%swap3A_74, %swap3A_75] : memref<400x128xf32, #tpu.memory_space<vmem>>, vector<400x128xf32>
    tpu.vector_store %arg14[%swap3A_74, %swap3A_75], %add3A_73 {strides = array<i32>} : memref<400x128xf32, #tpu.memory_space<vmem>>, vector<400x128xf32>,
    return
  }
  func.func @transform_0(%arg0: i32) -> (i32, i32) {
    %c0_i32 = arith.constant 0 : i32
    %c0_i32_0 = arith.constant 0 : i32
    return %arg0, %c0_i32 : i32, i32
  }
  func.func @transform_1(%arg0: i32) -> (i32, i32, i32) {
    %c0_i32 = arith.constant 0 : i32
    %c0_i32_0 = arith.constant 0 : i32
    %c0_i32_1 = arith.constant 0 : i32
    return %c0_i32, %arg0, %c0_i32_0 : i32, i32, i32
  }
  func.func @transform_2(%arg0: i32) -> (i32, i32) {
    %c0_i32 = arith.constant 0 : i32
    %c0_i32_0 = arith.constant 0 : i32
    return %arg0, %c0_i32 : i32, i32
  }
  func.func @transform_3(%arg0: i32) -> (i32, i32) {
    %c0_i32 = arith.constant 0 : i32
    %c0_i32_0 = arith.constant 0 : i32
    %c0_i32_1 = arith.constant 0 : i32
    return %c0_i32, %c0_i32_0 : i32, i32
  }
  func.func @transform_4(%arg0: i32) -> (i32, i32) {
    %c0_i32 = arith.constant 0 : i32
    %c0_i32_0 = arith.constant 0 : i32
    %c0_i32_1 = arith.constant 0 : i32
    return %c0_i32, %c0_i32_0 : i32, i32
  }
  func.func @transform_5(%arg0: i32) -> (i32, i32) {
    %c0_i32 = arith.constant 0 : i32
    %c0_i32_0 = arith.constant 0 : i32
    %c0_i32_1 = arith.constant 0 : i32
    return %c0_i32, %c0_i32_0 : i32, i32
  }
  func.func @transform_6(%arg0: i32) -> (i32, i32) {
    %c0_i32 = arith.constant 0 : i32
    %c0_i32_0 = arith.constant 0 : i32
    %c0_i32_1 = arith.constant 0 : i32
    return %c0_i32, %c0_i32_0 : i32, i32
  }
  func.func @transform_7(%arg0: i32) -> (i32, i32) {
    %c0_i32 = arith.constant 0 : i32
    %c0_i32_0 = arith.constant 0 : i32
    %c0_i32_1 = arith.constant 0 : i32
    return %c0_i32, %c0_i32_0 : i32, i32
  }
  func.func @transform_8(%arg0: i32) -> (i32, i32) {
    %c0_i32 = arith.constant 0 : i32
    %c0_i32_0 = arith.constant 0 : i32
    %c0_i32_1 = arith.constant 0 : i32
    return %c0_i32, %c0_i32_0 : i32, i32
  }
  func.func @transform_9(%arg0: i32) -> (i32, i32) {
    %c0_i32 = arith.constant 0 : i32
    %c0_i32_0 = arith.constant 0 : i32
    %c0_i32_1 = arith.constant 0 : i32
    return %c0_i32, %c0_i32_0 : i32, i32
  }
  func.func @transform_10(%arg0: i32) -> (i32, i32) {
    %c0_i32 = arith.constant 0 : i32
    %c0_i32_0 = arith.constant 0 : i32
    %c0_i32_1 = arith.constant 0 : i32
    return %c0_i32, %c0_i32_0 : i32, i32
  }
  func.func @transform_11(%arg0: i32) -> (i32, i32) {
    %c0_i32 = arith.constant 0 : i32
    %c0_i32_0 = arith.constant 0 : i32
    return %arg0, %c0_i32 : i32, i32
  }
  func.func @transform_12(%arg0: i32) -> (i32, i32) {
    %c0_i32 = arith.constant 0 : i32
    %c0_i32_0 = arith.constant 0 : i32
    return %arg0, %c0_i32 : i32, i32
  }
  func.func @transform_13(%arg0: i32) -> (i32, i32) {
    %c0_i32 = arith.constant 0 : i32
    %c0_i32_0 = arith.constant 0 : i32
    return %arg0, %c0_i32 : i32, i32
  }
}

module attributes {stable_mosaic.version = 14 : i64} {
  func.func @body(%arg0: i32, %arg1: memref<400x128xf32, #tpu.memory_space<vmem>>, %arg2: memref<2x400x128xf32, #tpu.memory_space<vmem>>, %arg3: memref<400x128xf32, #tpu.memory_space<vmem>>, %arg4: memref<400x384xf32, #tpu.memory_space<vmem>>, %arg5: memref<128x128xf32, #tpu.memory_space<vmem>>, %arg6: memref<1x128xf32, #tpu.memory_space<vmem>>, %arg7: memref<128x128xf32, #tpu.memory_space<vmem>>, %arg8: memref<1x128xf32, #tpu.memory_space<vmem>>, %arg9: memref<128x128xf32, #tpu.memory_space<vmem>>, %arg10: memref<1x128xf32, #tpu.memory_space<vmem>>, %arg11: memref<128x128xf32, #tpu.memory_space<vmem>>, %arg12: memref<1x128xf32, #tpu.memory_space<vmem>>, %arg13: memref<400x128xf32, #tpu.memory_space<vmem>>, %arg14: memref<400x128xf32, #tpu.memory_space<vmem>>, %arg15: memref<400x128xf32, #tpu.memory_space<vmem>>) attributes {dimension_semantics = [#tpu.dimension_semantics<arbitrary>], iteration_bounds = array<i64: 25>, scalar_prefetch = 0 : i64, scratch_operands = 0 : i64, tpu.core_type = #tpu.core_type<tc>, window_params = [{transform_indices = @transform_0, window_bounds = array<i64: 400, 128>}, {transform_indices = @transform_1, window_bounds = array<i64: 2, 400, 128>}, {transform_indices = @transform_2, window_bounds = array<i64: 400, 128>}, {transform_indices = @transform_3, window_bounds = array<i64: 400, 384>}, {pipeline_mode = #tpu.pipeline_mode<synchronous>, transform_indices = @transform_4, window_bounds = array<i64: 128, 128>}, {pipeline_mode = #tpu.pipeline_mode<synchronous>, transform_indices = @transform_5, window_bounds = array<i64: 1, 128>}, {pipeline_mode = #tpu.pipeline_mode<synchronous>, transform_indices = @transform_6, window_bounds = array<i64: 128, 128>}, {pipeline_mode = #tpu.pipeline_mode<synchronous>, transform_indices = @transform_7, window_bounds = array<i64: 1, 128>}, {pipeline_mode = #tpu.pipeline_mode<synchronous>, transform_indices = @transform_8, window_bounds = array<i64: 128, 128>}, {pipeline_mode = #tpu.pipeline_mode<synchronous>, transform_indices = @transform_9, window_bounds = array<i64: 1, 128>}, {pipeline_mode = #tpu.pipeline_mode<synchronous>, transform_indices = @transform_10, window_bounds = array<i64: 128, 128>}, {pipeline_mode = #tpu.pipeline_mode<synchronous>, transform_indices = @transform_11, window_bounds = array<i64: 1, 128>}, {transform_indices = @transform_12, window_bounds = array<i64: 400, 128>}, {transform_indices = @transform_13, window_bounds = array<i64: 400, 128>}, {transform_indices = @transform_14, window_bounds = array<i64: 400, 128>}]} {
    %get3A = arith.constant 0 : index
    %get3A_0 = arith.constant 0 : index
    %get3A_1 = vector.load %arg1[%get3A, %get3A_0] : memref<400x128xf32, #tpu.memory_space<vmem>>, vector<400x128xf32>
    %get3A_2 = arith.constant 0 : index
    %get3A_3 = arith.constant 0 : index
    %get3A_4 = arith.constant 0 : index
    %get3A_5 = vector.load %arg2[%get3A_2, %get3A_3, %get3A_4] : memref<2x400x128xf32, #tpu.memory_space<vmem>>, vector<1x400x128xf32>
    %get3A_6 = vector.shape_cast %get3A_5 : vector<1x400x128xf32> to vector<400x128xf32>
    %add3A = arith.addf %get3A_1, %get3A_6 : vector<400x128xf32>
    %get3A_7 = arith.constant 1 : index
    %get3A_8 = arith.constant 0 : index
    %get3A_9 = arith.constant 0 : index
    %get3A_10 = vector.load %arg2[%get3A_7, %get3A_8, %get3A_9] : memref<2x400x128xf32, #tpu.memory_space<vmem>>, vector<1x400x128xf32>
    %get3A_11 = vector.shape_cast %get3A_10 : vector<1x400x128xf32> to vector<400x128xf32>
    %add3A_12 = arith.addf %add3A, %get3A_11 : vector<400x128xf32>
    %swap3A = arith.constant 0 : index
    %swap3A_13 = arith.constant 0 : index
    %swap3A_14 = vector.load %arg13[%swap3A, %swap3A_13] : memref<400x128xf32, #tpu.memory_space<vmem>>, vector<400x128xf32>
    tpu.vector_store %arg13[%swap3A, %swap3A_13], %add3A_12 {strides = array<i32>} : memref<400x128xf32, #tpu.memory_space<vmem>>, vector<400x128xf32>,
    %get3A_15 = arith.constant 0 : index
    %get3A_16 = arith.constant 0 : index
    %get3A_17 = vector.load %arg5[%get3A_15, %get3A_16] : memref<128x128xf32, #tpu.memory_space<vmem>>, vector<128x128xf32>
    %get3A_18 = arith.constant 0 : index
    %get3A_19 = arith.constant 0 : index
    %get3A_20 = vector.load %arg6[%get3A_18, %get3A_19] : memref<1x128xf32, #tpu.memory_space<vmem>>, vector<1x128xf32>
    %get3A_21 = arith.constant 0 : index
    %get3A_22 = arith.constant 0 : index
    %get3A_23 = vector.load %arg7[%get3A_21, %get3A_22] : memref<128x128xf32, #tpu.memory_space<vmem>>, vector<128x128xf32>
    %get3A_24 = arith.constant 0 : index
    %get3A_25 = arith.constant 0 : index
    %get3A_26 = vector.load %arg8[%get3A_24, %get3A_25] : memref<1x128xf32, #tpu.memory_space<vmem>>, vector<1x128xf32>
    %dot_general3A = arith.constant dense<0.000000e+00> : vector<400x128xf32>
    %dot_general3A_27 = tpu.matmul %add3A_12, %get3A_17, %dot_general3A {dimension_numbers = #tpu.dot_dimension_numbers<[1], [0], [0], [1], [0, 0, 1, 1], [], []>, transpose_lhs_hint = false} : vector<400x128xf32>, vector<128x128xf32>, vector<400x128xf32> -> vector<400x128xf32>
    %add3A_28 = vector.broadcast %get3A_20 : vector<1x128xf32> to vector<400x128xf32>
    %add3A_29 = arith.addf %dot_general3A_27, %add3A_28 : vector<400x128xf32>
    %logistic3A = arith.negf %add3A_29 : vector<400x128xf32>
    %logistic3A_30 = math.exp %logistic3A : vector<400x128xf32>
    %logistic3A_31 = arith.constant 1.000000e+00 : f32
    %logistic3A_32 = vector.broadcast %logistic3A_31 : f32 to vector<400x128xf32>
    %logistic3A_33 = arith.addf %logistic3A_32, %logistic3A_30 : vector<400x128xf32>
    %logistic3A_34 = arith.divf %logistic3A_32, %logistic3A_33 : vector<400x128xf32>
    %mul3A = arith.mulf %add3A_29, %logistic3A_34 : vector<400x128xf32>
    %dot_general3A_35 = arith.constant dense<0.000000e+00> : vector<400x128xf32>
    %dot_general3A_36 = tpu.matmul %mul3A, %get3A_23, %dot_general3A_35 {dimension_numbers = #tpu.dot_dimension_numbers<[1], [0], [0], [1], [0, 0, 1, 1], [], []>, transpose_lhs_hint = false} : vector<400x128xf32>, vector<128x128xf32>, vector<400x128xf32> -> vector<400x128xf32>
    %add3A_37 = vector.broadcast %get3A_26 : vector<1x128xf32> to vector<400x128xf32>
    %add3A_38 = arith.addf %dot_general3A_36, %add3A_37 : vector<400x128xf32>
    %get3A_39 = arith.constant 0 : index
    %get3A_40 = arith.constant 128 : index
    %get3A_41 = vector.load %arg4[%get3A_39, %get3A_40] : memref<400x384xf32, #tpu.memory_space<vmem>>, vector<400x128xf32>
    %mul3A_42 = arith.mulf %add3A_38, %get3A_41 : vector<400x128xf32>
    %get3A_43 = arith.constant 0 : index
    %get3A_44 = arith.constant 0 : index
    %get3A_45 = vector.load %arg3[%get3A_43, %get3A_44] : memref<400x128xf32, #tpu.memory_space<vmem>>, vector<400x128xf32>
    %add3A_46 = arith.addf %get3A_45, %mul3A_42 : vector<400x128xf32>
    %swap3A_47 = arith.constant 0 : index
    %swap3A_48 = arith.constant 0 : index
    %swap3A_49 = vector.load %arg14[%swap3A_47, %swap3A_48] : memref<400x128xf32, #tpu.memory_space<vmem>>, vector<400x128xf32>
    tpu.vector_store %arg14[%swap3A_47, %swap3A_48], %add3A_46 {strides = array<i32>} : memref<400x128xf32, #tpu.memory_space<vmem>>, vector<400x128xf32>,
    %get3A_50 = arith.constant 0 : index
    %get3A_51 = arith.constant 0 : index
    %get3A_52 = vector.load %arg9[%get3A_50, %get3A_51] : memref<128x128xf32, #tpu.memory_space<vmem>>, vector<128x128xf32>
    %get3A_53 = arith.constant 0 : index
    %get3A_54 = arith.constant 0 : index
    %get3A_55 = vector.load %arg10[%get3A_53, %get3A_54] : memref<1x128xf32, #tpu.memory_space<vmem>>, vector<1x128xf32>
    %get3A_56 = arith.constant 0 : index
    %get3A_57 = arith.constant 0 : index
    %get3A_58 = vector.load %arg11[%get3A_56, %get3A_57] : memref<128x128xf32, #tpu.memory_space<vmem>>, vector<128x128xf32>
    %get3A_59 = arith.constant 0 : index
    %get3A_60 = arith.constant 0 : index
    %get3A_61 = vector.load %arg12[%get3A_59, %get3A_60] : memref<1x128xf32, #tpu.memory_space<vmem>>, vector<1x128xf32>
    %dot_general3A_62 = arith.constant dense<0.000000e+00> : vector<400x128xf32>
    %dot_general3A_63 = tpu.matmul %add3A_12, %get3A_52, %dot_general3A_62 {dimension_numbers = #tpu.dot_dimension_numbers<[1], [0], [0], [1], [0, 0, 1, 1], [], []>, transpose_lhs_hint = false} : vector<400x128xf32>, vector<128x128xf32>, vector<400x128xf32> -> vector<400x128xf32>
    %add3A_64 = vector.broadcast %get3A_55 : vector<1x128xf32> to vector<400x128xf32>
    %add3A_65 = arith.addf %dot_general3A_63, %add3A_64 : vector<400x128xf32>
    %logistic3A_66 = arith.negf %add3A_65 : vector<400x128xf32>
    %logistic3A_67 = math.exp %logistic3A_66 : vector<400x128xf32>
    %logistic3A_68 = arith.constant 1.000000e+00 : f32
    %logistic3A_69 = vector.broadcast %logistic3A_68 : f32 to vector<400x128xf32>
    %logistic3A_70 = arith.addf %logistic3A_69, %logistic3A_67 : vector<400x128xf32>
    %logistic3A_71 = arith.divf %logistic3A_69, %logistic3A_70 : vector<400x128xf32>
    %mul3A_72 = arith.mulf %add3A_65, %logistic3A_71 : vector<400x128xf32>
    %dot_general3A_73 = arith.constant dense<0.000000e+00> : vector<400x128xf32>
    %dot_general3A_74 = tpu.matmul %mul3A_72, %get3A_58, %dot_general3A_73 {dimension_numbers = #tpu.dot_dimension_numbers<[1], [0], [0], [1], [0, 0, 1, 1], [], []>, transpose_lhs_hint = false} : vector<400x128xf32>, vector<128x128xf32>, vector<400x128xf32> -> vector<400x128xf32>
    %add3A_75 = vector.broadcast %get3A_61 : vector<1x128xf32> to vector<400x128xf32>
    %add3A_76 = arith.addf %dot_general3A_74, %add3A_75 : vector<400x128xf32>
    %swap3A_77 = arith.constant 0 : index
    %swap3A_78 = arith.constant 0 : index
    %swap3A_79 = vector.load %arg15[%swap3A_77, %swap3A_78] : memref<400x128xf32, #tpu.memory_space<vmem>>, vector<400x128xf32>
    tpu.vector_store %arg15[%swap3A_77, %swap3A_78], %add3A_76 {strides = array<i32>} : memref<400x128xf32, #tpu.memory_space<vmem>>, vector<400x128xf32>,
    return
  }
  func.func @transform_0(%arg0: i32) -> (i32, i32) {
    %c0_i32 = arith.constant 0 : i32
    %c0_i32_0 = arith.constant 0 : i32
    return %arg0, %c0_i32 : i32, i32
  }
  func.func @transform_1(%arg0: i32) -> (i32, i32, i32) {
    %c0_i32 = arith.constant 0 : i32
    %c0_i32_0 = arith.constant 0 : i32
    %c0_i32_1 = arith.constant 0 : i32
    return %c0_i32, %arg0, %c0_i32_0 : i32, i32, i32
  }
  func.func @transform_2(%arg0: i32) -> (i32, i32) {
    %c0_i32 = arith.constant 0 : i32
    %c0_i32_0 = arith.constant 0 : i32
    return %arg0, %c0_i32 : i32, i32
  }
  func.func @transform_3(%arg0: i32) -> (i32, i32) {
    %c0_i32 = arith.constant 0 : i32
    %c0_i32_0 = arith.constant 0 : i32
    return %arg0, %c0_i32 : i32, i32
  }
  func.func @transform_4(%arg0: i32) -> (i32, i32) {
    %c0_i32 = arith.constant 0 : i32
    %c0_i32_0 = arith.constant 0 : i32
    %c0_i32_1 = arith.constant 0 : i32
    return %c0_i32, %c0_i32_0 : i32, i32
  }
  func.func @transform_5(%arg0: i32) -> (i32, i32) {
    %c0_i32 = arith.constant 0 : i32
    %c0_i32_0 = arith.constant 0 : i32
    %c0_i32_1 = arith.constant 0 : i32
    return %c0_i32, %c0_i32_0 : i32, i32
  }
  func.func @transform_6(%arg0: i32) -> (i32, i32) {
    %c0_i32 = arith.constant 0 : i32
    %c0_i32_0 = arith.constant 0 : i32
    %c0_i32_1 = arith.constant 0 : i32
    return %c0_i32, %c0_i32_0 : i32, i32
  }
  func.func @transform_7(%arg0: i32) -> (i32, i32) {
    %c0_i32 = arith.constant 0 : i32
    %c0_i32_0 = arith.constant 0 : i32
    %c0_i32_1 = arith.constant 0 : i32
    return %c0_i32, %c0_i32_0 : i32, i32
  }
  func.func @transform_8(%arg0: i32) -> (i32, i32) {
    %c0_i32 = arith.constant 0 : i32
    %c0_i32_0 = arith.constant 0 : i32
    %c0_i32_1 = arith.constant 0 : i32
    return %c0_i32, %c0_i32_0 : i32, i32
  }
  func.func @transform_9(%arg0: i32) -> (i32, i32) {
    %c0_i32 = arith.constant 0 : i32
    %c0_i32_0 = arith.constant 0 : i32
    %c0_i32_1 = arith.constant 0 : i32
    return %c0_i32, %c0_i32_0 : i32, i32
  }
  func.func @transform_10(%arg0: i32) -> (i32, i32) {
    %c0_i32 = arith.constant 0 : i32
    %c0_i32_0 = arith.constant 0 : i32
    %c0_i32_1 = arith.constant 0 : i32
    return %c0_i32, %c0_i32_0 : i32, i32
  }
  func.func @transform_11(%arg0: i32) -> (i32, i32) {
    %c0_i32 = arith.constant 0 : i32
    %c0_i32_0 = arith.constant 0 : i32
    %c0_i32_1 = arith.constant 0 : i32
    return %c0_i32, %c0_i32_0 : i32, i32
  }
  func.func @transform_12(%arg0: i32) -> (i32, i32) {
    %c0_i32 = arith.constant 0 : i32
    %c0_i32_0 = arith.constant 0 : i32
    return %arg0, %c0_i32 : i32, i32
  }
  func.func @transform_13(%arg0: i32) -> (i32, i32) {
    %c0_i32 = arith.constant 0 : i32
    %c0_i32_0 = arith.constant 0 : i32
    return %arg0, %c0_i32 : i32, i32
  }
  func.func @transform_14(%arg0: i32) -> (i32, i32) {
    %c0_i32 = arith.constant 0 : i32
    %c0_i32_0 = arith.constant 0 : i32
    return %arg0, %c0_i32 : i32, i32
  }
}

module attributes {stable_mosaic.version = 14 : i64} {
  func.func @body(%arg0: i32, %arg1: memref<400x128xf32, #tpu.memory_space<vmem>>, %arg2: memref<2x400x128xf32, #tpu.memory_space<vmem>>, %arg3: memref<400x128xf32, #tpu.memory_space<vmem>>, %arg4: memref<400x384xf32, #tpu.memory_space<vmem>>, %arg5: memref<128x128xf32, #tpu.memory_space<vmem>>, %arg6: memref<1x128xf32, #tpu.memory_space<vmem>>, %arg7: memref<128x128xf32, #tpu.memory_space<vmem>>, %arg8: memref<1x128xf32, #tpu.memory_space<vmem>>, %arg9: memref<1x1x400xi32, #tpu.memory_space<vmem>>, %arg10: memref<400x128xf32, #tpu.memory_space<vmem>>, %arg11: memref<1000x128xf32, #tpu.memory_space<vmem>>, %arg12: memref<1000x128xf32, #tpu.memory_space<vmem>>, %arg13: memref<1000x8xf32, #tpu.memory_space<vmem>>) attributes {dimension_semantics = [#tpu.dimension_semantics<arbitrary>], iteration_bounds = array<i64: 25>, scalar_prefetch = 0 : i64, scratch_operands = 2 : i64, tpu.core_type = #tpu.core_type<tc>, window_params = [{transform_indices = @transform_0, window_bounds = array<i64: 400, 128>}, {transform_indices = @transform_1, window_bounds = array<i64: 2, 400, 128>}, {transform_indices = @transform_2, window_bounds = array<i64: 400, 128>}, {transform_indices = @transform_3, window_bounds = array<i64: 400, 384>}, {pipeline_mode = #tpu.pipeline_mode<synchronous>, transform_indices = @transform_4, window_bounds = array<i64: 128, 128>}, {pipeline_mode = #tpu.pipeline_mode<synchronous>, transform_indices = @transform_5, window_bounds = array<i64: 1, 128>}, {pipeline_mode = #tpu.pipeline_mode<synchronous>, transform_indices = @transform_6, window_bounds = array<i64: 128, 128>}, {pipeline_mode = #tpu.pipeline_mode<synchronous>, transform_indices = @transform_7, window_bounds = array<i64: 1, 128>}, {transform_indices = @transform_8, window_bounds = array<i64: 1, 1, 400>}, {transform_indices = @transform_9, window_bounds = array<i64: 400, 128>}, {pipeline_mode = #tpu.pipeline_mode<synchronous>, transform_indices = @transform_10, window_bounds = array<i64: 1000, 128>}]} {
    %get3A = arith.constant 0 : index
    %get3A_0 = arith.constant 0 : index
    %get3A_1 = vector.load %arg1[%get3A, %get3A_0] : memref<400x128xf32, #tpu.memory_space<vmem>>, vector<400x128xf32>
    %get3A_2 = arith.constant 0 : index
    %get3A_3 = arith.constant 0 : index
    %get3A_4 = arith.constant 0 : index
    %get3A_5 = vector.load %arg2[%get3A_2, %get3A_3, %get3A_4] : memref<2x400x128xf32, #tpu.memory_space<vmem>>, vector<1x400x128xf32>
    %get3A_6 = vector.shape_cast %get3A_5 : vector<1x400x128xf32> to vector<400x128xf32>
    %add3A = arith.addf %get3A_1, %get3A_6 : vector<400x128xf32>
    %get3A_7 = arith.constant 1 : index
    %get3A_8 = arith.constant 0 : index
    %get3A_9 = arith.constant 0 : index
    %get3A_10 = vector.load %arg2[%get3A_7, %get3A_8, %get3A_9] : memref<2x400x128xf32, #tpu.memory_space<vmem>>, vector<1x400x128xf32>
    %get3A_11 = vector.shape_cast %get3A_10 : vector<1x400x128xf32> to vector<400x128xf32>
    %add3A_12 = arith.addf %add3A, %get3A_11 : vector<400x128xf32>
    %swap3A = arith.constant 0 : index
    %swap3A_13 = arith.constant 0 : index
    %swap3A_14 = vector.load %arg10[%swap3A, %swap3A_13] : memref<400x128xf32, #tpu.memory_space<vmem>>, vector<400x128xf32>
    tpu.vector_store %arg10[%swap3A, %swap3A_13], %add3A_12 {strides = array<i32>} : memref<400x128xf32, #tpu.memory_space<vmem>>, vector<400x128xf32>,
    %get3A_15 = arith.constant 0 : index
    %get3A_16 = arith.constant 0 : index
    %get3A_17 = vector.load %arg5[%get3A_15, %get3A_16] : memref<128x128xf32, #tpu.memory_space<vmem>>, vector<128x128xf32>
    %get3A_18 = arith.constant 0 : index
    %get3A_19 = arith.constant 0 : index
    %get3A_20 = vector.load %arg6[%get3A_18, %get3A_19] : memref<1x128xf32, #tpu.memory_space<vmem>>, vector<1x128xf32>
    %get3A_21 = arith.constant 0 : index
    %get3A_22 = arith.constant 0 : index
    %get3A_23 = vector.load %arg7[%get3A_21, %get3A_22] : memref<128x128xf32, #tpu.memory_space<vmem>>, vector<128x128xf32>
    %get3A_24 = arith.constant 0 : index
    %get3A_25 = arith.constant 0 : index
    %get3A_26 = vector.load %arg8[%get3A_24, %get3A_25] : memref<1x128xf32, #tpu.memory_space<vmem>>, vector<1x128xf32>
    %dot_general3A = arith.constant dense<0.000000e+00> : vector<400x128xf32>
    %dot_general3A_27 = tpu.matmul %add3A_12, %get3A_17, %dot_general3A {dimension_numbers = #tpu.dot_dimension_numbers<[1], [0], [0], [1], [0, 0, 1, 1], [], []>, transpose_lhs_hint = false} : vector<400x128xf32>, vector<128x128xf32>, vector<400x128xf32> -> vector<400x128xf32>
    %add3A_28 = vector.broadcast %get3A_20 : vector<1x128xf32> to vector<400x128xf32>
    %add3A_29 = arith.addf %dot_general3A_27, %add3A_28 : vector<400x128xf32>
    %logistic3A = arith.negf %add3A_29 : vector<400x128xf32>
    %logistic3A_30 = math.exp %logistic3A : vector<400x128xf32>
    %logistic3A_31 = arith.constant 1.000000e+00 : f32
    %logistic3A_32 = vector.broadcast %logistic3A_31 : f32 to vector<400x128xf32>
    %logistic3A_33 = arith.addf %logistic3A_32, %logistic3A_30 : vector<400x128xf32>
    %logistic3A_34 = arith.divf %logistic3A_32, %logistic3A_33 : vector<400x128xf32>
    %mul3A = arith.mulf %add3A_29, %logistic3A_34 : vector<400x128xf32>
    %dot_general3A_35 = arith.constant dense<0.000000e+00> : vector<400x128xf32>
    %dot_general3A_36 = tpu.matmul %mul3A, %get3A_23, %dot_general3A_35 {dimension_numbers = #tpu.dot_dimension_numbers<[1], [0], [0], [1], [0, 0, 1, 1], [], []>, transpose_lhs_hint = false} : vector<400x128xf32>, vector<128x128xf32>, vector<400x128xf32> -> vector<400x128xf32>
    %add3A_37 = vector.broadcast %get3A_26 : vector<1x128xf32> to vector<400x128xf32>
    %add3A_38 = arith.addf %dot_general3A_36, %add3A_37 : vector<400x128xf32>
    %get3A_39 = arith.constant 0 : index
    %get3A_40 = arith.constant 256 : index
    %get3A_41 = vector.load %arg4[%get3A_39, %get3A_40] : memref<400x384xf32, #tpu.memory_space<vmem>>, vector<400x128xf32>
    %mul3A_42 = arith.mulf %add3A_38, %get3A_41 : vector<400x128xf32>
    %get3A_43 = arith.constant 0 : index
    %get3A_44 = arith.constant 0 : index
    %get3A_45 = vector.load %arg3[%get3A_43, %get3A_44] : memref<400x128xf32, #tpu.memory_space<vmem>>, vector<400x128xf32>
    %add3A_46 = arith.addf %get3A_45, %mul3A_42 : vector<400x128xf32>
    %get3A_47 = arith.constant 0 : index
    %get3A_48 = arith.constant 0 : index
    %get3A_49 = arith.constant 0 : index
    %get3A_50 = vector.load %arg9[%get3A_47, %get3A_48, %get3A_49] : memref<1x1x400xi32, #tpu.memory_space<vmem>>, vector<1x1x400xi32>
    %get3A_51 = vector.shape_cast %get3A_50 : vector<1x1x400xi32> to vector<400xi32>
    %reshape3A = vector.shape_cast %get3A_51 : vector<400xi32> to vector<400x1xi32>
    %iota3A = tpu.iota {dimensions = array<i32: 1>} : vector<1x1000xi32>
    %eq3A = vector.broadcast %reshape3A : vector<400x1xi32> to vector<400x1000xi32>
    %eq3A_52 = vector.broadcast %iota3A : vector<1x1000xi32> to vector<400x1000xi32>
    %eq3A_53 = arith.cmpi eq, %eq3A, %eq3A_52 : vector<400x1000xi32>
    %convert_element_type3A = arith.extui %eq3A_53 : vector<400x1000xi1> to vector<400x1000xi32>
    %convert_element_type3A_54 = arith.sitofp %convert_element_type3A : vector<400x1000xi32> to vector<400x1000xf32>
    %dot_general3A_55 = arith.constant dense<0.000000e+00> : vector<1000x128xf32>
    %dot_general3A_56 = tpu.matmul %convert_element_type3A_54, %add3A_46, %dot_general3A_55 {dimension_numbers = #tpu.dot_dimension_numbers<[0], [0], [1], [1], [0, 1, 1, 1], [], []>, transpose_lhs_hint = false} : vector<400x1000xf32>, vector<400x128xf32>, vector<1000x128xf32> -> vector<1000x128xf32>
    %broadcast_in_dim3A = arith.constant 1.000000e+00 : f32
    %broadcast_in_dim3A_57 = vector.broadcast %broadcast_in_dim3A : f32 to vector<400x8xf32>
    %dot_general3A_58 = arith.constant dense<0.000000e+00> : vector<1000x8xf32>
    %dot_general3A_59 = tpu.matmul %convert_element_type3A_54, %broadcast_in_dim3A_57, %dot_general3A_58 {dimension_numbers = #tpu.dot_dimension_numbers<[0], [0], [1], [1], [0, 1, 1, 1], [], []>, transpose_lhs_hint = false} : vector<400x1000xf32>, vector<400x8xf32>, vector<1000x8xf32> -> vector<1000x8xf32>
    %eq3A_60 = arith.constant 0 : i32
    %eq3A_61 = arith.cmpi eq, %arg0, %eq3A_60 : i32
    %convert_element_type3A_62 = arith.extui %eq3A_61 : i1 to i32
    %cond3A = arith.constant 0 : i32
    %cond3A_63 = arith.cmpi ne, %convert_element_type3A_62, %cond3A : i32
    scf.if %cond3A_63 {
      %broadcast_in_dim3A_83 = arith.constant 0.000000e+00 : f32
      %broadcast_in_dim3A_84 = vector.broadcast %broadcast_in_dim3A_83 : f32 to vector<1000x128xf32>
      %swap3A_85 = arith.constant 0 : index
      %swap3A_86 = arith.constant 0 : index
      %swap3A_87 = vector.load %arg12[%swap3A_85, %swap3A_86] : memref<1000x128xf32, #tpu.memory_space<vmem>>, vector<1000x128xf32>
      tpu.vector_store %arg12[%swap3A_85, %swap3A_86], %broadcast_in_dim3A_84 {strides = array<i32>} : memref<1000x128xf32, #tpu.memory_space<vmem>>, vector<1000x128xf32>,
      %broadcast_in_dim3A_88 = arith.constant 0.000000e+00 : f32
      %broadcast_in_dim3A_89 = vector.broadcast %broadcast_in_dim3A_88 : f32 to vector<1000x8xf32>
      %swap3A_90 = arith.constant 0 : index
      %swap3A_91 = arith.constant 0 : index
      %swap3A_92 = vector.load %arg13[%swap3A_90, %swap3A_91] : memref<1000x8xf32, #tpu.memory_space<vmem>>, vector<1000x8xf32>
      tpu.vector_store %arg13[%swap3A_90, %swap3A_91], %broadcast_in_dim3A_89 {strides = array<i32>} : memref<1000x8xf32, #tpu.memory_space<vmem>>, vector<1000x8xf32>,
    } else {
    }
    %get3A_64 = arith.constant 0 : index
    %get3A_65 = arith.constant 0 : index
    %get3A_66 = vector.load %arg12[%get3A_64, %get3A_65] : memref<1000x128xf32, #tpu.memory_space<vmem>>, vector<1000x128xf32>
    %add3A_67 = arith.addf %get3A_66, %dot_general3A_56 : vector<1000x128xf32>
    %swap3A_68 = arith.constant 0 : index
    %swap3A_69 = arith.constant 0 : index
    %swap3A_70 = vector.load %arg12[%swap3A_68, %swap3A_69] : memref<1000x128xf32, #tpu.memory_space<vmem>>, vector<1000x128xf32>
    tpu.vector_store %arg12[%swap3A_68, %swap3A_69], %add3A_67 {strides = array<i32>} : memref<1000x128xf32, #tpu.memory_space<vmem>>, vector<1000x128xf32>,
    %get3A_71 = arith.constant 0 : index
    %get3A_72 = arith.constant 0 : index
    %get3A_73 = vector.load %arg13[%get3A_71, %get3A_72] : memref<1000x8xf32, #tpu.memory_space<vmem>>, vector<1000x8xf32>
    %add3A_74 = arith.addf %get3A_73, %dot_general3A_59 : vector<1000x8xf32>
    %swap3A_75 = arith.constant 0 : index
    %swap3A_76 = arith.constant 0 : index
    %swap3A_77 = vector.load %arg13[%swap3A_75, %swap3A_76] : memref<1000x8xf32, #tpu.memory_space<vmem>>, vector<1000x8xf32>
    tpu.vector_store %arg13[%swap3A_75, %swap3A_76], %add3A_74 {strides = array<i32>} : memref<1000x8xf32, #tpu.memory_space<vmem>>, vector<1000x8xf32>,
    %eq3A_78 = arith.constant 24 : i32
    %eq3A_79 = arith.cmpi eq, %arg0, %eq3A_78 : i32
    %convert_element_type3A_80 = arith.extui %eq3A_79 : i1 to i32
    %cond3A_81 = arith.constant 0 : i32
    %cond3A_82 = arith.cmpi ne, %convert_element_type3A_80, %cond3A_81 : i32
    scf.if %cond3A_82 {
      %get3A_83 = arith.constant 0 : index
      %get3A_84 = arith.constant 0 : index
      %get3A_85 = vector.load %arg13[%get3A_83, %get3A_84] : memref<1000x8xf32, #tpu.memory_space<vmem>>, vector<1000x1xf32>
      %jit3A = arith.constant 1.000000e+00 : f32
      %max3A = vector.broadcast %jit3A : f32 to vector<1000x1xf32>
      %max3A_86 = arith.maximumf %max3A, %get3A_85 : vector<1000x1xf32>
      %get3A_87 = arith.constant 0 : index
      %get3A_88 = arith.constant 0 : index
      %get3A_89 = vector.load %arg12[%get3A_87, %get3A_88] : memref<1000x128xf32, #tpu.memory_space<vmem>>, vector<1000x128xf32>
      %div3A = vector.broadcast %max3A_86 : vector<1000x1xf32> to vector<1000x128xf32>
      %div3A_90 = arith.divf %get3A_89, %div3A : vector<1000x128xf32>
      %swap3A_91 = arith.constant 0 : index
      %swap3A_92 = arith.constant 0 : index
      %swap3A_93 = vector.load %arg11[%swap3A_91, %swap3A_92] : memref<1000x128xf32, #tpu.memory_space<vmem>>, vector<1000x128xf32>
      tpu.vector_store %arg11[%swap3A_91, %swap3A_92], %div3A_90 {strides = array<i32>} : memref<1000x128xf32, #tpu.memory_space<vmem>>, vector<1000x128xf32>,
    } else {
    }
    return
  }
  func.func @transform_0(%arg0: i32) -> (i32, i32) {
    %c0_i32 = arith.constant 0 : i32
    %c0_i32_0 = arith.constant 0 : i32
    return %arg0, %c0_i32 : i32, i32
  }
  func.func @transform_1(%arg0: i32) -> (i32, i32, i32) {
    %c0_i32 = arith.constant 0 : i32
    %c0_i32_0 = arith.constant 0 : i32
    %c0_i32_1 = arith.constant 0 : i32
    return %c0_i32, %arg0, %c0_i32_0 : i32, i32, i32
  }
  func.func @transform_2(%arg0: i32) -> (i32, i32) {
    %c0_i32 = arith.constant 0 : i32
    %c0_i32_0 = arith.constant 0 : i32
    return %arg0, %c0_i32 : i32, i32
  }
  func.func @transform_3(%arg0: i32) -> (i32, i32) {
    %c0_i32 = arith.constant 0 : i32
    %c0_i32_0 = arith.constant 0 : i32
    return %arg0, %c0_i32 : i32, i32
  }
  func.func @transform_4(%arg0: i32) -> (i32, i32) {
    %c0_i32 = arith.constant 0 : i32
    %c0_i32_0 = arith.constant 0 : i32
    %c0_i32_1 = arith.constant 0 : i32
    return %c0_i32, %c0_i32_0 : i32, i32
  }
  func.func @transform_5(%arg0: i32) -> (i32, i32) {
    %c0_i32 = arith.constant 0 : i32
    %c0_i32_0 = arith.constant 0 : i32
    %c0_i32_1 = arith.constant 0 : i32
    return %c0_i32, %c0_i32_0 : i32, i32
  }
  func.func @transform_6(%arg0: i32) -> (i32, i32) {
    %c0_i32 = arith.constant 0 : i32
    %c0_i32_0 = arith.constant 0 : i32
    %c0_i32_1 = arith.constant 0 : i32
    return %c0_i32, %c0_i32_0 : i32, i32
  }
  func.func @transform_7(%arg0: i32) -> (i32, i32) {
    %c0_i32 = arith.constant 0 : i32
    %c0_i32_0 = arith.constant 0 : i32
    %c0_i32_1 = arith.constant 0 : i32
    return %c0_i32, %c0_i32_0 : i32, i32
  }
  func.func @transform_8(%arg0: i32) -> (i32, i32, i32) {
    %c0_i32 = arith.constant 0 : i32
    %c0_i32_0 = arith.constant 0 : i32
    %c0_i32_1 = arith.constant 0 : i32
    return %arg0, %c0_i32, %c0_i32_0 : i32, i32, i32
  }
  func.func @transform_9(%arg0: i32) -> (i32, i32) {
    %c0_i32 = arith.constant 0 : i32
    %c0_i32_0 = arith.constant 0 : i32
    return %arg0, %c0_i32 : i32, i32
  }
  func.func @transform_10(%arg0: i32) -> (i32, i32) {
    %c0_i32 = arith.constant 0 : i32
    %c0_i32_0 = arith.constant 0 : i32
    %c0_i32_1 = arith.constant 0 : i32
    return %c0_i32, %c0_i32_0 : i32, i32
  }
}

</mosaic_0001>

<sc_bundles>
// kernel: kernel.14.cloned.1.call-start
scs
__scs_entry_jumppad:
0x0: {  	(pc) =	sbr.rel $0x88, $3  }
0x1: {  	(tag) =	ssettag $0x0;
	lr =	simm.s32 $0x1  }
0x2: {  	[smem:$0x3F75] =	sst lr;
	_ =	strace $0xD0000000  }
0x3: {  	_ = 	snop  }
0x4: {  	_ = 	snop  }
0x5: {  	_ = 	snop  }
0x6: {  	_ = 	snop  }
0x7: {  	_ = 	snop  }
__scs_overlays_trampoline_lowered:
0x8: {  	[smem:$0x3F84] =	sst s0  }
0x9: {  	[smem:$0x3F85] =	sst s1  }
0xa: {  	[smem:$0x3F86] =	sst s2  }
0xb: {  	[smem:$0x3F87] =	sst s3  }
0xc: {  	[smem:$0x3F88] =	sst s4  }
0xd: {  	[smem:$0x3F89] =	sst s5  }
0xe: {  	[smem:$0x3F8A] =	sst s6  }
0xf: {  	[smem:$0x3F8B] =	sst s7  }
0x10: {  	[smem:$0x3F8C] =	sst s8  }
0x11: {  	[smem:$0x3F8D] =	sst s9;
	s0 =	simm.s32 @!p0 $0x0  }
0x12: {  	s1 =	sld [smem:$0x3F73];
	s0 =	simm.s32 @p0 $0x1  }
0x13: {  	[smem:$0x3F8E] =	sst s0;
	s0 =	simm.s32 @!p1 $0x0  }
0x14: {  	s2 =	sld [smem:$0x3F72];
	s0 =	simm.s32 @p1 $0x1  }
0x15: {  	[smem:$0x3F8F] =	sst s0;
	s0 =	simm.s32 @!p2 $0x0  }
0x16: {  	s3 =	sld [smem:$0x3FDB];
	s0 =	simm.s32 @p2 $0x1  }
0x17: {  	s4 =	simm.s32 $0x1BF5;
	[smem:$0x3F91] =	sst s0  }
0x18: {  	s0 =	sld [smem:$0x3F74];
	_ =	swait.ge [sflag:s4], $0x0  }
0x19: {  	s7 =	sld [smem:$0x3F75]  }
0x1a: {  	s8 =	sadd.s32 $0xFFFFE003, lr  }
0x1b: {  	s9 =	sadd.s32 $0xFFFFFEF7, lr;
	s5 =	simm.s32 $0xFFFFFFFF;
	p2 =	slt.u32 s8, $0xFFFFF086  }
0x1c: {  	p1 =	slt.u32 s9, $0xF7A;
	s5 =	simm.s32 @!p2 $0x0  }
0x1d: {  	s5 =	simm.s32 @p1 $0x1;
	p0 =	seq.s32 s7, s2  }
0x1e: {  	s7 =	smul.u32 @!p0 $0xF7A, s2;
	p2 =	seq.s32 @!p0 s5, $0x0  }
0x1f: {  	s9 =	smul.u32 $0xF7A, s1;
	s8 =	simm.s32 @!p0 $0x1BF5;
	p2 =	por !p2, p0  }
0x20: {  	[sflag:s8] =	ssyncset.s32 @!p0 $0xFFFFF086;
	s6 =	sadd.s32 @!p0 s3, s7;
	s7 =	simm.s32 @!p0 $0x108  }
0x21: {  	s3 =	sadd.s32 s3, s9;
	s6 =	sadd.s32 @!p0 $0x88, s6;
	s7 =	simm.s32 @p2 $0x1082  }
0x22: {  	[simem:s7], [sflag:s8] =	dma.local @!p0 [hbm:s6], $0xF7A  }
0x23: {  	s9 =	sor.u32 $0xD0000000, s2;
	s6 =	simm.s32 $0x108;
	_ =	swait.ge @!p0 [sflag:s8], $0x0  }
0x24: {  	s3 =	sadd.s32 $0x88, s3;
	s6 =	simm.s32 @!p1 $0x1082;
	[sflag:s4] =	ssyncset.s32 $0xFFFFF086  }
0x25: {  	[simem:s6], [sflag:s4] =	dma.local [hbm:s3], $0xF7A  }
0x26: {  	[smem:$0x3F75] =	sst s1;
	(tag) =	ssettag s2;
	_ =	strace s9  }
0x27: {  	s1 =	sld [smem:$0x3F85]  }
0x28: {  	s2 =	sld [smem:$0x3F86]  }
0x29: {  	s4 =	sld [smem:$0x3F88]  }
0x2a: {  	p0 =	seq.s32 s5, $0x0;
	s5 =	sld [smem:$0x3F89]  }
0x2b: {  	s6 =	sld [smem:$0x3F8A]  }
0x2c: {  	s7 =	sld [smem:$0x3F8B]  }
0x2d: {  	s3 =	simm.s32 $0x108;
	s8 =	sld [smem:$0x3F8C]  }
0x2e: {  	s3 =	simm.s32 @!p0 $0x1082;
	s9 =	sld [smem:$0x3F8D]  }
0x2f: {  	lr =	sadd.s32 s0, s3;
	s0 =	sld [smem:$0x3F84]  }
0x30: {  	s3 =	sld [smem:$0x3F87]  }
0x31: {  	[smem:$0x3F90] =	sst s10  }
0x32: {  	s10 =	sld [smem:$0x3F8E];
	_ =	sdelay $0x3  }
0x33: {  	p0 =	seq.s32 s10, $0x1;
	s10 =	sld [smem:$0x3F90];
	_ =	sdelay $0x3  }
0x34: {  	[smem:$0x3F90] =	sst s10  }
0x35: {  	s10 =	sld [smem:$0x3F8F];
	_ =	sdelay $0x3  }
0x36: {  	p1 =	seq.s32 s10, $0x1;
	s10 =	sld [smem:$0x3F90];
	_ =	sdelay $0x3  }
0x37: {  	[smem:$0x3F90] =	sst s10  }
0x38: {  	s10 =	sld [smem:$0x3F91]  }
0x39: {  	_ = 	snop;
	(pc) =	sbr.ind lr, $3  }
0x3a: {  	_ = 	snop  }
0x3b: {  	_ = 	snop  }
0x3c: {  	p2 =	seq.s32 s10, $0x1;
	s10 =	sld [smem:$0x3F90]  }
0x3d: {  	_ =	shalt  }
0x3e: {  	_ =	shalt  }
0x3f: {  	_ =	shalt  }
0x40: {  	_ =	shalt  }
0x41: {  	_ =	shalt  }
0x42: {  	_ =	shalt  }
0x43: {  	_ =	shalt  }
0x44: {  	_ =	shalt  }
0x45: {  	_ =	shalt  }
0x46: {  	_ =	shalt  }
0x47: {  	_ =	shalt  }
0x48: {  	_ =	shalt  }
0x49: {  	_ =	shalt  }
0x4a: {  	_ =	shalt  }
0x4b: {  	_ =	shalt  }
0x4c: {  	_ =	shalt  }
0x4d: {  	_ =	shalt  }
0x4e: {  	_ =	shalt  }
0x4f: {  	_ =	shalt  }
0x50: {  	_ =	shalt  }
0x51: {  	_ =	shalt  }
0x52: {  	_ =	shalt  }
0x53: {  	_ =	shalt  }
0x54: {  	_ =	shalt  }
0x55: {  	_ =	shalt  }
0x56: {  	_ =	shalt  }
0x57: {  	_ =	shalt  }
0x58: {  	_ =	shalt  }
0x59: {  	_ =	shalt  }
0x5a: {  	_ =	shalt  }
0x5b: {  	_ =	shalt  }
0x5c: {  	_ =	shalt  }
0x5d: {  	_ =	shalt  }
0x5e: {  	_ =	shalt  }
0x5f: {  	_ =	shalt  }
0x60: {  	_ =	shalt  }
0x61: {  	_ =	shalt  }
0x62: {  	_ =	shalt  }
0x63: {  	_ =	shalt  }
0x64: {  	_ =	shalt  }
0x65: {  	_ =	shalt  }
0x66: {  	_ =	shalt  }
0x67: {  	_ =	shalt  }
0x68: {  	_ =	shalt  }
0x69: {  	_ =	shalt  }
0x6a: {  	_ =	shalt  }
0x6b: {  	_ =	shalt  }
0x6c: {  	_ =	shalt  }
0x6d: {  	_ =	shalt  }
0x6e: {  	_ =	shalt  }
0x6f: {  	_ =	shalt  }
0x70: {  	_ =	shalt  }
0x71: {  	_ =	shalt  }
0x72: {  	_ =	shalt  }
0x73: {  	_ =	shalt  }
0x74: {  	_ =	shalt  }
0x75: {  	_ =	shalt  }
0x76: {  	_ =	shalt  }
0x77: {  	_ =	shalt  }
0x78: {  	_ =	shalt  }
0x79: {  	_ =	shalt  }
0x7a: {  	_ =	shalt  }
0x7b: {  	_ =	shalt  }
0x7c: {  	_ =	shalt  }
0x7d: {  	_ =	shalt  }
0x7e: {  	_ =	shalt  }
0x7f: {  	_ =	shalt  }
0x80: {  	_ =	shalt  }
0x81: {  	_ =	shalt  }
0x82: {  	_ =	shalt  }
0x83: {  	_ =	shalt  }
0x84: {  	_ =	shalt  }
0x85: {  	_ =	shalt  }
0x86: {  	_ =	shalt  }
0x87: {  	_ =	shalt  }
.Lfunc_end0:
.L_simem_size_0:
called_computation_lowered:
.L_overlay_start_0:
0x88: {  	s2 =	sld [smem:$0x3FD9]  }
0x89: {  	s3 =	sld [smem:$0x3FFE];
	_ =	sdelay $0x1  }
0x8a: {  	s1 =	srdreg.scid  }
0x8b: {  	s0 =	sand.u32 $0x1, s1  }
0x8c: {  	s16 =	sshll.u32 s0, $0xA;
	s2 =	sadd.s32 s3, s2  }
0x8d: {  	s2 =	sadd.s32 s2, s16  }
0x8e: {  	[smem:$0x3F9C] =	sst s2  }
0x8f: {  	_ = 	snop  }
0x90: {  	(tm) =	ssettm $0x1  }
0x91: {  	s17 =	sld [smem:$0x3FFB];
	_ =	sdelay $0x3  }
0x92: {  	_ =	strace s17  }
0x93: {  	s2 =	sld [smem:$0x3FFC];
	_ =	sdelay $0x3  }
0x94: {  	_ =	strace s2  }
0x95: {  	s2 =	sld [smem:$0x3FFD];
	_ =	sdelay $0x3  }
0x96: {  	_ =	strace s2  }
0x97: {  	_ =	strace $0x8FFFFFFF  }
0x98: {  	s18 =	sld [smem:$0x3FDB];
	_ =	sdelay $0x1  }
0x99: {  	s19 =	simm.s32 $_scs_section_size  }
0x9a: {  	s4 =	simm.s32 $_size__tile_overlayer_lowered;
	s5 =	simm.s32 $_tile_overlayer_lowered  }
0x9b: {  	s22 =	simm.s32 $0x1BFF;
	s21 =	sshll.u32 s5, $0x1;
	s2 =	sadd.s32 s19, s18  }
0x9c: {  	s6 =	simm.s32 $0x0;
	s20 =	sshll.u32 s4, $0x1;
	s4 =	sadd.s32 s21, s2  }
0x9d: {  	[timem:s6], [sflag:s22] =	dma.local [hbm:s4], s20  }
0x9e: {  	_ =	swait.ge [sflag:s22], s20  }
0x9f: {  	s3 =	ssub.s32 $0x0, s20;
	[sflag:s22] =	ssyncset.done $0x0  }
0xa0: {  	[sflag:s22] =	ssyncadd.s32 s3;
	_ =	sdelay $0x1  }
0xa1: {  	s23 =	simm.s32 $0x1B8B  }
0xa2: {  	_ =	swait.ge [sflag:s23], $0x1  }
0xa3: {  	[sflag:s23] =	ssyncset.done $0x0  }
0xa4: {  	s25 =	simm.s32 $0x1B8E;
	s24 =	sld [smem:$0x3FFE];
	[sflag:s23] =	ssyncadd.s32 $0xFFFFFFFF  }
0xa5: {  	s26 =	simm.s32 $execute0_lowered;
	[smem:$0x3FD2] =	sst s25  }
0xa6: {  	s4 =	sshll.u32 s26, $0x1;
	_ =	strace $0x80000046;
	[dreg:$0x1] =	wrdreg $0xFFFFFFFF  }
0xa7: {  	s28 =	simm.s32 $_size_execute0_lowered;
	s2 =	sadd.s32 s2, s4;
	[dreg:$0x0] =	wrdreg $0x0  }
0xa8: {  	s4 =	sshll.u32 s28, $0x1;
	[dreg:$0x2] =	wrdreg s2  }
0xa9: {  	[dreg:$0x3] =	wrdreg s4  }
0xaa: {  	[dreg:$0x4] =	wrdreg $0xC0  }
0xab: {  	_ =	task [dreg:s6], $0x5FFFF  }
0xac: {  	[dreg:$0x1] =	wrdreg $0xFFFFFFFF  }
0xad: {  	[dreg:$0x0] =	wrdreg $0x60  }
0xae: {  	[dreg:$0x2] =	wrdreg s24  }
0xaf: {  	[dreg:$0x3] =	wrdreg $0x9  }
0xb0: {  	_ =	task.clear_ibuf [dreg:s6], $0x4FFFF;
	_ =	strace $0x90000046  }
0xb1: {  	s29 =	simm.s32 $0x9;
	_ =	strace $0x80000048  }
0xb2: {  	_ =	swait.ge [sflag:s29], $0x1  }
0xb3: {  	[sflag:s29] =	ssyncadd.s32 $0xFFFFFFFF  }
0xb4: {  	_ =	strace $0x90000048  }
0xb5: {  	_ =	sfence  }
0xb6: {  	s30 =	sld [smem:$0x0];
	_ =	sdelay $0x2  }
0xb7: {  	s31 =	sshll.u32 s1, $0xD;
	s1 =	sshrl.u32 s1, $0x2  }
0xb8: {  	s3 =	sand.u32 $0x4000, s31;
	s1 =	sadd.s32 s1, s30  }
0xb9: {  	s0 =	sor.u32 s3, s0;
	s1 =	sshll.u32 s1, $0x11  }
0xba: {  	s0 =	sor.u32 s1, s0  }
0xbb: {  	s0 =	sadd.s32 $0x8F2B, s0  }
0xbc: {  	[sflag:s0] =	ssyncadd.remote.s32 $0x1  }
0xbd: {  	_ =	sfence.sel $0xFFFF  }
0xbe: {  	[dreg:$0x0] =	wrdreg $0xFFFFFFFF;
	(pc) =	sbr.abs _section_cstart, $3  }
0xbf: {  	[dreg:$0x1] =	wrdreg $0xFFFFFFFF  }
0xc0: {  	_ =	task.clear_ibuf [dreg:s6], $0x2FFFF;
	_ =	strace $0x9FFFFFFF  }
0xc1: {  	(tm) =	ssettm $0x7FFFFFFF  }
tec
execute0_lowered:
.L_overlay_start_1:
0x0: {  	(tag) =	ssettag $0x1  }
0x1: {  	s5 =	rddreg [dreg:$0x0]  }
0x2: {  	s0 =	rddreg [dreg:$0x1]  }
0x3: {  	s2 =	simm.s32 $0x0;
	s1 =	stileid.u32;
	s4 =	srdreg.scid  }
0x4: {  	s11 =	simm.s32 $0x100;
	s12 =	simm.s32 $0x1;
	s13 =	simm.s32 $0x2880  }
0x5: {  	s14 =	simm.s32 $0x5000;
	s15 =	simm.s32 $0x2;
	s16 =	simm.s32 $0x80  }
0x6: {  	s17 =	simm.s32 $0x7780;
	s18 =	simm.s32 $0x0;
	[smem:$0x7FF] =	sst s2  }
0x7: {  	s3 =	sshll.u32 s1, $0x5;
	s6 =	sand.u32 $0x1, s4;
	s4 =	sadd.s32 $0xEC00, s5  }
.Ltmp0:
0x8: {  	_ =	strace $0x80000047;
	s7 =	sadd.s32 s3, s5;
	(pc) =	sbr.rel .LBB2_1-.Ltmp0, $4  }
0x9: {  	s3 =	sadd.s32 $0xF200, s5;
	s8 =	ssub.s32 $0x2, s6;
	s10 =	sshll.u32 s6, $0x4  }
0xa: {  	s5 =	sadd.s32 $0xE600, s5;
	s9 =	sshrl.u32 s8, $0x1;
	s10 =	sadd.s32 s10, s7  }
0xb: {  	s6 =	sshll.u32 s1, $0x1;
	s8 =	ssub.s32 s8, s9;
	s9 =	sadd.s32 $0x4600, s10  }
0xc: {  	s7 =	smax.u32 s8, $0x1;
	s8 =	sadd.s32 $0xF800, s10;
	s10 =	sadd.s32 $0x9600, s10  }
.LBB2_5:
0xd: {  	s18 =	sadd.s32 $0x1, s18  }
0xe: {  	p0 =	sne.s32 s18, s7  }
.Ltmp1:
0xf: {  	_ = 	snop;
	(pc) =	sbr.rel @!p0 .LBB2_6-.Ltmp1, $1  }
0x10: {  	_ =	sdelay $0x3  }
.LBB2_1:
0x11: {  	[tilespmem:s11], [sflag:$0x1] =	stream.linear.gather [hbm4b:s3+s2], $0x2780, $0x38;
	[tilespmem:$0x7800] =	vst v63  }
0x12: {  	_ =	swait.ge [sflag:s12], $0x2780  }
0x13: {  	[sflag:s12] =	ssyncset.done $0x0  }
0x14: {  	[sflag:s12] =	ssyncadd.s32 $0xFFFFD880  }
0x15: {  	[tilespmem:s13], [sflag:$0x1] =	stream.linear.gather [hbm4b:s4+s2], $0x2780, $0x38;
	[tilespmem:$0x7800] =	vst v63  }
0x16: {  	_ =	swait.ge [sflag:s12], $0x2780  }
0x17: {  	[sflag:s12] =	ssyncset.done $0x0  }
.Ltmp2:
0x18: {  	[sflag:s12] =	ssyncadd.s32 $0xFFFFD880;
	(pc) =	sbr.rel .LBB2_2-.Ltmp2, $4  }
0x19: {  	[tilespmem:s14], [sflag:$0x1] =	stream.linear.gather [hbm4b:s5+s2], $0x2780, $0x38;
	[tilespmem:$0x7800] =	vst v63  }
0x1a: {  	_ =	swait.ge [sflag:s12], $0x2780  }
0x1b: {  	[sflag:s12] =	ssyncset.done $0x0  }
0x1c: {  	s19 =	smov.u32 s6;
	s20 =	simm.s32 $0x0;
	[sflag:s12] =	ssyncadd.s32 $0xFFFFD880  }
.LBB2_4:
0x1d: {  	s20 =	sadd.s32 $0x200, s20  }
0x1e: {  	p0 =	sne.s32 s20, $0x5000  }
.Ltmp3:
0x1f: {  	_ = 	snop;
	(pc) =	sbr.rel @!p0 .LBB2_5-.Ltmp3, $2  }
0x20: {  	_ =	sdelay $0x2  }
0x21: {  	s19 =	sadd.s32 $0x20, s19  }
.LBB2_2:
0x22: {  	p0 =	sgt.u32 s19, $0x4E1  }
.Ltmp4:
0x23: {  	_ = 	snop;
	(pc) =	sbr.rel @p0 .LBB2_4-.Ltmp4, $1  }
0x24: {  	_ =	sdelay $0x3  }
0x25: {  	s21 =	sadd.s32 s20, s10  }
0x26: {  	[tilespmem:s2], [sflag:$0x2] =	stream.linear.gather [hbm4b:s21+s2], $0x80, $0x38;
	[tilespmem:$0x7800] =	vst v63  }
0x27: {  	_ =	swait.ge [sflag:s15], $0x80  }
0x28: {  	[sflag:s15] =	ssyncset.done $0x0  }
0x29: {  	s30 =	sadd.s32 s20, s9;
	[sflag:s15] =	ssyncadd.s32 $0xFFFFFF80  }
0x2a: {  	[tilespmem:s16], [sflag:$0x2] =	stream.linear.gather [hbm4b:s30+s2], $0x80, $0x38;
	[tilespmem:$0x7800] =	vst v63  }
0x2b: {  	_ =	swait.ge [sflag:s15], $0x80  }
0x2c: {  	[sflag:s15] =	ssyncset.done $0x0  }
0x2d: {  	[sflag:s15] =	ssyncadd.s32 $0xFFFFFF80  }
0x2e: {  	v0 =	vld [tilespmem:$0x0]  }
0x2f: {  	v1 =	vld [tilespmem:$0x80];
	_ =	sdelay $0x6  }
0x30: {  	v2 =	vld.idx.msk [tilespmem:v0+s11+$0x0], $0xffff  }
0x31: {  	v3 =	vld.idx.msk [tilespmem:v1+s11+$0x0], $0xffff  }
0x32: {  	v4 =	vld.idx.msk [tilespmem:v0+s13+$0x0], $0xffff  }
0x33: {  	v5 =	vld.idx.msk [tilespmem:v1+s13+$0x0], $0xffff  }
0x34: {  	v0 =	vld.idx.msk [tilespmem:v0+s14+$0x0], $0xffff  }
0x35: {  	v1 =	vld.idx.msk [tilespmem:v1+s14+$0x0], $0xffff  }
0x36: {  	v2 =	vsub.f32 v2, v3;
	_ =	sdelay $0x1  }
0x37: {  	v15 =	vsub.f32 v4, v5;
	v2 =	vmul.f32 v2, v2  }
0x38: {  	v16 =	vld [tilespmem:$0x10]  }
0x39: {  	v17 =	vld [tilespmem:$0x90];
	v0 =	vsub.f32 v0, v1;
	v3 =	vmul.f32 v15, v15;
	v2 =	vadd.f32 $9.999999930e-09, v2;
	_ =	sdelay $0x1  }
0x3a: {  	v0 =	vmul.f32 v0, v0;
	v2 =	vadd.f32 v3, v2;
	_ =	sdelay $0x1  }
0x3b: {  	v0 =	vadd.f32 v0, v2;
	_ =	sdelay $0x1  }
0x3c: {  	[tilespmem:$0x7780] =	vst v0  }
0x3d: {  	v0 =	vld.idx.msk [tilespmem:v16+s11+$0x0], $0xffff  }
0x3e: {  	v18 =	vld.idx.msk [tilespmem:v17+s11+$0x0], $0xffff  }
0x3f: {  	v19 =	vld.idx.msk [tilespmem:v16+s13+$0x0], $0xffff  }
0x40: {  	v20 =	vld.idx.msk [tilespmem:v17+s13+$0x0], $0xffff  }
0x41: {  	v4 =	vld.idx.msk [tilespmem:v16+s14+$0x0], $0xffff  }
0x42: {  	v1 =	vld.idx.msk [tilespmem:v17+s14+$0x0], $0xffff  }
0x43: {  	v0 =	vsub.f32 v0, v18;
	_ =	sdelay $0x1  }
0x44: {  	v21 =	vsub.f32 v19, v20;
	v0 =	vmul.f32 v0, v0  }
0x45: {  	v22 =	vld [tilespmem:$0x20]  }
0x46: {  	v23 =	vld [tilespmem:$0xA0];
	v1 =	vsub.f32 v4, v1;
	v2 =	vmul.f32 v21, v21;
	v0 =	vadd.f32 $9.999999930e-09, v0;
	_ =	sdelay $0x1  }
0x47: {  	v1 =	vmul.f32 v1, v1;
	v0 =	vadd.f32 v2, v0;
	_ =	sdelay $0x1  }
0x48: {  	v0 =	vadd.f32 v1, v0;
	_ =	sdelay $0x1  }
0x49: {  	[tilespmem:$0x7790] =	vst v0  }
0x4a: {  	v0 =	vld.idx.msk [tilespmem:v22+s11+$0x0], $0xffff  }
0x4b: {  	v24 =	vld.idx.msk [tilespmem:v23+s11+$0x0], $0xffff  }
0x4c: {  	v25 =	vld.idx.msk [tilespmem:v22+s13+$0x0], $0xffff  }
0x4d: {  	v26 =	vld.idx.msk [tilespmem:v23+s13+$0x0], $0xffff  }
0x4e: {  	v3 =	vld.idx.msk [tilespmem:v22+s14+$0x0], $0xffff  }
0x4f: {  	v4 =	vld.idx.msk [tilespmem:v23+s14+$0x0], $0xffff  }
0x50: {  	v0 =	vsub.f32 v0, v24;
	_ =	sdelay $0x1  }
0x51: {  	v27 =	vsub.f32 v25, v26;
	v0 =	vmul.f32 v0, v0  }
0x52: {  	v28 =	vld [tilespmem:$0x30]  }
0x53: {  	v29 =	vld [tilespmem:$0xB0];
	v3 =	vsub.f32 v3, v4;
	v1 =	vmul.f32 v27, v27;
	v0 =	vadd.f32 $9.999999930e-09, v0;
	_ =	sdelay $0x1  }
0x54: {  	v30 =	vmul.f32 v3, v3;
	v0 =	vadd.f32 v1, v0;
	_ =	sdelay $0x1  }
0x55: {  	v0 =	vadd.f32 v30, v0;
	_ =	sdelay $0x1  }
0x56: {  	[tilespmem:$0x77A0] =	vst v0  }
0x57: {  	v0 =	vld.idx.msk [tilespmem:v28+s11+$0x0], $0xffff  }
0x58: {  	v31 =	vld.idx.msk [tilespmem:v29+s11+$0x0], $0xffff  }
0x59: {  	v32 =	vld.idx.msk [tilespmem:v28+s13+$0x0], $0xffff  }
0x5a: {  	v33 =	vld.idx.msk [tilespmem:v29+s13+$0x0], $0xffff  }
0x5b: {  	v2 =	vld.idx.msk [tilespmem:v28+s14+$0x0], $0xffff  }
0x5c: {  	v4 =	vld.idx.msk [tilespmem:v29+s14+$0x0], $0xffff  }
0x5d: {  	v0 =	vsub.f32 v0, v31;
	_ =	sdelay $0x1  }
0x5e: {  	v34 =	vsub.f32 v32, v33;
	v0 =	vmul.f32 v0, v0  }
0x5f: {  	v35 =	vld [tilespmem:$0x40]  }
0x60: {  	v36 =	vld [tilespmem:$0xC0];
	v2 =	vsub.f32 v2, v4;
	v1 =	vmul.f32 v34, v34;
	v0 =	vadd.f32 $9.999999930e-09, v0;
	_ =	sdelay $0x1  }
0x61: {  	v37 =	vmul.f32 v2, v2;
	v0 =	vadd.f32 v1, v0;
	_ =	sdelay $0x1  }
0x62: {  	v0 =	vadd.f32 v37, v0;
	_ =	sdelay $0x1  }
0x63: {  	[tilespmem:$0x77B0] =	vst v0  }
0x64: {  	v0 =	vld.idx.msk [tilespmem:v35+s11+$0x0], $0xffff  }
0x65: {  	v38 =	vld.idx.msk [tilespmem:v36+s11+$0x0], $0xffff  }
0x66: {  	v39 =	vld.idx.msk [tilespmem:v35+s13+$0x0], $0xffff  }
0x67: {  	v40 =	vld.idx.msk [tilespmem:v36+s13+$0x0], $0xffff  }
0x68: {  	v3 =	vld.idx.msk [tilespmem:v35+s14+$0x0], $0xffff  }
0x69: {  	v4 =	vld.idx.msk [tilespmem:v36+s14+$0x0], $0xffff  }
0x6a: {  	v0 =	vsub.f32 v0, v38;
	_ =	sdelay $0x1  }
0x6b: {  	v41 =	vsub.f32 v39, v40;
	v0 =	vmul.f32 v0, v0  }
0x6c: {  	v42 =	vld [tilespmem:$0x50]  }
0x6d: {  	v43 =	vld [tilespmem:$0xD0];
	v3 =	vsub.f32 v3, v4;
	v1 =	vmul.f32 v41, v41;
	v0 =	vadd.f32 $9.999999930e-09, v0;
	_ =	sdelay $0x1  }
0x6e: {  	v44 =	vmul.f32 v3, v3;
	v0 =	vadd.f32 v1, v0;
	_ =	sdelay $0x1  }
0x6f: {  	v0 =	vadd.f32 v44, v0;
	_ =	sdelay $0x1  }
0x70: {  	[tilespmem:$0x77C0] =	vst v0  }
0x71: {  	v0 =	vld.idx.msk [tilespmem:v42+s11+$0x0], $0xffff  }
0x72: {  	v45 =	vld.idx.msk [tilespmem:v43+s11+$0x0], $0xffff  }
0x73: {  	v46 =	vld.idx.msk [tilespmem:v42+s13+$0x0], $0xffff  }
0x74: {  	v47 =	vld.idx.msk [tilespmem:v43+s13+$0x0], $0xffff  }
0x75: {  	v2 =	vld.idx.msk [tilespmem:v42+s14+$0x0], $0xffff  }
0x76: {  	v4 =	vld.idx.msk [tilespmem:v43+s14+$0x0], $0xffff  }
0x77: {  	v0 =	vsub.f32 v0, v45;
	_ =	sdelay $0x1  }
0x78: {  	v48 =	vsub.f32 v46, v47;
	v0 =	vmul.f32 v0, v0  }
0x79: {  	v49 =	vld [tilespmem:$0x60]  }
0x7a: {  	v50 =	vld [tilespmem:$0xE0];
	v2 =	vsub.f32 v2, v4;
	v1 =	vmul.f32 v48, v48;
	v0 =	vadd.f32 $9.999999930e-09, v0;
	_ =	sdelay $0x1  }
0x7b: {  	v51 =	vmul.f32 v2, v2;
	v0 =	vadd.f32 v1, v0;
	_ =	sdelay $0x1  }
0x7c: {  	v0 =	vadd.f32 v51, v0;
	_ =	sdelay $0x1  }
0x7d: {  	[tilespmem:$0x77D0] =	vst v0  }
0x7e: {  	v0 =	vld.idx.msk [tilespmem:v49+s11+$0x0], $0xffff  }
0x7f: {  	v52 =	vld.idx.msk [tilespmem:v50+s11+$0x0], $0xffff  }
0x80: {  	v53 =	vld.idx.msk [tilespmem:v49+s13+$0x0], $0xffff  }
0x81: {  	v54 =	vld.idx.msk [tilespmem:v50+s13+$0x0], $0xffff  }
0x82: {  	v3 =	vld.idx.msk [tilespmem:v49+s14+$0x0], $0xffff  }
0x83: {  	v4 =	vld.idx.msk [tilespmem:v50+s14+$0x0], $0xffff  }
0x84: {  	v0 =	vsub.f32 v0, v52;
	_ =	sdelay $0x1  }
0x85: {  	v55 =	vsub.f32 v53, v54;
	v0 =	vmul.f32 v0, v0  }
0x86: {  	v56 =	vld [tilespmem:$0x70]  }
0x87: {  	v57 =	vld [tilespmem:$0xF0];
	v3 =	vsub.f32 v3, v4;
	v1 =	vmul.f32 v55, v55;
	v0 =	vadd.f32 $9.999999930e-09, v0;
	_ =	sdelay $0x1  }
0x88: {  	v58 =	vmul.f32 v3, v3;
	v0 =	vadd.f32 v1, v0;
	_ =	sdelay $0x1  }
0x89: {  	v0 =	vadd.f32 v58, v0;
	_ =	sdelay $0x1  }
0x8a: {  	[tilespmem:$0x77E0] =	vst v0  }
0x8b: {  	v0 =	vld.idx.msk [tilespmem:v56+s11+$0x0], $0xffff  }
0x8c: {  	v59 =	vld.idx.msk [tilespmem:v57+s11+$0x0], $0xffff  }
0x8d: {  	v60 =	vld.idx.msk [tilespmem:v56+s13+$0x0], $0xffff  }
0x8e: {  	v61 =	vld.idx.msk [tilespmem:v57+s13+$0x0], $0xffff  }
0x8f: {  	v2 =	vld.idx.msk [tilespmem:v56+s14+$0x0], $0xffff  }
0x90: {  	v4 =	vld.idx.msk [tilespmem:v57+s14+$0x0], $0xffff  }
0x91: {  	v0 =	vsub.f32 v0, v59;
	_ =	sdelay $0x1  }
0x92: {  	v62 =	vsub.f32 v60, v61;
	v0 =	vmul.f32 v0, v0;
	_ =	sdelay $0x1  }
0x93: {  	v2 =	vsub.f32 v2, v4;
	v1 =	vmul.f32 v62, v62;
	v0 =	vadd.f32 $9.999999930e-09, v0;
	_ =	sdelay $0x1  }
0x94: {  	v63 =	vmul.f32 v2, v2;
	v0 =	vadd.f32 v1, v0;
	_ =	sdelay $0x1  }
0x95: {  	v0 =	vadd.f32 v63, v0;
	_ =	sdelay $0x1  }
.Ltmp5:
0x96: {  	s31 =	sadd.s32 s20, s8;
	[tilespmem:$0x77F0] =	vst v0;
	(pc) =	sbr.rel .LBB2_4-.Ltmp5, $4  }
0x97: {  	[hbm4b:s31+s2] =	stream.linear.scatter [tilespmem:s17], [sflag:$0x1], $0x80, $0x38;
	[tilespmem:$0x7800] =	vst v63  }
0x98: {  	_ =	swait.ge [sflag:s12], $0x80  }
0x99: {  	[sflag:s12] =	ssyncset.done $0x0  }
0x9a: {  	[sflag:s12] =	ssyncadd.s32 $0xFFFFFF80  }
.LBB2_6:
0x9b: {  	_ =	sfence.sel $0x180000  }
0x9c: {  	[bflag:$0x0] =	sbarrier.arrive $0xFFFF  }
0x9d: {  	p0 =	sne.s32 s1, $0x0;
	_ =	strace $0x90000047  }
0x9e: {  	s0 =	sadd.s32 @!p0 $0x100000, s0;
	[bflag:$0x2] =	sbarrier.arrive $0xFFFF  }
0x9f: {  	[sflag:s0] =	ssyncadd.tile.s32 @!p0 $0x1;
	_ =	shalt  }
.Lfunc_end2:
_tile_overlayer_lowered:
.L_overlay_start_2:
0xa0: {  	(tag) =	ssettag $0x2  }
0xa1: {  	s0 =	rddreg [dreg:$0x0];
	s2 =	stileid.u32  }
0xa2: {  	s1 =	rddreg [dreg:$0x1];
	p0 =	sne.s32 s2, $0x0  }
0xa3: {  	s3 =	rddreg [dreg:$0x2];
	[bflag:$0x3] =	sbarrier.arrive $0xFFFF;
	s2 =	simm.s32 @!p0 $0x1C01  }
0xa4: {  	[timem:s3], [sflag:s2] =	dma.local @!p0 [hbm:s0], s1  }
0xa5: {  	s0 =	simm.s32 @!p0 $0x1  }
0xa6: {  	_ =	swait.ge @!p0 [sflag:s0], s1  }
0xa7: {  	s1 =	ssub.s32 @!p0 $0x0, s1;
	[sflag:s0] =	ssyncset.done @!p0 $0x0  }
0xa8: {  	[sflag:s0] =	ssyncadd.s32 @!p0 s1  }
0xa9: {  	[bflag:$0x3] =	sbarrier.arrive $0xFFFF  }
0xaa: {  	_ =	shalt  }

// kernel: kernel.17.cloned.1.call-start
scs
__scs_entry_jumppad:
0x0: {  	(pc) =	sbr.rel $0x88, $3  }
0x1: {  	(tag) =	ssettag $0x0;
	lr =	simm.s32 $0x1  }
0x2: {  	[smem:$0x3F75] =	sst lr;
	_ =	strace $0xD0000000  }
0x3: {  	_ = 	snop  }
0x4: {  	_ = 	snop  }
0x5: {  	_ = 	snop  }
0x6: {  	_ = 	snop  }
0x7: {  	_ = 	snop  }
__scs_overlays_trampoline_lowered:
0x8: {  	[smem:$0x3F84] =	sst s0  }
0x9: {  	[smem:$0x3F85] =	sst s1  }
0xa: {  	[smem:$0x3F86] =	sst s2  }
0xb: {  	[smem:$0x3F87] =	sst s3  }
0xc: {  	[smem:$0x3F88] =	sst s4  }
0xd: {  	[smem:$0x3F89] =	sst s5  }
0xe: {  	[smem:$0x3F8A] =	sst s6  }
0xf: {  	[smem:$0x3F8B] =	sst s7  }
0x10: {  	[smem:$0x3F8C] =	sst s8  }
0x11: {  	[smem:$0x3F8D] =	sst s9;
	s0 =	simm.s32 @!p0 $0x0  }
0x12: {  	s1 =	sld [smem:$0x3F73];
	s0 =	simm.s32 @p0 $0x1  }
0x13: {  	[smem:$0x3F8E] =	sst s0;
	s0 =	simm.s32 @!p1 $0x0  }
0x14: {  	s2 =	sld [smem:$0x3F72];
	s0 =	simm.s32 @p1 $0x1  }
0x15: {  	[smem:$0x3F8F] =	sst s0;
	s0 =	simm.s32 @!p2 $0x0  }
0x16: {  	s3 =	sld [smem:$0x3FDB];
	s0 =	simm.s32 @p2 $0x1  }
0x17: {  	s4 =	simm.s32 $0x1BF5;
	[smem:$0x3F91] =	sst s0  }
0x18: {  	s0 =	sld [smem:$0x3F74];
	_ =	swait.ge [sflag:s4], $0x0  }
0x19: {  	s7 =	sld [smem:$0x3F75]  }
0x1a: {  	s8 =	sadd.s32 $0xFFFFE003, lr  }
0x1b: {  	s9 =	sadd.s32 $0xFFFFFEF7, lr;
	s5 =	simm.s32 $0xFFFFFFFF;
	p2 =	slt.u32 s8, $0xFFFFF086  }
0x1c: {  	p1 =	slt.u32 s9, $0xF7A;
	s5 =	simm.s32 @!p2 $0x0  }
0x1d: {  	s5 =	simm.s32 @p1 $0x1;
	p0 =	seq.s32 s7, s2  }
0x1e: {  	s7 =	smul.u32 @!p0 $0xF7A, s2;
	p2 =	seq.s32 @!p0 s5, $0x0  }
0x1f: {  	s9 =	smul.u32 $0xF7A, s1;
	s8 =	simm.s32 @!p0 $0x1BF5;
	p2 =	por !p2, p0  }
0x20: {  	[sflag:s8] =	ssyncset.s32 @!p0 $0xFFFFF086;
	s6 =	sadd.s32 @!p0 s3, s7;
	s7 =	simm.s32 @!p0 $0x108  }
0x21: {  	s3 =	sadd.s32 s3, s9;
	s6 =	sadd.s32 @!p0 $0x88, s6;
	s7 =	simm.s32 @p2 $0x1082  }
0x22: {  	[simem:s7], [sflag:s8] =	dma.local @!p0 [hbm:s6], $0xF7A  }
0x23: {  	s9 =	sor.u32 $0xD0000000, s2;
	s6 =	simm.s32 $0x108;
	_ =	swait.ge @!p0 [sflag:s8], $0x0  }
0x24: {  	s3 =	sadd.s32 $0x88, s3;
	s6 =	simm.s32 @!p1 $0x1082;
	[sflag:s4] =	ssyncset.s32 $0xFFFFF086  }
0x25: {  	[simem:s6], [sflag:s4] =	dma.local [hbm:s3], $0xF7A  }
0x26: {  	[smem:$0x3F75] =	sst s1;
	(tag) =	ssettag s2;
	_ =	strace s9  }
0x27: {  	s1 =	sld [smem:$0x3F85]  }
0x28: {  	s2 =	sld [smem:$0x3F86]  }
0x29: {  	s4 =	sld [smem:$0x3F88]  }
0x2a: {  	p0 =	seq.s32 s5, $0x0;
	s5 =	sld [smem:$0x3F89]  }
0x2b: {  	s6 =	sld [smem:$0x3F8A]  }
0x2c: {  	s7 =	sld [smem:$0x3F8B]  }
0x2d: {  	s3 =	simm.s32 $0x108;
	s8 =	sld [smem:$0x3F8C]  }
0x2e: {  	s3 =	simm.s32 @!p0 $0x1082;
	s9 =	sld [smem:$0x3F8D]  }
0x2f: {  	lr =	sadd.s32 s0, s3;
	s0 =	sld [smem:$0x3F84]  }
0x30: {  	s3 =	sld [smem:$0x3F87]  }
0x31: {  	[smem:$0x3F90] =	sst s10  }
0x32: {  	s10 =	sld [smem:$0x3F8E];
	_ =	sdelay $0x3  }
0x33: {  	p0 =	seq.s32 s10, $0x1;
	s10 =	sld [smem:$0x3F90];
	_ =	sdelay $0x3  }
0x34: {  	[smem:$0x3F90] =	sst s10  }
0x35: {  	s10 =	sld [smem:$0x3F8F];
	_ =	sdelay $0x3  }
0x36: {  	p1 =	seq.s32 s10, $0x1;
	s10 =	sld [smem:$0x3F90];
	_ =	sdelay $0x3  }
0x37: {  	[smem:$0x3F90] =	sst s10  }
0x38: {  	s10 =	sld [smem:$0x3F91]  }
0x39: {  	_ = 	snop;
	(pc) =	sbr.ind lr, $3  }
0x3a: {  	_ = 	snop  }
0x3b: {  	_ = 	snop  }
0x3c: {  	p2 =	seq.s32 s10, $0x1;
	s10 =	sld [smem:$0x3F90]  }
0x3d: {  	_ =	shalt  }
0x3e: {  	_ =	shalt  }
0x3f: {  	_ =	shalt  }
0x40: {  	_ =	shalt  }
0x41: {  	_ =	shalt  }
0x42: {  	_ =	shalt  }
0x43: {  	_ =	shalt  }
0x44: {  	_ =	shalt  }
0x45: {  	_ =	shalt  }
0x46: {  	_ =	shalt  }
0x47: {  	_ =	shalt  }
0x48: {  	_ =	shalt  }
0x49: {  	_ =	shalt  }
0x4a: {  	_ =	shalt  }
0x4b: {  	_ =	shalt  }
0x4c: {  	_ =	shalt  }
0x4d: {  	_ =	shalt  }
0x4e: {  	_ =	shalt  }
0x4f: {  	_ =	shalt  }
0x50: {  	_ =	shalt  }
0x51: {  	_ =	shalt  }
0x52: {  	_ =	shalt  }
0x53: {  	_ =	shalt  }
0x54: {  	_ =	shalt  }
0x55: {  	_ =	shalt  }
0x56: {  	_ =	shalt  }
0x57: {  	_ =	shalt  }
0x58: {  	_ =	shalt  }
0x59: {  	_ =	shalt  }
0x5a: {  	_ =	shalt  }
0x5b: {  	_ =	shalt  }
0x5c: {  	_ =	shalt  }
0x5d: {  	_ =	shalt  }
0x5e: {  	_ =	shalt  }
0x5f: {  	_ =	shalt  }
0x60: {  	_ =	shalt  }
0x61: {  	_ =	shalt  }
0x62: {  	_ =	shalt  }
0x63: {  	_ =	shalt  }
0x64: {  	_ =	shalt  }
0x65: {  	_ =	shalt  }
0x66: {  	_ =	shalt  }
0x67: {  	_ =	shalt  }
0x68: {  	_ =	shalt  }
0x69: {  	_ =	shalt  }
0x6a: {  	_ =	shalt  }
0x6b: {  	_ =	shalt  }
0x6c: {  	_ =	shalt  }
0x6d: {  	_ =	shalt  }
0x6e: {  	_ =	shalt  }
0x6f: {  	_ =	shalt  }
0x70: {  	_ =	shalt  }
0x71: {  	_ =	shalt  }
0x72: {  	_ =	shalt  }
0x73: {  	_ =	shalt  }
0x74: {  	_ =	shalt  }
0x75: {  	_ =	shalt  }
0x76: {  	_ =	shalt  }
0x77: {  	_ =	shalt  }
0x78: {  	_ =	shalt  }
0x79: {  	_ =	shalt  }
0x7a: {  	_ =	shalt  }
0x7b: {  	_ =	shalt  }
0x7c: {  	_ =	shalt  }
0x7d: {  	_ =	shalt  }
0x7e: {  	_ =	shalt  }
0x7f: {  	_ =	shalt  }
0x80: {  	_ =	shalt  }
0x81: {  	_ =	shalt  }
0x82: {  	_ =	shalt  }
0x83: {  	_ =	shalt  }
0x84: {  	_ =	shalt  }
0x85: {  	_ =	shalt  }
0x86: {  	_ =	shalt  }
0x87: {  	_ =	shalt  }
.Lfunc_end0:
.L_simem_size_0:
called_computation.1_lowered:
.L_overlay_start_0:
0x88: {  	s2 =	sld [smem:$0x3FD9]  }
0x89: {  	s3 =	sld [smem:$0x3FFE];
	_ =	sdelay $0x1  }
0x8a: {  	s1 =	srdreg.scid  }
0x8b: {  	s0 =	sand.u32 $0x1, s1  }
0x8c: {  	s14 =	sshll.u32 s0, $0xA;
	s2 =	sadd.s32 s3, s2  }
0x8d: {  	s2 =	sadd.s32 s2, s14  }
0x8e: {  	[smem:$0x3F9C] =	sst s2  }
0x8f: {  	_ = 	snop  }
0x90: {  	s2 =	sld [smem:$0x3FD0];
	_ =	sdelay $0x2  }
0x91: {  	s15 =	simm.s32 $0xA;
	s4 =	simm.s32 $0x10  }
0x92: {  	[smem:s4], [sflag:s15] =	dma.local [hbm:s2], $0x1  }
0x93: {  	_ =	swait.eq [sflag:s15], $0x1  }
0x94: {  	[sflag:s15] =	ssyncset.done $0x0  }
0x95: {  	[sflag:s15] =	ssyncadd.s32 $0xFFFFFFFF  }
0x96: {  	s16 =	sld [smem:$0x11];
	(tm) =	ssettm $0x1  }
0x97: {  	s17 =	sld [smem:$0x3FFB];
	_ =	sdelay $0x3  }
0x98: {  	_ =	strace s17  }
0x99: {  	s3 =	sld [smem:$0x3FFC];
	_ =	sdelay $0x3  }
0x9a: {  	_ =	strace s3  }
0x9b: {  	s3 =	sld [smem:$0x3FFD];
	_ =	sdelay $0x3  }
0x9c: {  	_ =	strace s3  }
0x9d: {  	_ =	strace $0x8FFFFFFF  }
0x9e: {  	s18 =	sld [smem:$0x3FDB];
	_ =	sdelay $0x1  }
0x9f: {  	s19 =	simm.s32 $_scs_section_size  }
0xa0: {  	s5 =	simm.s32 $_size__tile_overlayer_lowered;
	s6 =	simm.s32 $_tile_overlayer_lowered  }
0xa1: {  	s22 =	simm.s32 $0x1BFF;
	s21 =	sshll.u32 s6, $0x1;
	s3 =	sadd.s32 s19, s18  }
0xa2: {  	s7 =	simm.s32 $0x0;
	s20 =	sshll.u32 s5, $0x1;
	s5 =	sadd.s32 s21, s3  }
0xa3: {  	[timem:s7], [sflag:s22] =	dma.local [hbm:s5], s20  }
0xa4: {  	_ =	swait.ge [sflag:s22], s20  }
0xa5: {  	s4 =	ssub.s32 $0x0, s20;
	[sflag:s22] =	ssyncset.done $0x0  }
0xa6: {  	[sflag:s22] =	ssyncadd.s32 s4;
	_ =	sdelay $0x1  }
0xa7: {  	s23 =	simm.s32 $0x1B8B  }
0xa8: {  	_ =	swait.ge [sflag:s23], $0x1  }
0xa9: {  	[sflag:s23] =	ssyncset.done $0x0  }
0xaa: {  	s25 =	simm.s32 $0x1B8E;
	s24 =	sld [smem:$0x3FFE];
	[sflag:s23] =	ssyncadd.s32 $0xFFFFFFFF  }
0xab: {  	s26 =	simm.s32 $execute0_lowered;
	[smem:$0x3FD2] =	sst s25  }
0xac: {  	s5 =	sshll.u32 s26, $0x1;
	_ =	strace $0x80000049;
	[dreg:$0x1] =	wrdreg $0xFFFFFFFF  }
0xad: {  	s28 =	simm.s32 $_size_execute0_lowered;
	s3 =	sadd.s32 s3, s5;
	[dreg:$0x0] =	wrdreg $0x0  }
0xae: {  	s5 =	sshll.u32 s28, $0x1;
	[dreg:$0x2] =	wrdreg s3  }
0xaf: {  	[dreg:$0x3] =	wrdreg s5  }
0xb0: {  	[dreg:$0x4] =	wrdreg $0xC0  }
0xb1: {  	_ =	task [dreg:s7], $0x5FFFF  }
0xb2: {  	[dreg:$0x1] =	wrdreg $0xFFFFFFFF  }
0xb3: {  	[dreg:$0x0] =	wrdreg $0x60  }
0xb4: {  	[dreg:$0x2] =	wrdreg s16  }
0xb5: {  	[dreg:$0x3] =	wrdreg s24  }
0xb6: {  	[dreg:$0x4] =	wrdreg $0xA3000  }
0xb7: {  	[dreg:$0x5] =	wrdreg $0x9  }
0xb8: {  	_ =	task.clear_ibuf [dreg:s7], $0x6FFFF;
	_ =	strace $0x90000049  }
0xb9: {  	s29 =	simm.s32 $0x9;
	_ =	strace $0x8000004B  }
0xba: {  	_ =	swait.ge [sflag:s29], $0x1  }
0xbb: {  	[sflag:s29] =	ssyncadd.s32 $0xFFFFFFFF  }
0xbc: {  	_ =	strace $0x9000004B  }
0xbd: {  	_ =	sfence  }
0xbe: {  	s30 =	sld [smem:$0x0];
	_ =	sdelay $0x2  }
0xbf: {  	s31 =	sshll.u32 s1, $0xD;
	s1 =	sshrl.u32 s1, $0x2  }
0xc0: {  	s3 =	sand.u32 $0x4000, s31;
	s1 =	sadd.s32 s1, s30  }
0xc1: {  	s0 =	sor.u32 s3, s0;
	s1 =	sshll.u32 s1, $0x11  }
0xc2: {  	s0 =	sor.u32 s1, s0  }
0xc3: {  	s0 =	sadd.s32 $0x8F2B, s0  }
0xc4: {  	[sflag:s0] =	ssyncadd.remote.s32 $0x1  }
0xc5: {  	_ =	sfence.sel $0xFFFF  }
0xc6: {  	[dreg:$0x0] =	wrdreg $0xFFFFFFFF;
	(pc) =	sbr.abs _section_cstart, $3  }
0xc7: {  	[dreg:$0x1] =	wrdreg $0xFFFFFFFF  }
0xc8: {  	_ =	task.clear_ibuf [dreg:s7], $0x2FFFF;
	_ =	strace $0x9FFFFFFF  }
0xc9: {  	(tm) =	ssettm $0x7FFFFFFF  }
tec
execute0_lowered:
.L_overlay_start_1:
0x0: {  	(tag) =	ssettag $0x1  }
0x1: {  	s0 =	rddreg [dreg:$0x0]  }
0x2: {  	s1 =	rddreg [dreg:$0x1];
	s2 =	srdreg.scid  }
0x3: {  	s3 =	rddreg [dreg:$0x2];
	s10 =	stileid.u32;
	s5 =	simm.s32 $0x0  }
0x4: {  	s28 =	simm.s32 $0x7;
	s30 =	simm.s32 $0x1;
	s29 =	simm.s32 $0x3  }
0x5: {  	s31 =	simm.s32 $0x50;
	s2 =	sand.u32 $0x1, s2;
	s6 =	smul.u32 $0x14000, s10  }
0x6: {  	[smem:$0x7FF] =	sst s5;
	s5 =	sadd.s32 $0xEBA00, s1;
	s8 =	smul.u32 $0x50000, s10  }
0x7: {  	s7 =	sadd.s32 $0xD7E00, s1;
	s10 =	sshll.u32 s10, $0x1;
	s4 =	smul.u32 $0x140000, s2  }
0x8: {  	s15 =	ssub.s32 $0x2, s2;
	s2 =	sor.u32 s2, s10;
	s8 =	sshrl.u32 s8, $0x2  }
0x9: {  	_ =	strace $0x8000004A;
	s18 =	smul.u32 $0xA, s2;
	s8 =	sadd.s32 s8, s3  }
0xa: {  	s9 =	sshrl.u32 s15, $0x1;
	s21 =	smul.u32 $0x50, s2;
	s16 =	sadd.s32 $0x2800, s8  }
0xb: {  	s23 =	smul.u32 $0x500, s2;
	s17 =	sadd.s32 $0x5000, s8;
	[dreg:$0x4] =	wrdreg s16  }
0xc: {  	s4 =	sadd.s32 s6, s4;
	s19 =	sadd.s32 $0x7800, s8;
	[dreg:$0x5] =	wrdreg s17  }
0xd: {  	s6 =	sadd.s32 $0xE1C00, s1;
	s20 =	sadd.s32 $0xA000, s8;
	[dreg:$0x6] =	wrdreg s19  }
0xe: {  	s4 =	sshrl.u32 s4, $0x3;
	s11 =	sadd.s32 $0xC800, s8;
	[dreg:$0x7] =	wrdreg s20  }
0xf: {  	s22 =	sadd.s32 $0xF000, s8;
	s12 =	sadd.s32 $0x11800, s8;
	[dreg:$0x8] =	wrdreg s11  }
0x10: {  	s24 =	sadd.s32 s7, s18;
	s10 =	sshrl.u32 s21, $0x3;
	[dreg:$0x9] =	wrdreg s22  }
0x11: {  	s25 =	sadd.s32 s5, s23;
	s21 =	sor.u32 $0x40, s2;
	[dreg:$0xa] =	wrdreg s12  }
0x12: {  	s1 =	sadd.s32 s4, s1;
	s4 =	ssub.s32 s15, s9;
	[dreg:$0xb] =	wrdreg s24  }
0x13: {  	s9 =	sadd.s32 s6, s18;
	[dreg:$0xd] =	wrdreg s25;
	s26 =	sadd.s32 $0x140, s10  }
.Ltmp0:
0x14: {  	s22 =	sor.u32 $0x60, s2;
	s25 =	sor.u32 $0x20, s2;
	(pc) =	sbr.rel .LBB2_1-.Ltmp0, $4  }
0x15: {  	s2 =	simm.s32 $0x5300;
	s10 =	simm.s32 $0x7B00;
	s11 =	simm.s32 $0x0  }
0x16: {  	[dreg:$0xc] =	wrdreg s9;
	s19 =	sadd.s32 s7, s26;
	s20 =	sadd.s32 s6, s26  }
0x17: {  	s23 =	sadd.s32 $0x35CA00, s1;
	s24 =	smax.u32 s4, $0x1;
	s26 =	simm.s32 $0x300  }
0x18: {  	v0 =	vimm.f32 $0.0e+00;
	s1 =	simm.s32 $0x200;
	s4 =	simm.s32 $0x4;
	s9 =	simm.s32 $0x280  }
.LBB2_13:
0x19: {  	s12 =	simm.s32 @p0 $0x6  }
0x1a: {  	s18 =	stileid.u32;
	_ =	swait.ge @p0 [sflag:s12], $0x2800  }
0x1b: {  	s13 =	sshrl.u32 s8, $0x3;
	s11 =	sadd.s32 $0x1, s11;
	[sflag:s12] =	ssyncset.done @p0 $0x0  }
0x1c: {  	[sflag:s12] =	ssyncadd.s32 @p0 $0xFFFFD800;
	s12 =	sshll.u32 s18, $0x6;
	p0 =	sne.s32 s11, s24  }
.Ltmp1:
0x1d: {  	[bflag:$0x0] =	sbarrier.arrive $0xFFFF;
	s12 =	sor.u32 $0x1C07, s12;
	(pc) =	sbr.rel @!p0 .LBB2_14-.Ltmp1, $4  }
0x1e: {  	[hbm:s23], [sflag:s12] =	dma.local [spmem:s13], $0x2800  }
0x1f: {  	_ =	swait.ge [sflag:s28], $0x2800  }
0x20: {  	[sflag:s28] =	ssyncset.done $0x0  }
0x21: {  	[sflag:s28] =	ssyncadd.s32 $0xFFFFD800  }
.LBB2_1:
0x22: {  	s12 =	simm.s32 $0x0;
	s13 =	simm.s32 $0x200  }
.LBB2_2:
0x23: {  	p0 =	sne.s32 s13, $0x9E00;
	[tilespmem:s12+$0x370] =	vst v0  }
0x24: {  	[tilespmem:s12+$0x300] =	vst v0  }
0x25: {  	[tilespmem:s12+$0x310] =	vst v0  }
.Ltmp2:
0x26: {  	[tilespmem:s12+$0x320] =	vst v0;
	(pc) =	sbr.rel @p0 .LBB2_2-.Ltmp2, $4  }
0x27: {  	[tilespmem:s12+$0x330] =	vst v0  }
0x28: {  	[tilespmem:s12+$0x340] =	vst v0  }
0x29: {  	[tilespmem:s12+$0x350] =	vst v0  }
0x2a: {  	[tilespmem:s12+$0x360] =	vst v0;
	s12 =	sshra.s32 s13, $0x2;
	s13 =	sadd.s32 $0x200, s13  }
0x2b: {  	[tilespmem:s12+$0x370] =	vst v0  }
0x2c: {  	[tilespmem:s12+$0x300] =	vst v0  }
0x2d: {  	[tilespmem:s12+$0x310] =	vst v0  }
0x2e: {  	[tilespmem:s12+$0x320] =	vst v0  }
0x2f: {  	[tilespmem:s12+$0x330] =	vst v0  }
0x30: {  	[tilespmem:s12+$0x340] =	vst v0  }
0x31: {  	[tilespmem:s12+$0x350] =	vst v0  }
0x32: {  	[tilespmem:s12+$0x360] =	vst v0  }
0x33: {  	[spmem:s8] =	stream.linear.scatter [tilespmem:s26], [sflag:$0x7], $0x2800, $0x38;
	[tilespmem:$0x1E300] =	vst v63  }
0x34: {  	_ =	swait.ge [sflag:s28], $0x2800  }
0x35: {  	[sflag:s28] =	ssyncset.done $0x0  }
0x36: {  	s17 =	rddreg [dreg:$0x4];
	[sflag:s28] =	ssyncadd.s32 $0xFFFFD800  }
0x37: {  	[spmem:s17] =	stream.linear.scatter [tilespmem:s26], [sflag:$0x7], $0x2800, $0x38;
	[tilespmem:$0x1E300] =	vst v63  }
0x38: {  	_ =	swait.ge [sflag:s28], $0x2800  }
0x39: {  	[sflag:s28] =	ssyncset.done $0x0  }
0x3a: {  	s18 =	rddreg [dreg:$0x5];
	[sflag:s28] =	ssyncadd.s32 $0xFFFFD800  }
0x3b: {  	[spmem:s18] =	stream.linear.scatter [tilespmem:s26], [sflag:$0x7], $0x2800, $0x38;
	[tilespmem:$0x1E300] =	vst v63  }
0x3c: {  	_ =	swait.ge [sflag:s28], $0x2800  }
0x3d: {  	[sflag:s28] =	ssyncset.done $0x0  }
0x3e: {  	s13 =	rddreg [dreg:$0x6];
	[sflag:s28] =	ssyncadd.s32 $0xFFFFD800  }
0x3f: {  	[spmem:s13] =	stream.linear.scatter [tilespmem:s26], [sflag:$0x7], $0x2800, $0x38;
	[tilespmem:$0x1E300] =	vst v63  }
0x40: {  	_ =	swait.ge [sflag:s28], $0x2800  }
0x41: {  	[sflag:s28] =	ssyncset.done $0x0  }
0x42: {  	s14 =	rddreg [dreg:$0x7];
	[sflag:s28] =	ssyncadd.s32 $0xFFFFD800  }
0x43: {  	[spmem:s14] =	stream.linear.scatter [tilespmem:s26], [sflag:$0x7], $0x2800, $0x38;
	[tilespmem:$0x1E300] =	vst v63  }
0x44: {  	_ =	swait.ge [sflag:s28], $0x2800  }
0x45: {  	[sflag:s28] =	ssyncset.done $0x0  }
0x46: {  	s15 =	rddreg [dreg:$0x8];
	[sflag:s28] =	ssyncadd.s32 $0xFFFFD800  }
0x47: {  	[spmem:s15] =	stream.linear.scatter [tilespmem:s26], [sflag:$0x7], $0x2800, $0x38;
	[tilespmem:$0x1E300] =	vst v63  }
0x48: {  	_ =	swait.ge [sflag:s28], $0x2800  }
0x49: {  	[sflag:s28] =	ssyncset.done $0x0  }
0x4a: {  	s16 =	rddreg [dreg:$0x9];
	[sflag:s28] =	ssyncadd.s32 $0xFFFFD800  }
0x4b: {  	[spmem:s16] =	stream.linear.scatter [tilespmem:s26], [sflag:$0x7], $0x2800, $0x38;
	[tilespmem:$0x1E300] =	vst v63  }
0x4c: {  	_ =	swait.ge [sflag:s28], $0x2800  }
0x4d: {  	[sflag:s28] =	ssyncset.done $0x0  }
0x4e: {  	s17 =	rddreg [dreg:$0xa];
	[sflag:s28] =	ssyncadd.s32 $0xFFFFD800  }
0x4f: {  	[spmem:s17] =	stream.linear.scatter [tilespmem:s26], [sflag:$0x7], $0x2800, $0x38;
	[tilespmem:$0x1E300] =	vst v63  }
0x50: {  	_ =	swait.ge [sflag:s28], $0x2800  }
0x51: {  	[sflag:s28] =	ssyncset.done $0x0  }
0x52: {  	[sflag:s28] =	ssyncadd.s32 $0xFFFFD800  }
0x53: {  	[bflag:$0x0] =	sbarrier.arrive $0xFFFF  }
0x54: {  	s18 =	simm.s32 $0x0;
	s14 =	simm.s32 $0x100;
	s13 =	rddreg [dreg:$0xb]  }
0x55: {  	[tilespmem:s14], [sflag:$0x1] =	stream.linear.gather [hbm4b:s13+s18], $0x50, $0x38;
	[tilespmem:$0x1E300] =	vst v63  }
0x56: {  	s15 =	rddreg [dreg:$0xc]  }
0x57: {  	[tilespmem:s18], [sflag:$0x1] =	stream.linear.gather [hbm4b:s15+s18], $0x50, $0x38;
	[tilespmem:$0x1E300] =	vst v63  }
0x58: {  	_ =	swait.ge [sflag:s30], $0x50  }
0x59: {  	[sflag:s30] =	ssyncset.done $0x0  }
0x5a: {  	[sflag:s30] =	ssyncadd.s32 $0xFFFFFFB0  }
0x5b: {  	_ =	swait.ge [sflag:s30], $0x50  }
0x5c: {  	[sflag:s30] =	ssyncset.done $0x0  }
0x5d: {  	[sflag:s30] =	ssyncadd.s32 $0xFFFFFFB0  }
0x5e: {  	v1 =	vld [tilespmem:$0x100];
	_ =	sdelay $0x4  }
0x5f: {  	v1 =	vxor.u32 $0x80000000, v1  }
0x60: {  	(xrf0) =	vmin.scan.msk.u32 $0xffff, v1;
	_ =	sdelay $0x5  }
0x61: {  	v1, _, _ =	vpop (xrf0)  }
0x62: {  	(v2sf) =	vpush v1, $0xF;
	_ =	sdelay $0xe  }
0x63: {  	s16 =	spop (v2sf)  }
0x64: {  	p0 =	sgt.u32 s16, $0x8000270F  }
0x65: {  	s12 =	simm.s32 @!p0 $0x50;
	s14 =	simm.s32 @!p0 $0x0;
	s15 =	simm.s32 @!p0 $0x5300  }
0x66: {  	[tilespmem:s15], [sflag:$0x3] =	stream.indirect.gather @!p0 [hbm4b:s0+s12], $0x80, s14, s12, $0xb8;
	[tilespmem:$0x1E300] =	vst v63  }
0x67: {  	s12 =	simm.s32 @!p0 $0x300;
	s15 =	rddreg [dreg:$0xd]  }
0x68: {  	[tilespmem:s12], [sflag:$0x3] =	stream.linear.gather @!p0 [hbm4b:s15+s14], $0x2800, $0x38;
	[tilespmem:$0x1E300] =	vst v63  }
.Ltmp3:
0x69: {  	_ = 	snop;
	(pc) =	sbr.rel .LBB2_4-.Ltmp3, $4  }
0x6a: {  	s17 =	simm.s32 $0x180;
	s12 =	simm.s32 $0x0  }
0x6b: {  	[tilespmem:s17], [sflag:$0x2] =	stream.linear.gather [hbm4b:s19+s12], $0x50, $0x38;
	[tilespmem:$0x1E300] =	vst v63  }
0x6c: {  	s18 =	simm.s32 $0x80;
	p1 =	slt.u32 s16, $0x80002710;
	p0 =	por $0x0, $0x0  }
0x6d: {  	[tilespmem:s18], [sflag:$0x2] =	stream.linear.gather [hbm4b:s20+s12], $0x50, $0x38;
	[tilespmem:$0x1E300] =	vst v63  }
.LBB2_12:
0x6e: {  	s15 =	simm.s32 @p1 $0x5  }
0x6f: {  	_ =	swait.ge @p1 [sflag:s15], $0x2800  }
0x70: {  	[sflag:s15] =	ssyncset.done @p1 $0x0  }
0x71: {  	[sflag:s15] =	ssyncadd.s32 @p1 $0xFFFFD800;
	s15 =	simm.s32 @!p2 $0x1  }
0x72: {  	_ =	swait.ge @!p2 [sflag:s15], $0x50  }
0x73: {  	[sflag:s15] =	ssyncset.done @!p2 $0x0  }
0x74: {  	[sflag:s15] =	ssyncadd.s32 @!p2 $0xFFFFFFB0  }
0x75: {  	_ =	swait.ge @!p2 [sflag:s15], $0x50  }
0x76: {  	[sflag:s15] =	ssyncset.done @!p2 $0x0  }
0x77: {  	[sflag:s15] =	ssyncadd.s32 @!p2 $0xFFFFFFB0  }
0x78: {  	v1 =	vld [tilespmem:$0x100];
	_ =	sdelay $0x4  }
0x79: {  	v1 =	vxor.u32 $0x80000000, v1  }
0x7a: {  	(xrf0) =	vmin.scan.msk.u32 $0xffff, v1;
	_ =	sdelay $0x5  }
0x7b: {  	v1, _, _ =	vpop (xrf0)  }
0x7c: {  	(v2sf) =	vpush v1, $0xF;
	_ =	sdelay $0xe  }
0x7d: {  	s18 =	spop (v2sf)  }
0x7e: {  	p5 =	sne.s32 s12, $0x3E;
	p6 =	slt.u32 s18, $0x80002710  }
0x7f: {  	p1 =	por !p5, !p6  }
0x80: {  	p1 =	por !p1, !p1  }
0x81: {  	s15 =	simm.s32 @p1 $0x50;
	s16 =	simm.s32 @p1 $0x0;
	s17 =	simm.s32 @p1 $0x5300  }
0x82: {  	[tilespmem:s17], [sflag:$0x3] =	stream.indirect.gather @p1 [hbm4b:s0+s15], $0x80, s16, s15, $0xb8;
	[tilespmem:$0x1E300] =	vst v63  }
0x83: {  	s15 =	smul.u32 @p1 $0x2800, s14  }
0x84: {  	p2 =	sgt.u32 @p1 s14, $0x7CF  }
0x85: {  	p2 =	por !p2, !p1;
	s14 =	sadd.s32 @p1 $0xFEC78000, s15  }
0x86: {  	s14 =	smov.u32 @p2 s15;
	p2 =	sgt.u32 s12, $0x3C  }
0x87: {  	s14 =	sshrl.u32 @p1 s14, $0x3;
	s13 =	sadd.s32 @!p2 s22, s13  }
0x88: {  	s15 =	simm.s32 @p1 $0x300;
	s14 =	sadd.s32 @p1 s5, s14;
	s13 =	smul.u32 @!p2 $0xA, s13  }
0x89: {  	[tilespmem:s15], [sflag:$0x3] =	stream.linear.gather @p1 [hbm4b:s14+s16], $0x2800, $0x38;
	[tilespmem:$0x1E300] =	vst v63  }
0x8a: {  	s15 =	simm.s32 @!p2 $0x0;
	s16 =	simm.s32 @!p2 $0x180;
	s14 =	sadd.s32 @!p2 s7, s13  }
0x8b: {  	[tilespmem:s16], [sflag:$0x2] =	stream.linear.gather @!p2 [hbm4b:s14+s15], $0x50, $0x38;
	[tilespmem:$0x1E300] =	vst v63  }
0x8c: {  	s12 =	sadd.s32 $0x1, s12;
	s13 =	sadd.s32 @!p2 s6, s13;
	s14 =	simm.s32 @!p2 $0x80  }
0x8d: {  	[tilespmem:s14], [sflag:$0x2] =	stream.linear.gather @!p2 [hbm4b:s13+s15], $0x50, $0x38;
	[tilespmem:$0x1E300] =	vst v63  }
0x8e: {  	p2 =	sne.s32 s12, $0x3F  }
.Ltmp4:
0x8f: {  	_ = 	snop;
	(pc) =	sbr.rel @!p2 .LBB2_13-.Ltmp4, $1  }
0x90: {  	_ =	sdelay $0x3  }
.LBB2_4:
.Ltmp5:
0x91: {  	(pc) =	sbr.rel @!p1 .LBB2_8-.Ltmp5, $1  }
0x92: {  	_ =	sdelay $0x3  }
0x93: {  	_ =	swait.ge [sflag:s29], $0x2800  }
0x94: {  	[sflag:s29] =	ssyncset.done $0x0  }
0x95: {  	[sflag:s29] =	ssyncadd.s32 $0xFFFFD800  }
0x96: {  	_ =	swait.ge [sflag:s29], $0x2800  }
0x97: {  	[sflag:s29] =	ssyncset.done $0x0  }
0x98: {  	s13 =	simm.s32 $0x0;
	[sflag:s29] =	ssyncadd.s32 $0xFFFFD800  }
0x99: {  	v8 =	vld [tilespmem:s13+$0x300]  }
0x9a: {  	v12 =	vld [tilespmem:s13+$0x310]  }
0x9b: {  	v6 =	vld [tilespmem:s13+$0x320]  }
0x9c: {  	v5 =	vld [tilespmem:s13+$0x330]  }
0x9d: {  	v4 =	vld [tilespmem:s13+$0x340]  }
0x9e: {  	v3 =	vld [tilespmem:s13+$0x350]  }
0x9f: {  	v2 =	vld [tilespmem:s13+$0x360]  }
0xa0: {  	v1 =	vld [tilespmem:s13+$0x370]  }
0xa1: {  	v13 =	vld [tilespmem:s13+$0x5300]  }
0xa2: {  	v14 =	vld [tilespmem:s13+$0x5310]  }
0xa3: {  	v11 =	vld [tilespmem:s13+$0x5320]  }
0xa4: {  	v10 =	vld [tilespmem:s13+$0x5330]  }
0xa5: {  	v9 =	vld [tilespmem:s13+$0x5340]  }
0xa6: {  	v7 =	vld [tilespmem:s13+$0x5350];
	v13 =	vmul.f32 v8, v13  }
0xa7: {  	s14 =	simm.s32 $0x200;
	v12 =	vmul.f32 v12, v14;
	v8 =	vld [tilespmem:s13+$0x5360]  }
.LBB2_6:
0xa8: {  	s15 =	sshra.s32 s14, $0x2;
	p2 =	sne.s32 s14, $0x9E00;
	[tilespmem:s13+$0x5300] =	vst v13;
	v6 =	vmul.f32 v6, v11;
	v11 =	vld [tilespmem:s13+$0x5370]  }
0xa9: {  	v13 =	vld [tilespmem:s15+$0x300];
	[tilespmem:s13+$0x5310] =	vst v12;
	v5 =	vmul.f32 v5, v10  }
0xaa: {  	v12 =	vld [tilespmem:s15+$0x310];
	[tilespmem:s13+$0x5320] =	vst v6;
	v4 =	vmul.f32 v4, v9  }
0xab: {  	v6 =	vld [tilespmem:s15+$0x320];
	[tilespmem:s13+$0x5330] =	vst v5;
	v3 =	vmul.f32 v3, v7  }
0xac: {  	v5 =	vld [tilespmem:s15+$0x330];
	[tilespmem:s13+$0x5340] =	vst v4;
	v2 =	vmul.f32 v2, v8  }
0xad: {  	v4 =	vld [tilespmem:s15+$0x340];
	[tilespmem:s13+$0x5350] =	vst v3;
	v1 =	vmul.f32 v1, v11  }
0xae: {  	v3 =	vld [tilespmem:s15+$0x350];
	[tilespmem:s13+$0x5360] =	vst v2  }
0xaf: {  	v2 =	vld [tilespmem:s15+$0x360];
	[tilespmem:s13+$0x5370] =	vst v1;
	s13 =	smov.u32 s15  }
0xb0: {  	v1 =	vld [tilespmem:s13+$0x370]  }
0xb1: {  	v7 =	vld [tilespmem:s13+$0x5300]  }
0xb2: {  	v8 =	vld [tilespmem:s13+$0x5310]  }
.Ltmp6:
0xb3: {  	v11 =	vld [tilespmem:s13+$0x5320];
	(pc) =	sbr.rel @p2 .LBB2_6-.Ltmp6, $4  }
0xb4: {  	v10 =	vld [tilespmem:s13+$0x5330]  }
0xb5: {  	v9 =	vld [tilespmem:s13+$0x5340]  }
0xb6: {  	v13 =	vmul.f32 v13, v7;
	v7 =	vld [tilespmem:s13+$0x5350]  }
0xb7: {  	s14 =	sadd.s32 $0x200, s14;
	v12 =	vmul.f32 v12, v8;
	v8 =	vld [tilespmem:s13+$0x5360]  }
0xb8: {  	[tilespmem:s13+$0x5300] =	vst v13;
	v6 =	vmul.f32 v6, v11;
	v63 =	vld [tilespmem:s13+$0x5370]  }
0xb9: {  	[tilespmem:s13+$0x5310] =	vst v12;
	v5 =	vmul.f32 v5, v10  }
0xba: {  	[tilespmem:s13+$0x5320] =	vst v6;
	v4 =	vmul.f32 v4, v9  }
0xbb: {  	[tilespmem:s13+$0x5330] =	vst v5;
	v3 =	vmul.f32 v3, v7  }
0xbc: {  	[tilespmem:s13+$0x5340] =	vst v4;
	v2 =	vmul.f32 v2, v8  }
0xbd: {  	[tilespmem:s13+$0x5350] =	vst v3;
	v1 =	vmul.f32 v1, v63  }
0xbe: {  	[tilespmem:s13+$0x5360] =	vst v2  }
0xbf: {  	[tilespmem:s13+$0x5370] =	vst v1  }
0xc0: {  	v1 =	vld [tilespmem:$0x100]  }
0xc1: {  	v2 =	vld [tilespmem:$0x110]  }
0xc2: {  	v3 =	vld [tilespmem:$0x120]  }
0xc3: {  	v4 =	vld [tilespmem:$0x130]  }
0xc4: {  	v5 =	vld [tilespmem:$0x140]  }
0xc5: {  	[tilespmem:$0x200] =	vst v1  }
0xc6: {  	[tilespmem:$0x210] =	vst v2  }
0xc7: {  	[tilespmem:$0x220] =	vst v3  }
0xc8: {  	[tilespmem:$0x230] =	vst v4  }
0xc9: {  	[tilespmem:$0x240] =	vst v5  }
0xca: {  	[spmem:s3] =	stream.indirect.scatter.add.f32 [tilespmem:s2], [sflag:$0x5], $0x80, s1, s31, $0xb8;
	[tilespmem:$0x1E300] =	vst v63  }
.LBB2_8:
0xcb: {  	s13 =	sshll.u32 s12, $0x6;
	s14 =	simm.s32 @p0 $0x6  }
0xcc: {  	_ =	swait.ge @p0 [sflag:s14], $0x2800;
	s15 =	sor.u32 s25, s13  }
0xcd: {  	[sflag:s14] =	ssyncset.done @p0 $0x0;
	p2 =	sgt.u32 s15, $0xF9F  }
0xce: {  	[sflag:s14] =	ssyncadd.s32 @p0 $0xFFFFD800;
	s14 =	simm.s32 @!p2 $0x2  }
0xcf: {  	_ =	swait.ge @!p2 [sflag:s14], $0x50  }
0xd0: {  	[sflag:s14] =	ssyncset.done @!p2 $0x0  }
0xd1: {  	[sflag:s14] =	ssyncadd.s32 @!p2 $0xFFFFFFB0  }
0xd2: {  	_ =	swait.ge @!p2 [sflag:s14], $0x50  }
0xd3: {  	[sflag:s14] =	ssyncset.done @!p2 $0x0  }
0xd4: {  	[sflag:s14] =	ssyncadd.s32 @!p2 $0xFFFFFFB0  }
0xd5: {  	v1 =	vld [tilespmem:$0x180];
	_ =	sdelay $0x4  }
0xd6: {  	v1 =	vxor.u32 $0x80000000, v1  }
0xd7: {  	(xrf0) =	vmin.scan.msk.u32 $0xffff, v1;
	_ =	sdelay $0x5  }
0xd8: {  	v1, _, _ =	vpop (xrf0)  }
0xd9: {  	(v2sf) =	vpush v1, $0xF;
	_ =	sdelay $0xe  }
0xda: {  	s18 =	spop (v2sf)  }
0xdb: {  	p5 =	slt.u32 s15, $0xFA0;
	p6 =	slt.u32 s18, $0x80002710  }
0xdc: {  	p0 =	por !p5, !p6  }
0xdd: {  	p0 =	por !p0, !p0  }
0xde: {  	s14 =	simm.s32 @p0 $0x50;
	s16 =	simm.s32 @p0 $0x80;
	s17 =	simm.s32 @p0 $0x7B00  }
0xdf: {  	[tilespmem:s17], [sflag:$0x4] =	stream.indirect.gather @p0 [hbm4b:s0+s14], $0x80, s16, s14, $0xb8;
	[tilespmem:$0x1E300] =	vst v63  }
0xe0: {  	s14 =	smul.u32 @p0 $0x2800, s15  }
0xe1: {  	p2 =	sgt.u32 @p0 s15, $0x7CF  }
0xe2: {  	p2 =	por !p2, !p0;
	s15 =	sadd.s32 @p0 $0xFEC78000, s14  }
0xe3: {  	s15 =	smov.u32 @p2 s14  }
0xe4: {  	s14 =	sshrl.u32 @p0 s15, $0x3  }
0xe5: {  	p2 =	seq.s32 s12, $0x3E;
	s15 =	sadd.s32 @p0 s5, s14;
	s14 =	sadd.s32 s21, s13  }
0xe6: {  	s16 =	simm.s32 @p0 $0x0;
	s17 =	simm.s32 @p0 $0x2B00;
	s18 =	smul.u32 @!p2 $0xA, s14  }
0xe7: {  	[tilespmem:s17], [sflag:$0x4] =	stream.linear.gather @p0 [hbm4b:s15+s16], $0x2800, $0x38;
	[tilespmem:$0x1E300] =	vst v63  }
.Ltmp7:
0xe8: {  	_ = 	snop;
	(pc) =	sbr.rel @!p0 .LBB2_12-.Ltmp7, $4  }
0xe9: {  	s16 =	simm.s32 @!p2 $0x0;
	s17 =	simm.s32 @!p2 $0x100;
	s15 =	sadd.s32 @!p2 s7, s18  }
0xea: {  	[tilespmem:s17], [sflag:$0x1] =	stream.linear.gather @!p2 [hbm4b:s15+s16], $0x50, $0x38;
	[tilespmem:$0x1E300] =	vst v63  }
0xeb: {  	s15 =	sadd.s32 @!p2 s6, s18  }
0xec: {  	[tilespmem:s16], [sflag:$0x1] =	stream.linear.gather @!p2 [hbm4b:s15+s16], $0x50, $0x38;
	[tilespmem:$0x1E300] =	vst v63  }
0xed: {  	_ =	swait.ge [sflag:s4], $0x2800  }
0xee: {  	[sflag:s4] =	ssyncset.done $0x0  }
0xef: {  	[sflag:s4] =	ssyncadd.s32 $0xFFFFD800  }
0xf0: {  	_ =	swait.ge [sflag:s4], $0x2800  }
0xf1: {  	[sflag:s4] =	ssyncset.done $0x0  }
0xf2: {  	s15 =	simm.s32 $0x0;
	[sflag:s4] =	ssyncadd.s32 $0xFFFFD800  }
0xf3: {  	v8 =	vld [tilespmem:s15+$0x2B00]  }
0xf4: {  	v12 =	vld [tilespmem:s15+$0x2B10]  }
0xf5: {  	v6 =	vld [tilespmem:s15+$0x2B20]  }
0xf6: {  	v5 =	vld [tilespmem:s15+$0x2B30]  }
0xf7: {  	v4 =	vld [tilespmem:s15+$0x2B40]  }
0xf8: {  	v3 =	vld [tilespmem:s15+$0x2B50]  }
0xf9: {  	v2 =	vld [tilespmem:s15+$0x2B60]  }
0xfa: {  	v1 =	vld [tilespmem:s15+$0x2B70]  }
0xfb: {  	v13 =	vld [tilespmem:s15+$0x7B00]  }
0xfc: {  	v14 =	vld [tilespmem:s15+$0x7B10]  }
0xfd: {  	v11 =	vld [tilespmem:s15+$0x7B20]  }
0xfe: {  	v10 =	vld [tilespmem:s15+$0x7B30]  }
0xff: {  	v9 =	vld [tilespmem:s15+$0x7B40]  }
0x100: {  	v7 =	vld [tilespmem:s15+$0x7B50];
	v13 =	vmul.f32 v8, v13  }
0x101: {  	s16 =	simm.s32 $0x200;
	v12 =	vmul.f32 v12, v14;
	v8 =	vld [tilespmem:s15+$0x7B60]  }
.LBB2_10:
0x102: {  	s17 =	sshra.s32 s16, $0x2;
	p3 =	sne.s32 s16, $0x9E00;
	[tilespmem:s15+$0x7B00] =	vst v13;
	v6 =	vmul.f32 v6, v11;
	v11 =	vld [tilespmem:s15+$0x7B70]  }
0x103: {  	v13 =	vld [tilespmem:s17+$0x2B00];
	[tilespmem:s15+$0x7B10] =	vst v12;
	v5 =	vmul.f32 v5, v10  }
0x104: {  	v12 =	vld [tilespmem:s17+$0x2B10];
	[tilespmem:s15+$0x7B20] =	vst v6;
	v4 =	vmul.f32 v4, v9  }
0x105: {  	v6 =	vld [tilespmem:s17+$0x2B20];
	[tilespmem:s15+$0x7B30] =	vst v5;
	v3 =	vmul.f32 v3, v7  }
0x106: {  	v5 =	vld [tilespmem:s17+$0x2B30];
	[tilespmem:s15+$0x7B40] =	vst v4;
	v2 =	vmul.f32 v2, v8  }
0x107: {  	v4 =	vld [tilespmem:s17+$0x2B40];
	[tilespmem:s15+$0x7B50] =	vst v3;
	v1 =	vmul.f32 v1, v11  }
0x108: {  	v3 =	vld [tilespmem:s17+$0x2B50];
	[tilespmem:s15+$0x7B60] =	vst v2  }
0x109: {  	v2 =	vld [tilespmem:s17+$0x2B60];
	[tilespmem:s15+$0x7B70] =	vst v1;
	s15 =	smov.u32 s17  }
0x10a: {  	v1 =	vld [tilespmem:s15+$0x2B70]  }
0x10b: {  	v7 =	vld [tilespmem:s15+$0x7B00]  }
0x10c: {  	v8 =	vld [tilespmem:s15+$0x7B10]  }
.Ltmp8:
0x10d: {  	v11 =	vld [tilespmem:s15+$0x7B20];
	(pc) =	sbr.rel @p3 .LBB2_10-.Ltmp8, $4  }
0x10e: {  	v10 =	vld [tilespmem:s15+$0x7B30]  }
0x10f: {  	v9 =	vld [tilespmem:s15+$0x7B40]  }
0x110: {  	v13 =	vmul.f32 v13, v7;
	v7 =	vld [tilespmem:s15+$0x7B50]  }
0x111: {  	s16 =	sadd.s32 $0x200, s16;
	v12 =	vmul.f32 v12, v8;
	v8 =	vld [tilespmem:s15+$0x7B60]  }
0x112: {  	[tilespmem:s15+$0x7B00] =	vst v13;
	v6 =	vmul.f32 v6, v11;
	v63 =	vld [tilespmem:s15+$0x7B70]  }
0x113: {  	[tilespmem:s15+$0x7B10] =	vst v12;
	v5 =	vmul.f32 v5, v10  }
0x114: {  	[tilespmem:s15+$0x7B20] =	vst v6;
	v4 =	vmul.f32 v4, v9  }
0x115: {  	[tilespmem:s15+$0x7B30] =	vst v5;
	v3 =	vmul.f32 v3, v7  }
0x116: {  	[tilespmem:s15+$0x7B40] =	vst v4;
	v2 =	vmul.f32 v2, v8  }
0x117: {  	[tilespmem:s15+$0x7B50] =	vst v3;
	v1 =	vmul.f32 v1, v63  }
0x118: {  	[tilespmem:s15+$0x7B60] =	vst v2  }
0x119: {  	[tilespmem:s15+$0x7B70] =	vst v1  }
0x11a: {  	v1 =	vld [tilespmem:$0x180]  }
0x11b: {  	v2 =	vld [tilespmem:$0x190]  }
0x11c: {  	v3 =	vld [tilespmem:$0x1A0]  }
0x11d: {  	v4 =	vld [tilespmem:$0x1B0]  }
0x11e: {  	v5 =	vld [tilespmem:$0x1C0]  }
0x11f: {  	[tilespmem:$0x280] =	vst v1  }
.Ltmp9:
0x120: {  	[tilespmem:$0x290] =	vst v2;
	(pc) =	sbr.rel .LBB2_12-.Ltmp9, $4  }
0x121: {  	[tilespmem:$0x2A0] =	vst v3  }
0x122: {  	[tilespmem:$0x2B0] =	vst v4  }
0x123: {  	[tilespmem:$0x2C0] =	vst v5  }
0x124: {  	[spmem:s3] =	stream.indirect.scatter.add.f32 [tilespmem:s10], [sflag:$0x6], $0x80, s9, s31, $0xb8;
	[tilespmem:$0x1E300] =	vst v63  }
.LBB2_14:
0x125: {  	_ =	sfence.sel $0x180000  }
0x126: {  	[bflag:$0x0] =	sbarrier.arrive $0xFFFF  }
0x127: {  	_ =	strace $0x9000004A  }
0x128: {  	s0 =	stileid.u32;
	[bflag:$0x2] =	sbarrier.arrive $0xFFFF  }
0x129: {  	p0 =	sne.s32 s0, $0x0;
	s0 =	rddreg [dreg:$0x3]  }
0x12a: {  	s0 =	sadd.s32 @!p0 $0x100000, s0  }
0x12b: {  	[sflag:s0] =	ssyncadd.tile.s32 @!p0 $0x1;
	_ =	shalt  }
.Lfunc_end2:
_tile_overlayer_lowered:
.L_overlay_start_2:
0x12c: {  	(tag) =	ssettag $0x2  }
0x12d: {  	s0 =	rddreg [dreg:$0x0];
	s2 =	stileid.u32  }
0x12e: {  	s1 =	rddreg [dreg:$0x1];
	p0 =	sne.s32 s2, $0x0  }
0x12f: {  	s3 =	rddreg [dreg:$0x2];
	[bflag:$0x3] =	sbarrier.arrive $0xFFFF;
	s2 =	simm.s32 @!p0 $0x1C07  }
0x130: {  	[timem:s3], [sflag:s2] =	dma.local @!p0 [hbm:s0], s1  }
0x131: {  	s0 =	simm.s32 @!p0 $0x7  }
0x132: {  	_ =	swait.ge @!p0 [sflag:s0], s1  }
0x133: {  	s1 =	ssub.s32 @!p0 $0x0, s1;
	[sflag:s0] =	ssyncset.done @!p0 $0x0  }
0x134: {  	[sflag:s0] =	ssyncadd.s32 @!p0 s1  }
0x135: {  	[bflag:$0x3] =	sbarrier.arrive $0xFFFF  }
0x136: {  	_ =	shalt  }

// kernel: kernel.20.cloned.1.call-start
scs
__scs_entry_jumppad:
0x0: {  	(pc) =	sbr.rel $0x88, $3  }
0x1: {  	(tag) =	ssettag $0x0;
	lr =	simm.s32 $0x1  }
0x2: {  	[smem:$0x3F75] =	sst lr;
	_ =	strace $0xD0000000  }
0x3: {  	_ = 	snop  }
0x4: {  	_ = 	snop  }
0x5: {  	_ = 	snop  }
0x6: {  	_ = 	snop  }
0x7: {  	_ = 	snop  }
__scs_overlays_trampoline_lowered:
0x8: {  	[smem:$0x3F84] =	sst s0  }
0x9: {  	[smem:$0x3F85] =	sst s1  }
0xa: {  	[smem:$0x3F86] =	sst s2  }
0xb: {  	[smem:$0x3F87] =	sst s3  }
0xc: {  	[smem:$0x3F88] =	sst s4  }
0xd: {  	[smem:$0x3F89] =	sst s5  }
0xe: {  	[smem:$0x3F8A] =	sst s6  }
0xf: {  	[smem:$0x3F8B] =	sst s7  }
0x10: {  	[smem:$0x3F8C] =	sst s8  }
0x11: {  	[smem:$0x3F8D] =	sst s9;
	s0 =	simm.s32 @!p0 $0x0  }
0x12: {  	s1 =	sld [smem:$0x3F73];
	s0 =	simm.s32 @p0 $0x1  }
0x13: {  	[smem:$0x3F8E] =	sst s0;
	s0 =	simm.s32 @!p1 $0x0  }
0x14: {  	s2 =	sld [smem:$0x3F72];
	s0 =	simm.s32 @p1 $0x1  }
0x15: {  	[smem:$0x3F8F] =	sst s0;
	s0 =	simm.s32 @!p2 $0x0  }
0x16: {  	s3 =	sld [smem:$0x3FDB];
	s0 =	simm.s32 @p2 $0x1  }
0x17: {  	s4 =	simm.s32 $0x1BF5;
	[smem:$0x3F91] =	sst s0  }
0x18: {  	s0 =	sld [smem:$0x3F74];
	_ =	swait.ge [sflag:s4], $0x0  }
0x19: {  	s7 =	sld [smem:$0x3F75]  }
0x1a: {  	s8 =	sadd.s32 $0xFFFFE003, lr  }
0x1b: {  	s9 =	sadd.s32 $0xFFFFFEF7, lr;
	s5 =	simm.s32 $0xFFFFFFFF;
	p2 =	slt.u32 s8, $0xFFFFF086  }
0x1c: {  	p1 =	slt.u32 s9, $0xF7A;
	s5 =	simm.s32 @!p2 $0x0  }
0x1d: {  	s5 =	simm.s32 @p1 $0x1;
	p0 =	seq.s32 s7, s2  }
0x1e: {  	s7 =	smul.u32 @!p0 $0xF7A, s2;
	p2 =	seq.s32 @!p0 s5, $0x0  }
0x1f: {  	s9 =	smul.u32 $0xF7A, s1;
	s8 =	simm.s32 @!p0 $0x1BF5;
	p2 =	por !p2, p0  }
0x20: {  	[sflag:s8] =	ssyncset.s32 @!p0 $0xFFFFF086;
	s6 =	sadd.s32 @!p0 s3, s7;
	s7 =	simm.s32 @!p0 $0x108  }
0x21: {  	s3 =	sadd.s32 s3, s9;
	s6 =	sadd.s32 @!p0 $0x88, s6;
	s7 =	simm.s32 @p2 $0x1082  }
0x22: {  	[simem:s7], [sflag:s8] =	dma.local @!p0 [hbm:s6], $0xF7A  }
0x23: {  	s9 =	sor.u32 $0xD0000000, s2;
	s6 =	simm.s32 $0x108;
	_ =	swait.ge @!p0 [sflag:s8], $0x0  }
0x24: {  	s3 =	sadd.s32 $0x88, s3;
	s6 =	simm.s32 @!p1 $0x1082;
	[sflag:s4] =	ssyncset.s32 $0xFFFFF086  }
0x25: {  	[simem:s6], [sflag:s4] =	dma.local [hbm:s3], $0xF7A  }
0x26: {  	[smem:$0x3F75] =	sst s1;
	(tag) =	ssettag s2;
	_ =	strace s9  }
0x27: {  	s1 =	sld [smem:$0x3F85]  }
0x28: {  	s2 =	sld [smem:$0x3F86]  }
0x29: {  	s4 =	sld [smem:$0x3F88]  }
0x2a: {  	p0 =	seq.s32 s5, $0x0;
	s5 =	sld [smem:$0x3F89]  }
0x2b: {  	s6 =	sld [smem:$0x3F8A]  }
0x2c: {  	s7 =	sld [smem:$0x3F8B]  }
0x2d: {  	s3 =	simm.s32 $0x108;
	s8 =	sld [smem:$0x3F8C]  }
0x2e: {  	s3 =	simm.s32 @!p0 $0x1082;
	s9 =	sld [smem:$0x3F8D]  }
0x2f: {  	lr =	sadd.s32 s0, s3;
	s0 =	sld [smem:$0x3F84]  }
0x30: {  	s3 =	sld [smem:$0x3F87]  }
0x31: {  	[smem:$0x3F90] =	sst s10  }
0x32: {  	s10 =	sld [smem:$0x3F8E];
	_ =	sdelay $0x3  }
0x33: {  	p0 =	seq.s32 s10, $0x1;
	s10 =	sld [smem:$0x3F90];
	_ =	sdelay $0x3  }
0x34: {  	[smem:$0x3F90] =	sst s10  }
0x35: {  	s10 =	sld [smem:$0x3F8F];
	_ =	sdelay $0x3  }
0x36: {  	p1 =	seq.s32 s10, $0x1;
	s10 =	sld [smem:$0x3F90];
	_ =	sdelay $0x3  }
0x37: {  	[smem:$0x3F90] =	sst s10  }
0x38: {  	s10 =	sld [smem:$0x3F91]  }
0x39: {  	_ = 	snop;
	(pc) =	sbr.ind lr, $3  }
0x3a: {  	_ = 	snop  }
0x3b: {  	_ = 	snop  }
0x3c: {  	p2 =	seq.s32 s10, $0x1;
	s10 =	sld [smem:$0x3F90]  }
0x3d: {  	_ =	shalt  }
0x3e: {  	_ =	shalt  }
0x3f: {  	_ =	shalt  }
0x40: {  	_ =	shalt  }
0x41: {  	_ =	shalt  }
0x42: {  	_ =	shalt  }
0x43: {  	_ =	shalt  }
0x44: {  	_ =	shalt  }
0x45: {  	_ =	shalt  }
0x46: {  	_ =	shalt  }
0x47: {  	_ =	shalt  }
0x48: {  	_ =	shalt  }
0x49: {  	_ =	shalt  }
0x4a: {  	_ =	shalt  }
0x4b: {  	_ =	shalt  }
0x4c: {  	_ =	shalt  }
0x4d: {  	_ =	shalt  }
0x4e: {  	_ =	shalt  }
0x4f: {  	_ =	shalt  }
0x50: {  	_ =	shalt  }
0x51: {  	_ =	shalt  }
0x52: {  	_ =	shalt  }
0x53: {  	_ =	shalt  }
0x54: {  	_ =	shalt  }
0x55: {  	_ =	shalt  }
0x56: {  	_ =	shalt  }
0x57: {  	_ =	shalt  }
0x58: {  	_ =	shalt  }
0x59: {  	_ =	shalt  }
0x5a: {  	_ =	shalt  }
0x5b: {  	_ =	shalt  }
0x5c: {  	_ =	shalt  }
0x5d: {  	_ =	shalt  }
0x5e: {  	_ =	shalt  }
0x5f: {  	_ =	shalt  }
0x60: {  	_ =	shalt  }
0x61: {  	_ =	shalt  }
0x62: {  	_ =	shalt  }
0x63: {  	_ =	shalt  }
0x64: {  	_ =	shalt  }
0x65: {  	_ =	shalt  }
0x66: {  	_ =	shalt  }
0x67: {  	_ =	shalt  }
0x68: {  	_ =	shalt  }
0x69: {  	_ =	shalt  }
0x6a: {  	_ =	shalt  }
0x6b: {  	_ =	shalt  }
0x6c: {  	_ =	shalt  }
0x6d: {  	_ =	shalt  }
0x6e: {  	_ =	shalt  }
0x6f: {  	_ =	shalt  }
0x70: {  	_ =	shalt  }
0x71: {  	_ =	shalt  }
0x72: {  	_ =	shalt  }
0x73: {  	_ =	shalt  }
0x74: {  	_ =	shalt  }
0x75: {  	_ =	shalt  }
0x76: {  	_ =	shalt  }
0x77: {  	_ =	shalt  }
0x78: {  	_ =	shalt  }
0x79: {  	_ =	shalt  }
0x7a: {  	_ =	shalt  }
0x7b: {  	_ =	shalt  }
0x7c: {  	_ =	shalt  }
0x7d: {  	_ =	shalt  }
0x7e: {  	_ =	shalt  }
0x7f: {  	_ =	shalt  }
0x80: {  	_ =	shalt  }
0x81: {  	_ =	shalt  }
0x82: {  	_ =	shalt  }
0x83: {  	_ =	shalt  }
0x84: {  	_ =	shalt  }
0x85: {  	_ =	shalt  }
0x86: {  	_ =	shalt  }
0x87: {  	_ =	shalt  }
.Lfunc_end0:
.L_simem_size_0:
called_computation.2_lowered:
.L_overlay_start_0:
0x88: {  	s2 =	sld [smem:$0x3FD9]  }
0x89: {  	s3 =	sld [smem:$0x3FFE];
	_ =	sdelay $0x1  }
0x8a: {  	s1 =	srdreg.scid  }
0x8b: {  	s0 =	sand.u32 $0x1, s1  }
0x8c: {  	s14 =	sshll.u32 s0, $0xA;
	s2 =	sadd.s32 s3, s2  }
0x8d: {  	s2 =	sadd.s32 s2, s14  }
0x8e: {  	[smem:$0x3F9C] =	sst s2  }
0x8f: {  	_ = 	snop  }
0x90: {  	s2 =	sld [smem:$0x3FD0];
	_ =	sdelay $0x2  }
0x91: {  	s15 =	simm.s32 $0xA;
	s4 =	simm.s32 $0x10  }
0x92: {  	[smem:s4], [sflag:s15] =	dma.local [hbm:s2], $0x1  }
0x93: {  	_ =	swait.eq [sflag:s15], $0x1  }
0x94: {  	[sflag:s15] =	ssyncset.done $0x0  }
0x95: {  	[sflag:s15] =	ssyncadd.s32 $0xFFFFFFFF  }
0x96: {  	s16 =	sld [smem:$0x11];
	(tm) =	ssettm $0x1  }
0x97: {  	s17 =	sld [smem:$0x3FFB];
	_ =	sdelay $0x3  }
0x98: {  	_ =	strace s17  }
0x99: {  	s3 =	sld [smem:$0x3FFC];
	_ =	sdelay $0x3  }
0x9a: {  	_ =	strace s3  }
0x9b: {  	s3 =	sld [smem:$0x3FFD];
	_ =	sdelay $0x3  }
0x9c: {  	_ =	strace s3  }
0x9d: {  	_ =	strace $0x8FFFFFFF  }
0x9e: {  	s18 =	sld [smem:$0x3FDB];
	_ =	sdelay $0x1  }
0x9f: {  	s19 =	simm.s32 $_scs_section_size  }
0xa0: {  	s5 =	simm.s32 $_size__tile_overlayer_lowered;
	s6 =	simm.s32 $_tile_overlayer_lowered  }
0xa1: {  	s22 =	simm.s32 $0x1BFF;
	s21 =	sshll.u32 s6, $0x1;
	s3 =	sadd.s32 s19, s18  }
0xa2: {  	s7 =	simm.s32 $0x0;
	s20 =	sshll.u32 s5, $0x1;
	s5 =	sadd.s32 s21, s3  }
0xa3: {  	[timem:s7], [sflag:s22] =	dma.local [hbm:s5], s20  }
0xa4: {  	_ =	swait.ge [sflag:s22], s20  }
0xa5: {  	s4 =	ssub.s32 $0x0, s20;
	[sflag:s22] =	ssyncset.done $0x0  }
0xa6: {  	[sflag:s22] =	ssyncadd.s32 s4;
	_ =	sdelay $0x1  }
0xa7: {  	s23 =	simm.s32 $0x1B8B  }
0xa8: {  	_ =	swait.ge [sflag:s23], $0x1  }
0xa9: {  	[sflag:s23] =	ssyncset.done $0x0  }
0xaa: {  	s25 =	simm.s32 $0x1B8E;
	s24 =	sld [smem:$0x3FFE];
	[sflag:s23] =	ssyncadd.s32 $0xFFFFFFFF  }
0xab: {  	s26 =	simm.s32 $execute0_lowered;
	[smem:$0x3FD2] =	sst s25  }
0xac: {  	s5 =	sshll.u32 s26, $0x1;
	_ =	strace $0x8000004C;
	[dreg:$0x1] =	wrdreg $0xFFFFFFFF  }
0xad: {  	s28 =	simm.s32 $_size_execute0_lowered;
	s3 =	sadd.s32 s3, s5;
	[dreg:$0x0] =	wrdreg $0x0  }
0xae: {  	s5 =	sshll.u32 s28, $0x1;
	[dreg:$0x2] =	wrdreg s3  }
0xaf: {  	[dreg:$0x3] =	wrdreg s5  }
0xb0: {  	[dreg:$0x4] =	wrdreg $0xC0  }
0xb1: {  	_ =	task [dreg:s7], $0x5FFFF  }
0xb2: {  	[dreg:$0x1] =	wrdreg $0xFFFFFFFF  }
0xb3: {  	[dreg:$0x0] =	wrdreg $0x60  }
0xb4: {  	[dreg:$0x2] =	wrdreg s16  }
0xb5: {  	[dreg:$0x3] =	wrdreg s24  }
0xb6: {  	[dreg:$0x4] =	wrdreg $0xA3000  }
0xb7: {  	[dreg:$0x5] =	wrdreg $0x9  }
0xb8: {  	_ =	task.clear_ibuf [dreg:s7], $0x6FFFF;
	_ =	strace $0x9000004C  }
0xb9: {  	s29 =	simm.s32 $0x9;
	_ =	strace $0x8000004E  }
0xba: {  	_ =	swait.ge [sflag:s29], $0x1  }
0xbb: {  	[sflag:s29] =	ssyncadd.s32 $0xFFFFFFFF  }
0xbc: {  	_ =	strace $0x9000004E  }
0xbd: {  	_ =	sfence  }
0xbe: {  	s30 =	sld [smem:$0x0];
	_ =	sdelay $0x2  }
0xbf: {  	s31 =	sshll.u32 s1, $0xD;
	s1 =	sshrl.u32 s1, $0x2  }
0xc0: {  	s3 =	sand.u32 $0x4000, s31;
	s1 =	sadd.s32 s1, s30  }
0xc1: {  	s0 =	sor.u32 s3, s0;
	s1 =	sshll.u32 s1, $0x11  }
0xc2: {  	s0 =	sor.u32 s1, s0  }
0xc3: {  	s0 =	sadd.s32 $0x8F2B, s0  }
0xc4: {  	[sflag:s0] =	ssyncadd.remote.s32 $0x1  }
0xc5: {  	_ =	sfence.sel $0xFFFF  }
0xc6: {  	[dreg:$0x0] =	wrdreg $0xFFFFFFFF;
	(pc) =	sbr.abs _section_cstart, $3  }
0xc7: {  	[dreg:$0x1] =	wrdreg $0xFFFFFFFF  }
0xc8: {  	_ =	task.clear_ibuf [dreg:s7], $0x2FFFF;
	_ =	strace $0x9FFFFFFF  }
0xc9: {  	(tm) =	ssettm $0x7FFFFFFF  }
tec
execute0_lowered:
.L_overlay_start_1:
0x0: {  	(tag) =	ssettag $0x1  }
0x1: {  	s0 =	rddreg [dreg:$0x0]  }
0x2: {  	s1 =	rddreg [dreg:$0x1];
	s2 =	srdreg.scid  }
0x3: {  	s3 =	rddreg [dreg:$0x2];
	s10 =	stileid.u32;
	s5 =	simm.s32 $0x0  }
0x4: {  	s28 =	simm.s32 $0x7;
	s30 =	simm.s32 $0x1;
	s29 =	simm.s32 $0x3  }
0x5: {  	s31 =	simm.s32 $0x50;
	s2 =	sand.u32 $0x1, s2;
	s6 =	smul.u32 $0x14000, s10  }
0x6: {  	[smem:$0x7FF] =	sst s5;
	s5 =	sadd.s32 $0x3ACA00, s1;
	s8 =	smul.u32 $0x50000, s10  }
0x7: {  	s7 =	sadd.s32 $0xD7E00, s1;
	s10 =	sshll.u32 s10, $0x1;
	s4 =	smul.u32 $0x140000, s2  }
0x8: {  	s15 =	ssub.s32 $0x2, s2;
	s2 =	sor.u32 s2, s10;
	s8 =	sshrl.u32 s8, $0x2  }
0x9: {  	_ =	strace $0x8000004D;
	s18 =	smul.u32 $0xA, s2;
	s8 =	sadd.s32 s8, s3  }
0xa: {  	s9 =	sshrl.u32 s15, $0x1;
	s21 =	smul.u32 $0x50, s2;
	s16 =	sadd.s32 $0x2800, s8  }
0xb: {  	s23 =	smul.u32 $0x500, s2;
	s17 =	sadd.s32 $0x5000, s8;
	[dreg:$0x4] =	wrdreg s16  }
0xc: {  	s4 =	sadd.s32 s6, s4;
	s19 =	sadd.s32 $0x7800, s8;
	[dreg:$0x5] =	wrdreg s17  }
0xd: {  	s6 =	sadd.s32 $0xE1C00, s1;
	s20 =	sadd.s32 $0xA000, s8;
	[dreg:$0x6] =	wrdreg s19  }
0xe: {  	s4 =	sshrl.u32 s4, $0x3;
	s11 =	sadd.s32 $0xC800, s8;
	[dreg:$0x7] =	wrdreg s20  }
0xf: {  	s22 =	sadd.s32 $0xF000, s8;
	s12 =	sadd.s32 $0x11800, s8;
	[dreg:$0x8] =	wrdreg s11  }
0x10: {  	s24 =	sadd.s32 s7, s18;
	s10 =	sshrl.u32 s21, $0x3;
	[dreg:$0x9] =	wrdreg s22  }
0x11: {  	s25 =	sadd.s32 s5, s23;
	s21 =	sor.u32 $0x40, s2;
	[dreg:$0xa] =	wrdreg s12  }
0x12: {  	s1 =	sadd.s32 s4, s1;
	s4 =	ssub.s32 s15, s9;
	[dreg:$0xb] =	wrdreg s24  }
0x13: {  	s9 =	sadd.s32 s6, s18;
	[dreg:$0xd] =	wrdreg s25;
	s26 =	sadd.s32 $0x140, s10  }
.Ltmp0:
0x14: {  	s22 =	sor.u32 $0x60, s2;
	s25 =	sor.u32 $0x20, s2;
	(pc) =	sbr.rel .LBB2_1-.Ltmp0, $4  }
0x15: {  	s2 =	simm.s32 $0x5300;
	s10 =	simm.s32 $0x7B00;
	s11 =	simm.s32 $0x0  }
0x16: {  	[dreg:$0xc] =	wrdreg s9;
	s19 =	sadd.s32 s7, s26;
	s20 =	sadd.s32 s6, s26  }
0x17: {  	s23 =	sadd.s32 $0xEBA00, s1;
	s24 =	smax.u32 s4, $0x1;
	s26 =	simm.s32 $0x300  }
0x18: {  	v0 =	vimm.f32 $0.0e+00;
	s1 =	simm.s32 $0x200;
	s4 =	simm.s32 $0x4;
	s9 =	simm.s32 $0x280  }
.LBB2_13:
0x19: {  	s12 =	simm.s32 @p0 $0x6  }
0x1a: {  	s18 =	stileid.u32;
	_ =	swait.ge @p0 [sflag:s12], $0x2800  }
0x1b: {  	s13 =	sshrl.u32 s8, $0x3;
	s11 =	sadd.s32 $0x1, s11;
	[sflag:s12] =	ssyncset.done @p0 $0x0  }
0x1c: {  	[sflag:s12] =	ssyncadd.s32 @p0 $0xFFFFD800;
	s12 =	sshll.u32 s18, $0x6;
	p0 =	sne.s32 s11, s24  }
.Ltmp1:
0x1d: {  	[bflag:$0x0] =	sbarrier.arrive $0xFFFF;
	s12 =	sor.u32 $0x1C07, s12;
	(pc) =	sbr.rel @!p0 .LBB2_14-.Ltmp1, $4  }
0x1e: {  	[hbm:s23], [sflag:s12] =	dma.local [spmem:s13], $0x2800  }
0x1f: {  	_ =	swait.ge [sflag:s28], $0x2800  }
0x20: {  	[sflag:s28] =	ssyncset.done $0x0  }
0x21: {  	[sflag:s28] =	ssyncadd.s32 $0xFFFFD800  }
.LBB2_1:
0x22: {  	s12 =	simm.s32 $0x0;
	s13 =	simm.s32 $0x200  }
.LBB2_2:
0x23: {  	p0 =	sne.s32 s13, $0x9E00;
	[tilespmem:s12+$0x370] =	vst v0  }
0x24: {  	[tilespmem:s12+$0x300] =	vst v0  }
0x25: {  	[tilespmem:s12+$0x310] =	vst v0  }
.Ltmp2:
0x26: {  	[tilespmem:s12+$0x320] =	vst v0;
	(pc) =	sbr.rel @p0 .LBB2_2-.Ltmp2, $4  }
0x27: {  	[tilespmem:s12+$0x330] =	vst v0  }
0x28: {  	[tilespmem:s12+$0x340] =	vst v0  }
0x29: {  	[tilespmem:s12+$0x350] =	vst v0  }
0x2a: {  	[tilespmem:s12+$0x360] =	vst v0;
	s12 =	sshra.s32 s13, $0x2;
	s13 =	sadd.s32 $0x200, s13  }
0x2b: {  	[tilespmem:s12+$0x370] =	vst v0  }
0x2c: {  	[tilespmem:s12+$0x300] =	vst v0  }
0x2d: {  	[tilespmem:s12+$0x310] =	vst v0  }
0x2e: {  	[tilespmem:s12+$0x320] =	vst v0  }
0x2f: {  	[tilespmem:s12+$0x330] =	vst v0  }
0x30: {  	[tilespmem:s12+$0x340] =	vst v0  }
0x31: {  	[tilespmem:s12+$0x350] =	vst v0  }
0x32: {  	[tilespmem:s12+$0x360] =	vst v0  }
0x33: {  	[spmem:s8] =	stream.linear.scatter [tilespmem:s26], [sflag:$0x7], $0x2800, $0x38;
	[tilespmem:$0x1E300] =	vst v63  }
0x34: {  	_ =	swait.ge [sflag:s28], $0x2800  }
0x35: {  	[sflag:s28] =	ssyncset.done $0x0  }
0x36: {  	s17 =	rddreg [dreg:$0x4];
	[sflag:s28] =	ssyncadd.s32 $0xFFFFD800  }
0x37: {  	[spmem:s17] =	stream.linear.scatter [tilespmem:s26], [sflag:$0x7], $0x2800, $0x38;
	[tilespmem:$0x1E300] =	vst v63  }
0x38: {  	_ =	swait.ge [sflag:s28], $0x2800  }
0x39: {  	[sflag:s28] =	ssyncset.done $0x0  }
0x3a: {  	s18 =	rddreg [dreg:$0x5];
	[sflag:s28] =	ssyncadd.s32 $0xFFFFD800  }
0x3b: {  	[spmem:s18] =	stream.linear.scatter [tilespmem:s26], [sflag:$0x7], $0x2800, $0x38;
	[tilespmem:$0x1E300] =	vst v63  }
0x3c: {  	_ =	swait.ge [sflag:s28], $0x2800  }
0x3d: {  	[sflag:s28] =	ssyncset.done $0x0  }
0x3e: {  	s13 =	rddreg [dreg:$0x6];
	[sflag:s28] =	ssyncadd.s32 $0xFFFFD800  }
0x3f: {  	[spmem:s13] =	stream.linear.scatter [tilespmem:s26], [sflag:$0x7], $0x2800, $0x38;
	[tilespmem:$0x1E300] =	vst v63  }
0x40: {  	_ =	swait.ge [sflag:s28], $0x2800  }
0x41: {  	[sflag:s28] =	ssyncset.done $0x0  }
0x42: {  	s14 =	rddreg [dreg:$0x7];
	[sflag:s28] =	ssyncadd.s32 $0xFFFFD800  }
0x43: {  	[spmem:s14] =	stream.linear.scatter [tilespmem:s26], [sflag:$0x7], $0x2800, $0x38;
	[tilespmem:$0x1E300] =	vst v63  }
0x44: {  	_ =	swait.ge [sflag:s28], $0x2800  }
0x45: {  	[sflag:s28] =	ssyncset.done $0x0  }
0x46: {  	s15 =	rddreg [dreg:$0x8];
	[sflag:s28] =	ssyncadd.s32 $0xFFFFD800  }
0x47: {  	[spmem:s15] =	stream.linear.scatter [tilespmem:s26], [sflag:$0x7], $0x2800, $0x38;
	[tilespmem:$0x1E300] =	vst v63  }
0x48: {  	_ =	swait.ge [sflag:s28], $0x2800  }
0x49: {  	[sflag:s28] =	ssyncset.done $0x0  }
0x4a: {  	s16 =	rddreg [dreg:$0x9];
	[sflag:s28] =	ssyncadd.s32 $0xFFFFD800  }
0x4b: {  	[spmem:s16] =	stream.linear.scatter [tilespmem:s26], [sflag:$0x7], $0x2800, $0x38;
	[tilespmem:$0x1E300] =	vst v63  }
0x4c: {  	_ =	swait.ge [sflag:s28], $0x2800  }
0x4d: {  	[sflag:s28] =	ssyncset.done $0x0  }
0x4e: {  	s17 =	rddreg [dreg:$0xa];
	[sflag:s28] =	ssyncadd.s32 $0xFFFFD800  }
0x4f: {  	[spmem:s17] =	stream.linear.scatter [tilespmem:s26], [sflag:$0x7], $0x2800, $0x38;
	[tilespmem:$0x1E300] =	vst v63  }
0x50: {  	_ =	swait.ge [sflag:s28], $0x2800  }
0x51: {  	[sflag:s28] =	ssyncset.done $0x0  }
0x52: {  	[sflag:s28] =	ssyncadd.s32 $0xFFFFD800  }
0x53: {  	[bflag:$0x0] =	sbarrier.arrive $0xFFFF  }
0x54: {  	s18 =	simm.s32 $0x0;
	s14 =	simm.s32 $0x100;
	s13 =	rddreg [dreg:$0xb]  }
0x55: {  	[tilespmem:s14], [sflag:$0x1] =	stream.linear.gather [hbm4b:s13+s18], $0x50, $0x38;
	[tilespmem:$0x1E300] =	vst v63  }
0x56: {  	s15 =	rddreg [dreg:$0xc]  }
0x57: {  	[tilespmem:s18], [sflag:$0x1] =	stream.linear.gather [hbm4b:s15+s18], $0x50, $0x38;
	[tilespmem:$0x1E300] =	vst v63  }
0x58: {  	_ =	swait.ge [sflag:s30], $0x50  }
0x59: {  	[sflag:s30] =	ssyncset.done $0x0  }
0x5a: {  	[sflag:s30] =	ssyncadd.s32 $0xFFFFFFB0  }
0x5b: {  	_ =	swait.ge [sflag:s30], $0x50  }
0x5c: {  	[sflag:s30] =	ssyncset.done $0x0  }
0x5d: {  	[sflag:s30] =	ssyncadd.s32 $0xFFFFFFB0  }
0x5e: {  	v1 =	vld [tilespmem:$0x100];
	_ =	sdelay $0x4  }
0x5f: {  	v1 =	vxor.u32 $0x80000000, v1  }
0x60: {  	(xrf0) =	vmin.scan.msk.u32 $0xffff, v1;
	_ =	sdelay $0x5  }
0x61: {  	v1, _, _ =	vpop (xrf0)  }
0x62: {  	(v2sf) =	vpush v1, $0xF;
	_ =	sdelay $0xe  }
0x63: {  	s16 =	spop (v2sf)  }
0x64: {  	p0 =	sgt.u32 s16, $0x8000270F  }
0x65: {  	s12 =	simm.s32 @!p0 $0x50;
	s14 =	simm.s32 @!p0 $0x0;
	s15 =	simm.s32 @!p0 $0x5300  }
0x66: {  	[tilespmem:s15], [sflag:$0x3] =	stream.indirect.gather @!p0 [hbm4b:s0+s12], $0x80, s14, s12, $0xb8;
	[tilespmem:$0x1E300] =	vst v63  }
0x67: {  	s12 =	simm.s32 @!p0 $0x300;
	s15 =	rddreg [dreg:$0xd]  }
0x68: {  	[tilespmem:s12], [sflag:$0x3] =	stream.linear.gather @!p0 [hbm4b:s15+s14], $0x2800, $0x38;
	[tilespmem:$0x1E300] =	vst v63  }
.Ltmp3:
0x69: {  	_ = 	snop;
	(pc) =	sbr.rel .LBB2_4-.Ltmp3, $4  }
0x6a: {  	s17 =	simm.s32 $0x180;
	s12 =	simm.s32 $0x0  }
0x6b: {  	[tilespmem:s17], [sflag:$0x2] =	stream.linear.gather [hbm4b:s19+s12], $0x50, $0x38;
	[tilespmem:$0x1E300] =	vst v63  }
0x6c: {  	s18 =	simm.s32 $0x80;
	p1 =	slt.u32 s16, $0x80002710;
	p0 =	por $0x0, $0x0  }
0x6d: {  	[tilespmem:s18], [sflag:$0x2] =	stream.linear.gather [hbm4b:s20+s12], $0x50, $0x38;
	[tilespmem:$0x1E300] =	vst v63  }
.LBB2_12:
0x6e: {  	s15 =	simm.s32 @p1 $0x5  }
0x6f: {  	_ =	swait.ge @p1 [sflag:s15], $0x2800  }
0x70: {  	[sflag:s15] =	ssyncset.done @p1 $0x0  }
0x71: {  	[sflag:s15] =	ssyncadd.s32 @p1 $0xFFFFD800;
	s15 =	simm.s32 @!p2 $0x1  }
0x72: {  	_ =	swait.ge @!p2 [sflag:s15], $0x50  }
0x73: {  	[sflag:s15] =	ssyncset.done @!p2 $0x0  }
0x74: {  	[sflag:s15] =	ssyncadd.s32 @!p2 $0xFFFFFFB0  }
0x75: {  	_ =	swait.ge @!p2 [sflag:s15], $0x50  }
0x76: {  	[sflag:s15] =	ssyncset.done @!p2 $0x0  }
0x77: {  	[sflag:s15] =	ssyncadd.s32 @!p2 $0xFFFFFFB0  }
0x78: {  	v1 =	vld [tilespmem:$0x100];
	_ =	sdelay $0x4  }
0x79: {  	v1 =	vxor.u32 $0x80000000, v1  }
0x7a: {  	(xrf0) =	vmin.scan.msk.u32 $0xffff, v1;
	_ =	sdelay $0x5  }
0x7b: {  	v1, _, _ =	vpop (xrf0)  }
0x7c: {  	(v2sf) =	vpush v1, $0xF;
	_ =	sdelay $0xe  }
0x7d: {  	s18 =	spop (v2sf)  }
0x7e: {  	p5 =	sne.s32 s12, $0x3E;
	p6 =	slt.u32 s18, $0x80002710  }
0x7f: {  	p1 =	por !p5, !p6  }
0x80: {  	p1 =	por !p1, !p1  }
0x81: {  	s15 =	simm.s32 @p1 $0x50;
	s16 =	simm.s32 @p1 $0x0;
	s17 =	simm.s32 @p1 $0x5300  }
0x82: {  	[tilespmem:s17], [sflag:$0x3] =	stream.indirect.gather @p1 [hbm4b:s0+s15], $0x80, s16, s15, $0xb8;
	[tilespmem:$0x1E300] =	vst v63  }
0x83: {  	s15 =	smul.u32 @p1 $0x2800, s14  }
0x84: {  	p2 =	sgt.u32 @p1 s14, $0x7CF  }
0x85: {  	p2 =	por !p2, !p1;
	s14 =	sadd.s32 @p1 $0xFEC78000, s15  }
0x86: {  	s14 =	smov.u32 @p2 s15;
	p2 =	sgt.u32 s12, $0x3C  }
0x87: {  	s14 =	sshrl.u32 @p1 s14, $0x3;
	s13 =	sadd.s32 @!p2 s22, s13  }
0x88: {  	s15 =	simm.s32 @p1 $0x300;
	s14 =	sadd.s32 @p1 s5, s14;
	s13 =	smul.u32 @!p2 $0xA, s13  }
0x89: {  	[tilespmem:s15], [sflag:$0x3] =	stream.linear.gather @p1 [hbm4b:s14+s16], $0x2800, $0x38;
	[tilespmem:$0x1E300] =	vst v63  }
0x8a: {  	s15 =	simm.s32 @!p2 $0x0;
	s16 =	simm.s32 @!p2 $0x180;
	s14 =	sadd.s32 @!p2 s7, s13  }
0x8b: {  	[tilespmem:s16], [sflag:$0x2] =	stream.linear.gather @!p2 [hbm4b:s14+s15], $0x50, $0x38;
	[tilespmem:$0x1E300] =	vst v63  }
0x8c: {  	s12 =	sadd.s32 $0x1, s12;
	s13 =	sadd.s32 @!p2 s6, s13;
	s14 =	simm.s32 @!p2 $0x80  }
0x8d: {  	[tilespmem:s14], [sflag:$0x2] =	stream.linear.gather @!p2 [hbm4b:s13+s15], $0x50, $0x38;
	[tilespmem:$0x1E300] =	vst v63  }
0x8e: {  	p2 =	sne.s32 s12, $0x3F  }
.Ltmp4:
0x8f: {  	_ = 	snop;
	(pc) =	sbr.rel @!p2 .LBB2_13-.Ltmp4, $1  }
0x90: {  	_ =	sdelay $0x3  }
.LBB2_4:
.Ltmp5:
0x91: {  	(pc) =	sbr.rel @!p1 .LBB2_8-.Ltmp5, $1  }
0x92: {  	_ =	sdelay $0x3  }
0x93: {  	_ =	swait.ge [sflag:s29], $0x2800  }
0x94: {  	[sflag:s29] =	ssyncset.done $0x0  }
0x95: {  	[sflag:s29] =	ssyncadd.s32 $0xFFFFD800  }
0x96: {  	_ =	swait.ge [sflag:s29], $0x2800  }
0x97: {  	[sflag:s29] =	ssyncset.done $0x0  }
0x98: {  	s13 =	simm.s32 $0x0;
	[sflag:s29] =	ssyncadd.s32 $0xFFFFD800  }
0x99: {  	v8 =	vld [tilespmem:s13+$0x300]  }
0x9a: {  	v12 =	vld [tilespmem:s13+$0x310]  }
0x9b: {  	v6 =	vld [tilespmem:s13+$0x320]  }
0x9c: {  	v5 =	vld [tilespmem:s13+$0x330]  }
0x9d: {  	v4 =	vld [tilespmem:s13+$0x340]  }
0x9e: {  	v3 =	vld [tilespmem:s13+$0x350]  }
0x9f: {  	v2 =	vld [tilespmem:s13+$0x360]  }
0xa0: {  	v1 =	vld [tilespmem:s13+$0x370]  }
0xa1: {  	v13 =	vld [tilespmem:s13+$0x5300]  }
0xa2: {  	v14 =	vld [tilespmem:s13+$0x5310]  }
0xa3: {  	v11 =	vld [tilespmem:s13+$0x5320]  }
0xa4: {  	v10 =	vld [tilespmem:s13+$0x5330]  }
0xa5: {  	v9 =	vld [tilespmem:s13+$0x5340]  }
0xa6: {  	v7 =	vld [tilespmem:s13+$0x5350];
	v13 =	vmul.f32 v8, v13  }
0xa7: {  	s14 =	simm.s32 $0x200;
	v12 =	vmul.f32 v12, v14;
	v8 =	vld [tilespmem:s13+$0x5360]  }
.LBB2_6:
0xa8: {  	s15 =	sshra.s32 s14, $0x2;
	p2 =	sne.s32 s14, $0x9E00;
	[tilespmem:s13+$0x5300] =	vst v13;
	v6 =	vmul.f32 v6, v11;
	v11 =	vld [tilespmem:s13+$0x5370]  }
0xa9: {  	v13 =	vld [tilespmem:s15+$0x300];
	[tilespmem:s13+$0x5310] =	vst v12;
	v5 =	vmul.f32 v5, v10  }
0xaa: {  	v12 =	vld [tilespmem:s15+$0x310];
	[tilespmem:s13+$0x5320] =	vst v6;
	v4 =	vmul.f32 v4, v9  }
0xab: {  	v6 =	vld [tilespmem:s15+$0x320];
	[tilespmem:s13+$0x5330] =	vst v5;
	v3 =	vmul.f32 v3, v7  }
0xac: {  	v5 =	vld [tilespmem:s15+$0x330];
	[tilespmem:s13+$0x5340] =	vst v4;
	v2 =	vmul.f32 v2, v8  }
0xad: {  	v4 =	vld [tilespmem:s15+$0x340];
	[tilespmem:s13+$0x5350] =	vst v3;
	v1 =	vmul.f32 v1, v11  }
0xae: {  	v3 =	vld [tilespmem:s15+$0x350];
	[tilespmem:s13+$0x5360] =	vst v2  }
0xaf: {  	v2 =	vld [tilespmem:s15+$0x360];
	[tilespmem:s13+$0x5370] =	vst v1;
	s13 =	smov.u32 s15  }
0xb0: {  	v1 =	vld [tilespmem:s13+$0x370]  }
0xb1: {  	v7 =	vld [tilespmem:s13+$0x5300]  }
0xb2: {  	v8 =	vld [tilespmem:s13+$0x5310]  }
.Ltmp6:
0xb3: {  	v11 =	vld [tilespmem:s13+$0x5320];
	(pc) =	sbr.rel @p2 .LBB2_6-.Ltmp6, $4  }
0xb4: {  	v10 =	vld [tilespmem:s13+$0x5330]  }
0xb5: {  	v9 =	vld [tilespmem:s13+$0x5340]  }
0xb6: {  	v13 =	vmul.f32 v13, v7;
	v7 =	vld [tilespmem:s13+$0x5350]  }
0xb7: {  	s14 =	sadd.s32 $0x200, s14;
	v12 =	vmul.f32 v12, v8;
	v8 =	vld [tilespmem:s13+$0x5360]  }
0xb8: {  	[tilespmem:s13+$0x5300] =	vst v13;
	v6 =	vmul.f32 v6, v11;
	v63 =	vld [tilespmem:s13+$0x5370]  }
0xb9: {  	[tilespmem:s13+$0x5310] =	vst v12;
	v5 =	vmul.f32 v5, v10  }
0xba: {  	[tilespmem:s13+$0x5320] =	vst v6;
	v4 =	vmul.f32 v4, v9  }
0xbb: {  	[tilespmem:s13+$0x5330] =	vst v5;
	v3 =	vmul.f32 v3, v7  }
0xbc: {  	[tilespmem:s13+$0x5340] =	vst v4;
	v2 =	vmul.f32 v2, v8  }
0xbd: {  	[tilespmem:s13+$0x5350] =	vst v3;
	v1 =	vmul.f32 v1, v63  }
0xbe: {  	[tilespmem:s13+$0x5360] =	vst v2  }
0xbf: {  	[tilespmem:s13+$0x5370] =	vst v1  }
0xc0: {  	v1 =	vld [tilespmem:$0x100]  }
0xc1: {  	v2 =	vld [tilespmem:$0x110]  }
0xc2: {  	v3 =	vld [tilespmem:$0x120]  }
0xc3: {  	v4 =	vld [tilespmem:$0x130]  }
0xc4: {  	v5 =	vld [tilespmem:$0x140]  }
0xc5: {  	[tilespmem:$0x200] =	vst v1  }
0xc6: {  	[tilespmem:$0x210] =	vst v2  }
0xc7: {  	[tilespmem:$0x220] =	vst v3  }
0xc8: {  	[tilespmem:$0x230] =	vst v4  }
0xc9: {  	[tilespmem:$0x240] =	vst v5  }
0xca: {  	[spmem:s3] =	stream.indirect.scatter.add.f32 [tilespmem:s2], [sflag:$0x5], $0x80, s1, s31, $0xb8;
	[tilespmem:$0x1E300] =	vst v63  }
.LBB2_8:
0xcb: {  	s13 =	sshll.u32 s12, $0x6;
	s14 =	simm.s32 @p0 $0x6  }
0xcc: {  	_ =	swait.ge @p0 [sflag:s14], $0x2800;
	s15 =	sor.u32 s25, s13  }
0xcd: {  	[sflag:s14] =	ssyncset.done @p0 $0x0;
	p2 =	sgt.u32 s15, $0xF9F  }
0xce: {  	[sflag:s14] =	ssyncadd.s32 @p0 $0xFFFFD800;
	s14 =	simm.s32 @!p2 $0x2  }
0xcf: {  	_ =	swait.ge @!p2 [sflag:s14], $0x50  }
0xd0: {  	[sflag:s14] =	ssyncset.done @!p2 $0x0  }
0xd1: {  	[sflag:s14] =	ssyncadd.s32 @!p2 $0xFFFFFFB0  }
0xd2: {  	_ =	swait.ge @!p2 [sflag:s14], $0x50  }
0xd3: {  	[sflag:s14] =	ssyncset.done @!p2 $0x0  }
0xd4: {  	[sflag:s14] =	ssyncadd.s32 @!p2 $0xFFFFFFB0  }
0xd5: {  	v1 =	vld [tilespmem:$0x180];
	_ =	sdelay $0x4  }
0xd6: {  	v1 =	vxor.u32 $0x80000000, v1  }
0xd7: {  	(xrf0) =	vmin.scan.msk.u32 $0xffff, v1;
	_ =	sdelay $0x5  }
0xd8: {  	v1, _, _ =	vpop (xrf0)  }
0xd9: {  	(v2sf) =	vpush v1, $0xF;
	_ =	sdelay $0xe  }
0xda: {  	s18 =	spop (v2sf)  }
0xdb: {  	p5 =	slt.u32 s15, $0xFA0;
	p6 =	slt.u32 s18, $0x80002710  }
0xdc: {  	p0 =	por !p5, !p6  }
0xdd: {  	p0 =	por !p0, !p0  }
0xde: {  	s14 =	simm.s32 @p0 $0x50;
	s16 =	simm.s32 @p0 $0x80;
	s17 =	simm.s32 @p0 $0x7B00  }
0xdf: {  	[tilespmem:s17], [sflag:$0x4] =	stream.indirect.gather @p0 [hbm4b:s0+s14], $0x80, s16, s14, $0xb8;
	[tilespmem:$0x1E300] =	vst v63  }
0xe0: {  	s14 =	smul.u32 @p0 $0x2800, s15  }
0xe1: {  	p2 =	sgt.u32 @p0 s15, $0x7CF  }
0xe2: {  	p2 =	por !p2, !p0;
	s15 =	sadd.s32 @p0 $0xFEC78000, s14  }
0xe3: {  	s15 =	smov.u32 @p2 s14  }
0xe4: {  	s14 =	sshrl.u32 @p0 s15, $0x3  }
0xe5: {  	p2 =	seq.s32 s12, $0x3E;
	s15 =	sadd.s32 @p0 s5, s14;
	s14 =	sadd.s32 s21, s13  }
0xe6: {  	s16 =	simm.s32 @p0 $0x0;
	s17 =	simm.s32 @p0 $0x2B00;
	s18 =	smul.u32 @!p2 $0xA, s14  }
0xe7: {  	[tilespmem:s17], [sflag:$0x4] =	stream.linear.gather @p0 [hbm4b:s15+s16], $0x2800, $0x38;
	[tilespmem:$0x1E300] =	vst v63  }
.Ltmp7:
0xe8: {  	_ = 	snop;
	(pc) =	sbr.rel @!p0 .LBB2_12-.Ltmp7, $4  }
0xe9: {  	s16 =	simm.s32 @!p2 $0x0;
	s17 =	simm.s32 @!p2 $0x100;
	s15 =	sadd.s32 @!p2 s7, s18  }
0xea: {  	[tilespmem:s17], [sflag:$0x1] =	stream.linear.gather @!p2 [hbm4b:s15+s16], $0x50, $0x38;
	[tilespmem:$0x1E300] =	vst v63  }
0xeb: {  	s15 =	sadd.s32 @!p2 s6, s18  }
0xec: {  	[tilespmem:s16], [sflag:$0x1] =	stream.linear.gather @!p2 [hbm4b:s15+s16], $0x50, $0x38;
	[tilespmem:$0x1E300] =	vst v63  }
0xed: {  	_ =	swait.ge [sflag:s4], $0x2800  }
0xee: {  	[sflag:s4] =	ssyncset.done $0x0  }
0xef: {  	[sflag:s4] =	ssyncadd.s32 $0xFFFFD800  }
0xf0: {  	_ =	swait.ge [sflag:s4], $0x2800  }
0xf1: {  	[sflag:s4] =	ssyncset.done $0x0  }
0xf2: {  	s15 =	simm.s32 $0x0;
	[sflag:s4] =	ssyncadd.s32 $0xFFFFD800  }
0xf3: {  	v8 =	vld [tilespmem:s15+$0x2B00]  }
0xf4: {  	v12 =	vld [tilespmem:s15+$0x2B10]  }
0xf5: {  	v6 =	vld [tilespmem:s15+$0x2B20]  }
0xf6: {  	v5 =	vld [tilespmem:s15+$0x2B30]  }
0xf7: {  	v4 =	vld [tilespmem:s15+$0x2B40]  }
0xf8: {  	v3 =	vld [tilespmem:s15+$0x2B50]  }
0xf9: {  	v2 =	vld [tilespmem:s15+$0x2B60]  }
0xfa: {  	v1 =	vld [tilespmem:s15+$0x2B70]  }
0xfb: {  	v13 =	vld [tilespmem:s15+$0x7B00]  }
0xfc: {  	v14 =	vld [tilespmem:s15+$0x7B10]  }
0xfd: {  	v11 =	vld [tilespmem:s15+$0x7B20]  }
0xfe: {  	v10 =	vld [tilespmem:s15+$0x7B30]  }
0xff: {  	v9 =	vld [tilespmem:s15+$0x7B40]  }
0x100: {  	v7 =	vld [tilespmem:s15+$0x7B50];
	v13 =	vmul.f32 v8, v13  }
0x101: {  	s16 =	simm.s32 $0x200;
	v12 =	vmul.f32 v12, v14;
	v8 =	vld [tilespmem:s15+$0x7B60]  }
.LBB2_10:
0x102: {  	s17 =	sshra.s32 s16, $0x2;
	p3 =	sne.s32 s16, $0x9E00;
	[tilespmem:s15+$0x7B00] =	vst v13;
	v6 =	vmul.f32 v6, v11;
	v11 =	vld [tilespmem:s15+$0x7B70]  }
0x103: {  	v13 =	vld [tilespmem:s17+$0x2B00];
	[tilespmem:s15+$0x7B10] =	vst v12;
	v5 =	vmul.f32 v5, v10  }
0x104: {  	v12 =	vld [tilespmem:s17+$0x2B10];
	[tilespmem:s15+$0x7B20] =	vst v6;
	v4 =	vmul.f32 v4, v9  }
0x105: {  	v6 =	vld [tilespmem:s17+$0x2B20];
	[tilespmem:s15+$0x7B30] =	vst v5;
	v3 =	vmul.f32 v3, v7  }
0x106: {  	v5 =	vld [tilespmem:s17+$0x2B30];
	[tilespmem:s15+$0x7B40] =	vst v4;
	v2 =	vmul.f32 v2, v8  }
0x107: {  	v4 =	vld [tilespmem:s17+$0x2B40];
	[tilespmem:s15+$0x7B50] =	vst v3;
	v1 =	vmul.f32 v1, v11  }
0x108: {  	v3 =	vld [tilespmem:s17+$0x2B50];
	[tilespmem:s15+$0x7B60] =	vst v2  }
0x109: {  	v2 =	vld [tilespmem:s17+$0x2B60];
	[tilespmem:s15+$0x7B70] =	vst v1;
	s15 =	smov.u32 s17  }
0x10a: {  	v1 =	vld [tilespmem:s15+$0x2B70]  }
0x10b: {  	v7 =	vld [tilespmem:s15+$0x7B00]  }
0x10c: {  	v8 =	vld [tilespmem:s15+$0x7B10]  }
.Ltmp8:
0x10d: {  	v11 =	vld [tilespmem:s15+$0x7B20];
	(pc) =	sbr.rel @p3 .LBB2_10-.Ltmp8, $4  }
0x10e: {  	v10 =	vld [tilespmem:s15+$0x7B30]  }
0x10f: {  	v9 =	vld [tilespmem:s15+$0x7B40]  }
0x110: {  	v13 =	vmul.f32 v13, v7;
	v7 =	vld [tilespmem:s15+$0x7B50]  }
0x111: {  	s16 =	sadd.s32 $0x200, s16;
	v12 =	vmul.f32 v12, v8;
	v8 =	vld [tilespmem:s15+$0x7B60]  }
0x112: {  	[tilespmem:s15+$0x7B00] =	vst v13;
	v6 =	vmul.f32 v6, v11;
	v63 =	vld [tilespmem:s15+$0x7B70]  }
0x113: {  	[tilespmem:s15+$0x7B10] =	vst v12;
	v5 =	vmul.f32 v5, v10  }
0x114: {  	[tilespmem:s15+$0x7B20] =	vst v6;
	v4 =	vmul.f32 v4, v9  }
0x115: {  	[tilespmem:s15+$0x7B30] =	vst v5;
	v3 =	vmul.f32 v3, v7  }
0x116: {  	[tilespmem:s15+$0x7B40] =	vst v4;
	v2 =	vmul.f32 v2, v8  }
0x117: {  	[tilespmem:s15+$0x7B50] =	vst v3;
	v1 =	vmul.f32 v1, v63  }
0x118: {  	[tilespmem:s15+$0x7B60] =	vst v2  }
0x119: {  	[tilespmem:s15+$0x7B70] =	vst v1  }
0x11a: {  	v1 =	vld [tilespmem:$0x180]  }
0x11b: {  	v2 =	vld [tilespmem:$0x190]  }
0x11c: {  	v3 =	vld [tilespmem:$0x1A0]  }
0x11d: {  	v4 =	vld [tilespmem:$0x1B0]  }
0x11e: {  	v5 =	vld [tilespmem:$0x1C0]  }
0x11f: {  	[tilespmem:$0x280] =	vst v1  }
.Ltmp9:
0x120: {  	[tilespmem:$0x290] =	vst v2;
	(pc) =	sbr.rel .LBB2_12-.Ltmp9, $4  }
0x121: {  	[tilespmem:$0x2A0] =	vst v3  }
0x122: {  	[tilespmem:$0x2B0] =	vst v4  }
0x123: {  	[tilespmem:$0x2C0] =	vst v5  }
0x124: {  	[spmem:s3] =	stream.indirect.scatter.add.f32 [tilespmem:s10], [sflag:$0x6], $0x80, s9, s31, $0xb8;
	[tilespmem:$0x1E300] =	vst v63  }
.LBB2_14:
0x125: {  	_ =	sfence.sel $0x180000  }
0x126: {  	[bflag:$0x0] =	sbarrier.arrive $0xFFFF  }
0x127: {  	_ =	strace $0x9000004D  }
0x128: {  	s0 =	stileid.u32;
	[bflag:$0x2] =	sbarrier.arrive $0xFFFF  }
0x129: {  	p0 =	sne.s32 s0, $0x0;
	s0 =	rddreg [dreg:$0x3]  }
0x12a: {  	s0 =	sadd.s32 @!p0 $0x100000, s0  }
0x12b: {  	[sflag:s0] =	ssyncadd.tile.s32 @!p0 $0x1;
	_ =	shalt  }
.Lfunc_end2:
_tile_overlayer_lowered:
.L_overlay_start_2:
0x12c: {  	(tag) =	ssettag $0x2  }
0x12d: {  	s0 =	rddreg [dreg:$0x0];
	s2 =	stileid.u32  }
0x12e: {  	s1 =	rddreg [dreg:$0x1];
	p0 =	sne.s32 s2, $0x0  }
0x12f: {  	s3 =	rddreg [dreg:$0x2];
	[bflag:$0x3] =	sbarrier.arrive $0xFFFF;
	s2 =	simm.s32 @!p0 $0x1C07  }
0x130: {  	[timem:s3], [sflag:s2] =	dma.local @!p0 [hbm:s0], s1  }
0x131: {  	s0 =	simm.s32 @!p0 $0x7  }
0x132: {  	_ =	swait.ge @!p0 [sflag:s0], s1  }
0x133: {  	s1 =	ssub.s32 @!p0 $0x0, s1;
	[sflag:s0] =	ssyncset.done @!p0 $0x0  }
0x134: {  	[sflag:s0] =	ssyncadd.s32 @!p0 s1  }
0x135: {  	[bflag:$0x3] =	sbarrier.arrive $0xFFFF  }
0x136: {  	_ =	shalt  }

// kernel: kernel.23.cloned.1.call-start
scs
__scs_entry_jumppad:
0x0: {  	(pc) =	sbr.rel $0x88, $3  }
0x1: {  	(tag) =	ssettag $0x0;
	lr =	simm.s32 $0x1  }
0x2: {  	[smem:$0x3F75] =	sst lr;
	_ =	strace $0xD0000000  }
0x3: {  	_ = 	snop  }
0x4: {  	_ = 	snop  }
0x5: {  	_ = 	snop  }
0x6: {  	_ = 	snop  }
0x7: {  	_ = 	snop  }
__scs_overlays_trampoline_lowered:
0x8: {  	[smem:$0x3F84] =	sst s0  }
0x9: {  	[smem:$0x3F85] =	sst s1  }
0xa: {  	[smem:$0x3F86] =	sst s2  }
0xb: {  	[smem:$0x3F87] =	sst s3  }
0xc: {  	[smem:$0x3F88] =	sst s4  }
0xd: {  	[smem:$0x3F89] =	sst s5  }
0xe: {  	[smem:$0x3F8A] =	sst s6  }
0xf: {  	[smem:$0x3F8B] =	sst s7  }
0x10: {  	[smem:$0x3F8C] =	sst s8  }
0x11: {  	[smem:$0x3F8D] =	sst s9;
	s0 =	simm.s32 @!p0 $0x0  }
0x12: {  	s1 =	sld [smem:$0x3F73];
	s0 =	simm.s32 @p0 $0x1  }
0x13: {  	[smem:$0x3F8E] =	sst s0;
	s0 =	simm.s32 @!p1 $0x0  }
0x14: {  	s2 =	sld [smem:$0x3F72];
	s0 =	simm.s32 @p1 $0x1  }
0x15: {  	[smem:$0x3F8F] =	sst s0;
	s0 =	simm.s32 @!p2 $0x0  }
0x16: {  	s3 =	sld [smem:$0x3FDB];
	s0 =	simm.s32 @p2 $0x1  }
0x17: {  	s4 =	simm.s32 $0x1BF5;
	[smem:$0x3F91] =	sst s0  }
0x18: {  	s0 =	sld [smem:$0x3F74];
	_ =	swait.ge [sflag:s4], $0x0  }
0x19: {  	s7 =	sld [smem:$0x3F75]  }
0x1a: {  	s8 =	sadd.s32 $0xFFFFE003, lr  }
0x1b: {  	s9 =	sadd.s32 $0xFFFFFEF7, lr;
	s5 =	simm.s32 $0xFFFFFFFF;
	p2 =	slt.u32 s8, $0xFFFFF086  }
0x1c: {  	p1 =	slt.u32 s9, $0xF7A;
	s5 =	simm.s32 @!p2 $0x0  }
0x1d: {  	s5 =	simm.s32 @p1 $0x1;
	p0 =	seq.s32 s7, s2  }
0x1e: {  	s7 =	smul.u32 @!p0 $0xF7A, s2;
	p2 =	seq.s32 @!p0 s5, $0x0  }
0x1f: {  	s9 =	smul.u32 $0xF7A, s1;
	s8 =	simm.s32 @!p0 $0x1BF5;
	p2 =	por !p2, p0  }
0x20: {  	[sflag:s8] =	ssyncset.s32 @!p0 $0xFFFFF086;
	s6 =	sadd.s32 @!p0 s3, s7;
	s7 =	simm.s32 @!p0 $0x108  }
0x21: {  	s3 =	sadd.s32 s3, s9;
	s6 =	sadd.s32 @!p0 $0x88, s6;
	s7 =	simm.s32 @p2 $0x1082  }
0x22: {  	[simem:s7], [sflag:s8] =	dma.local @!p0 [hbm:s6], $0xF7A  }
0x23: {  	s9 =	sor.u32 $0xD0000000, s2;
	s6 =	simm.s32 $0x108;
	_ =	swait.ge @!p0 [sflag:s8], $0x0  }
0x24: {  	s3 =	sadd.s32 $0x88, s3;
	s6 =	simm.s32 @!p1 $0x1082;
	[sflag:s4] =	ssyncset.s32 $0xFFFFF086  }
0x25: {  	[simem:s6], [sflag:s4] =	dma.local [hbm:s3], $0xF7A  }
0x26: {  	[smem:$0x3F75] =	sst s1;
	(tag) =	ssettag s2;
	_ =	strace s9  }
0x27: {  	s1 =	sld [smem:$0x3F85]  }
0x28: {  	s2 =	sld [smem:$0x3F86]  }
0x29: {  	s4 =	sld [smem:$0x3F88]  }
0x2a: {  	p0 =	seq.s32 s5, $0x0;
	s5 =	sld [smem:$0x3F89]  }
0x2b: {  	s6 =	sld [smem:$0x3F8A]  }
0x2c: {  	s7 =	sld [smem:$0x3F8B]  }
0x2d: {  	s3 =	simm.s32 $0x108;
	s8 =	sld [smem:$0x3F8C]  }
0x2e: {  	s3 =	simm.s32 @!p0 $0x1082;
	s9 =	sld [smem:$0x3F8D]  }
0x2f: {  	lr =	sadd.s32 s0, s3;
	s0 =	sld [smem:$0x3F84]  }
0x30: {  	s3 =	sld [smem:$0x3F87]  }
0x31: {  	[smem:$0x3F90] =	sst s10  }
0x32: {  	s10 =	sld [smem:$0x3F8E];
	_ =	sdelay $0x3  }
0x33: {  	p0 =	seq.s32 s10, $0x1;
	s10 =	sld [smem:$0x3F90];
	_ =	sdelay $0x3  }
0x34: {  	[smem:$0x3F90] =	sst s10  }
0x35: {  	s10 =	sld [smem:$0x3F8F];
	_ =	sdelay $0x3  }
0x36: {  	p1 =	seq.s32 s10, $0x1;
	s10 =	sld [smem:$0x3F90];
	_ =	sdelay $0x3  }
0x37: {  	[smem:$0x3F90] =	sst s10  }
0x38: {  	s10 =	sld [smem:$0x3F91]  }
0x39: {  	_ = 	snop;
	(pc) =	sbr.ind lr, $3  }
0x3a: {  	_ = 	snop  }
0x3b: {  	_ = 	snop  }
0x3c: {  	p2 =	seq.s32 s10, $0x1;
	s10 =	sld [smem:$0x3F90]  }
0x3d: {  	_ =	shalt  }
0x3e: {  	_ =	shalt  }
0x3f: {  	_ =	shalt  }
0x40: {  	_ =	shalt  }
0x41: {  	_ =	shalt  }
0x42: {  	_ =	shalt  }
0x43: {  	_ =	shalt  }
0x44: {  	_ =	shalt  }
0x45: {  	_ =	shalt  }
0x46: {  	_ =	shalt  }
0x47: {  	_ =	shalt  }
0x48: {  	_ =	shalt  }
0x49: {  	_ =	shalt  }
0x4a: {  	_ =	shalt  }
0x4b: {  	_ =	shalt  }
0x4c: {  	_ =	shalt  }
0x4d: {  	_ =	shalt  }
0x4e: {  	_ =	shalt  }
0x4f: {  	_ =	shalt  }
0x50: {  	_ =	shalt  }
0x51: {  	_ =	shalt  }
0x52: {  	_ =	shalt  }
0x53: {  	_ =	shalt  }
0x54: {  	_ =	shalt  }
0x55: {  	_ =	shalt  }
0x56: {  	_ =	shalt  }
0x57: {  	_ =	shalt  }
0x58: {  	_ =	shalt  }
0x59: {  	_ =	shalt  }
0x5a: {  	_ =	shalt  }
0x5b: {  	_ =	shalt  }
0x5c: {  	_ =	shalt  }
0x5d: {  	_ =	shalt  }
0x5e: {  	_ =	shalt  }
0x5f: {  	_ =	shalt  }
0x60: {  	_ =	shalt  }
0x61: {  	_ =	shalt  }
0x62: {  	_ =	shalt  }
0x63: {  	_ =	shalt  }
0x64: {  	_ =	shalt  }
0x65: {  	_ =	shalt  }
0x66: {  	_ =	shalt  }
0x67: {  	_ =	shalt  }
0x68: {  	_ =	shalt  }
0x69: {  	_ =	shalt  }
0x6a: {  	_ =	shalt  }
0x6b: {  	_ =	shalt  }
0x6c: {  	_ =	shalt  }
0x6d: {  	_ =	shalt  }
0x6e: {  	_ =	shalt  }
0x6f: {  	_ =	shalt  }
0x70: {  	_ =	shalt  }
0x71: {  	_ =	shalt  }
0x72: {  	_ =	shalt  }
0x73: {  	_ =	shalt  }
0x74: {  	_ =	shalt  }
0x75: {  	_ =	shalt  }
0x76: {  	_ =	shalt  }
0x77: {  	_ =	shalt  }
0x78: {  	_ =	shalt  }
0x79: {  	_ =	shalt  }
0x7a: {  	_ =	shalt  }
0x7b: {  	_ =	shalt  }
0x7c: {  	_ =	shalt  }
0x7d: {  	_ =	shalt  }
0x7e: {  	_ =	shalt  }
0x7f: {  	_ =	shalt  }
0x80: {  	_ =	shalt  }
0x81: {  	_ =	shalt  }
0x82: {  	_ =	shalt  }
0x83: {  	_ =	shalt  }
0x84: {  	_ =	shalt  }
0x85: {  	_ =	shalt  }
0x86: {  	_ =	shalt  }
0x87: {  	_ =	shalt  }
.Lfunc_end0:
.L_simem_size_0:
called_computation.3_lowered:
.L_overlay_start_0:
0x88: {  	s2 =	sld [smem:$0x3FD9]  }
0x89: {  	s3 =	sld [smem:$0x3FFE];
	_ =	sdelay $0x1  }
0x8a: {  	s1 =	srdreg.scid  }
0x8b: {  	s0 =	sand.u32 $0x1, s1  }
0x8c: {  	s14 =	sshll.u32 s0, $0xA;
	s2 =	sadd.s32 s3, s2  }
0x8d: {  	s2 =	sadd.s32 s2, s14  }
0x8e: {  	[smem:$0x3F9C] =	sst s2  }
0x8f: {  	_ = 	snop  }
0x90: {  	s2 =	sld [smem:$0x3FD0];
	_ =	sdelay $0x2  }
0x91: {  	s15 =	simm.s32 $0xA;
	s4 =	simm.s32 $0x10  }
0x92: {  	[smem:s4], [sflag:s15] =	dma.local [hbm:s2], $0x1  }
0x93: {  	_ =	swait.eq [sflag:s15], $0x1  }
0x94: {  	[sflag:s15] =	ssyncset.done $0x0  }
0x95: {  	[sflag:s15] =	ssyncadd.s32 $0xFFFFFFFF  }
0x96: {  	s16 =	sld [smem:$0x11];
	(tm) =	ssettm $0x1  }
0x97: {  	s17 =	sld [smem:$0x3FFB];
	_ =	sdelay $0x3  }
0x98: {  	_ =	strace s17  }
0x99: {  	s3 =	sld [smem:$0x3FFC];
	_ =	sdelay $0x3  }
0x9a: {  	_ =	strace s3  }
0x9b: {  	s3 =	sld [smem:$0x3FFD];
	_ =	sdelay $0x3  }
0x9c: {  	_ =	strace s3  }
0x9d: {  	_ =	strace $0x8FFFFFFF  }
0x9e: {  	s18 =	sld [smem:$0x3FDB];
	_ =	sdelay $0x1  }
0x9f: {  	s19 =	simm.s32 $_scs_section_size  }
0xa0: {  	s5 =	simm.s32 $_size__tile_overlayer_lowered;
	s6 =	simm.s32 $_tile_overlayer_lowered  }
0xa1: {  	s22 =	simm.s32 $0x1BFF;
	s21 =	sshll.u32 s6, $0x1;
	s3 =	sadd.s32 s19, s18  }
0xa2: {  	s7 =	simm.s32 $0x0;
	s20 =	sshll.u32 s5, $0x1;
	s5 =	sadd.s32 s21, s3  }
0xa3: {  	[timem:s7], [sflag:s22] =	dma.local [hbm:s5], s20  }
0xa4: {  	_ =	swait.ge [sflag:s22], s20  }
0xa5: {  	s4 =	ssub.s32 $0x0, s20;
	[sflag:s22] =	ssyncset.done $0x0  }
0xa6: {  	[sflag:s22] =	ssyncadd.s32 s4;
	_ =	sdelay $0x1  }
0xa7: {  	s23 =	simm.s32 $0x1B8B  }
0xa8: {  	_ =	swait.ge [sflag:s23], $0x1  }
0xa9: {  	[sflag:s23] =	ssyncset.done $0x0  }
0xaa: {  	s25 =	simm.s32 $0x1B8E;
	s24 =	sld [smem:$0x3FFE];
	[sflag:s23] =	ssyncadd.s32 $0xFFFFFFFF  }
0xab: {  	s26 =	simm.s32 $execute0_lowered;
	[smem:$0x3FD2] =	sst s25  }
0xac: {  	s5 =	sshll.u32 s26, $0x1;
	_ =	strace $0x8000004F;
	[dreg:$0x1] =	wrdreg $0xFFFFFFFF  }
0xad: {  	s28 =	simm.s32 $_size_execute0_lowered;
	s3 =	sadd.s32 s3, s5;
	[dreg:$0x0] =	wrdreg $0x0  }
0xae: {  	s5 =	sshll.u32 s28, $0x1;
	[dreg:$0x2] =	wrdreg s3  }
0xaf: {  	[dreg:$0x3] =	wrdreg s5  }
0xb0: {  	[dreg:$0x4] =	wrdreg $0xC0  }
0xb1: {  	_ =	task [dreg:s7], $0x5FFFF  }
0xb2: {  	[dreg:$0x1] =	wrdreg $0xFFFFFFFF  }
0xb3: {  	[dreg:$0x0] =	wrdreg $0x60  }
0xb4: {  	[dreg:$0x2] =	wrdreg s16  }
0xb5: {  	[dreg:$0x3] =	wrdreg s24  }
0xb6: {  	[dreg:$0x4] =	wrdreg $0xA3000  }
0xb7: {  	[dreg:$0x5] =	wrdreg $0x9  }
0xb8: {  	_ =	task.clear_ibuf [dreg:s7], $0x6FFFF;
	_ =	strace $0x9000004F  }
0xb9: {  	s29 =	simm.s32 $0x9;
	_ =	strace $0x80000051  }
0xba: {  	_ =	swait.ge [sflag:s29], $0x1  }
0xbb: {  	[sflag:s29] =	ssyncadd.s32 $0xFFFFFFFF  }
0xbc: {  	_ =	strace $0x90000051  }
0xbd: {  	_ =	sfence  }
0xbe: {  	s30 =	sld [smem:$0x0];
	_ =	sdelay $0x2  }
0xbf: {  	s31 =	sshll.u32 s1, $0xD;
	s1 =	sshrl.u32 s1, $0x2  }
0xc0: {  	s3 =	sand.u32 $0x4000, s31;
	s1 =	sadd.s32 s1, s30  }
0xc1: {  	s0 =	sor.u32 s3, s0;
	s1 =	sshll.u32 s1, $0x11  }
0xc2: {  	s0 =	sor.u32 s1, s0  }
0xc3: {  	s0 =	sadd.s32 $0x8F2B, s0  }
0xc4: {  	[sflag:s0] =	ssyncadd.remote.s32 $0x1  }
0xc5: {  	_ =	sfence.sel $0xFFFF  }
0xc6: {  	[dreg:$0x0] =	wrdreg $0xFFFFFFFF;
	(pc) =	sbr.abs _section_cstart, $3  }
0xc7: {  	[dreg:$0x1] =	wrdreg $0xFFFFFFFF  }
0xc8: {  	_ =	task.clear_ibuf [dreg:s7], $0x2FFFF;
	_ =	strace $0x9FFFFFFF  }
0xc9: {  	(tm) =	ssettm $0x7FFFFFFF  }
tec
execute0_lowered:
.L_overlay_start_1:
0x0: {  	(tag) =	ssettag $0x1  }
0x1: {  	s0 =	rddreg [dreg:$0x0]  }
0x2: {  	s1 =	rddreg [dreg:$0x1];
	s2 =	srdreg.scid  }
0x3: {  	s3 =	rddreg [dreg:$0x2];
	s10 =	stileid.u32;
	s5 =	simm.s32 $0x0  }
0x4: {  	s28 =	simm.s32 $0x7;
	s30 =	simm.s32 $0x1;
	s29 =	simm.s32 $0x3  }
0x5: {  	s31 =	simm.s32 $0x50;
	s2 =	sand.u32 $0x1, s2;
	s6 =	smul.u32 $0x14000, s10  }
0x6: {  	[smem:$0x7FF] =	sst s5;
	s5 =	sadd.s32 $0x13BA00, s1;
	s8 =	smul.u32 $0x50000, s10  }
0x7: {  	s7 =	sadd.s32 $0xD7E00, s1;
	s10 =	sshll.u32 s10, $0x1;
	s4 =	smul.u32 $0x140000, s2  }
0x8: {  	s15 =	ssub.s32 $0x2, s2;
	s2 =	sor.u32 s2, s10;
	s8 =	sshrl.u32 s8, $0x2  }
0x9: {  	_ =	strace $0x80000050;
	s18 =	smul.u32 $0xA, s2;
	s8 =	sadd.s32 s8, s3  }
0xa: {  	s9 =	sshrl.u32 s15, $0x1;
	s21 =	smul.u32 $0x50, s2;
	s16 =	sadd.s32 $0x2800, s8  }
0xb: {  	s23 =	smul.u32 $0x500, s2;
	s17 =	sadd.s32 $0x5000, s8;
	[dreg:$0x4] =	wrdreg s16  }
0xc: {  	s4 =	sadd.s32 s6, s4;
	s19 =	sadd.s32 $0x7800, s8;
	[dreg:$0x5] =	wrdreg s17  }
0xd: {  	s6 =	sadd.s32 $0xE1C00, s1;
	s20 =	sadd.s32 $0xA000, s8;
	[dreg:$0x6] =	wrdreg s19  }
0xe: {  	s4 =	sshrl.u32 s4, $0x3;
	s11 =	sadd.s32 $0xC800, s8;
	[dreg:$0x7] =	wrdreg s20  }
0xf: {  	s22 =	sadd.s32 $0xF000, s8;
	s12 =	sadd.s32 $0x11800, s8;
	[dreg:$0x8] =	wrdreg s11  }
0x10: {  	s24 =	sadd.s32 s7, s18;
	s10 =	sshrl.u32 s21, $0x3;
	[dreg:$0x9] =	wrdreg s22  }
0x11: {  	s25 =	sadd.s32 s5, s23;
	s21 =	sor.u32 $0x40, s2;
	[dreg:$0xa] =	wrdreg s12  }
0x12: {  	s1 =	sadd.s32 s4, s1;
	s4 =	ssub.s32 s15, s9;
	[dreg:$0xb] =	wrdreg s24  }
0x13: {  	s9 =	sadd.s32 s6, s18;
	[dreg:$0xd] =	wrdreg s25;
	s26 =	sadd.s32 $0x140, s10  }
.Ltmp0:
0x14: {  	s22 =	sor.u32 $0x60, s2;
	s25 =	sor.u32 $0x20, s2;
	(pc) =	sbr.rel .LBB2_1-.Ltmp0, $4  }
0x15: {  	s2 =	simm.s32 $0x5300;
	s10 =	simm.s32 $0x7B00;
	s11 =	simm.s32 $0x0  }
0x16: {  	[dreg:$0xc] =	wrdreg s9;
	s19 =	sadd.s32 s7, s26;
	s20 =	sadd.s32 s6, s26  }
0x17: {  	s23 =	sadd.s32 $0xEBA00, s1;
	s24 =	smax.u32 s4, $0x1;
	s26 =	simm.s32 $0x300  }
0x18: {  	v0 =	vimm.f32 $0.0e+00;
	s1 =	simm.s32 $0x200;
	s4 =	simm.s32 $0x4;
	s9 =	simm.s32 $0x280  }
.LBB2_13:
0x19: {  	s12 =	simm.s32 @p0 $0x6  }
0x1a: {  	s18 =	stileid.u32;
	_ =	swait.ge @p0 [sflag:s12], $0x2800  }
0x1b: {  	s13 =	sshrl.u32 s8, $0x3;
	s11 =	sadd.s32 $0x1, s11;
	[sflag:s12] =	ssyncset.done @p0 $0x0  }
0x1c: {  	[sflag:s12] =	ssyncadd.s32 @p0 $0xFFFFD800;
	s12 =	sshll.u32 s18, $0x6;
	p0 =	sne.s32 s11, s24  }
.Ltmp1:
0x1d: {  	[bflag:$0x0] =	sbarrier.arrive $0xFFFF;
	s12 =	sor.u32 $0x1C07, s12;
	(pc) =	sbr.rel @!p0 .LBB2_14-.Ltmp1, $4  }
0x1e: {  	[hbm:s23], [sflag:s12] =	dma.local [spmem:s13], $0x2800  }
0x1f: {  	_ =	swait.ge [sflag:s28], $0x2800  }
0x20: {  	[sflag:s28] =	ssyncset.done $0x0  }
0x21: {  	[sflag:s28] =	ssyncadd.s32 $0xFFFFD800  }
.LBB2_1:
0x22: {  	s12 =	simm.s32 $0x0;
	s13 =	simm.s32 $0x200  }
.LBB2_2:
0x23: {  	p0 =	sne.s32 s13, $0x9E00;
	[tilespmem:s12+$0x370] =	vst v0  }
0x24: {  	[tilespmem:s12+$0x300] =	vst v0  }
0x25: {  	[tilespmem:s12+$0x310] =	vst v0  }
.Ltmp2:
0x26: {  	[tilespmem:s12+$0x320] =	vst v0;
	(pc) =	sbr.rel @p0 .LBB2_2-.Ltmp2, $4  }
0x27: {  	[tilespmem:s12+$0x330] =	vst v0  }
0x28: {  	[tilespmem:s12+$0x340] =	vst v0  }
0x29: {  	[tilespmem:s12+$0x350] =	vst v0  }
0x2a: {  	[tilespmem:s12+$0x360] =	vst v0;
	s12 =	sshra.s32 s13, $0x2;
	s13 =	sadd.s32 $0x200, s13  }
0x2b: {  	[tilespmem:s12+$0x370] =	vst v0  }
0x2c: {  	[tilespmem:s12+$0x300] =	vst v0  }
0x2d: {  	[tilespmem:s12+$0x310] =	vst v0  }
0x2e: {  	[tilespmem:s12+$0x320] =	vst v0  }
0x2f: {  	[tilespmem:s12+$0x330] =	vst v0  }
0x30: {  	[tilespmem:s12+$0x340] =	vst v0  }
0x31: {  	[tilespmem:s12+$0x350] =	vst v0  }
0x32: {  	[tilespmem:s12+$0x360] =	vst v0  }
0x33: {  	[spmem:s8] =	stream.linear.scatter [tilespmem:s26], [sflag:$0x7], $0x2800, $0x38;
	[tilespmem:$0x1E300] =	vst v63  }
0x34: {  	_ =	swait.ge [sflag:s28], $0x2800  }
0x35: {  	[sflag:s28] =	ssyncset.done $0x0  }
0x36: {  	s17 =	rddreg [dreg:$0x4];
	[sflag:s28] =	ssyncadd.s32 $0xFFFFD800  }
0x37: {  	[spmem:s17] =	stream.linear.scatter [tilespmem:s26], [sflag:$0x7], $0x2800, $0x38;
	[tilespmem:$0x1E300] =	vst v63  }
0x38: {  	_ =	swait.ge [sflag:s28], $0x2800  }
0x39: {  	[sflag:s28] =	ssyncset.done $0x0  }
0x3a: {  	s18 =	rddreg [dreg:$0x5];
	[sflag:s28] =	ssyncadd.s32 $0xFFFFD800  }
0x3b: {  	[spmem:s18] =	stream.linear.scatter [tilespmem:s26], [sflag:$0x7], $0x2800, $0x38;
	[tilespmem:$0x1E300] =	vst v63  }
0x3c: {  	_ =	swait.ge [sflag:s28], $0x2800  }
0x3d: {  	[sflag:s28] =	ssyncset.done $0x0  }
0x3e: {  	s13 =	rddreg [dreg:$0x6];
	[sflag:s28] =	ssyncadd.s32 $0xFFFFD800  }
0x3f: {  	[spmem:s13] =	stream.linear.scatter [tilespmem:s26], [sflag:$0x7], $0x2800, $0x38;
	[tilespmem:$0x1E300] =	vst v63  }
0x40: {  	_ =	swait.ge [sflag:s28], $0x2800  }
0x41: {  	[sflag:s28] =	ssyncset.done $0x0  }
0x42: {  	s14 =	rddreg [dreg:$0x7];
	[sflag:s28] =	ssyncadd.s32 $0xFFFFD800  }
0x43: {  	[spmem:s14] =	stream.linear.scatter [tilespmem:s26], [sflag:$0x7], $0x2800, $0x38;
	[tilespmem:$0x1E300] =	vst v63  }
0x44: {  	_ =	swait.ge [sflag:s28], $0x2800  }
0x45: {  	[sflag:s28] =	ssyncset.done $0x0  }
0x46: {  	s15 =	rddreg [dreg:$0x8];
	[sflag:s28] =	ssyncadd.s32 $0xFFFFD800  }
0x47: {  	[spmem:s15] =	stream.linear.scatter [tilespmem:s26], [sflag:$0x7], $0x2800, $0x38;
	[tilespmem:$0x1E300] =	vst v63  }
0x48: {  	_ =	swait.ge [sflag:s28], $0x2800  }
0x49: {  	[sflag:s28] =	ssyncset.done $0x0  }
0x4a: {  	s16 =	rddreg [dreg:$0x9];
	[sflag:s28] =	ssyncadd.s32 $0xFFFFD800  }
0x4b: {  	[spmem:s16] =	stream.linear.scatter [tilespmem:s26], [sflag:$0x7], $0x2800, $0x38;
	[tilespmem:$0x1E300] =	vst v63  }
0x4c: {  	_ =	swait.ge [sflag:s28], $0x2800  }
0x4d: {  	[sflag:s28] =	ssyncset.done $0x0  }
0x4e: {  	s17 =	rddreg [dreg:$0xa];
	[sflag:s28] =	ssyncadd.s32 $0xFFFFD800  }
0x4f: {  	[spmem:s17] =	stream.linear.scatter [tilespmem:s26], [sflag:$0x7], $0x2800, $0x38;
	[tilespmem:$0x1E300] =	vst v63  }
0x50: {  	_ =	swait.ge [sflag:s28], $0x2800  }
0x51: {  	[sflag:s28] =	ssyncset.done $0x0  }
0x52: {  	[sflag:s28] =	ssyncadd.s32 $0xFFFFD800  }
0x53: {  	[bflag:$0x0] =	sbarrier.arrive $0xFFFF  }
0x54: {  	s18 =	simm.s32 $0x0;
	s14 =	simm.s32 $0x100;
	s13 =	rddreg [dreg:$0xb]  }
0x55: {  	[tilespmem:s14], [sflag:$0x1] =	stream.linear.gather [hbm4b:s13+s18], $0x50, $0x38;
	[tilespmem:$0x1E300] =	vst v63  }
0x56: {  	s15 =	rddreg [dreg:$0xc]  }
0x57: {  	[tilespmem:s18], [sflag:$0x1] =	stream.linear.gather [hbm4b:s15+s18], $0x50, $0x38;
	[tilespmem:$0x1E300] =	vst v63  }
0x58: {  	_ =	swait.ge [sflag:s30], $0x50  }
0x59: {  	[sflag:s30] =	ssyncset.done $0x0  }
0x5a: {  	[sflag:s30] =	ssyncadd.s32 $0xFFFFFFB0  }
0x5b: {  	_ =	swait.ge [sflag:s30], $0x50  }
0x5c: {  	[sflag:s30] =	ssyncset.done $0x0  }
0x5d: {  	[sflag:s30] =	ssyncadd.s32 $0xFFFFFFB0  }
0x5e: {  	v1 =	vld [tilespmem:$0x100];
	_ =	sdelay $0x4  }
0x5f: {  	v1 =	vxor.u32 $0x80000000, v1  }
0x60: {  	(xrf0) =	vmin.scan.msk.u32 $0xffff, v1;
	_ =	sdelay $0x5  }
0x61: {  	v1, _, _ =	vpop (xrf0)  }
0x62: {  	(v2sf) =	vpush v1, $0xF;
	_ =	sdelay $0xe  }
0x63: {  	s16 =	spop (v2sf)  }
0x64: {  	p0 =	sgt.u32 s16, $0x8000270F  }
0x65: {  	s12 =	simm.s32 @!p0 $0x50;
	s14 =	simm.s32 @!p0 $0x0;
	s15 =	simm.s32 @!p0 $0x5300  }
0x66: {  	[tilespmem:s15], [sflag:$0x3] =	stream.indirect.gather @!p0 [hbm4b:s0+s12], $0x80, s14, s12, $0xb8;
	[tilespmem:$0x1E300] =	vst v63  }
0x67: {  	s12 =	simm.s32 @!p0 $0x300;
	s15 =	rddreg [dreg:$0xd]  }
0x68: {  	[tilespmem:s12], [sflag:$0x3] =	stream.linear.gather @!p0 [hbm4b:s15+s14], $0x2800, $0x38;
	[tilespmem:$0x1E300] =	vst v63  }
.Ltmp3:
0x69: {  	_ = 	snop;
	(pc) =	sbr.rel .LBB2_4-.Ltmp3, $4  }
0x6a: {  	s17 =	simm.s32 $0x180;
	s12 =	simm.s32 $0x0  }
0x6b: {  	[tilespmem:s17], [sflag:$0x2] =	stream.linear.gather [hbm4b:s19+s12], $0x50, $0x38;
	[tilespmem:$0x1E300] =	vst v63  }
0x6c: {  	s18 =	simm.s32 $0x80;
	p1 =	slt.u32 s16, $0x80002710;
	p0 =	por $0x0, $0x0  }
0x6d: {  	[tilespmem:s18], [sflag:$0x2] =	stream.linear.gather [hbm4b:s20+s12], $0x50, $0x38;
	[tilespmem:$0x1E300] =	vst v63  }
.LBB2_12:
0x6e: {  	s15 =	simm.s32 @p1 $0x5  }
0x6f: {  	_ =	swait.ge @p1 [sflag:s15], $0x2800  }
0x70: {  	[sflag:s15] =	ssyncset.done @p1 $0x0  }
0x71: {  	[sflag:s15] =	ssyncadd.s32 @p1 $0xFFFFD800;
	s15 =	simm.s32 @!p2 $0x1  }
0x72: {  	_ =	swait.ge @!p2 [sflag:s15], $0x50  }
0x73: {  	[sflag:s15] =	ssyncset.done @!p2 $0x0  }
0x74: {  	[sflag:s15] =	ssyncadd.s32 @!p2 $0xFFFFFFB0  }
0x75: {  	_ =	swait.ge @!p2 [sflag:s15], $0x50  }
0x76: {  	[sflag:s15] =	ssyncset.done @!p2 $0x0  }
0x77: {  	[sflag:s15] =	ssyncadd.s32 @!p2 $0xFFFFFFB0  }
0x78: {  	v1 =	vld [tilespmem:$0x100];
	_ =	sdelay $0x4  }
0x79: {  	v1 =	vxor.u32 $0x80000000, v1  }
0x7a: {  	(xrf0) =	vmin.scan.msk.u32 $0xffff, v1;
	_ =	sdelay $0x5  }
0x7b: {  	v1, _, _ =	vpop (xrf0)  }
0x7c: {  	(v2sf) =	vpush v1, $0xF;
	_ =	sdelay $0xe  }
0x7d: {  	s18 =	spop (v2sf)  }
0x7e: {  	p5 =	sne.s32 s12, $0x3E;
	p6 =	slt.u32 s18, $0x80002710  }
0x7f: {  	p1 =	por !p5, !p6  }
0x80: {  	p1 =	por !p1, !p1  }
0x81: {  	s15 =	simm.s32 @p1 $0x50;
	s16 =	simm.s32 @p1 $0x0;
	s17 =	simm.s32 @p1 $0x5300  }
0x82: {  	[tilespmem:s17], [sflag:$0x3] =	stream.indirect.gather @p1 [hbm4b:s0+s15], $0x80, s16, s15, $0xb8;
	[tilespmem:$0x1E300] =	vst v63  }
0x83: {  	s15 =	smul.u32 @p1 $0x2800, s14  }
0x84: {  	p2 =	sgt.u32 @p1 s14, $0x7CF  }
0x85: {  	p2 =	por !p2, !p1;
	s14 =	sadd.s32 @p1 $0xFEC78000, s15  }
0x86: {  	s14 =	smov.u32 @p2 s15;
	p2 =	sgt.u32 s12, $0x3C  }
0x87: {  	s14 =	sshrl.u32 @p1 s14, $0x3;
	s13 =	sadd.s32 @!p2 s22, s13  }
0x88: {  	s15 =	simm.s32 @p1 $0x300;
	s14 =	sadd.s32 @p1 s5, s14;
	s13 =	smul.u32 @!p2 $0xA, s13  }
0x89: {  	[tilespmem:s15], [sflag:$0x3] =	stream.linear.gather @p1 [hbm4b:s14+s16], $0x2800, $0x38;
	[tilespmem:$0x1E300] =	vst v63  }
0x8a: {  	s15 =	simm.s32 @!p2 $0x0;
	s16 =	simm.s32 @!p2 $0x180;
	s14 =	sadd.s32 @!p2 s7, s13  }
0x8b: {  	[tilespmem:s16], [sflag:$0x2] =	stream.linear.gather @!p2 [hbm4b:s14+s15], $0x50, $0x38;
	[tilespmem:$0x1E300] =	vst v63  }
0x8c: {  	s12 =	sadd.s32 $0x1, s12;
	s13 =	sadd.s32 @!p2 s6, s13;
	s14 =	simm.s32 @!p2 $0x80  }
0x8d: {  	[tilespmem:s14], [sflag:$0x2] =	stream.linear.gather @!p2 [hbm4b:s13+s15], $0x50, $0x38;
	[tilespmem:$0x1E300] =	vst v63  }
0x8e: {  	p2 =	sne.s32 s12, $0x3F  }
.Ltmp4:
0x8f: {  	_ = 	snop;
	(pc) =	sbr.rel @!p2 .LBB2_13-.Ltmp4, $1  }
0x90: {  	_ =	sdelay $0x3  }
.LBB2_4:
.Ltmp5:
0x91: {  	(pc) =	sbr.rel @!p1 .LBB2_8-.Ltmp5, $1  }
0x92: {  	_ =	sdelay $0x3  }
0x93: {  	_ =	swait.ge [sflag:s29], $0x2800  }
0x94: {  	[sflag:s29] =	ssyncset.done $0x0  }
0x95: {  	[sflag:s29] =	ssyncadd.s32 $0xFFFFD800  }
0x96: {  	_ =	swait.ge [sflag:s29], $0x2800  }
0x97: {  	[sflag:s29] =	ssyncset.done $0x0  }
0x98: {  	s13 =	simm.s32 $0x0;
	[sflag:s29] =	ssyncadd.s32 $0xFFFFD800  }
0x99: {  	v8 =	vld [tilespmem:s13+$0x300]  }
0x9a: {  	v12 =	vld [tilespmem:s13+$0x310]  }
0x9b: {  	v6 =	vld [tilespmem:s13+$0x320]  }
0x9c: {  	v5 =	vld [tilespmem:s13+$0x330]  }
0x9d: {  	v4 =	vld [tilespmem:s13+$0x340]  }
0x9e: {  	v3 =	vld [tilespmem:s13+$0x350]  }
0x9f: {  	v2 =	vld [tilespmem:s13+$0x360]  }
0xa0: {  	v1 =	vld [tilespmem:s13+$0x370]  }
0xa1: {  	v13 =	vld [tilespmem:s13+$0x5300]  }
0xa2: {  	v14 =	vld [tilespmem:s13+$0x5310]  }
0xa3: {  	v11 =	vld [tilespmem:s13+$0x5320]  }
0xa4: {  	v10 =	vld [tilespmem:s13+$0x5330]  }
0xa5: {  	v9 =	vld [tilespmem:s13+$0x5340]  }
0xa6: {  	v7 =	vld [tilespmem:s13+$0x5350];
	v13 =	vmul.f32 v8, v13  }
0xa7: {  	s14 =	simm.s32 $0x200;
	v12 =	vmul.f32 v12, v14;
	v8 =	vld [tilespmem:s13+$0x5360]  }
.LBB2_6:
0xa8: {  	s15 =	sshra.s32 s14, $0x2;
	p2 =	sne.s32 s14, $0x9E00;
	[tilespmem:s13+$0x5300] =	vst v13;
	v6 =	vmul.f32 v6, v11;
	v11 =	vld [tilespmem:s13+$0x5370]  }
0xa9: {  	v13 =	vld [tilespmem:s15+$0x300];
	[tilespmem:s13+$0x5310] =	vst v12;
	v5 =	vmul.f32 v5, v10  }
0xaa: {  	v12 =	vld [tilespmem:s15+$0x310];
	[tilespmem:s13+$0x5320] =	vst v6;
	v4 =	vmul.f32 v4, v9  }
0xab: {  	v6 =	vld [tilespmem:s15+$0x320];
	[tilespmem:s13+$0x5330] =	vst v5;
	v3 =	vmul.f32 v3, v7  }
0xac: {  	v5 =	vld [tilespmem:s15+$0x330];
	[tilespmem:s13+$0x5340] =	vst v4;
	v2 =	vmul.f32 v2, v8  }
0xad: {  	v4 =	vld [tilespmem:s15+$0x340];
	[tilespmem:s13+$0x5350] =	vst v3;
	v1 =	vmul.f32 v1, v11  }
0xae: {  	v3 =	vld [tilespmem:s15+$0x350];
	[tilespmem:s13+$0x5360] =	vst v2  }
0xaf: {  	v2 =	vld [tilespmem:s15+$0x360];
	[tilespmem:s13+$0x5370] =	vst v1;
	s13 =	smov.u32 s15  }
0xb0: {  	v1 =	vld [tilespmem:s13+$0x370]  }
0xb1: {  	v7 =	vld [tilespmem:s13+$0x5300]  }
0xb2: {  	v8 =	vld [tilespmem:s13+$0x5310]  }
.Ltmp6:
0xb3: {  	v11 =	vld [tilespmem:s13+$0x5320];
	(pc) =	sbr.rel @p2 .LBB2_6-.Ltmp6, $4  }
0xb4: {  	v10 =	vld [tilespmem:s13+$0x5330]  }
0xb5: {  	v9 =	vld [tilespmem:s13+$0x5340]  }
0xb6: {  	v13 =	vmul.f32 v13, v7;
	v7 =	vld [tilespmem:s13+$0x5350]  }
0xb7: {  	s14 =	sadd.s32 $0x200, s14;
	v12 =	vmul.f32 v12, v8;
	v8 =	vld [tilespmem:s13+$0x5360]  }
0xb8: {  	[tilespmem:s13+$0x5300] =	vst v13;
	v6 =	vmul.f32 v6, v11;
	v63 =	vld [tilespmem:s13+$0x5370]  }
0xb9: {  	[tilespmem:s13+$0x5310] =	vst v12;
	v5 =	vmul.f32 v5, v10  }
0xba: {  	[tilespmem:s13+$0x5320] =	vst v6;
	v4 =	vmul.f32 v4, v9  }
0xbb: {  	[tilespmem:s13+$0x5330] =	vst v5;
	v3 =	vmul.f32 v3, v7  }
0xbc: {  	[tilespmem:s13+$0x5340] =	vst v4;
	v2 =	vmul.f32 v2, v8  }
0xbd: {  	[tilespmem:s13+$0x5350] =	vst v3;
	v1 =	vmul.f32 v1, v63  }
0xbe: {  	[tilespmem:s13+$0x5360] =	vst v2  }
0xbf: {  	[tilespmem:s13+$0x5370] =	vst v1  }
0xc0: {  	v1 =	vld [tilespmem:$0x100]  }
0xc1: {  	v2 =	vld [tilespmem:$0x110]  }
0xc2: {  	v3 =	vld [tilespmem:$0x120]  }
0xc3: {  	v4 =	vld [tilespmem:$0x130]  }
0xc4: {  	v5 =	vld [tilespmem:$0x140]  }
0xc5: {  	[tilespmem:$0x200] =	vst v1  }
0xc6: {  	[tilespmem:$0x210] =	vst v2  }
0xc7: {  	[tilespmem:$0x220] =	vst v3  }
0xc8: {  	[tilespmem:$0x230] =	vst v4  }
0xc9: {  	[tilespmem:$0x240] =	vst v5  }
0xca: {  	[spmem:s3] =	stream.indirect.scatter.add.f32 [tilespmem:s2], [sflag:$0x5], $0x80, s1, s31, $0xb8;
	[tilespmem:$0x1E300] =	vst v63  }
.LBB2_8:
0xcb: {  	s13 =	sshll.u32 s12, $0x6;
	s14 =	simm.s32 @p0 $0x6  }
0xcc: {  	_ =	swait.ge @p0 [sflag:s14], $0x2800;
	s15 =	sor.u32 s25, s13  }
0xcd: {  	[sflag:s14] =	ssyncset.done @p0 $0x0;
	p2 =	sgt.u32 s15, $0xF9F  }
0xce: {  	[sflag:s14] =	ssyncadd.s32 @p0 $0xFFFFD800;
	s14 =	simm.s32 @!p2 $0x2  }
0xcf: {  	_ =	swait.ge @!p2 [sflag:s14], $0x50  }
0xd0: {  	[sflag:s14] =	ssyncset.done @!p2 $0x0  }
0xd1: {  	[sflag:s14] =	ssyncadd.s32 @!p2 $0xFFFFFFB0  }
0xd2: {  	_ =	swait.ge @!p2 [sflag:s14], $0x50  }
0xd3: {  	[sflag:s14] =	ssyncset.done @!p2 $0x0  }
0xd4: {  	[sflag:s14] =	ssyncadd.s32 @!p2 $0xFFFFFFB0  }
0xd5: {  	v1 =	vld [tilespmem:$0x180];
	_ =	sdelay $0x4  }
0xd6: {  	v1 =	vxor.u32 $0x80000000, v1  }
0xd7: {  	(xrf0) =	vmin.scan.msk.u32 $0xffff, v1;
	_ =	sdelay $0x5  }
0xd8: {  	v1, _, _ =	vpop (xrf0)  }
0xd9: {  	(v2sf) =	vpush v1, $0xF;
	_ =	sdelay $0xe  }
0xda: {  	s18 =	spop (v2sf)  }
0xdb: {  	p5 =	slt.u32 s15, $0xFA0;
	p6 =	slt.u32 s18, $0x80002710  }
0xdc: {  	p0 =	por !p5, !p6  }
0xdd: {  	p0 =	por !p0, !p0  }
0xde: {  	s14 =	simm.s32 @p0 $0x50;
	s16 =	simm.s32 @p0 $0x80;
	s17 =	simm.s32 @p0 $0x7B00  }
0xdf: {  	[tilespmem:s17], [sflag:$0x4] =	stream.indirect.gather @p0 [hbm4b:s0+s14], $0x80, s16, s14, $0xb8;
	[tilespmem:$0x1E300] =	vst v63  }
0xe0: {  	s14 =	smul.u32 @p0 $0x2800, s15  }
0xe1: {  	p2 =	sgt.u32 @p0 s15, $0x7CF  }
0xe2: {  	p2 =	por !p2, !p0;
	s15 =	sadd.s32 @p0 $0xFEC78000, s14  }
0xe3: {  	s15 =	smov.u32 @p2 s14  }
0xe4: {  	s14 =	sshrl.u32 @p0 s15, $0x3  }
0xe5: {  	p2 =	seq.s32 s12, $0x3E;
	s15 =	sadd.s32 @p0 s5, s14;
	s14 =	sadd.s32 s21, s13  }
0xe6: {  	s16 =	simm.s32 @p0 $0x0;
	s17 =	simm.s32 @p0 $0x2B00;
	s18 =	smul.u32 @!p2 $0xA, s14  }
0xe7: {  	[tilespmem:s17], [sflag:$0x4] =	stream.linear.gather @p0 [hbm4b:s15+s16], $0x2800, $0x38;
	[tilespmem:$0x1E300] =	vst v63  }
.Ltmp7:
0xe8: {  	_ = 	snop;
	(pc) =	sbr.rel @!p0 .LBB2_12-.Ltmp7, $4  }
0xe9: {  	s16 =	simm.s32 @!p2 $0x0;
	s17 =	simm.s32 @!p2 $0x100;
	s15 =	sadd.s32 @!p2 s7, s18  }
0xea: {  	[tilespmem:s17], [sflag:$0x1] =	stream.linear.gather @!p2 [hbm4b:s15+s16], $0x50, $0x38;
	[tilespmem:$0x1E300] =	vst v63  }
0xeb: {  	s15 =	sadd.s32 @!p2 s6, s18  }
0xec: {  	[tilespmem:s16], [sflag:$0x1] =	stream.linear.gather @!p2 [hbm4b:s15+s16], $0x50, $0x38;
	[tilespmem:$0x1E300] =	vst v63  }
0xed: {  	_ =	swait.ge [sflag:s4], $0x2800  }
0xee: {  	[sflag:s4] =	ssyncset.done $0x0  }
0xef: {  	[sflag:s4] =	ssyncadd.s32 $0xFFFFD800  }
0xf0: {  	_ =	swait.ge [sflag:s4], $0x2800  }
0xf1: {  	[sflag:s4] =	ssyncset.done $0x0  }
0xf2: {  	s15 =	simm.s32 $0x0;
	[sflag:s4] =	ssyncadd.s32 $0xFFFFD800  }
0xf3: {  	v8 =	vld [tilespmem:s15+$0x2B00]  }
0xf4: {  	v12 =	vld [tilespmem:s15+$0x2B10]  }
0xf5: {  	v6 =	vld [tilespmem:s15+$0x2B20]  }
0xf6: {  	v5 =	vld [tilespmem:s15+$0x2B30]  }
0xf7: {  	v4 =	vld [tilespmem:s15+$0x2B40]  }
0xf8: {  	v3 =	vld [tilespmem:s15+$0x2B50]  }
0xf9: {  	v2 =	vld [tilespmem:s15+$0x2B60]  }
0xfa: {  	v1 =	vld [tilespmem:s15+$0x2B70]  }
0xfb: {  	v13 =	vld [tilespmem:s15+$0x7B00]  }
0xfc: {  	v14 =	vld [tilespmem:s15+$0x7B10]  }
0xfd: {  	v11 =	vld [tilespmem:s15+$0x7B20]  }
0xfe: {  	v10 =	vld [tilespmem:s15+$0x7B30]  }
0xff: {  	v9 =	vld [tilespmem:s15+$0x7B40]  }
0x100: {  	v7 =	vld [tilespmem:s15+$0x7B50];
	v13 =	vmul.f32 v8, v13  }
0x101: {  	s16 =	simm.s32 $0x200;
	v12 =	vmul.f32 v12, v14;
	v8 =	vld [tilespmem:s15+$0x7B60]  }
.LBB2_10:
0x102: {  	s17 =	sshra.s32 s16, $0x2;
	p3 =	sne.s32 s16, $0x9E00;
	[tilespmem:s15+$0x7B00] =	vst v13;
	v6 =	vmul.f32 v6, v11;
	v11 =	vld [tilespmem:s15+$0x7B70]  }
0x103: {  	v13 =	vld [tilespmem:s17+$0x2B00];
	[tilespmem:s15+$0x7B10] =	vst v12;
	v5 =	vmul.f32 v5, v10  }
0x104: {  	v12 =	vld [tilespmem:s17+$0x2B10];
	[tilespmem:s15+$0x7B20] =	vst v6;
	v4 =	vmul.f32 v4, v9  }
0x105: {  	v6 =	vld [tilespmem:s17+$0x2B20];
	[tilespmem:s15+$0x7B30] =	vst v5;
	v3 =	vmul.f32 v3, v7  }
0x106: {  	v5 =	vld [tilespmem:s17+$0x2B30];
	[tilespmem:s15+$0x7B40] =	vst v4;
	v2 =	vmul.f32 v2, v8  }
0x107: {  	v4 =	vld [tilespmem:s17+$0x2B40];
	[tilespmem:s15+$0x7B50] =	vst v3;
	v1 =	vmul.f32 v1, v11  }
0x108: {  	v3 =	vld [tilespmem:s17+$0x2B50];
	[tilespmem:s15+$0x7B60] =	vst v2  }
0x109: {  	v2 =	vld [tilespmem:s17+$0x2B60];
	[tilespmem:s15+$0x7B70] =	vst v1;
	s15 =	smov.u32 s17  }
0x10a: {  	v1 =	vld [tilespmem:s15+$0x2B70]  }
0x10b: {  	v7 =	vld [tilespmem:s15+$0x7B00]  }
0x10c: {  	v8 =	vld [tilespmem:s15+$0x7B10]  }
.Ltmp8:
0x10d: {  	v11 =	vld [tilespmem:s15+$0x7B20];
	(pc) =	sbr.rel @p3 .LBB2_10-.Ltmp8, $4  }
0x10e: {  	v10 =	vld [tilespmem:s15+$0x7B30]  }
0x10f: {  	v9 =	vld [tilespmem:s15+$0x7B40]  }
0x110: {  	v13 =	vmul.f32 v13, v7;
	v7 =	vld [tilespmem:s15+$0x7B50]  }
0x111: {  	s16 =	sadd.s32 $0x200, s16;
	v12 =	vmul.f32 v12, v8;
	v8 =	vld [tilespmem:s15+$0x7B60]  }
0x112: {  	[tilespmem:s15+$0x7B00] =	vst v13;
	v6 =	vmul.f32 v6, v11;
	v63 =	vld [tilespmem:s15+$0x7B70]  }
0x113: {  	[tilespmem:s15+$0x7B10] =	vst v12;
	v5 =	vmul.f32 v5, v10  }
0x114: {  	[tilespmem:s15+$0x7B20] =	vst v6;
	v4 =	vmul.f32 v4, v9  }
0x115: {  	[tilespmem:s15+$0x7B30] =	vst v5;
	v3 =	vmul.f32 v3, v7  }
0x116: {  	[tilespmem:s15+$0x7B40] =	vst v4;
	v2 =	vmul.f32 v2, v8  }
0x117: {  	[tilespmem:s15+$0x7B50] =	vst v3;
	v1 =	vmul.f32 v1, v63  }
0x118: {  	[tilespmem:s15+$0x7B60] =	vst v2  }
0x119: {  	[tilespmem:s15+$0x7B70] =	vst v1  }
0x11a: {  	v1 =	vld [tilespmem:$0x180]  }
0x11b: {  	v2 =	vld [tilespmem:$0x190]  }
0x11c: {  	v3 =	vld [tilespmem:$0x1A0]  }
0x11d: {  	v4 =	vld [tilespmem:$0x1B0]  }
0x11e: {  	v5 =	vld [tilespmem:$0x1C0]  }
0x11f: {  	[tilespmem:$0x280] =	vst v1  }
.Ltmp9:
0x120: {  	[tilespmem:$0x290] =	vst v2;
	(pc) =	sbr.rel .LBB2_12-.Ltmp9, $4  }
0x121: {  	[tilespmem:$0x2A0] =	vst v3  }
0x122: {  	[tilespmem:$0x2B0] =	vst v4  }
0x123: {  	[tilespmem:$0x2C0] =	vst v5  }
0x124: {  	[spmem:s3] =	stream.indirect.scatter.add.f32 [tilespmem:s10], [sflag:$0x6], $0x80, s9, s31, $0xb8;
	[tilespmem:$0x1E300] =	vst v63  }
.LBB2_14:
0x125: {  	_ =	sfence.sel $0x180000  }
0x126: {  	[bflag:$0x0] =	sbarrier.arrive $0xFFFF  }
0x127: {  	_ =	strace $0x90000050  }
0x128: {  	s0 =	stileid.u32;
	[bflag:$0x2] =	sbarrier.arrive $0xFFFF  }
0x129: {  	p0 =	sne.s32 s0, $0x0;
	s0 =	rddreg [dreg:$0x3]  }
0x12a: {  	s0 =	sadd.s32 @!p0 $0x100000, s0  }
0x12b: {  	[sflag:s0] =	ssyncadd.tile.s32 @!p0 $0x1;
	_ =	shalt  }
.Lfunc_end2:
_tile_overlayer_lowered:
.L_overlay_start_2:
0x12c: {  	(tag) =	ssettag $0x2  }
0x12d: {  	s0 =	rddreg [dreg:$0x0];
	s2 =	stileid.u32  }
0x12e: {  	s1 =	rddreg [dreg:$0x1];
	p0 =	sne.s32 s2, $0x0  }
0x12f: {  	s3 =	rddreg [dreg:$0x2];
	[bflag:$0x3] =	sbarrier.arrive $0xFFFF;
	s2 =	simm.s32 @!p0 $0x1C07  }
0x130: {  	[timem:s3], [sflag:s2] =	dma.local @!p0 [hbm:s0], s1  }
0x131: {  	s0 =	simm.s32 @!p0 $0x7  }
0x132: {  	_ =	swait.ge @!p0 [sflag:s0], s1  }
0x133: {  	s1 =	ssub.s32 @!p0 $0x0, s1;
	[sflag:s0] =	ssyncset.done @!p0 $0x0  }
0x134: {  	[sflag:s0] =	ssyncadd.s32 @!p0 s1  }
0x135: {  	[bflag:$0x3] =	sbarrier.arrive $0xFFFF  }
0x136: {  	_ =	shalt  }

</sc_bundles>
